<compile_context>
chip_gen: v7x
topology: tpu7x:2x2x1
jax: 0.10.2.dev20260603
libtpu: 0.0.44.dev20260713+nightly
codegen_flags: <defaults>
</compile_context>

<pallas_src>
import jax
import jax.numpy as jnp
from jax import lax
from jax.experimental import pallas as pl
from jax.experimental.pallas import tpu as pltpu
from jax.experimental.pallas import tpu_sc as plsc

_Z = 1.0
_NEWTON_ITERS = 16
_L = 16
_U = 8
_ROWS_PER_TEC = 4


def _sc_body(x_hbm, wp_hbm, wc_hbm, xbuf, wpbuf, wcbuf, glist, sem_wp, sem_wc):
    n = x_hbm.shape[-1]
    nchunks = n // _L
    ngroups = nchunks // _U
    wid = lax.axis_index("s") * 2 + lax.axis_index("c")

    pending = None
    for r in range(_ROWS_PER_TEC):
        row = wid * _ROWS_PER_TEC + r
        pltpu.sync_copy(x_hbm.at[row], xbuf)

        neg_inf = jnp.full((_L,), -jnp.inf, jnp.float32)

        def pa(g, ms):
            base = g * (_U * _L)
            return tuple(
                jnp.maximum(ms[u], xbuf[pl.ds(base + u * _L, _L)])
                for u in range(_U)
            )

        ms = lax.fori_loop(0, ngroups, pa, (neg_inf,) * _U)
        m = ms[0]
        for u in range(1, _U):
            m = jnp.maximum(m, ms[u])
        tau0 = jnp.full((_L,), jnp.max(m) - _Z, jnp.float32)

        if pending is not None:
            pending[1].wait()

        def pb(g, gcnt):
            base = g * (_U * _L)
            anym = xbuf[pl.ds(base, _L)] > tau0
            for u in range(1, _U):
                anym = anym | (xbuf[pl.ds(base + u * _L, _L)] > tau0)
            hit = jnp.any(anym)

            @pl.when(hit)
            def _():
                glist[gcnt] = g

            return gcnt + jnp.where(hit, 1, 0)

        ngr = lax.fori_loop(0, ngroups, pb, jnp.int32(0))

        zero_f = jnp.zeros((_L,), jnp.float32)

        def nstep(tau):
            def inner(i, acc):
                svs = list(acc[:_U])
                kvs = list(acc[_U:])
                base = glist[i] * (_U * _L)
                for u in range(_U):
                    v = xbuf[pl.ds(base + u * _L, _L)]
                    act = v > tau
                    svs[u] = svs[u] + jnp.where(act, v, 0.0)
                    kvs[u] = kvs[u] + jnp.where(act, 1.0, 0.0)
                return tuple(svs) + tuple(kvs)

            acc = lax.fori_loop(0, ngr, inner, (zero_f,) * (2 * _U))
            sv = acc[0]
            kv = acc[_U]
            for u in range(1, _U):
                sv = sv + acc[u]
                kv = kv + acc[_U + u]
            s = jnp.full((_L,), jnp.sum(sv), jnp.float32)
            k = jnp.full((_L,), jnp.sum(kv), jnp.float32)
            return (s - _Z) / k

        def ncond(st):
            i, tau, taup = st
            return (i < _NEWTON_ITERS) & jnp.any(tau != taup)

        def nbody(st):
            i, tau, _ = st
            return (i + 1, nstep(tau), tau)

        _, tau, _ = lax.while_loop(
            ncond, nbody, (jnp.int32(0), nstep(tau0), tau0)
        )

        if pending is not None:
            pending[0].wait()

        def pc(g, _):
            base = g * (_U * _L)
            for u in range(_U):
                sl = pl.ds(base + u * _L, _L)
                v = xbuf[sl]
                wpbuf[sl] = jnp.maximum(v - tau, 0.0)
                wcbuf[sl] = jnp.minimum(v, tau)
            return 0

        lax.fori_loop(0, ngroups, pc, 0)
        cp_wp = pltpu.async_copy(wpbuf, wp_hbm.at[row], sem_wp)
        cp_wc = pltpu.async_copy(wcbuf, wc_hbm.at[row], sem_wc)
        pending = (cp_wp, cp_wc)

    pending[0].wait()
    pending[1].wait()


def kernel(x):
    b, n = x.shape
    mesh = plsc.VectorSubcoreMesh(core_axis_name="c", subcore_axis_name="s")
    out = jax.ShapeDtypeStruct((b, n), jnp.float32)
    f = pl.kernel(
        _sc_body,
        out_type=(out, out),
        mesh=mesh,
        scratch_types=[
            pltpu.VMEM((n,), jnp.float32),
            pltpu.VMEM((n,), jnp.float32),
            pltpu.VMEM((n,), jnp.float32),
            pltpu.SMEM((n // (_U * _L),), jnp.int32),
            pltpu.SemaphoreType.DMA,
            pltpu.SemaphoreType.DMA,
        ],
        compiler_params=pltpu.CompilerParams(needs_layout_passes=False),
    )
    return f(x)

# --- scband reference (transcript-rebuilt; emitter-appended) ---
"""Pipeline reference for scband-simplex-proj-34694745817328 (READ-ONLY COPY).

The authoritative reference and input builder live on the scoring server;
editing this copy changes nothing except your own understanding.
"""

import jax, jax.numpy as jnp
import numpy as np

Z = 1.0


def setup_inputs(seed: int = 0) -> dict:
    key = jax.random.key(seed)
    x = jax.random.normal(key, (128, 32768), dtype=jnp.float32)
    return {"x": x}


def reference(x):
    # Orthogonal projection onto the simplex of level z along the last dim.
    z = Z
    n = x.shape[-1]
    # descending sort
    u = -jnp.sort(-x, axis=-1)
    cssw = jnp.cumsum(u, axis=-1)
    ix = jnp.arange(1, n + 1, dtype=jnp.float32)
    d = (z - cssw) / ix + u
    rho = jnp.sum(d > 0, axis=-1)
    s = jnp.take_along_axis(cssw, (rho - 1)[..., None], axis=-1)[..., 0]
    l = (z - s) / rho.astype(jnp.float32)
    wl = x + l[..., None]
    wp = jnp.clip(wl, 0.0, None)
    wc = x - wp
    return (wp, wc)

if __name__ == "__main__":
    import jax
    _d = setup_inputs()
    print(jax.jit(kernel)(*tuple(_d.values())))

</pallas_src>

<mosaic_0001>
#map = affine_map<(d0, d1) -> (0, 0)>
module attributes {stable_mosaic.version = 14 : i64} {
  func.func @_sc_body(%arg0: i32, %arg1: i32, %arg2: memref<128x32768xf32, #tpu.memory_space<hbm>>, %arg3: memref<128x32768xf32, #tpu.memory_space<hbm>>, %arg4: memref<128x32768xf32, #tpu.memory_space<hbm>>, %arg5: memref<32768xf32, #tpu.memory_space<vmem>>, %arg6: memref<32768xf32, #tpu.memory_space<vmem>>, %arg7: memref<32768xf32, #tpu.memory_space<vmem>>, %arg8: memref<256xi32, #tpu.memory_space<smem>>, %arg9: memref<!tpu.dma_semaphore, #tpu.memory_space<semaphore_mem>>, %arg10: memref<!tpu.dma_semaphore, #tpu.memory_space<semaphore_mem>>) attributes {dimension_semantics = [#tpu.dimension_semantics<core_parallel>, #tpu.dimension_semantics<subcore_parallel>], iteration_bounds = array<i64: 2, 16>, scalar_prefetch = 0 : i64, scratch_operands = 6 : i64, tpu.core_type = #tpu.core_type<sc_vector_subcore>, window_params = [{transform_indices = #map}, {transform_indices = #map}, {transform_indices = #map}]} {
    %mul3A = arith.constant 2 : i32
    %mul3A_0 = arith.muli %arg1, %mul3A : i32
    %add3A = arith.addi %mul3A_0, %arg0 : i32
    %mul3A_1 = arith.constant 4 : i32
    %mul3A_2 = arith.muli %add3A, %mul3A_1 : i32
    %add3A_3 = arith.constant 0 : i32
    %add3A_4 = arith.addi %mul3A_2, %add3A_3 : i32
    "tpu.region"() ({
      %run_scoped3A = tpu.sem_alloc : memref<!tpu.dma_semaphore, #tpu.memory_space<semaphore_mem>>
      %dma_start3A_419 = arith.constant 0 : i32
      %dma_start3A_420 = tpu.memref_slice %arg2[%add3A_4, %dma_start3A_419] : memref<128x32768xf32, #tpu.memory_space<hbm>> -> memref<1x32768xf32, #tpu.memory_space<hbm>>
      %dma_start3A_421 = tpu.memref_squeeze %dma_start3A_420 : memref<1x32768xf32, #tpu.memory_space<hbm>> -> memref<32768xf32, #tpu.memory_space<hbm>>
      %dma_start3A_422 = arith.constant 0 : i32
      %dma_start3A_423 = tpu.memref_slice %arg2[%add3A_4, %dma_start3A_422] : memref<128x32768xf32, #tpu.memory_space<hbm>> -> memref<1x32768xf32, #tpu.memory_space<hbm>>
      %dma_start3A_424 = tpu.memref_squeeze %dma_start3A_423 : memref<1x32768xf32, #tpu.memory_space<hbm>> -> memref<32768xf32, #tpu.memory_space<hbm>>
      tpu.enqueue_dma source(%dma_start3A_424 : memref<32768xf32, #tpu.memory_space<hbm>>) target(%arg5 : memref<32768xf32, #tpu.memory_space<vmem>>) target_semaphore(%run_scoped3A : memref<!tpu.dma_semaphore, #tpu.memory_space<semaphore_mem>>)
      %dma_wait3A_425 = arith.constant 0 : i32
      %dma_wait3A_426 = tpu.memref_slice %arg2[%add3A_4, %dma_wait3A_425] : memref<128x32768xf32, #tpu.memory_space<hbm>> -> memref<1x32768xf32, #tpu.memory_space<hbm>>
      %dma_wait3A_427 = tpu.memref_squeeze %dma_wait3A_426 : memref<1x32768xf32, #tpu.memory_space<hbm>> -> memref<32768xf32, #tpu.memory_space<hbm>>
      %dma_wait3A_428 = arith.constant 0 : i32
      %dma_wait3A_429 = tpu.memref_slice %arg2[%add3A_4, %dma_wait3A_428] : memref<128x32768xf32, #tpu.memory_space<hbm>> -> memref<1x32768xf32, #tpu.memory_space<hbm>>
      %dma_wait3A_430 = tpu.memref_squeeze %dma_wait3A_429 : memref<1x32768xf32, #tpu.memory_space<hbm>> -> memref<32768xf32, #tpu.memory_space<hbm>>
      tpu.wait_dma2 semaphore(%run_scoped3A : memref<!tpu.dma_semaphore, #tpu.memory_space<semaphore_mem>>) src(%dma_wait3A_430 : memref<32768xf32, #tpu.memory_space<hbm>>) dst(%arg5 : memref<32768xf32, #tpu.memory_space<vmem>>)
      tpu.yield
    }) : () -> ()
    %broadcast_in_dim3A = arith.constant 0xFF800000 : f32
    %broadcast_in_dim3A_5 = vector.broadcast %broadcast_in_dim3A : f32 to vector<16xf32>
    %scan3A = arith.constant 0 : i32
    %scan3A_6 = arith.constant 256 : i32
    %scan3A_7 = arith.addi %scan3A, %scan3A_6 : i32
    %scan3A_8 = arith.constant 1 : i32
    %scan3A_9:8 = scf.for %scan3A_419 = %scan3A to %scan3A_7 step %scan3A_8 iter_args(%scan3A_420 = %broadcast_in_dim3A_5, %scan3A_421 = %broadcast_in_dim3A_5, %scan3A_422 = %broadcast_in_dim3A_5, %scan3A_423 = %broadcast_in_dim3A_5, %scan3A_424 = %broadcast_in_dim3A_5, %scan3A_425 = %broadcast_in_dim3A_5, %scan3A_426 = %broadcast_in_dim3A_5, %scan3A_427 = %broadcast_in_dim3A_5) -> (vector<16xf32>, vector<16xf32>, vector<16xf32>, vector<16xf32>, vector<16xf32>, vector<16xf32>, vector<16xf32>, vector<16xf32>)  : i32 {
      %mul3A_428 = arith.constant 128 : i32
      %mul3A_429 = arith.muli %scan3A_419, %mul3A_428 : i32
      %add3A_430 = arith.constant 0 : i32
      %add3A_431 = arith.addi %mul3A_429, %add3A_430 : i32
      %get3A = arith.index_cast %add3A_431 : i32 to index
      %get3A_432 = tpu.vector_load %arg5[%get3A] {strides = array<i32>} : memref<32768xf32, #tpu.memory_space<vmem>>, vector<16xf32>,
      %max3A_433 = arith.maximumf %scan3A_420, %get3A_432 : vector<16xf32>
      %add3A_434 = arith.constant 16 : i32
      %add3A_435 = arith.addi %mul3A_429, %add3A_434 : i32
      %get3A_436 = arith.index_cast %add3A_435 : i32 to index
      %get3A_437 = tpu.vector_load %arg5[%get3A_436] {strides = array<i32>} : memref<32768xf32, #tpu.memory_space<vmem>>, vector<16xf32>,
      %max3A_438 = arith.maximumf %scan3A_421, %get3A_437 : vector<16xf32>
      %add3A_439 = arith.constant 32 : i32
      %add3A_440 = arith.addi %mul3A_429, %add3A_439 : i32
      %get3A_441 = arith.index_cast %add3A_440 : i32 to index
      %get3A_442 = tpu.vector_load %arg5[%get3A_441] {strides = array<i32>} : memref<32768xf32, #tpu.memory_space<vmem>>, vector<16xf32>,
      %max3A_443 = arith.maximumf %scan3A_422, %get3A_442 : vector<16xf32>
      %add3A_444 = arith.constant 48 : i32
      %add3A_445 = arith.addi %mul3A_429, %add3A_444 : i32
      %get3A_446 = arith.index_cast %add3A_445 : i32 to index
      %get3A_447 = tpu.vector_load %arg5[%get3A_446] {strides = array<i32>} : memref<32768xf32, #tpu.memory_space<vmem>>, vector<16xf32>,
      %max3A_448 = arith.maximumf %scan3A_423, %get3A_447 : vector<16xf32>
      %add3A_449 = arith.constant 64 : i32
      %add3A_450 = arith.addi %mul3A_429, %add3A_449 : i32
      %get3A_451 = arith.index_cast %add3A_450 : i32 to index
      %get3A_452 = tpu.vector_load %arg5[%get3A_451] {strides = array<i32>} : memref<32768xf32, #tpu.memory_space<vmem>>, vector<16xf32>,
      %max3A_453 = arith.maximumf %scan3A_424, %get3A_452 : vector<16xf32>
      %add3A_454 = arith.constant 80 : i32
      %add3A_455 = arith.addi %mul3A_429, %add3A_454 : i32
      %get3A_456 = arith.index_cast %add3A_455 : i32 to index
      %get3A_457 = tpu.vector_load %arg5[%get3A_456] {strides = array<i32>} : memref<32768xf32, #tpu.memory_space<vmem>>, vector<16xf32>,
      %max3A_458 = arith.maximumf %scan3A_425, %get3A_457 : vector<16xf32>
      %add3A_459 = arith.constant 96 : i32
      %add3A_460 = arith.addi %mul3A_429, %add3A_459 : i32
      %get3A_461 = arith.index_cast %add3A_460 : i32 to index
      %get3A_462 = tpu.vector_load %arg5[%get3A_461] {strides = array<i32>} : memref<32768xf32, #tpu.memory_space<vmem>>, vector<16xf32>,
      %max3A_463 = arith.maximumf %scan3A_426, %get3A_462 : vector<16xf32>
      %add3A_464 = arith.constant 112 : i32
      %add3A_465 = arith.addi %mul3A_429, %add3A_464 : i32
      %get3A_466 = arith.index_cast %add3A_465 : i32 to index
      %get3A_467 = tpu.vector_load %arg5[%get3A_466] {strides = array<i32>} : memref<32768xf32, #tpu.memory_space<vmem>>, vector<16xf32>,
      %max3A_468 = arith.maximumf %scan3A_427, %get3A_467 : vector<16xf32>
      scf.yield %max3A_433, %max3A_438, %max3A_443, %max3A_448, %max3A_453, %max3A_458, %max3A_463, %max3A_468 : vector<16xf32>, vector<16xf32>, vector<16xf32>, vector<16xf32>, vector<16xf32>, vector<16xf32>, vector<16xf32>, vector<16xf32>
    }
    %scan3A_10 = arith.constant 256 : i32
    %max3A = arith.maximumf %scan3A_9#0, %scan3A_9#1 : vector<16xf32>
    %max3A_11 = arith.maximumf %max3A, %scan3A_9#2 : vector<16xf32>
    %max3A_12 = arith.maximumf %max3A_11, %scan3A_9#3 : vector<16xf32>
    %max3A_13 = arith.maximumf %max3A_12, %scan3A_9#4 : vector<16xf32>
    %max3A_14 = arith.maximumf %max3A_13, %scan3A_9#5 : vector<16xf32>
    %max3A_15 = arith.maximumf %max3A_14, %scan3A_9#6 : vector<16xf32>
    %max3A_16 = arith.maximumf %max3A_15, %scan3A_9#7 : vector<16xf32>
    %reduce_max3A = arith.constant true
    %reduce_max3A_17 = vector.broadcast %reduce_max3A : i1 to vector<16xi1>
    %reduce_max3A_18 = tpu.scan <max>, %max3A_16 masked %reduce_max3A_17 : vector<16xf32>, vector<16xi1> -> vector<16xf32>
    %reduce_max3A_19 = vector.extract %reduce_max3A_18[15] : f32 from vector<16xf32>
    %sub3A = arith.constant 1.000000e+00 : f32
    %sub3A_20 = arith.subf %reduce_max3A_19, %sub3A : f32
    %broadcast_in_dim3A_21 = vector.broadcast %sub3A_20 : f32 to vector<16xf32>
    %scan3A_22 = arith.constant 0 : i32
    %scan3A_23 = arith.constant 0 : i32
    %scan3A_24 = arith.constant 256 : i32
    %scan3A_25 = arith.addi %scan3A_23, %scan3A_24 : i32
    %scan3A_26 = arith.constant 1 : i32
    %scan3A_27 = scf.for %scan3A_419 = %scan3A_23 to %scan3A_25 step %scan3A_26 iter_args(%scan3A_420 = %scan3A_22) -> (i32)  : i32 {
      %mul3A_421 = arith.constant 128 : i32
      %mul3A_422 = arith.muli %scan3A_419, %mul3A_421 : i32
      %get3A = arith.index_cast %mul3A_422 : i32 to index
      %get3A_423 = tpu.vector_load %arg5[%get3A] {strides = array<i32>} : memref<32768xf32, #tpu.memory_space<vmem>>, vector<16xf32>,
      %gt3A = arith.cmpf ogt, %get3A_423, %broadcast_in_dim3A_21 : vector<16xf32>
      %add3A_424 = arith.constant 16 : i32
      %add3A_425 = arith.addi %mul3A_422, %add3A_424 : i32
      %get3A_426 = arith.index_cast %add3A_425 : i32 to index
      %get3A_427 = tpu.vector_load %arg5[%get3A_426] {strides = array<i32>} : memref<32768xf32, #tpu.memory_space<vmem>>, vector<16xf32>,
      %gt3A_428 = arith.cmpf ogt, %get3A_427, %broadcast_in_dim3A_21 : vector<16xf32>
      %or3A = arith.ori %gt3A, %gt3A_428 : vector<16xi1>
      %add3A_429 = arith.constant 32 : i32
      %add3A_430 = arith.addi %mul3A_422, %add3A_429 : i32
      %get3A_431 = arith.index_cast %add3A_430 : i32 to index
      %get3A_432 = tpu.vector_load %arg5[%get3A_431] {strides = array<i32>} : memref<32768xf32, #tpu.memory_space<vmem>>, vector<16xf32>,
      %gt3A_433 = arith.cmpf ogt, %get3A_432, %broadcast_in_dim3A_21 : vector<16xf32>
      %or3A_434 = arith.ori %or3A, %gt3A_433 : vector<16xi1>
      %add3A_435 = arith.constant 48 : i32
      %add3A_436 = arith.addi %mul3A_422, %add3A_435 : i32
      %get3A_437 = arith.index_cast %add3A_436 : i32 to index
      %get3A_438 = tpu.vector_load %arg5[%get3A_437] {strides = array<i32>} : memref<32768xf32, #tpu.memory_space<vmem>>, vector<16xf32>,
      %gt3A_439 = arith.cmpf ogt, %get3A_438, %broadcast_in_dim3A_21 : vector<16xf32>
      %or3A_440 = arith.ori %or3A_434, %gt3A_439 : vector<16xi1>
      %add3A_441 = arith.constant 64 : i32
      %add3A_442 = arith.addi %mul3A_422, %add3A_441 : i32
      %get3A_443 = arith.index_cast %add3A_442 : i32 to index
      %get3A_444 = tpu.vector_load %arg5[%get3A_443] {strides = array<i32>} : memref<32768xf32, #tpu.memory_space<vmem>>, vector<16xf32>,
      %gt3A_445 = arith.cmpf ogt, %get3A_444, %broadcast_in_dim3A_21 : vector<16xf32>
      %or3A_446 = arith.ori %or3A_440, %gt3A_445 : vector<16xi1>
      %add3A_447 = arith.constant 80 : i32
      %add3A_448 = arith.addi %mul3A_422, %add3A_447 : i32
      %get3A_449 = arith.index_cast %add3A_448 : i32 to index
      %get3A_450 = tpu.vector_load %arg5[%get3A_449] {strides = array<i32>} : memref<32768xf32, #tpu.memory_space<vmem>>, vector<16xf32>,
      %gt3A_451 = arith.cmpf ogt, %get3A_450, %broadcast_in_dim3A_21 : vector<16xf32>
      %or3A_452 = arith.ori %or3A_446, %gt3A_451 : vector<16xi1>
      %add3A_453 = arith.constant 96 : i32
      %add3A_454 = arith.addi %mul3A_422, %add3A_453 : i32
      %get3A_455 = arith.index_cast %add3A_454 : i32 to index
      %get3A_456 = tpu.vector_load %arg5[%get3A_455] {strides = array<i32>} : memref<32768xf32, #tpu.memory_space<vmem>>, vector<16xf32>,
      %gt3A_457 = arith.cmpf ogt, %get3A_456, %broadcast_in_dim3A_21 : vector<16xf32>
      %or3A_458 = arith.ori %or3A_452, %gt3A_457 : vector<16xi1>
      %add3A_459 = arith.constant 112 : i32
      %add3A_460 = arith.addi %mul3A_422, %add3A_459 : i32
      %get3A_461 = arith.index_cast %add3A_460 : i32 to index
      %get3A_462 = tpu.vector_load %arg5[%get3A_461] {strides = array<i32>} : memref<32768xf32, #tpu.memory_space<vmem>>, vector<16xf32>,
      %gt3A_463 = arith.cmpf ogt, %get3A_462, %broadcast_in_dim3A_21 : vector<16xf32>
      %or3A_464 = arith.ori %or3A_458, %gt3A_463 : vector<16xi1>
      %reduce_or3A = arith.constant 1.000000e+00 : f32
      %reduce_or3A_465 = arith.constant 0.000000e+00 : f32
      %reduce_or3A_466 = vector.broadcast %reduce_or3A : f32 to vector<16xf32>
      %reduce_or3A_467 = vector.broadcast %reduce_or3A_465 : f32 to vector<16xf32>
      %reduce_or3A_468 = arith.select %or3A_464, %reduce_or3A_466, %reduce_or3A_467 : vector<16xi1>, vector<16xf32>
      %reduce_or3A_469 = arith.constant true
      %reduce_or3A_470 = vector.broadcast %reduce_or3A_469 : i1 to vector<16xi1>
      %reduce_or3A_471 = tpu.scan <max>, %reduce_or3A_468 masked %reduce_or3A_470 : vector<16xf32>, vector<16xi1> -> vector<16xf32>
      %reduce_or3A_472 = vector.extract %reduce_or3A_471[15] : f32 from vector<16xf32>
      %reduce_or3A_473 = arith.constant 0.000000e+00 : f32
      %reduce_or3A_474 = arith.cmpf ogt, %reduce_or3A_472, %reduce_or3A_473 : f32
      %convert_element_type3A = arith.extui %reduce_or3A_474 : i1 to i32
      %cond3A = arith.constant 0 : i32
      %cond3A_475 = arith.cmpi ne, %convert_element_type3A, %cond3A : i32
      scf.if %cond3A_475 {
        %swap3A = arith.index_cast %scan3A_420 : i32 to index
        %swap3A_478 = memref.load %arg8[%swap3A] : memref<256xi32, #tpu.memory_space<smem>>
        memref.store %scan3A_419, %arg8[%swap3A] : memref<256xi32, #tpu.memory_space<smem>>
      } else {
      }
      %jit3A = arith.constant 1 : i32
      %jit3A_476 = arith.constant 0 : i32
      %select_n3A = arith.select %reduce_or3A_474, %jit3A, %jit3A_476 : i32
      %add3A_477 = arith.addi %scan3A_420, %select_n3A : i32
      scf.yield %add3A_477 : i32
    }
    %scan3A_28 = arith.constant 256 : i32
    %broadcast_in_dim3A_29 = arith.constant 0.000000e+00 : f32
    %broadcast_in_dim3A_30 = vector.broadcast %broadcast_in_dim3A_29 : f32 to vector<16xf32>
    %while3A = arith.constant 0 : i32
    %while3A_31 = arith.subi %scan3A_27, %while3A : i32
    %while3A_32 = arith.addi %while3A, %while3A_31 : i32
    %while3A_33 = arith.constant 1 : i32
    %while3A_34 = arith.divsi %while3A_31, %while3A_33 : i32
    %while3A_35 = arith.muli %while3A_34, %while3A_33 : i32
    %while3A_36 = arith.addi %while3A, %while3A_35 : i32
    %while3A_37 = arith.constant 1 : i32
    %while3A_38:16 = scf.for %while3A_419 = %while3A to %while3A_36 step %while3A_37 iter_args(%while3A_420 = %broadcast_in_dim3A_30, %while3A_421 = %broadcast_in_dim3A_30, %while3A_422 = %broadcast_in_dim3A_30, %while3A_423 = %broadcast_in_dim3A_30, %while3A_424 = %broadcast_in_dim3A_30, %while3A_425 = %broadcast_in_dim3A_30, %while3A_426 = %broadcast_in_dim3A_30, %while3A_427 = %broadcast_in_dim3A_30, %while3A_428 = %broadcast_in_dim3A_30, %while3A_429 = %broadcast_in_dim3A_30, %while3A_430 = %broadcast_in_dim3A_30, %while3A_431 = %broadcast_in_dim3A_30, %while3A_432 = %broadcast_in_dim3A_30, %while3A_433 = %broadcast_in_dim3A_30, %while3A_434 = %broadcast_in_dim3A_30, %while3A_435 = %broadcast_in_dim3A_30) -> (vector<16xf32>, vector<16xf32>, vector<16xf32>, vector<16xf32>, vector<16xf32>, vector<16xf32>, vector<16xf32>, vector<16xf32>, vector<16xf32>, vector<16xf32>, vector<16xf32>, vector<16xf32>, vector<16xf32>, vector<16xf32>, vector<16xf32>, vector<16xf32>)  : i32 {
      %get3A = arith.index_cast %while3A_419 : i32 to index
      %get3A_436 = memref.load %arg8[%get3A] : memref<256xi32, #tpu.memory_space<smem>>
      %mul3A_437 = arith.constant 128 : i32
      %mul3A_438 = arith.muli %get3A_436, %mul3A_437 : i32
      %add3A_439 = arith.constant 0 : i32
      %add3A_440 = arith.addi %mul3A_438, %add3A_439 : i32
      %get3A_441 = arith.index_cast %add3A_440 : i32 to index
      %get3A_442 = tpu.vector_load %arg5[%get3A_441] {strides = array<i32>} : memref<32768xf32, #tpu.memory_space<vmem>>, vector<16xf32>,
      %gt3A = arith.cmpf ogt, %get3A_442, %broadcast_in_dim3A_21 : vector<16xf32>
      %jit3A = arith.constant 0.000000e+00 : f32
      %broadcast_in_dim3A_443 = vector.broadcast %jit3A : f32 to vector<16xf32>
      %select_n3A = arith.select %gt3A, %get3A_442, %broadcast_in_dim3A_443 : vector<16xi1>, vector<16xf32>
      %add3A_444 = arith.addf %while3A_420, %select_n3A : vector<16xf32>
      %jit3A_445 = arith.constant 1.000000e+00 : f32
      %jit3A_446 = arith.constant 0.000000e+00 : f32
      %broadcast_in_dim3A_447 = vector.broadcast %jit3A_445 : f32 to vector<16xf32>
      %broadcast_in_dim3A_448 = vector.broadcast %jit3A_446 : f32 to vector<16xf32>
      %select_n3A_449 = arith.select %gt3A, %broadcast_in_dim3A_447, %broadcast_in_dim3A_448 : vector<16xi1>, vector<16xf32>
      %add3A_450 = arith.addf %while3A_428, %select_n3A_449 : vector<16xf32>
      %add3A_451 = arith.constant 16 : i32
      %add3A_452 = arith.addi %mul3A_438, %add3A_451 : i32
      %get3A_453 = arith.index_cast %add3A_452 : i32 to index
      %get3A_454 = tpu.vector_load %arg5[%get3A_453] {strides = array<i32>} : memref<32768xf32, #tpu.memory_space<vmem>>, vector<16xf32>,
      %gt3A_455 = arith.cmpf ogt, %get3A_454, %broadcast_in_dim3A_21 : vector<16xf32>
      %jit3A_456 = arith.constant 0.000000e+00 : f32
      %broadcast_in_dim3A_457 = vector.broadcast %jit3A_456 : f32 to vector<16xf32>
      %select_n3A_458 = arith.select %gt3A_455, %get3A_454, %broadcast_in_dim3A_457 : vector<16xi1>, vector<16xf32>
      %add3A_459 = arith.addf %while3A_421, %select_n3A_458 : vector<16xf32>
      %jit3A_460 = arith.constant 1.000000e+00 : f32
      %jit3A_461 = arith.constant 0.000000e+00 : f32
      %broadcast_in_dim3A_462 = vector.broadcast %jit3A_460 : f32 to vector<16xf32>
      %broadcast_in_dim3A_463 = vector.broadcast %jit3A_461 : f32 to vector<16xf32>
      %select_n3A_464 = arith.select %gt3A_455, %broadcast_in_dim3A_462, %broadcast_in_dim3A_463 : vector<16xi1>, vector<16xf32>
      %add3A_465 = arith.addf %while3A_429, %select_n3A_464 : vector<16xf32>
      %add3A_466 = arith.constant 32 : i32
      %add3A_467 = arith.addi %mul3A_438, %add3A_466 : i32
      %get3A_468 = arith.index_cast %add3A_467 : i32 to index
      %get3A_469 = tpu.vector_load %arg5[%get3A_468] {strides = array<i32>} : memref<32768xf32, #tpu.memory_space<vmem>>, vector<16xf32>,
      %gt3A_470 = arith.cmpf ogt, %get3A_469, %broadcast_in_dim3A_21 : vector<16xf32>
      %jit3A_471 = arith.constant 0.000000e+00 : f32
      %broadcast_in_dim3A_472 = vector.broadcast %jit3A_471 : f32 to vector<16xf32>
      %select_n3A_473 = arith.select %gt3A_470, %get3A_469, %broadcast_in_dim3A_472 : vector<16xi1>, vector<16xf32>
      %add3A_474 = arith.addf %while3A_422, %select_n3A_473 : vector<16xf32>
      %jit3A_475 = arith.constant 1.000000e+00 : f32
      %jit3A_476 = arith.constant 0.000000e+00 : f32
      %broadcast_in_dim3A_477 = vector.broadcast %jit3A_475 : f32 to vector<16xf32>
      %broadcast_in_dim3A_478 = vector.broadcast %jit3A_476 : f32 to vector<16xf32>
      %select_n3A_479 = arith.select %gt3A_470, %broadcast_in_dim3A_477, %broadcast_in_dim3A_478 : vector<16xi1>, vector<16xf32>
      %add3A_480 = arith.addf %while3A_430, %select_n3A_479 : vector<16xf32>
      %add3A_481 = arith.constant 48 : i32
      %add3A_482 = arith.addi %mul3A_438, %add3A_481 : i32
      %get3A_483 = arith.index_cast %add3A_482 : i32 to index
      %get3A_484 = tpu.vector_load %arg5[%get3A_483] {strides = array<i32>} : memref<32768xf32, #tpu.memory_space<vmem>>, vector<16xf32>,
      %gt3A_485 = arith.cmpf ogt, %get3A_484, %broadcast_in_dim3A_21 : vector<16xf32>
      %jit3A_486 = arith.constant 0.000000e+00 : f32
      %broadcast_in_dim3A_487 = vector.broadcast %jit3A_486 : f32 to vector<16xf32>
      %select_n3A_488 = arith.select %gt3A_485, %get3A_484, %broadcast_in_dim3A_487 : vector<16xi1>, vector<16xf32>
      %add3A_489 = arith.addf %while3A_423, %select_n3A_488 : vector<16xf32>
      %jit3A_490 = arith.constant 1.000000e+00 : f32
      %jit3A_491 = arith.constant 0.000000e+00 : f32
      %broadcast_in_dim3A_492 = vector.broadcast %jit3A_490 : f32 to vector<16xf32>
      %broadcast_in_dim3A_493 = vector.broadcast %jit3A_491 : f32 to vector<16xf32>
      %select_n3A_494 = arith.select %gt3A_485, %broadcast_in_dim3A_492, %broadcast_in_dim3A_493 : vector<16xi1>, vector<16xf32>
      %add3A_495 = arith.addf %while3A_431, %select_n3A_494 : vector<16xf32>
      %add3A_496 = arith.constant 64 : i32
      %add3A_497 = arith.addi %mul3A_438, %add3A_496 : i32
      %get3A_498 = arith.index_cast %add3A_497 : i32 to index
      %get3A_499 = tpu.vector_load %arg5[%get3A_498] {strides = array<i32>} : memref<32768xf32, #tpu.memory_space<vmem>>, vector<16xf32>,
      %gt3A_500 = arith.cmpf ogt, %get3A_499, %broadcast_in_dim3A_21 : vector<16xf32>
      %jit3A_501 = arith.constant 0.000000e+00 : f32
      %broadcast_in_dim3A_502 = vector.broadcast %jit3A_501 : f32 to vector<16xf32>
      %select_n3A_503 = arith.select %gt3A_500, %get3A_499, %broadcast_in_dim3A_502 : vector<16xi1>, vector<16xf32>
      %add3A_504 = arith.addf %while3A_424, %select_n3A_503 : vector<16xf32>
      %jit3A_505 = arith.constant 1.000000e+00 : f32
      %jit3A_506 = arith.constant 0.000000e+00 : f32
      %broadcast_in_dim3A_507 = vector.broadcast %jit3A_505 : f32 to vector<16xf32>
      %broadcast_in_dim3A_508 = vector.broadcast %jit3A_506 : f32 to vector<16xf32>
      %select_n3A_509 = arith.select %gt3A_500, %broadcast_in_dim3A_507, %broadcast_in_dim3A_508 : vector<16xi1>, vector<16xf32>
      %add3A_510 = arith.addf %while3A_432, %select_n3A_509 : vector<16xf32>
      %add3A_511 = arith.constant 80 : i32
      %add3A_512 = arith.addi %mul3A_438, %add3A_511 : i32
      %get3A_513 = arith.index_cast %add3A_512 : i32 to index
      %get3A_514 = tpu.vector_load %arg5[%get3A_513] {strides = array<i32>} : memref<32768xf32, #tpu.memory_space<vmem>>, vector<16xf32>,
      %gt3A_515 = arith.cmpf ogt, %get3A_514, %broadcast_in_dim3A_21 : vector<16xf32>
      %jit3A_516 = arith.constant 0.000000e+00 : f32
      %broadcast_in_dim3A_517 = vector.broadcast %jit3A_516 : f32 to vector<16xf32>
      %select_n3A_518 = arith.select %gt3A_515, %get3A_514, %broadcast_in_dim3A_517 : vector<16xi1>, vector<16xf32>
      %add3A_519 = arith.addf %while3A_425, %select_n3A_518 : vector<16xf32>
      %jit3A_520 = arith.constant 1.000000e+00 : f32
      %jit3A_521 = arith.constant 0.000000e+00 : f32
      %broadcast_in_dim3A_522 = vector.broadcast %jit3A_520 : f32 to vector<16xf32>
      %broadcast_in_dim3A_523 = vector.broadcast %jit3A_521 : f32 to vector<16xf32>
      %select_n3A_524 = arith.select %gt3A_515, %broadcast_in_dim3A_522, %broadcast_in_dim3A_523 : vector<16xi1>, vector<16xf32>
      %add3A_525 = arith.addf %while3A_433, %select_n3A_524 : vector<16xf32>
      %add3A_526 = arith.constant 96 : i32
      %add3A_527 = arith.addi %mul3A_438, %add3A_526 : i32
      %get3A_528 = arith.index_cast %add3A_527 : i32 to index
      %get3A_529 = tpu.vector_load %arg5[%get3A_528] {strides = array<i32>} : memref<32768xf32, #tpu.memory_space<vmem>>, vector<16xf32>,
      %gt3A_530 = arith.cmpf ogt, %get3A_529, %broadcast_in_dim3A_21 : vector<16xf32>
      %jit3A_531 = arith.constant 0.000000e+00 : f32
      %broadcast_in_dim3A_532 = vector.broadcast %jit3A_531 : f32 to vector<16xf32>
      %select_n3A_533 = arith.select %gt3A_530, %get3A_529, %broadcast_in_dim3A_532 : vector<16xi1>, vector<16xf32>
      %add3A_534 = arith.addf %while3A_426, %select_n3A_533 : vector<16xf32>
      %jit3A_535 = arith.constant 1.000000e+00 : f32
      %jit3A_536 = arith.constant 0.000000e+00 : f32
      %broadcast_in_dim3A_537 = vector.broadcast %jit3A_535 : f32 to vector<16xf32>
      %broadcast_in_dim3A_538 = vector.broadcast %jit3A_536 : f32 to vector<16xf32>
      %select_n3A_539 = arith.select %gt3A_530, %broadcast_in_dim3A_537, %broadcast_in_dim3A_538 : vector<16xi1>, vector<16xf32>
      %add3A_540 = arith.addf %while3A_434, %select_n3A_539 : vector<16xf32>
      %add3A_541 = arith.constant 112 : i32
      %add3A_542 = arith.addi %mul3A_438, %add3A_541 : i32
      %get3A_543 = arith.index_cast %add3A_542 : i32 to index
      %get3A_544 = tpu.vector_load %arg5[%get3A_543] {strides = array<i32>} : memref<32768xf32, #tpu.memory_space<vmem>>, vector<16xf32>,
      %gt3A_545 = arith.cmpf ogt, %get3A_544, %broadcast_in_dim3A_21 : vector<16xf32>
      %jit3A_546 = arith.constant 0.000000e+00 : f32
      %broadcast_in_dim3A_547 = vector.broadcast %jit3A_546 : f32 to vector<16xf32>
      %select_n3A_548 = arith.select %gt3A_545, %get3A_544, %broadcast_in_dim3A_547 : vector<16xi1>, vector<16xf32>
      %add3A_549 = arith.addf %while3A_427, %select_n3A_548 : vector<16xf32>
      %jit3A_550 = arith.constant 1.000000e+00 : f32
      %jit3A_551 = arith.constant 0.000000e+00 : f32
      %broadcast_in_dim3A_552 = vector.broadcast %jit3A_550 : f32 to vector<16xf32>
      %broadcast_in_dim3A_553 = vector.broadcast %jit3A_551 : f32 to vector<16xf32>
      %select_n3A_554 = arith.select %gt3A_545, %broadcast_in_dim3A_552, %broadcast_in_dim3A_553 : vector<16xi1>, vector<16xf32>
      %add3A_555 = arith.addf %while3A_435, %select_n3A_554 : vector<16xf32>
      scf.yield %add3A_444, %add3A_459, %add3A_474, %add3A_489, %add3A_504, %add3A_519, %add3A_534, %add3A_549, %add3A_450, %add3A_465, %add3A_480, %add3A_495, %add3A_510, %add3A_525, %add3A_540, %add3A_555 : vector<16xf32>, vector<16xf32>, vector<16xf32>, vector<16xf32>, vector<16xf32>, vector<16xf32>, vector<16xf32>, vector<16xf32>, vector<16xf32>, vector<16xf32>, vector<16xf32>, vector<16xf32>, vector<16xf32>, vector<16xf32>, vector<16xf32>, vector<16xf32>
    }
    %while3A_39 = arith.constant 1 : i32
    %while3A_40:16 = scf.for %while3A_419 = %while3A_36 to %while3A_32 step %while3A_39 iter_args(%while3A_420 = %while3A_38#0, %while3A_421 = %while3A_38#1, %while3A_422 = %while3A_38#2, %while3A_423 = %while3A_38#3, %while3A_424 = %while3A_38#4, %while3A_425 = %while3A_38#5, %while3A_426 = %while3A_38#6, %while3A_427 = %while3A_38#7, %while3A_428 = %while3A_38#8, %while3A_429 = %while3A_38#9, %while3A_430 = %while3A_38#10, %while3A_431 = %while3A_38#11, %while3A_432 = %while3A_38#12, %while3A_433 = %while3A_38#13, %while3A_434 = %while3A_38#14, %while3A_435 = %while3A_38#15) -> (vector<16xf32>, vector<16xf32>, vector<16xf32>, vector<16xf32>, vector<16xf32>, vector<16xf32>, vector<16xf32>, vector<16xf32>, vector<16xf32>, vector<16xf32>, vector<16xf32>, vector<16xf32>, vector<16xf32>, vector<16xf32>, vector<16xf32>, vector<16xf32>)  : i32 {
      %get3A = arith.index_cast %while3A_419 : i32 to index
      %get3A_436 = memref.load %arg8[%get3A] : memref<256xi32, #tpu.memory_space<smem>>
      %mul3A_437 = arith.constant 128 : i32
      %mul3A_438 = arith.muli %get3A_436, %mul3A_437 : i32
      %add3A_439 = arith.constant 0 : i32
      %add3A_440 = arith.addi %mul3A_438, %add3A_439 : i32
      %get3A_441 = arith.index_cast %add3A_440 : i32 to index
      %get3A_442 = tpu.vector_load %arg5[%get3A_441] {strides = array<i32>} : memref<32768xf32, #tpu.memory_space<vmem>>, vector<16xf32>,
      %gt3A = arith.cmpf ogt, %get3A_442, %broadcast_in_dim3A_21 : vector<16xf32>
      %jit3A = arith.constant 0.000000e+00 : f32
      %broadcast_in_dim3A_443 = vector.broadcast %jit3A : f32 to vector<16xf32>
      %select_n3A = arith.select %gt3A, %get3A_442, %broadcast_in_dim3A_443 : vector<16xi1>, vector<16xf32>
      %add3A_444 = arith.addf %while3A_420, %select_n3A : vector<16xf32>
      %jit3A_445 = arith.constant 1.000000e+00 : f32
      %jit3A_446 = arith.constant 0.000000e+00 : f32
      %broadcast_in_dim3A_447 = vector.broadcast %jit3A_445 : f32 to vector<16xf32>
      %broadcast_in_dim3A_448 = vector.broadcast %jit3A_446 : f32 to vector<16xf32>
      %select_n3A_449 = arith.select %gt3A, %broadcast_in_dim3A_447, %broadcast_in_dim3A_448 : vector<16xi1>, vector<16xf32>
      %add3A_450 = arith.addf %while3A_428, %select_n3A_449 : vector<16xf32>
      %add3A_451 = arith.constant 16 : i32
      %add3A_452 = arith.addi %mul3A_438, %add3A_451 : i32
      %get3A_453 = arith.index_cast %add3A_452 : i32 to index
      %get3A_454 = tpu.vector_load %arg5[%get3A_453] {strides = array<i32>} : memref<32768xf32, #tpu.memory_space<vmem>>, vector<16xf32>,
      %gt3A_455 = arith.cmpf ogt, %get3A_454, %broadcast_in_dim3A_21 : vector<16xf32>
      %jit3A_456 = arith.constant 0.000000e+00 : f32
      %broadcast_in_dim3A_457 = vector.broadcast %jit3A_456 : f32 to vector<16xf32>
      %select_n3A_458 = arith.select %gt3A_455, %get3A_454, %broadcast_in_dim3A_457 : vector<16xi1>, vector<16xf32>
      %add3A_459 = arith.addf %while3A_421, %select_n3A_458 : vector<16xf32>
      %jit3A_460 = arith.constant 1.000000e+00 : f32
      %jit3A_461 = arith.constant 0.000000e+00 : f32
      %broadcast_in_dim3A_462 = vector.broadcast %jit3A_460 : f32 to vector<16xf32>
      %broadcast_in_dim3A_463 = vector.broadcast %jit3A_461 : f32 to vector<16xf32>
      %select_n3A_464 = arith.select %gt3A_455, %broadcast_in_dim3A_462, %broadcast_in_dim3A_463 : vector<16xi1>, vector<16xf32>
      %add3A_465 = arith.addf %while3A_429, %select_n3A_464 : vector<16xf32>
      %add3A_466 = arith.constant 32 : i32
      %add3A_467 = arith.addi %mul3A_438, %add3A_466 : i32
      %get3A_468 = arith.index_cast %add3A_467 : i32 to index
      %get3A_469 = tpu.vector_load %arg5[%get3A_468] {strides = array<i32>} : memref<32768xf32, #tpu.memory_space<vmem>>, vector<16xf32>,
      %gt3A_470 = arith.cmpf ogt, %get3A_469, %broadcast_in_dim3A_21 : vector<16xf32>
      %jit3A_471 = arith.constant 0.000000e+00 : f32
      %broadcast_in_dim3A_472 = vector.broadcast %jit3A_471 : f32 to vector<16xf32>
      %select_n3A_473 = arith.select %gt3A_470, %get3A_469, %broadcast_in_dim3A_472 : vector<16xi1>, vector<16xf32>
      %add3A_474 = arith.addf %while3A_422, %select_n3A_473 : vector<16xf32>
      %jit3A_475 = arith.constant 1.000000e+00 : f32
      %jit3A_476 = arith.constant 0.000000e+00 : f32
      %broadcast_in_dim3A_477 = vector.broadcast %jit3A_475 : f32 to vector<16xf32>
      %broadcast_in_dim3A_478 = vector.broadcast %jit3A_476 : f32 to vector<16xf32>
      %select_n3A_479 = arith.select %gt3A_470, %broadcast_in_dim3A_477, %broadcast_in_dim3A_478 : vector<16xi1>, vector<16xf32>
      %add3A_480 = arith.addf %while3A_430, %select_n3A_479 : vector<16xf32>
      %add3A_481 = arith.constant 48 : i32
      %add3A_482 = arith.addi %mul3A_438, %add3A_481 : i32
      %get3A_483 = arith.index_cast %add3A_482 : i32 to index
      %get3A_484 = tpu.vector_load %arg5[%get3A_483] {strides = array<i32>} : memref<32768xf32, #tpu.memory_space<vmem>>, vector<16xf32>,
      %gt3A_485 = arith.cmpf ogt, %get3A_484, %broadcast_in_dim3A_21 : vector<16xf32>
      %jit3A_486 = arith.constant 0.000000e+00 : f32
      %broadcast_in_dim3A_487 = vector.broadcast %jit3A_486 : f32 to vector<16xf32>
      %select_n3A_488 = arith.select %gt3A_485, %get3A_484, %broadcast_in_dim3A_487 : vector<16xi1>, vector<16xf32>
      %add3A_489 = arith.addf %while3A_423, %select_n3A_488 : vector<16xf32>
      %jit3A_490 = arith.constant 1.000000e+00 : f32
      %jit3A_491 = arith.constant 0.000000e+00 : f32
      %broadcast_in_dim3A_492 = vector.broadcast %jit3A_490 : f32 to vector<16xf32>
      %broadcast_in_dim3A_493 = vector.broadcast %jit3A_491 : f32 to vector<16xf32>
      %select_n3A_494 = arith.select %gt3A_485, %broadcast_in_dim3A_492, %broadcast_in_dim3A_493 : vector<16xi1>, vector<16xf32>
      %add3A_495 = arith.addf %while3A_431, %select_n3A_494 : vector<16xf32>
      %add3A_496 = arith.constant 64 : i32
      %add3A_497 = arith.addi %mul3A_438, %add3A_496 : i32
      %get3A_498 = arith.index_cast %add3A_497 : i32 to index
      %get3A_499 = tpu.vector_load %arg5[%get3A_498] {strides = array<i32>} : memref<32768xf32, #tpu.memory_space<vmem>>, vector<16xf32>,
      %gt3A_500 = arith.cmpf ogt, %get3A_499, %broadcast_in_dim3A_21 : vector<16xf32>
      %jit3A_501 = arith.constant 0.000000e+00 : f32
      %broadcast_in_dim3A_502 = vector.broadcast %jit3A_501 : f32 to vector<16xf32>
      %select_n3A_503 = arith.select %gt3A_500, %get3A_499, %broadcast_in_dim3A_502 : vector<16xi1>, vector<16xf32>
      %add3A_504 = arith.addf %while3A_424, %select_n3A_503 : vector<16xf32>
      %jit3A_505 = arith.constant 1.000000e+00 : f32
      %jit3A_506 = arith.constant 0.000000e+00 : f32
      %broadcast_in_dim3A_507 = vector.broadcast %jit3A_505 : f32 to vector<16xf32>
      %broadcast_in_dim3A_508 = vector.broadcast %jit3A_506 : f32 to vector<16xf32>
      %select_n3A_509 = arith.select %gt3A_500, %broadcast_in_dim3A_507, %broadcast_in_dim3A_508 : vector<16xi1>, vector<16xf32>
      %add3A_510 = arith.addf %while3A_432, %select_n3A_509 : vector<16xf32>
      %add3A_511 = arith.constant 80 : i32
      %add3A_512 = arith.addi %mul3A_438, %add3A_511 : i32
      %get3A_513 = arith.index_cast %add3A_512 : i32 to index
      %get3A_514 = tpu.vector_load %arg5[%get3A_513] {strides = array<i32>} : memref<32768xf32, #tpu.memory_space<vmem>>, vector<16xf32>,
      %gt3A_515 = arith.cmpf ogt, %get3A_514, %broadcast_in_dim3A_21 : vector<16xf32>
      %jit3A_516 = arith.constant 0.000000e+00 : f32
      %broadcast_in_dim3A_517 = vector.broadcast %jit3A_516 : f32 to vector<16xf32>
      %select_n3A_518 = arith.select %gt3A_515, %get3A_514, %broadcast_in_dim3A_517 : vector<16xi1>, vector<16xf32>
      %add3A_519 = arith.addf %while3A_425, %select_n3A_518 : vector<16xf32>
      %jit3A_520 = arith.constant 1.000000e+00 : f32
      %jit3A_521 = arith.constant 0.000000e+00 : f32
      %broadcast_in_dim3A_522 = vector.broadcast %jit3A_520 : f32 to vector<16xf32>
      %broadcast_in_dim3A_523 = vector.broadcast %jit3A_521 : f32 to vector<16xf32>
      %select_n3A_524 = arith.select %gt3A_515, %broadcast_in_dim3A_522, %broadcast_in_dim3A_523 : vector<16xi1>, vector<16xf32>
      %add3A_525 = arith.addf %while3A_433, %select_n3A_524 : vector<16xf32>
      %add3A_526 = arith.constant 96 : i32
      %add3A_527 = arith.addi %mul3A_438, %add3A_526 : i32
      %get3A_528 = arith.index_cast %add3A_527 : i32 to index
      %get3A_529 = tpu.vector_load %arg5[%get3A_528] {strides = array<i32>} : memref<32768xf32, #tpu.memory_space<vmem>>, vector<16xf32>,
      %gt3A_530 = arith.cmpf ogt, %get3A_529, %broadcast_in_dim3A_21 : vector<16xf32>
      %jit3A_531 = arith.constant 0.000000e+00 : f32
      %broadcast_in_dim3A_532 = vector.broadcast %jit3A_531 : f32 to vector<16xf32>
      %select_n3A_533 = arith.select %gt3A_530, %get3A_529, %broadcast_in_dim3A_532 : vector<16xi1>, vector<16xf32>
      %add3A_534 = arith.addf %while3A_426, %select_n3A_533 : vector<16xf32>
      %jit3A_535 = arith.constant 1.000000e+00 : f32
      %jit3A_536 = arith.constant 0.000000e+00 : f32
      %broadcast_in_dim3A_537 = vector.broadcast %jit3A_535 : f32 to vector<16xf32>
      %broadcast_in_dim3A_538 = vector.broadcast %jit3A_536 : f32 to vector<16xf32>
      %select_n3A_539 = arith.select %gt3A_530, %broadcast_in_dim3A_537, %broadcast_in_dim3A_538 : vector<16xi1>, vector<16xf32>
      %add3A_540 = arith.addf %while3A_434, %select_n3A_539 : vector<16xf32>
      %add3A_541 = arith.constant 112 : i32
      %add3A_542 = arith.addi %mul3A_438, %add3A_541 : i32
      %get3A_543 = arith.index_cast %add3A_542 : i32 to index
      %get3A_544 = tpu.vector_load %arg5[%get3A_543] {strides = array<i32>} : memref<32768xf32, #tpu.memory_space<vmem>>, vector<16xf32>,
      %gt3A_545 = arith.cmpf ogt, %get3A_544, %broadcast_in_dim3A_21 : vector<16xf32>
      %jit3A_546 = arith.constant 0.000000e+00 : f32
      %broadcast_in_dim3A_547 = vector.broadcast %jit3A_546 : f32 to vector<16xf32>
      %select_n3A_548 = arith.select %gt3A_545, %get3A_544, %broadcast_in_dim3A_547 : vector<16xi1>, vector<16xf32>
      %add3A_549 = arith.addf %while3A_427, %select_n3A_548 : vector<16xf32>
      %jit3A_550 = arith.constant 1.000000e+00 : f32
      %jit3A_551 = arith.constant 0.000000e+00 : f32
      %broadcast_in_dim3A_552 = vector.broadcast %jit3A_550 : f32 to vector<16xf32>
      %broadcast_in_dim3A_553 = vector.broadcast %jit3A_551 : f32 to vector<16xf32>
      %select_n3A_554 = arith.select %gt3A_545, %broadcast_in_dim3A_552, %broadcast_in_dim3A_553 : vector<16xi1>, vector<16xf32>
      %add3A_555 = arith.addf %while3A_435, %select_n3A_554 : vector<16xf32>
      scf.yield %add3A_444, %add3A_459, %add3A_474, %add3A_489, %add3A_504, %add3A_519, %add3A_534, %add3A_549, %add3A_450, %add3A_465, %add3A_480, %add3A_495, %add3A_510, %add3A_525, %add3A_540, %add3A_555 : vector<16xf32>, vector<16xf32>, vector<16xf32>, vector<16xf32>, vector<16xf32>, vector<16xf32>, vector<16xf32>, vector<16xf32>, vector<16xf32>, vector<16xf32>, vector<16xf32>, vector<16xf32>, vector<16xf32>, vector<16xf32>, vector<16xf32>, vector<16xf32>
    }
    %add3A_41 = arith.addf %while3A_40#0, %while3A_40#1 : vector<16xf32>
    %add3A_42 = arith.addf %while3A_40#8, %while3A_40#9 : vector<16xf32>
    %add3A_43 = arith.addf %add3A_41, %while3A_40#2 : vector<16xf32>
    %add3A_44 = arith.addf %add3A_42, %while3A_40#10 : vector<16xf32>
    %add3A_45 = arith.addf %add3A_43, %while3A_40#3 : vector<16xf32>
    %add3A_46 = arith.addf %add3A_44, %while3A_40#11 : vector<16xf32>
    %add3A_47 = arith.addf %add3A_45, %while3A_40#4 : vector<16xf32>
    %add3A_48 = arith.addf %add3A_46, %while3A_40#12 : vector<16xf32>
    %add3A_49 = arith.addf %add3A_47, %while3A_40#5 : vector<16xf32>
    %add3A_50 = arith.addf %add3A_48, %while3A_40#13 : vector<16xf32>
    %add3A_51 = arith.addf %add3A_49, %while3A_40#6 : vector<16xf32>
    %add3A_52 = arith.addf %add3A_50, %while3A_40#14 : vector<16xf32>
    %add3A_53 = arith.addf %add3A_51, %while3A_40#7 : vector<16xf32>
    %add3A_54 = arith.addf %add3A_52, %while3A_40#15 : vector<16xf32>
    %reduce_sum3A = arith.constant true
    %reduce_sum3A_55 = vector.broadcast %reduce_sum3A : i1 to vector<16xi1>
    %reduce_sum3A_56 = tpu.scan <sum>, %add3A_53 masked %reduce_sum3A_55 : vector<16xf32>, vector<16xi1> -> vector<16xf32>
    %reduce_sum3A_57 = vector.extract %reduce_sum3A_56[15] : f32 from vector<16xf32>
    %broadcast_in_dim3A_58 = vector.broadcast %reduce_sum3A_57 : f32 to vector<16xf32>
    %reduce_sum3A_59 = arith.constant true
    %reduce_sum3A_60 = vector.broadcast %reduce_sum3A_59 : i1 to vector<16xi1>
    %reduce_sum3A_61 = tpu.scan <sum>, %add3A_54 masked %reduce_sum3A_60 : vector<16xf32>, vector<16xi1> -> vector<16xf32>
    %reduce_sum3A_62 = vector.extract %reduce_sum3A_61[15] : f32 from vector<16xf32>
    %broadcast_in_dim3A_63 = vector.broadcast %reduce_sum3A_62 : f32 to vector<16xf32>
    %sub3A_64 = arith.constant 1.000000e+00 : f32
    %sub3A_65 = vector.broadcast %sub3A_64 : f32 to vector<16xf32>
    %sub3A_66 = arith.subf %broadcast_in_dim3A_58, %sub3A_65 : vector<16xf32>
    %div3A = arith.divf %sub3A_66, %broadcast_in_dim3A_63 : vector<16xf32>
    %while3A_67 = arith.constant 0 : i32
    %while3A_68:3 = scf.while (%while3A_419 = %while3A_67, %while3A_420 = %div3A, %while3A_421 = %broadcast_in_dim3A_21) : (i32, vector<16xf32>, vector<16xf32>) -> (i32, vector<16xf32>, vector<16xf32>) {
      %lt3A = arith.constant 16 : i32
      %lt3A_422 = arith.cmpi slt, %while3A_419, %lt3A : i32
      %ne3A = arith.cmpf one, %while3A_420, %while3A_421 : vector<16xf32>
      %reduce_or3A = arith.constant 1.000000e+00 : f32
      %reduce_or3A_423 = arith.constant 0.000000e+00 : f32
      %reduce_or3A_424 = vector.broadcast %reduce_or3A : f32 to vector<16xf32>
      %reduce_or3A_425 = vector.broadcast %reduce_or3A_423 : f32 to vector<16xf32>
      %reduce_or3A_426 = arith.select %ne3A, %reduce_or3A_424, %reduce_or3A_425 : vector<16xi1>, vector<16xf32>
      %reduce_or3A_427 = arith.constant true
      %reduce_or3A_428 = vector.broadcast %reduce_or3A_427 : i1 to vector<16xi1>
      %reduce_or3A_429 = tpu.scan <max>, %reduce_or3A_426 masked %reduce_or3A_428 : vector<16xf32>, vector<16xi1> -> vector<16xf32>
      %reduce_or3A_430 = vector.extract %reduce_or3A_429[15] : f32 from vector<16xf32>
      %reduce_or3A_431 = arith.constant 0.000000e+00 : f32
      %reduce_or3A_432 = arith.cmpf ogt, %reduce_or3A_430, %reduce_or3A_431 : f32
      %and3A = arith.andi %lt3A_422, %reduce_or3A_432 : i1
      scf.condition(%and3A) %while3A_419, %while3A_420, %while3A_421 : i32, vector<16xf32>, vector<16xf32>
    } do {
    ^bb0(%while3A_419: i32, %while3A_420: vector<16xf32>, %while3A_421: vector<16xf32>):
      %add3A_422 = arith.constant 1 : i32
      %add3A_423 = arith.addi %while3A_419, %add3A_422 : i32
      %while3A_424 = arith.constant 0 : i32
      %while3A_425 = arith.subi %scan3A_27, %while3A_424 : i32
      %while3A_426 = arith.addi %while3A_424, %while3A_425 : i32
      %while3A_427 = arith.constant 1 : i32
      %while3A_428 = arith.divsi %while3A_425, %while3A_427 : i32
      %while3A_429 = arith.muli %while3A_428, %while3A_427 : i32
      %while3A_430 = arith.addi %while3A_424, %while3A_429 : i32
      %while3A_431 = arith.constant 1 : i32
      %while3A_432:16 = scf.for %while3A_463 = %while3A_424 to %while3A_430 step %while3A_431 iter_args(%while3A_464 = %broadcast_in_dim3A_30, %while3A_465 = %broadcast_in_dim3A_30, %while3A_466 = %broadcast_in_dim3A_30, %while3A_467 = %broadcast_in_dim3A_30, %while3A_468 = %broadcast_in_dim3A_30, %while3A_469 = %broadcast_in_dim3A_30, %while3A_470 = %broadcast_in_dim3A_30, %while3A_471 = %broadcast_in_dim3A_30, %while3A_472 = %broadcast_in_dim3A_30, %while3A_473 = %broadcast_in_dim3A_30, %while3A_474 = %broadcast_in_dim3A_30, %while3A_475 = %broadcast_in_dim3A_30, %while3A_476 = %broadcast_in_dim3A_30, %while3A_477 = %broadcast_in_dim3A_30, %while3A_478 = %broadcast_in_dim3A_30, %while3A_479 = %broadcast_in_dim3A_30) -> (vector<16xf32>, vector<16xf32>, vector<16xf32>, vector<16xf32>, vector<16xf32>, vector<16xf32>, vector<16xf32>, vector<16xf32>, vector<16xf32>, vector<16xf32>, vector<16xf32>, vector<16xf32>, vector<16xf32>, vector<16xf32>, vector<16xf32>, vector<16xf32>)  : i32 {
        %get3A = arith.index_cast %while3A_463 : i32 to index
        %get3A_480 = memref.load %arg8[%get3A] : memref<256xi32, #tpu.memory_space<smem>>
        %mul3A_481 = arith.constant 128 : i32
        %mul3A_482 = arith.muli %get3A_480, %mul3A_481 : i32
        %add3A_483 = arith.constant 0 : i32
        %add3A_484 = arith.addi %mul3A_482, %add3A_483 : i32
        %get3A_485 = arith.index_cast %add3A_484 : i32 to index
        %get3A_486 = tpu.vector_load %arg5[%get3A_485] {strides = array<i32>} : memref<32768xf32, #tpu.memory_space<vmem>>, vector<16xf32>,
        %gt3A = arith.cmpf ogt, %get3A_486, %while3A_420 : vector<16xf32>
        %jit3A = arith.constant 0.000000e+00 : f32
        %broadcast_in_dim3A_487 = vector.broadcast %jit3A : f32 to vector<16xf32>
        %select_n3A = arith.select %gt3A, %get3A_486, %broadcast_in_dim3A_487 : vector<16xi1>, vector<16xf32>
        %add3A_488 = arith.addf %while3A_464, %select_n3A : vector<16xf32>
        %jit3A_489 = arith.constant 1.000000e+00 : f32
        %jit3A_490 = arith.constant 0.000000e+00 : f32
        %broadcast_in_dim3A_491 = vector.broadcast %jit3A_489 : f32 to vector<16xf32>
        %broadcast_in_dim3A_492 = vector.broadcast %jit3A_490 : f32 to vector<16xf32>
        %select_n3A_493 = arith.select %gt3A, %broadcast_in_dim3A_491, %broadcast_in_dim3A_492 : vector<16xi1>, vector<16xf32>
        %add3A_494 = arith.addf %while3A_472, %select_n3A_493 : vector<16xf32>
        %add3A_495 = arith.constant 16 : i32
        %add3A_496 = arith.addi %mul3A_482, %add3A_495 : i32
        %get3A_497 = arith.index_cast %add3A_496 : i32 to index
        %get3A_498 = tpu.vector_load %arg5[%get3A_497] {strides = array<i32>} : memref<32768xf32, #tpu.memory_space<vmem>>, vector<16xf32>,
        %gt3A_499 = arith.cmpf ogt, %get3A_498, %while3A_420 : vector<16xf32>
        %jit3A_500 = arith.constant 0.000000e+00 : f32
        %broadcast_in_dim3A_501 = vector.broadcast %jit3A_500 : f32 to vector<16xf32>
        %select_n3A_502 = arith.select %gt3A_499, %get3A_498, %broadcast_in_dim3A_501 : vector<16xi1>, vector<16xf32>
        %add3A_503 = arith.addf %while3A_465, %select_n3A_502 : vector<16xf32>
        %jit3A_504 = arith.constant 1.000000e+00 : f32
        %jit3A_505 = arith.constant 0.000000e+00 : f32
        %broadcast_in_dim3A_506 = vector.broadcast %jit3A_504 : f32 to vector<16xf32>
        %broadcast_in_dim3A_507 = vector.broadcast %jit3A_505 : f32 to vector<16xf32>
        %select_n3A_508 = arith.select %gt3A_499, %broadcast_in_dim3A_506, %broadcast_in_dim3A_507 : vector<16xi1>, vector<16xf32>
        %add3A_509 = arith.addf %while3A_473, %select_n3A_508 : vector<16xf32>
        %add3A_510 = arith.constant 32 : i32
        %add3A_511 = arith.addi %mul3A_482, %add3A_510 : i32
        %get3A_512 = arith.index_cast %add3A_511 : i32 to index
        %get3A_513 = tpu.vector_load %arg5[%get3A_512] {strides = array<i32>} : memref<32768xf32, #tpu.memory_space<vmem>>, vector<16xf32>,
        %gt3A_514 = arith.cmpf ogt, %get3A_513, %while3A_420 : vector<16xf32>
        %jit3A_515 = arith.constant 0.000000e+00 : f32
        %broadcast_in_dim3A_516 = vector.broadcast %jit3A_515 : f32 to vector<16xf32>
        %select_n3A_517 = arith.select %gt3A_514, %get3A_513, %broadcast_in_dim3A_516 : vector<16xi1>, vector<16xf32>
        %add3A_518 = arith.addf %while3A_466, %select_n3A_517 : vector<16xf32>
        %jit3A_519 = arith.constant 1.000000e+00 : f32
        %jit3A_520 = arith.constant 0.000000e+00 : f32
        %broadcast_in_dim3A_521 = vector.broadcast %jit3A_519 : f32 to vector<16xf32>
        %broadcast_in_dim3A_522 = vector.broadcast %jit3A_520 : f32 to vector<16xf32>
        %select_n3A_523 = arith.select %gt3A_514, %broadcast_in_dim3A_521, %broadcast_in_dim3A_522 : vector<16xi1>, vector<16xf32>
        %add3A_524 = arith.addf %while3A_474, %select_n3A_523 : vector<16xf32>
        %add3A_525 = arith.constant 48 : i32
        %add3A_526 = arith.addi %mul3A_482, %add3A_525 : i32
        %get3A_527 = arith.index_cast %add3A_526 : i32 to index
        %get3A_528 = tpu.vector_load %arg5[%get3A_527] {strides = array<i32>} : memref<32768xf32, #tpu.memory_space<vmem>>, vector<16xf32>,
        %gt3A_529 = arith.cmpf ogt, %get3A_528, %while3A_420 : vector<16xf32>
        %jit3A_530 = arith.constant 0.000000e+00 : f32
        %broadcast_in_dim3A_531 = vector.broadcast %jit3A_530 : f32 to vector<16xf32>
        %select_n3A_532 = arith.select %gt3A_529, %get3A_528, %broadcast_in_dim3A_531 : vector<16xi1>, vector<16xf32>
        %add3A_533 = arith.addf %while3A_467, %select_n3A_532 : vector<16xf32>
        %jit3A_534 = arith.constant 1.000000e+00 : f32
        %jit3A_535 = arith.constant 0.000000e+00 : f32
        %broadcast_in_dim3A_536 = vector.broadcast %jit3A_534 : f32 to vector<16xf32>
        %broadcast_in_dim3A_537 = vector.broadcast %jit3A_535 : f32 to vector<16xf32>
        %select_n3A_538 = arith.select %gt3A_529, %broadcast_in_dim3A_536, %broadcast_in_dim3A_537 : vector<16xi1>, vector<16xf32>
        %add3A_539 = arith.addf %while3A_475, %select_n3A_538 : vector<16xf32>
        %add3A_540 = arith.constant 64 : i32
        %add3A_541 = arith.addi %mul3A_482, %add3A_540 : i32
        %get3A_542 = arith.index_cast %add3A_541 : i32 to index
        %get3A_543 = tpu.vector_load %arg5[%get3A_542] {strides = array<i32>} : memref<32768xf32, #tpu.memory_space<vmem>>, vector<16xf32>,
        %gt3A_544 = arith.cmpf ogt, %get3A_543, %while3A_420 : vector<16xf32>
        %jit3A_545 = arith.constant 0.000000e+00 : f32
        %broadcast_in_dim3A_546 = vector.broadcast %jit3A_545 : f32 to vector<16xf32>
        %select_n3A_547 = arith.select %gt3A_544, %get3A_543, %broadcast_in_dim3A_546 : vector<16xi1>, vector<16xf32>
        %add3A_548 = arith.addf %while3A_468, %select_n3A_547 : vector<16xf32>
        %jit3A_549 = arith.constant 1.000000e+00 : f32
        %jit3A_550 = arith.constant 0.000000e+00 : f32
        %broadcast_in_dim3A_551 = vector.broadcast %jit3A_549 : f32 to vector<16xf32>
        %broadcast_in_dim3A_552 = vector.broadcast %jit3A_550 : f32 to vector<16xf32>
        %select_n3A_553 = arith.select %gt3A_544, %broadcast_in_dim3A_551, %broadcast_in_dim3A_552 : vector<16xi1>, vector<16xf32>
        %add3A_554 = arith.addf %while3A_476, %select_n3A_553 : vector<16xf32>
        %add3A_555 = arith.constant 80 : i32
        %add3A_556 = arith.addi %mul3A_482, %add3A_555 : i32
        %get3A_557 = arith.index_cast %add3A_556 : i32 to index
        %get3A_558 = tpu.vector_load %arg5[%get3A_557] {strides = array<i32>} : memref<32768xf32, #tpu.memory_space<vmem>>, vector<16xf32>,
        %gt3A_559 = arith.cmpf ogt, %get3A_558, %while3A_420 : vector<16xf32>
        %jit3A_560 = arith.constant 0.000000e+00 : f32
        %broadcast_in_dim3A_561 = vector.broadcast %jit3A_560 : f32 to vector<16xf32>
        %select_n3A_562 = arith.select %gt3A_559, %get3A_558, %broadcast_in_dim3A_561 : vector<16xi1>, vector<16xf32>
        %add3A_563 = arith.addf %while3A_469, %select_n3A_562 : vector<16xf32>
        %jit3A_564 = arith.constant 1.000000e+00 : f32
        %jit3A_565 = arith.constant 0.000000e+00 : f32
        %broadcast_in_dim3A_566 = vector.broadcast %jit3A_564 : f32 to vector<16xf32>
        %broadcast_in_dim3A_567 = vector.broadcast %jit3A_565 : f32 to vector<16xf32>
        %select_n3A_568 = arith.select %gt3A_559, %broadcast_in_dim3A_566, %broadcast_in_dim3A_567 : vector<16xi1>, vector<16xf32>
        %add3A_569 = arith.addf %while3A_477, %select_n3A_568 : vector<16xf32>
        %add3A_570 = arith.constant 96 : i32
        %add3A_571 = arith.addi %mul3A_482, %add3A_570 : i32
        %get3A_572 = arith.index_cast %add3A_571 : i32 to index
        %get3A_573 = tpu.vector_load %arg5[%get3A_572] {strides = array<i32>} : memref<32768xf32, #tpu.memory_space<vmem>>, vector<16xf32>,
        %gt3A_574 = arith.cmpf ogt, %get3A_573, %while3A_420 : vector<16xf32>
        %jit3A_575 = arith.constant 0.000000e+00 : f32
        %broadcast_in_dim3A_576 = vector.broadcast %jit3A_575 : f32 to vector<16xf32>
        %select_n3A_577 = arith.select %gt3A_574, %get3A_573, %broadcast_in_dim3A_576 : vector<16xi1>, vector<16xf32>
        %add3A_578 = arith.addf %while3A_470, %select_n3A_577 : vector<16xf32>
        %jit3A_579 = arith.constant 1.000000e+00 : f32
        %jit3A_580 = arith.constant 0.000000e+00 : f32
        %broadcast_in_dim3A_581 = vector.broadcast %jit3A_579 : f32 to vector<16xf32>
        %broadcast_in_dim3A_582 = vector.broadcast %jit3A_580 : f32 to vector<16xf32>
        %select_n3A_583 = arith.select %gt3A_574, %broadcast_in_dim3A_581, %broadcast_in_dim3A_582 : vector<16xi1>, vector<16xf32>
        %add3A_584 = arith.addf %while3A_478, %select_n3A_583 : vector<16xf32>
        %add3A_585 = arith.constant 112 : i32
        %add3A_586 = arith.addi %mul3A_482, %add3A_585 : i32
        %get3A_587 = arith.index_cast %add3A_586 : i32 to index
        %get3A_588 = tpu.vector_load %arg5[%get3A_587] {strides = array<i32>} : memref<32768xf32, #tpu.memory_space<vmem>>, vector<16xf32>,
        %gt3A_589 = arith.cmpf ogt, %get3A_588, %while3A_420 : vector<16xf32>
        %jit3A_590 = arith.constant 0.000000e+00 : f32
        %broadcast_in_dim3A_591 = vector.broadcast %jit3A_590 : f32 to vector<16xf32>
        %select_n3A_592 = arith.select %gt3A_589, %get3A_588, %broadcast_in_dim3A_591 : vector<16xi1>, vector<16xf32>
        %add3A_593 = arith.addf %while3A_471, %select_n3A_592 : vector<16xf32>
        %jit3A_594 = arith.constant 1.000000e+00 : f32
        %jit3A_595 = arith.constant 0.000000e+00 : f32
        %broadcast_in_dim3A_596 = vector.broadcast %jit3A_594 : f32 to vector<16xf32>
        %broadcast_in_dim3A_597 = vector.broadcast %jit3A_595 : f32 to vector<16xf32>
        %select_n3A_598 = arith.select %gt3A_589, %broadcast_in_dim3A_596, %broadcast_in_dim3A_597 : vector<16xi1>, vector<16xf32>
        %add3A_599 = arith.addf %while3A_479, %select_n3A_598 : vector<16xf32>
        scf.yield %add3A_488, %add3A_503, %add3A_518, %add3A_533, %add3A_548, %add3A_563, %add3A_578, %add3A_593, %add3A_494, %add3A_509, %add3A_524, %add3A_539, %add3A_554, %add3A_569, %add3A_584, %add3A_599 : vector<16xf32>, vector<16xf32>, vector<16xf32>, vector<16xf32>, vector<16xf32>, vector<16xf32>, vector<16xf32>, vector<16xf32>, vector<16xf32>, vector<16xf32>, vector<16xf32>, vector<16xf32>, vector<16xf32>, vector<16xf32>, vector<16xf32>, vector<16xf32>
      }
      %while3A_433 = arith.constant 1 : i32
      %while3A_434:16 = scf.for %while3A_463 = %while3A_430 to %while3A_426 step %while3A_433 iter_args(%while3A_464 = %while3A_432#0, %while3A_465 = %while3A_432#1, %while3A_466 = %while3A_432#2, %while3A_467 = %while3A_432#3, %while3A_468 = %while3A_432#4, %while3A_469 = %while3A_432#5, %while3A_470 = %while3A_432#6, %while3A_471 = %while3A_432#7, %while3A_472 = %while3A_432#8, %while3A_473 = %while3A_432#9, %while3A_474 = %while3A_432#10, %while3A_475 = %while3A_432#11, %while3A_476 = %while3A_432#12, %while3A_477 = %while3A_432#13, %while3A_478 = %while3A_432#14, %while3A_479 = %while3A_432#15) -> (vector<16xf32>, vector<16xf32>, vector<16xf32>, vector<16xf32>, vector<16xf32>, vector<16xf32>, vector<16xf32>, vector<16xf32>, vector<16xf32>, vector<16xf32>, vector<16xf32>, vector<16xf32>, vector<16xf32>, vector<16xf32>, vector<16xf32>, vector<16xf32>)  : i32 {
        %get3A = arith.index_cast %while3A_463 : i32 to index
        %get3A_480 = memref.load %arg8[%get3A] : memref<256xi32, #tpu.memory_space<smem>>
        %mul3A_481 = arith.constant 128 : i32
        %mul3A_482 = arith.muli %get3A_480, %mul3A_481 : i32
        %add3A_483 = arith.constant 0 : i32
        %add3A_484 = arith.addi %mul3A_482, %add3A_483 : i32
        %get3A_485 = arith.index_cast %add3A_484 : i32 to index
        %get3A_486 = tpu.vector_load %arg5[%get3A_485] {strides = array<i32>} : memref<32768xf32, #tpu.memory_space<vmem>>, vector<16xf32>,
        %gt3A = arith.cmpf ogt, %get3A_486, %while3A_420 : vector<16xf32>
        %jit3A = arith.constant 0.000000e+00 : f32
        %broadcast_in_dim3A_487 = vector.broadcast %jit3A : f32 to vector<16xf32>
        %select_n3A = arith.select %gt3A, %get3A_486, %broadcast_in_dim3A_487 : vector<16xi1>, vector<16xf32>
        %add3A_488 = arith.addf %while3A_464, %select_n3A : vector<16xf32>
        %jit3A_489 = arith.constant 1.000000e+00 : f32
        %jit3A_490 = arith.constant 0.000000e+00 : f32
        %broadcast_in_dim3A_491 = vector.broadcast %jit3A_489 : f32 to vector<16xf32>
        %broadcast_in_dim3A_492 = vector.broadcast %jit3A_490 : f32 to vector<16xf32>
        %select_n3A_493 = arith.select %gt3A, %broadcast_in_dim3A_491, %broadcast_in_dim3A_492 : vector<16xi1>, vector<16xf32>
        %add3A_494 = arith.addf %while3A_472, %select_n3A_493 : vector<16xf32>
        %add3A_495 = arith.constant 16 : i32
        %add3A_496 = arith.addi %mul3A_482, %add3A_495 : i32
        %get3A_497 = arith.index_cast %add3A_496 : i32 to index
        %get3A_498 = tpu.vector_load %arg5[%get3A_497] {strides = array<i32>} : memref<32768xf32, #tpu.memory_space<vmem>>, vector<16xf32>,
        %gt3A_499 = arith.cmpf ogt, %get3A_498, %while3A_420 : vector<16xf32>
        %jit3A_500 = arith.constant 0.000000e+00 : f32
        %broadcast_in_dim3A_501 = vector.broadcast %jit3A_500 : f32 to vector<16xf32>
        %select_n3A_502 = arith.select %gt3A_499, %get3A_498, %broadcast_in_dim3A_501 : vector<16xi1>, vector<16xf32>
        %add3A_503 = arith.addf %while3A_465, %select_n3A_502 : vector<16xf32>
        %jit3A_504 = arith.constant 1.000000e+00 : f32
        %jit3A_505 = arith.constant 0.000000e+00 : f32
        %broadcast_in_dim3A_506 = vector.broadcast %jit3A_504 : f32 to vector<16xf32>
        %broadcast_in_dim3A_507 = vector.broadcast %jit3A_505 : f32 to vector<16xf32>
        %select_n3A_508 = arith.select %gt3A_499, %broadcast_in_dim3A_506, %broadcast_in_dim3A_507 : vector<16xi1>, vector<16xf32>
        %add3A_509 = arith.addf %while3A_473, %select_n3A_508 : vector<16xf32>
        %add3A_510 = arith.constant 32 : i32
        %add3A_511 = arith.addi %mul3A_482, %add3A_510 : i32
        %get3A_512 = arith.index_cast %add3A_511 : i32 to index
        %get3A_513 = tpu.vector_load %arg5[%get3A_512] {strides = array<i32>} : memref<32768xf32, #tpu.memory_space<vmem>>, vector<16xf32>,
        %gt3A_514 = arith.cmpf ogt, %get3A_513, %while3A_420 : vector<16xf32>
        %jit3A_515 = arith.constant 0.000000e+00 : f32
        %broadcast_in_dim3A_516 = vector.broadcast %jit3A_515 : f32 to vector<16xf32>
        %select_n3A_517 = arith.select %gt3A_514, %get3A_513, %broadcast_in_dim3A_516 : vector<16xi1>, vector<16xf32>
        %add3A_518 = arith.addf %while3A_466, %select_n3A_517 : vector<16xf32>
        %jit3A_519 = arith.constant 1.000000e+00 : f32
        %jit3A_520 = arith.constant 0.000000e+00 : f32
        %broadcast_in_dim3A_521 = vector.broadcast %jit3A_519 : f32 to vector<16xf32>
        %broadcast_in_dim3A_522 = vector.broadcast %jit3A_520 : f32 to vector<16xf32>
        %select_n3A_523 = arith.select %gt3A_514, %broadcast_in_dim3A_521, %broadcast_in_dim3A_522 : vector<16xi1>, vector<16xf32>
        %add3A_524 = arith.addf %while3A_474, %select_n3A_523 : vector<16xf32>
        %add3A_525 = arith.constant 48 : i32
        %add3A_526 = arith.addi %mul3A_482, %add3A_525 : i32
        %get3A_527 = arith.index_cast %add3A_526 : i32 to index
        %get3A_528 = tpu.vector_load %arg5[%get3A_527] {strides = array<i32>} : memref<32768xf32, #tpu.memory_space<vmem>>, vector<16xf32>,
        %gt3A_529 = arith.cmpf ogt, %get3A_528, %while3A_420 : vector<16xf32>
        %jit3A_530 = arith.constant 0.000000e+00 : f32
        %broadcast_in_dim3A_531 = vector.broadcast %jit3A_530 : f32 to vector<16xf32>
        %select_n3A_532 = arith.select %gt3A_529, %get3A_528, %broadcast_in_dim3A_531 : vector<16xi1>, vector<16xf32>
        %add3A_533 = arith.addf %while3A_467, %select_n3A_532 : vector<16xf32>
        %jit3A_534 = arith.constant 1.000000e+00 : f32
        %jit3A_535 = arith.constant 0.000000e+00 : f32
        %broadcast_in_dim3A_536 = vector.broadcast %jit3A_534 : f32 to vector<16xf32>
        %broadcast_in_dim3A_537 = vector.broadcast %jit3A_535 : f32 to vector<16xf32>
        %select_n3A_538 = arith.select %gt3A_529, %broadcast_in_dim3A_536, %broadcast_in_dim3A_537 : vector<16xi1>, vector<16xf32>
        %add3A_539 = arith.addf %while3A_475, %select_n3A_538 : vector<16xf32>
        %add3A_540 = arith.constant 64 : i32
        %add3A_541 = arith.addi %mul3A_482, %add3A_540 : i32
        %get3A_542 = arith.index_cast %add3A_541 : i32 to index
        %get3A_543 = tpu.vector_load %arg5[%get3A_542] {strides = array<i32>} : memref<32768xf32, #tpu.memory_space<vmem>>, vector<16xf32>,
        %gt3A_544 = arith.cmpf ogt, %get3A_543, %while3A_420 : vector<16xf32>
        %jit3A_545 = arith.constant 0.000000e+00 : f32
        %broadcast_in_dim3A_546 = vector.broadcast %jit3A_545 : f32 to vector<16xf32>
        %select_n3A_547 = arith.select %gt3A_544, %get3A_543, %broadcast_in_dim3A_546 : vector<16xi1>, vector<16xf32>
        %add3A_548 = arith.addf %while3A_468, %select_n3A_547 : vector<16xf32>
        %jit3A_549 = arith.constant 1.000000e+00 : f32
        %jit3A_550 = arith.constant 0.000000e+00 : f32
        %broadcast_in_dim3A_551 = vector.broadcast %jit3A_549 : f32 to vector<16xf32>
        %broadcast_in_dim3A_552 = vector.broadcast %jit3A_550 : f32 to vector<16xf32>
        %select_n3A_553 = arith.select %gt3A_544, %broadcast_in_dim3A_551, %broadcast_in_dim3A_552 : vector<16xi1>, vector<16xf32>
        %add3A_554 = arith.addf %while3A_476, %select_n3A_553 : vector<16xf32>
        %add3A_555 = arith.constant 80 : i32
        %add3A_556 = arith.addi %mul3A_482, %add3A_555 : i32
        %get3A_557 = arith.index_cast %add3A_556 : i32 to index
        %get3A_558 = tpu.vector_load %arg5[%get3A_557] {strides = array<i32>} : memref<32768xf32, #tpu.memory_space<vmem>>, vector<16xf32>,
        %gt3A_559 = arith.cmpf ogt, %get3A_558, %while3A_420 : vector<16xf32>
        %jit3A_560 = arith.constant 0.000000e+00 : f32
        %broadcast_in_dim3A_561 = vector.broadcast %jit3A_560 : f32 to vector<16xf32>
        %select_n3A_562 = arith.select %gt3A_559, %get3A_558, %broadcast_in_dim3A_561 : vector<16xi1>, vector<16xf32>
        %add3A_563 = arith.addf %while3A_469, %select_n3A_562 : vector<16xf32>
        %jit3A_564 = arith.constant 1.000000e+00 : f32
        %jit3A_565 = arith.constant 0.000000e+00 : f32
        %broadcast_in_dim3A_566 = vector.broadcast %jit3A_564 : f32 to vector<16xf32>
        %broadcast_in_dim3A_567 = vector.broadcast %jit3A_565 : f32 to vector<16xf32>
        %select_n3A_568 = arith.select %gt3A_559, %broadcast_in_dim3A_566, %broadcast_in_dim3A_567 : vector<16xi1>, vector<16xf32>
        %add3A_569 = arith.addf %while3A_477, %select_n3A_568 : vector<16xf32>
        %add3A_570 = arith.constant 96 : i32
        %add3A_571 = arith.addi %mul3A_482, %add3A_570 : i32
        %get3A_572 = arith.index_cast %add3A_571 : i32 to index
        %get3A_573 = tpu.vector_load %arg5[%get3A_572] {strides = array<i32>} : memref<32768xf32, #tpu.memory_space<vmem>>, vector<16xf32>,
        %gt3A_574 = arith.cmpf ogt, %get3A_573, %while3A_420 : vector<16xf32>
        %jit3A_575 = arith.constant 0.000000e+00 : f32
        %broadcast_in_dim3A_576 = vector.broadcast %jit3A_575 : f32 to vector<16xf32>
        %select_n3A_577 = arith.select %gt3A_574, %get3A_573, %broadcast_in_dim3A_576 : vector<16xi1>, vector<16xf32>
        %add3A_578 = arith.addf %while3A_470, %select_n3A_577 : vector<16xf32>
        %jit3A_579 = arith.constant 1.000000e+00 : f32
        %jit3A_580 = arith.constant 0.000000e+00 : f32
        %broadcast_in_dim3A_581 = vector.broadcast %jit3A_579 : f32 to vector<16xf32>
        %broadcast_in_dim3A_582 = vector.broadcast %jit3A_580 : f32 to vector<16xf32>
        %select_n3A_583 = arith.select %gt3A_574, %broadcast_in_dim3A_581, %broadcast_in_dim3A_582 : vector<16xi1>, vector<16xf32>
        %add3A_584 = arith.addf %while3A_478, %select_n3A_583 : vector<16xf32>
        %add3A_585 = arith.constant 112 : i32
        %add3A_586 = arith.addi %mul3A_482, %add3A_585 : i32
        %get3A_587 = arith.index_cast %add3A_586 : i32 to index
        %get3A_588 = tpu.vector_load %arg5[%get3A_587] {strides = array<i32>} : memref<32768xf32, #tpu.memory_space<vmem>>, vector<16xf32>,
        %gt3A_589 = arith.cmpf ogt, %get3A_588, %while3A_420 : vector<16xf32>
        %jit3A_590 = arith.constant 0.000000e+00 : f32
        %broadcast_in_dim3A_591 = vector.broadcast %jit3A_590 : f32 to vector<16xf32>
        %select_n3A_592 = arith.select %gt3A_589, %get3A_588, %broadcast_in_dim3A_591 : vector<16xi1>, vector<16xf32>
        %add3A_593 = arith.addf %while3A_471, %select_n3A_592 : vector<16xf32>
        %jit3A_594 = arith.constant 1.000000e+00 : f32
        %jit3A_595 = arith.constant 0.000000e+00 : f32
        %broadcast_in_dim3A_596 = vector.broadcast %jit3A_594 : f32 to vector<16xf32>
        %broadcast_in_dim3A_597 = vector.broadcast %jit3A_595 : f32 to vector<16xf32>
        %select_n3A_598 = arith.select %gt3A_589, %broadcast_in_dim3A_596, %broadcast_in_dim3A_597 : vector<16xi1>, vector<16xf32>
        %add3A_599 = arith.addf %while3A_479, %select_n3A_598 : vector<16xf32>
        scf.yield %add3A_488, %add3A_503, %add3A_518, %add3A_533, %add3A_548, %add3A_563, %add3A_578, %add3A_593, %add3A_494, %add3A_509, %add3A_524, %add3A_539, %add3A_554, %add3A_569, %add3A_584, %add3A_599 : vector<16xf32>, vector<16xf32>, vector<16xf32>, vector<16xf32>, vector<16xf32>, vector<16xf32>, vector<16xf32>, vector<16xf32>, vector<16xf32>, vector<16xf32>, vector<16xf32>, vector<16xf32>, vector<16xf32>, vector<16xf32>, vector<16xf32>, vector<16xf32>
      }
      %add3A_435 = arith.addf %while3A_434#0, %while3A_434#1 : vector<16xf32>
      %add3A_436 = arith.addf %while3A_434#8, %while3A_434#9 : vector<16xf32>
      %add3A_437 = arith.addf %add3A_435, %while3A_434#2 : vector<16xf32>
      %add3A_438 = arith.addf %add3A_436, %while3A_434#10 : vector<16xf32>
      %add3A_439 = arith.addf %add3A_437, %while3A_434#3 : vector<16xf32>
      %add3A_440 = arith.addf %add3A_438, %while3A_434#11 : vector<16xf32>
      %add3A_441 = arith.addf %add3A_439, %while3A_434#4 : vector<16xf32>
      %add3A_442 = arith.addf %add3A_440, %while3A_434#12 : vector<16xf32>
      %add3A_443 = arith.addf %add3A_441, %while3A_434#5 : vector<16xf32>
      %add3A_444 = arith.addf %add3A_442, %while3A_434#13 : vector<16xf32>
      %add3A_445 = arith.addf %add3A_443, %while3A_434#6 : vector<16xf32>
      %add3A_446 = arith.addf %add3A_444, %while3A_434#14 : vector<16xf32>
      %add3A_447 = arith.addf %add3A_445, %while3A_434#7 : vector<16xf32>
      %add3A_448 = arith.addf %add3A_446, %while3A_434#15 : vector<16xf32>
      %reduce_sum3A_449 = arith.constant true
      %reduce_sum3A_450 = vector.broadcast %reduce_sum3A_449 : i1 to vector<16xi1>
      %reduce_sum3A_451 = tpu.scan <sum>, %add3A_447 masked %reduce_sum3A_450 : vector<16xf32>, vector<16xi1> -> vector<16xf32>
      %reduce_sum3A_452 = vector.extract %reduce_sum3A_451[15] : f32 from vector<16xf32>
      %broadcast_in_dim3A_453 = vector.broadcast %reduce_sum3A_452 : f32 to vector<16xf32>
      %reduce_sum3A_454 = arith.constant true
      %reduce_sum3A_455 = vector.broadcast %reduce_sum3A_454 : i1 to vector<16xi1>
      %reduce_sum3A_456 = tpu.scan <sum>, %add3A_448 masked %reduce_sum3A_455 : vector<16xf32>, vector<16xi1> -> vector<16xf32>
      %reduce_sum3A_457 = vector.extract %reduce_sum3A_456[15] : f32 from vector<16xf32>
      %broadcast_in_dim3A_458 = vector.broadcast %reduce_sum3A_457 : f32 to vector<16xf32>
      %sub3A_459 = arith.constant 1.000000e+00 : f32
      %sub3A_460 = vector.broadcast %sub3A_459 : f32 to vector<16xf32>
      %sub3A_461 = arith.subf %broadcast_in_dim3A_453, %sub3A_460 : vector<16xf32>
      %div3A_462 = arith.divf %sub3A_461, %broadcast_in_dim3A_458 : vector<16xf32>
      scf.yield %add3A_423, %div3A_462, %while3A_420 : i32, vector<16xf32>, vector<16xf32>
    }
    %scan3A_69 = arith.constant 0 : i32
    %scan3A_70 = arith.constant 0 : i32
    %scan3A_71 = arith.constant 256 : i32
    %scan3A_72 = arith.addi %scan3A_70, %scan3A_71 : i32
    %scan3A_73 = arith.constant 1 : i32
    %scan3A_74 = scf.for %scan3A_419 = %scan3A_70 to %scan3A_72 step %scan3A_73 iter_args(%scan3A_420 = %scan3A_69) -> (i32)  : i32 {
      %mul3A_421 = arith.constant 128 : i32
      %mul3A_422 = arith.muli %scan3A_419, %mul3A_421 : i32
      %add3A_423 = arith.constant 0 : i32
      %add3A_424 = arith.addi %mul3A_422, %add3A_423 : i32
      %get3A = arith.index_cast %add3A_424 : i32 to index
      %get3A_425 = tpu.vector_load %arg5[%get3A] {strides = array<i32>} : memref<32768xf32, #tpu.memory_space<vmem>>, vector<16xf32>,
      %sub3A_426 = arith.subf %get3A_425, %while3A_68#1 : vector<16xf32>
      %max3A_427 = arith.constant 0.000000e+00 : f32
      %max3A_428 = vector.broadcast %max3A_427 : f32 to vector<16xf32>
      %max3A_429 = arith.maximumf %sub3A_426, %max3A_428 : vector<16xf32>
      %swap3A = arith.index_cast %add3A_424 : i32 to index
      %swap3A_430 = tpu.vector_load %arg6[%swap3A] {strides = array<i32>} : memref<32768xf32, #tpu.memory_space<vmem>>, vector<16xf32>,
      tpu.vector_store %arg6[%swap3A], %max3A_429 {strides = array<i32>} : memref<32768xf32, #tpu.memory_space<vmem>>, vector<16xf32>,
      %min3A = arith.minimumf %get3A_425, %while3A_68#1 : vector<16xf32>
      %swap3A_431 = arith.index_cast %add3A_424 : i32 to index
      %swap3A_432 = tpu.vector_load %arg7[%swap3A_431] {strides = array<i32>} : memref<32768xf32, #tpu.memory_space<vmem>>, vector<16xf32>,
      tpu.vector_store %arg7[%swap3A_431], %min3A {strides = array<i32>} : memref<32768xf32, #tpu.memory_space<vmem>>, vector<16xf32>,
      %add3A_433 = arith.constant 16 : i32
      %add3A_434 = arith.addi %mul3A_422, %add3A_433 : i32
      %get3A_435 = arith.index_cast %add3A_434 : i32 to index
      %get3A_436 = tpu.vector_load %arg5[%get3A_435] {strides = array<i32>} : memref<32768xf32, #tpu.memory_space<vmem>>, vector<16xf32>,
      %sub3A_437 = arith.subf %get3A_436, %while3A_68#1 : vector<16xf32>
      %max3A_438 = arith.constant 0.000000e+00 : f32
      %max3A_439 = vector.broadcast %max3A_438 : f32 to vector<16xf32>
      %max3A_440 = arith.maximumf %sub3A_437, %max3A_439 : vector<16xf32>
      %swap3A_441 = arith.index_cast %add3A_434 : i32 to index
      %swap3A_442 = tpu.vector_load %arg6[%swap3A_441] {strides = array<i32>} : memref<32768xf32, #tpu.memory_space<vmem>>, vector<16xf32>,
      tpu.vector_store %arg6[%swap3A_441], %max3A_440 {strides = array<i32>} : memref<32768xf32, #tpu.memory_space<vmem>>, vector<16xf32>,
      %min3A_443 = arith.minimumf %get3A_436, %while3A_68#1 : vector<16xf32>
      %swap3A_444 = arith.index_cast %add3A_434 : i32 to index
      %swap3A_445 = tpu.vector_load %arg7[%swap3A_444] {strides = array<i32>} : memref<32768xf32, #tpu.memory_space<vmem>>, vector<16xf32>,
      tpu.vector_store %arg7[%swap3A_444], %min3A_443 {strides = array<i32>} : memref<32768xf32, #tpu.memory_space<vmem>>, vector<16xf32>,
      %add3A_446 = arith.constant 32 : i32
      %add3A_447 = arith.addi %mul3A_422, %add3A_446 : i32
      %get3A_448 = arith.index_cast %add3A_447 : i32 to index
      %get3A_449 = tpu.vector_load %arg5[%get3A_448] {strides = array<i32>} : memref<32768xf32, #tpu.memory_space<vmem>>, vector<16xf32>,
      %sub3A_450 = arith.subf %get3A_449, %while3A_68#1 : vector<16xf32>
      %max3A_451 = arith.constant 0.000000e+00 : f32
      %max3A_452 = vector.broadcast %max3A_451 : f32 to vector<16xf32>
      %max3A_453 = arith.maximumf %sub3A_450, %max3A_452 : vector<16xf32>
      %swap3A_454 = arith.index_cast %add3A_447 : i32 to index
      %swap3A_455 = tpu.vector_load %arg6[%swap3A_454] {strides = array<i32>} : memref<32768xf32, #tpu.memory_space<vmem>>, vector<16xf32>,
      tpu.vector_store %arg6[%swap3A_454], %max3A_453 {strides = array<i32>} : memref<32768xf32, #tpu.memory_space<vmem>>, vector<16xf32>,
      %min3A_456 = arith.minimumf %get3A_449, %while3A_68#1 : vector<16xf32>
      %swap3A_457 = arith.index_cast %add3A_447 : i32 to index
      %swap3A_458 = tpu.vector_load %arg7[%swap3A_457] {strides = array<i32>} : memref<32768xf32, #tpu.memory_space<vmem>>, vector<16xf32>,
      tpu.vector_store %arg7[%swap3A_457], %min3A_456 {strides = array<i32>} : memref<32768xf32, #tpu.memory_space<vmem>>, vector<16xf32>,
      %add3A_459 = arith.constant 48 : i32
      %add3A_460 = arith.addi %mul3A_422, %add3A_459 : i32
      %get3A_461 = arith.index_cast %add3A_460 : i32 to index
      %get3A_462 = tpu.vector_load %arg5[%get3A_461] {strides = array<i32>} : memref<32768xf32, #tpu.memory_space<vmem>>, vector<16xf32>,
      %sub3A_463 = arith.subf %get3A_462, %while3A_68#1 : vector<16xf32>
      %max3A_464 = arith.constant 0.000000e+00 : f32
      %max3A_465 = vector.broadcast %max3A_464 : f32 to vector<16xf32>
      %max3A_466 = arith.maximumf %sub3A_463, %max3A_465 : vector<16xf32>
      %swap3A_467 = arith.index_cast %add3A_460 : i32 to index
      %swap3A_468 = tpu.vector_load %arg6[%swap3A_467] {strides = array<i32>} : memref<32768xf32, #tpu.memory_space<vmem>>, vector<16xf32>,
      tpu.vector_store %arg6[%swap3A_467], %max3A_466 {strides = array<i32>} : memref<32768xf32, #tpu.memory_space<vmem>>, vector<16xf32>,
      %min3A_469 = arith.minimumf %get3A_462, %while3A_68#1 : vector<16xf32>
      %swap3A_470 = arith.index_cast %add3A_460 : i32 to index
      %swap3A_471 = tpu.vector_load %arg7[%swap3A_470] {strides = array<i32>} : memref<32768xf32, #tpu.memory_space<vmem>>, vector<16xf32>,
      tpu.vector_store %arg7[%swap3A_470], %min3A_469 {strides = array<i32>} : memref<32768xf32, #tpu.memory_space<vmem>>, vector<16xf32>,
      %add3A_472 = arith.constant 64 : i32
      %add3A_473 = arith.addi %mul3A_422, %add3A_472 : i32
      %get3A_474 = arith.index_cast %add3A_473 : i32 to index
      %get3A_475 = tpu.vector_load %arg5[%get3A_474] {strides = array<i32>} : memref<32768xf32, #tpu.memory_space<vmem>>, vector<16xf32>,
      %sub3A_476 = arith.subf %get3A_475, %while3A_68#1 : vector<16xf32>
      %max3A_477 = arith.constant 0.000000e+00 : f32
      %max3A_478 = vector.broadcast %max3A_477 : f32 to vector<16xf32>
      %max3A_479 = arith.maximumf %sub3A_476, %max3A_478 : vector<16xf32>
      %swap3A_480 = arith.index_cast %add3A_473 : i32 to index
      %swap3A_481 = tpu.vector_load %arg6[%swap3A_480] {strides = array<i32>} : memref<32768xf32, #tpu.memory_space<vmem>>, vector<16xf32>,
      tpu.vector_store %arg6[%swap3A_480], %max3A_479 {strides = array<i32>} : memref<32768xf32, #tpu.memory_space<vmem>>, vector<16xf32>,
      %min3A_482 = arith.minimumf %get3A_475, %while3A_68#1 : vector<16xf32>
      %swap3A_483 = arith.index_cast %add3A_473 : i32 to index
      %swap3A_484 = tpu.vector_load %arg7[%swap3A_483] {strides = array<i32>} : memref<32768xf32, #tpu.memory_space<vmem>>, vector<16xf32>,
      tpu.vector_store %arg7[%swap3A_483], %min3A_482 {strides = array<i32>} : memref<32768xf32, #tpu.memory_space<vmem>>, vector<16xf32>,
      %add3A_485 = arith.constant 80 : i32
      %add3A_486 = arith.addi %mul3A_422, %add3A_485 : i32
      %get3A_487 = arith.index_cast %add3A_486 : i32 to index
      %get3A_488 = tpu.vector_load %arg5[%get3A_487] {strides = array<i32>} : memref<32768xf32, #tpu.memory_space<vmem>>, vector<16xf32>,
      %sub3A_489 = arith.subf %get3A_488, %while3A_68#1 : vector<16xf32>
      %max3A_490 = arith.constant 0.000000e+00 : f32
      %max3A_491 = vector.broadcast %max3A_490 : f32 to vector<16xf32>
      %max3A_492 = arith.maximumf %sub3A_489, %max3A_491 : vector<16xf32>
      %swap3A_493 = arith.index_cast %add3A_486 : i32 to index
      %swap3A_494 = tpu.vector_load %arg6[%swap3A_493] {strides = array<i32>} : memref<32768xf32, #tpu.memory_space<vmem>>, vector<16xf32>,
      tpu.vector_store %arg6[%swap3A_493], %max3A_492 {strides = array<i32>} : memref<32768xf32, #tpu.memory_space<vmem>>, vector<16xf32>,
      %min3A_495 = arith.minimumf %get3A_488, %while3A_68#1 : vector<16xf32>
      %swap3A_496 = arith.index_cast %add3A_486 : i32 to index
      %swap3A_497 = tpu.vector_load %arg7[%swap3A_496] {strides = array<i32>} : memref<32768xf32, #tpu.memory_space<vmem>>, vector<16xf32>,
      tpu.vector_store %arg7[%swap3A_496], %min3A_495 {strides = array<i32>} : memref<32768xf32, #tpu.memory_space<vmem>>, vector<16xf32>,
      %add3A_498 = arith.constant 96 : i32
      %add3A_499 = arith.addi %mul3A_422, %add3A_498 : i32
      %get3A_500 = arith.index_cast %add3A_499 : i32 to index
      %get3A_501 = tpu.vector_load %arg5[%get3A_500] {strides = array<i32>} : memref<32768xf32, #tpu.memory_space<vmem>>, vector<16xf32>,
      %sub3A_502 = arith.subf %get3A_501, %while3A_68#1 : vector<16xf32>
      %max3A_503 = arith.constant 0.000000e+00 : f32
      %max3A_504 = vector.broadcast %max3A_503 : f32 to vector<16xf32>
      %max3A_505 = arith.maximumf %sub3A_502, %max3A_504 : vector<16xf32>
      %swap3A_506 = arith.index_cast %add3A_499 : i32 to index
      %swap3A_507 = tpu.vector_load %arg6[%swap3A_506] {strides = array<i32>} : memref<32768xf32, #tpu.memory_space<vmem>>, vector<16xf32>,
      tpu.vector_store %arg6[%swap3A_506], %max3A_505 {strides = array<i32>} : memref<32768xf32, #tpu.memory_space<vmem>>, vector<16xf32>,
      %min3A_508 = arith.minimumf %get3A_501, %while3A_68#1 : vector<16xf32>
      %swap3A_509 = arith.index_cast %add3A_499 : i32 to index
      %swap3A_510 = tpu.vector_load %arg7[%swap3A_509] {strides = array<i32>} : memref<32768xf32, #tpu.memory_space<vmem>>, vector<16xf32>,
      tpu.vector_store %arg7[%swap3A_509], %min3A_508 {strides = array<i32>} : memref<32768xf32, #tpu.memory_space<vmem>>, vector<16xf32>,
      %add3A_511 = arith.constant 112 : i32
      %add3A_512 = arith.addi %mul3A_422, %add3A_511 : i32
      %get3A_513 = arith.index_cast %add3A_512 : i32 to index
      %get3A_514 = tpu.vector_load %arg5[%get3A_513] {strides = array<i32>} : memref<32768xf32, #tpu.memory_space<vmem>>, vector<16xf32>,
      %sub3A_515 = arith.subf %get3A_514, %while3A_68#1 : vector<16xf32>
      %max3A_516 = arith.constant 0.000000e+00 : f32
      %max3A_517 = vector.broadcast %max3A_516 : f32 to vector<16xf32>
      %max3A_518 = arith.maximumf %sub3A_515, %max3A_517 : vector<16xf32>
      %swap3A_519 = arith.index_cast %add3A_512 : i32 to index
      %swap3A_520 = tpu.vector_load %arg6[%swap3A_519] {strides = array<i32>} : memref<32768xf32, #tpu.memory_space<vmem>>, vector<16xf32>,
      tpu.vector_store %arg6[%swap3A_519], %max3A_518 {strides = array<i32>} : memref<32768xf32, #tpu.memory_space<vmem>>, vector<16xf32>,
      %min3A_521 = arith.minimumf %get3A_514, %while3A_68#1 : vector<16xf32>
      %swap3A_522 = arith.index_cast %add3A_512 : i32 to index
      %swap3A_523 = tpu.vector_load %arg7[%swap3A_522] {strides = array<i32>} : memref<32768xf32, #tpu.memory_space<vmem>>, vector<16xf32>,
      tpu.vector_store %arg7[%swap3A_522], %min3A_521 {strides = array<i32>} : memref<32768xf32, #tpu.memory_space<vmem>>, vector<16xf32>,
      %scan3A_524 = arith.constant 0 : i32
      scf.yield %scan3A_524 : i32
    }
    %scan3A_75 = arith.constant 256 : i32
    %dma_start3A = arith.constant 0 : i32
    %dma_start3A_76 = tpu.memref_slice %arg3[%add3A_4, %dma_start3A] : memref<128x32768xf32, #tpu.memory_space<hbm>> -> memref<1x32768xf32, #tpu.memory_space<hbm>>
    %dma_start3A_77 = tpu.memref_squeeze %dma_start3A_76 : memref<1x32768xf32, #tpu.memory_space<hbm>> -> memref<32768xf32, #tpu.memory_space<hbm>>
    %dma_start3A_78 = arith.constant 0 : i32
    %dma_start3A_79 = tpu.memref_slice %arg3[%add3A_4, %dma_start3A_78] : memref<128x32768xf32, #tpu.memory_space<hbm>> -> memref<1x32768xf32, #tpu.memory_space<hbm>>
    %dma_start3A_80 = tpu.memref_squeeze %dma_start3A_79 : memref<1x32768xf32, #tpu.memory_space<hbm>> -> memref<32768xf32, #tpu.memory_space<hbm>>
    tpu.enqueue_dma source(%arg6 : memref<32768xf32, #tpu.memory_space<vmem>>) target(%dma_start3A_80 : memref<32768xf32, #tpu.memory_space<hbm>>) target_semaphore(%arg9 : memref<!tpu.dma_semaphore, #tpu.memory_space<semaphore_mem>>)
    %dma_start3A_81 = arith.constant 0 : i32
    %dma_start3A_82 = tpu.memref_slice %arg4[%add3A_4, %dma_start3A_81] : memref<128x32768xf32, #tpu.memory_space<hbm>> -> memref<1x32768xf32, #tpu.memory_space<hbm>>
    %dma_start3A_83 = tpu.memref_squeeze %dma_start3A_82 : memref<1x32768xf32, #tpu.memory_space<hbm>> -> memref<32768xf32, #tpu.memory_space<hbm>>
    %dma_start3A_84 = arith.constant 0 : i32
    %dma_start3A_85 = tpu.memref_slice %arg4[%add3A_4, %dma_start3A_84] : memref<128x32768xf32, #tpu.memory_space<hbm>> -> memref<1x32768xf32, #tpu.memory_space<hbm>>
    %dma_start3A_86 = tpu.memref_squeeze %dma_start3A_85 : memref<1x32768xf32, #tpu.memory_space<hbm>> -> memref<32768xf32, #tpu.memory_space<hbm>>
    tpu.enqueue_dma source(%arg7 : memref<32768xf32, #tpu.memory_space<vmem>>) target(%dma_start3A_86 : memref<32768xf32, #tpu.memory_space<hbm>>) target_semaphore(%arg10 : memref<!tpu.dma_semaphore, #tpu.memory_space<semaphore_mem>>)
    %mul3A_87 = arith.constant 4 : i32
    %mul3A_88 = arith.muli %add3A, %mul3A_87 : i32
    %add3A_89 = arith.constant 1 : i32
    %add3A_90 = arith.addi %mul3A_88, %add3A_89 : i32
    "tpu.region"() ({
      %run_scoped3A = tpu.sem_alloc : memref<!tpu.dma_semaphore, #tpu.memory_space<semaphore_mem>>
      %dma_start3A_419 = arith.constant 0 : i32
      %dma_start3A_420 = tpu.memref_slice %arg2[%add3A_90, %dma_start3A_419] : memref<128x32768xf32, #tpu.memory_space<hbm>> -> memref<1x32768xf32, #tpu.memory_space<hbm>>
      %dma_start3A_421 = tpu.memref_squeeze %dma_start3A_420 : memref<1x32768xf32, #tpu.memory_space<hbm>> -> memref<32768xf32, #tpu.memory_space<hbm>>
      %dma_start3A_422 = arith.constant 0 : i32
      %dma_start3A_423 = tpu.memref_slice %arg2[%add3A_90, %dma_start3A_422] : memref<128x32768xf32, #tpu.memory_space<hbm>> -> memref<1x32768xf32, #tpu.memory_space<hbm>>
      %dma_start3A_424 = tpu.memref_squeeze %dma_start3A_423 : memref<1x32768xf32, #tpu.memory_space<hbm>> -> memref<32768xf32, #tpu.memory_space<hbm>>
      tpu.enqueue_dma source(%dma_start3A_424 : memref<32768xf32, #tpu.memory_space<hbm>>) target(%arg5 : memref<32768xf32, #tpu.memory_space<vmem>>) target_semaphore(%run_scoped3A : memref<!tpu.dma_semaphore, #tpu.memory_space<semaphore_mem>>)
      %dma_wait3A_425 = arith.constant 0 : i32
      %dma_wait3A_426 = tpu.memref_slice %arg2[%add3A_90, %dma_wait3A_425] : memref<128x32768xf32, #tpu.memory_space<hbm>> -> memref<1x32768xf32, #tpu.memory_space<hbm>>
      %dma_wait3A_427 = tpu.memref_squeeze %dma_wait3A_426 : memref<1x32768xf32, #tpu.memory_space<hbm>> -> memref<32768xf32, #tpu.memory_space<hbm>>
      %dma_wait3A_428 = arith.constant 0 : i32
      %dma_wait3A_429 = tpu.memref_slice %arg2[%add3A_90, %dma_wait3A_428] : memref<128x32768xf32, #tpu.memory_space<hbm>> -> memref<1x32768xf32, #tpu.memory_space<hbm>>
      %dma_wait3A_430 = tpu.memref_squeeze %dma_wait3A_429 : memref<1x32768xf32, #tpu.memory_space<hbm>> -> memref<32768xf32, #tpu.memory_space<hbm>>
      tpu.wait_dma2 semaphore(%run_scoped3A : memref<!tpu.dma_semaphore, #tpu.memory_space<semaphore_mem>>) src(%dma_wait3A_430 : memref<32768xf32, #tpu.memory_space<hbm>>) dst(%arg5 : memref<32768xf32, #tpu.memory_space<vmem>>)
      tpu.yield
    }) : () -> ()
    %broadcast_in_dim3A_91 = arith.constant 0xFF800000 : f32
    %broadcast_in_dim3A_92 = vector.broadcast %broadcast_in_dim3A_91 : f32 to vector<16xf32>
    %scan3A_93 = arith.constant 0 : i32
    %scan3A_94 = arith.constant 256 : i32
    %scan3A_95 = arith.addi %scan3A_93, %scan3A_94 : i32
    %scan3A_96 = arith.constant 1 : i32
    %scan3A_97:8 = scf.for %scan3A_419 = %scan3A_93 to %scan3A_95 step %scan3A_96 iter_args(%scan3A_420 = %broadcast_in_dim3A_92, %scan3A_421 = %broadcast_in_dim3A_92, %scan3A_422 = %broadcast_in_dim3A_92, %scan3A_423 = %broadcast_in_dim3A_92, %scan3A_424 = %broadcast_in_dim3A_92, %scan3A_425 = %broadcast_in_dim3A_92, %scan3A_426 = %broadcast_in_dim3A_92, %scan3A_427 = %broadcast_in_dim3A_92) -> (vector<16xf32>, vector<16xf32>, vector<16xf32>, vector<16xf32>, vector<16xf32>, vector<16xf32>, vector<16xf32>, vector<16xf32>)  : i32 {
      %mul3A_428 = arith.constant 128 : i32
      %mul3A_429 = arith.muli %scan3A_419, %mul3A_428 : i32
      %add3A_430 = arith.constant 0 : i32
      %add3A_431 = arith.addi %mul3A_429, %add3A_430 : i32
      %get3A = arith.index_cast %add3A_431 : i32 to index
      %get3A_432 = tpu.vector_load %arg5[%get3A] {strides = array<i32>} : memref<32768xf32, #tpu.memory_space<vmem>>, vector<16xf32>,
      %max3A_433 = arith.maximumf %scan3A_420, %get3A_432 : vector<16xf32>
      %add3A_434 = arith.constant 16 : i32
      %add3A_435 = arith.addi %mul3A_429, %add3A_434 : i32
      %get3A_436 = arith.index_cast %add3A_435 : i32 to index
      %get3A_437 = tpu.vector_load %arg5[%get3A_436] {strides = array<i32>} : memref<32768xf32, #tpu.memory_space<vmem>>, vector<16xf32>,
      %max3A_438 = arith.maximumf %scan3A_421, %get3A_437 : vector<16xf32>
      %add3A_439 = arith.constant 32 : i32
      %add3A_440 = arith.addi %mul3A_429, %add3A_439 : i32
      %get3A_441 = arith.index_cast %add3A_440 : i32 to index
      %get3A_442 = tpu.vector_load %arg5[%get3A_441] {strides = array<i32>} : memref<32768xf32, #tpu.memory_space<vmem>>, vector<16xf32>,
      %max3A_443 = arith.maximumf %scan3A_422, %get3A_442 : vector<16xf32>
      %add3A_444 = arith.constant 48 : i32
      %add3A_445 = arith.addi %mul3A_429, %add3A_444 : i32
      %get3A_446 = arith.index_cast %add3A_445 : i32 to index
      %get3A_447 = tpu.vector_load %arg5[%get3A_446] {strides = array<i32>} : memref<32768xf32, #tpu.memory_space<vmem>>, vector<16xf32>,
      %max3A_448 = arith.maximumf %scan3A_423, %get3A_447 : vector<16xf32>
      %add3A_449 = arith.constant 64 : i32
      %add3A_450 = arith.addi %mul3A_429, %add3A_449 : i32
      %get3A_451 = arith.index_cast %add3A_450 : i32 to index
      %get3A_452 = tpu.vector_load %arg5[%get3A_451] {strides = array<i32>} : memref<32768xf32, #tpu.memory_space<vmem>>, vector<16xf32>,
      %max3A_453 = arith.maximumf %scan3A_424, %get3A_452 : vector<16xf32>
      %add3A_454 = arith.constant 80 : i32
      %add3A_455 = arith.addi %mul3A_429, %add3A_454 : i32
      %get3A_456 = arith.index_cast %add3A_455 : i32 to index
      %get3A_457 = tpu.vector_load %arg5[%get3A_456] {strides = array<i32>} : memref<32768xf32, #tpu.memory_space<vmem>>, vector<16xf32>,
      %max3A_458 = arith.maximumf %scan3A_425, %get3A_457 : vector<16xf32>
      %add3A_459 = arith.constant 96 : i32
      %add3A_460 = arith.addi %mul3A_429, %add3A_459 : i32
      %get3A_461 = arith.index_cast %add3A_460 : i32 to index
      %get3A_462 = tpu.vector_load %arg5[%get3A_461] {strides = array<i32>} : memref<32768xf32, #tpu.memory_space<vmem>>, vector<16xf32>,
      %max3A_463 = arith.maximumf %scan3A_426, %get3A_462 : vector<16xf32>
      %add3A_464 = arith.constant 112 : i32
      %add3A_465 = arith.addi %mul3A_429, %add3A_464 : i32
      %get3A_466 = arith.index_cast %add3A_465 : i32 to index
      %get3A_467 = tpu.vector_load %arg5[%get3A_466] {strides = array<i32>} : memref<32768xf32, #tpu.memory_space<vmem>>, vector<16xf32>,
      %max3A_468 = arith.maximumf %scan3A_427, %get3A_467 : vector<16xf32>
      scf.yield %max3A_433, %max3A_438, %max3A_443, %max3A_448, %max3A_453, %max3A_458, %max3A_463, %max3A_468 : vector<16xf32>, vector<16xf32>, vector<16xf32>, vector<16xf32>, vector<16xf32>, vector<16xf32>, vector<16xf32>, vector<16xf32>
    }
    %scan3A_98 = arith.constant 256 : i32
    %max3A_99 = arith.maximumf %scan3A_97#0, %scan3A_97#1 : vector<16xf32>
    %max3A_100 = arith.maximumf %max3A_99, %scan3A_97#2 : vector<16xf32>
    %max3A_101 = arith.maximumf %max3A_100, %scan3A_97#3 : vector<16xf32>
    %max3A_102 = arith.maximumf %max3A_101, %scan3A_97#4 : vector<16xf32>
    %max3A_103 = arith.maximumf %max3A_102, %scan3A_97#5 : vector<16xf32>
    %max3A_104 = arith.maximumf %max3A_103, %scan3A_97#6 : vector<16xf32>
    %max3A_105 = arith.maximumf %max3A_104, %scan3A_97#7 : vector<16xf32>
    %reduce_max3A_106 = arith.constant true
    %reduce_max3A_107 = vector.broadcast %reduce_max3A_106 : i1 to vector<16xi1>
    %reduce_max3A_108 = tpu.scan <max>, %max3A_105 masked %reduce_max3A_107 : vector<16xf32>, vector<16xi1> -> vector<16xf32>
    %reduce_max3A_109 = vector.extract %reduce_max3A_108[15] : f32 from vector<16xf32>
    %sub3A_110 = arith.constant 1.000000e+00 : f32
    %sub3A_111 = arith.subf %reduce_max3A_109, %sub3A_110 : f32
    %broadcast_in_dim3A_112 = vector.broadcast %sub3A_111 : f32 to vector<16xf32>
    %dma_wait3A = arith.constant 0 : i32
    %dma_wait3A_113 = tpu.memref_slice %arg4[%add3A_4, %dma_wait3A] : memref<128x32768xf32, #tpu.memory_space<hbm>> -> memref<1x32768xf32, #tpu.memory_space<hbm>>
    %dma_wait3A_114 = tpu.memref_squeeze %dma_wait3A_113 : memref<1x32768xf32, #tpu.memory_space<hbm>> -> memref<32768xf32, #tpu.memory_space<hbm>>
    %dma_wait3A_115 = arith.constant 0 : i32
    %dma_wait3A_116 = tpu.memref_slice %arg4[%add3A_4, %dma_wait3A_115] : memref<128x32768xf32, #tpu.memory_space<hbm>> -> memref<1x32768xf32, #tpu.memory_space<hbm>>
    %dma_wait3A_117 = tpu.memref_squeeze %dma_wait3A_116 : memref<1x32768xf32, #tpu.memory_space<hbm>> -> memref<32768xf32, #tpu.memory_space<hbm>>
    tpu.wait_dma2 semaphore(%arg10 : memref<!tpu.dma_semaphore, #tpu.memory_space<semaphore_mem>>) src(%arg7 : memref<32768xf32, #tpu.memory_space<vmem>>) dst(%dma_wait3A_117 : memref<32768xf32, #tpu.memory_space<hbm>>)
    %scan3A_118 = arith.constant 0 : i32
    %scan3A_119 = arith.constant 0 : i32
    %scan3A_120 = arith.constant 256 : i32
    %scan3A_121 = arith.addi %scan3A_119, %scan3A_120 : i32
    %scan3A_122 = arith.constant 1 : i32
    %scan3A_123 = scf.for %scan3A_419 = %scan3A_119 to %scan3A_121 step %scan3A_122 iter_args(%scan3A_420 = %scan3A_118) -> (i32)  : i32 {
      %mul3A_421 = arith.constant 128 : i32
      %mul3A_422 = arith.muli %scan3A_419, %mul3A_421 : i32
      %get3A = arith.index_cast %mul3A_422 : i32 to index
      %get3A_423 = tpu.vector_load %arg5[%get3A] {strides = array<i32>} : memref<32768xf32, #tpu.memory_space<vmem>>, vector<16xf32>,
      %gt3A = arith.cmpf ogt, %get3A_423, %broadcast_in_dim3A_112 : vector<16xf32>
      %add3A_424 = arith.constant 16 : i32
      %add3A_425 = arith.addi %mul3A_422, %add3A_424 : i32
      %get3A_426 = arith.index_cast %add3A_425 : i32 to index
      %get3A_427 = tpu.vector_load %arg5[%get3A_426] {strides = array<i32>} : memref<32768xf32, #tpu.memory_space<vmem>>, vector<16xf32>,
      %gt3A_428 = arith.cmpf ogt, %get3A_427, %broadcast_in_dim3A_112 : vector<16xf32>
      %or3A = arith.ori %gt3A, %gt3A_428 : vector<16xi1>
      %add3A_429 = arith.constant 32 : i32
      %add3A_430 = arith.addi %mul3A_422, %add3A_429 : i32
      %get3A_431 = arith.index_cast %add3A_430 : i32 to index
      %get3A_432 = tpu.vector_load %arg5[%get3A_431] {strides = array<i32>} : memref<32768xf32, #tpu.memory_space<vmem>>, vector<16xf32>,
      %gt3A_433 = arith.cmpf ogt, %get3A_432, %broadcast_in_dim3A_112 : vector<16xf32>
      %or3A_434 = arith.ori %or3A, %gt3A_433 : vector<16xi1>
      %add3A_435 = arith.constant 48 : i32
      %add3A_436 = arith.addi %mul3A_422, %add3A_435 : i32
      %get3A_437 = arith.index_cast %add3A_436 : i32 to index
      %get3A_438 = tpu.vector_load %arg5[%get3A_437] {strides = array<i32>} : memref<32768xf32, #tpu.memory_space<vmem>>, vector<16xf32>,
      %gt3A_439 = arith.cmpf ogt, %get3A_438, %broadcast_in_dim3A_112 : vector<16xf32>
      %or3A_440 = arith.ori %or3A_434, %gt3A_439 : vector<16xi1>
      %add3A_441 = arith.constant 64 : i32
      %add3A_442 = arith.addi %mul3A_422, %add3A_441 : i32
      %get3A_443 = arith.index_cast %add3A_442 : i32 to index
      %get3A_444 = tpu.vector_load %arg5[%get3A_443] {strides = array<i32>} : memref<32768xf32, #tpu.memory_space<vmem>>, vector<16xf32>,
      %gt3A_445 = arith.cmpf ogt, %get3A_444, %broadcast_in_dim3A_112 : vector<16xf32>
      %or3A_446 = arith.ori %or3A_440, %gt3A_445 : vector<16xi1>
      %add3A_447 = arith.constant 80 : i32
      %add3A_448 = arith.addi %mul3A_422, %add3A_447 : i32
      %get3A_449 = arith.index_cast %add3A_448 : i32 to index
      %get3A_450 = tpu.vector_load %arg5[%get3A_449] {strides = array<i32>} : memref<32768xf32, #tpu.memory_space<vmem>>, vector<16xf32>,
      %gt3A_451 = arith.cmpf ogt, %get3A_450, %broadcast_in_dim3A_112 : vector<16xf32>
      %or3A_452 = arith.ori %or3A_446, %gt3A_451 : vector<16xi1>
      %add3A_453 = arith.constant 96 : i32
      %add3A_454 = arith.addi %mul3A_422, %add3A_453 : i32
      %get3A_455 = arith.index_cast %add3A_454 : i32 to index
      %get3A_456 = tpu.vector_load %arg5[%get3A_455] {strides = array<i32>} : memref<32768xf32, #tpu.memory_space<vmem>>, vector<16xf32>,
      %gt3A_457 = arith.cmpf ogt, %get3A_456, %broadcast_in_dim3A_112 : vector<16xf32>
      %or3A_458 = arith.ori %or3A_452, %gt3A_457 : vector<16xi1>
      %add3A_459 = arith.constant 112 : i32
      %add3A_460 = arith.addi %mul3A_422, %add3A_459 : i32
      %get3A_461 = arith.index_cast %add3A_460 : i32 to index
      %get3A_462 = tpu.vector_load %arg5[%get3A_461] {strides = array<i32>} : memref<32768xf32, #tpu.memory_space<vmem>>, vector<16xf32>,
      %gt3A_463 = arith.cmpf ogt, %get3A_462, %broadcast_in_dim3A_112 : vector<16xf32>
      %or3A_464 = arith.ori %or3A_458, %gt3A_463 : vector<16xi1>
      %reduce_or3A = arith.constant 1.000000e+00 : f32
      %reduce_or3A_465 = arith.constant 0.000000e+00 : f32
      %reduce_or3A_466 = vector.broadcast %reduce_or3A : f32 to vector<16xf32>
      %reduce_or3A_467 = vector.broadcast %reduce_or3A_465 : f32 to vector<16xf32>
      %reduce_or3A_468 = arith.select %or3A_464, %reduce_or3A_466, %reduce_or3A_467 : vector<16xi1>, vector<16xf32>
      %reduce_or3A_469 = arith.constant true
      %reduce_or3A_470 = vector.broadcast %reduce_or3A_469 : i1 to vector<16xi1>
      %reduce_or3A_471 = tpu.scan <max>, %reduce_or3A_468 masked %reduce_or3A_470 : vector<16xf32>, vector<16xi1> -> vector<16xf32>
      %reduce_or3A_472 = vector.extract %reduce_or3A_471[15] : f32 from vector<16xf32>
      %reduce_or3A_473 = arith.constant 0.000000e+00 : f32
      %reduce_or3A_474 = arith.cmpf ogt, %reduce_or3A_472, %reduce_or3A_473 : f32
      %convert_element_type3A = arith.extui %reduce_or3A_474 : i1 to i32
      %cond3A = arith.constant 0 : i32
      %cond3A_475 = arith.cmpi ne, %convert_element_type3A, %cond3A : i32
      scf.if %cond3A_475 {
        %swap3A = arith.index_cast %scan3A_420 : i32 to index
        %swap3A_478 = memref.load %arg8[%swap3A] : memref<256xi32, #tpu.memory_space<smem>>
        memref.store %scan3A_419, %arg8[%swap3A] : memref<256xi32, #tpu.memory_space<smem>>
      } else {
      }
      %jit3A = arith.constant 1 : i32
      %jit3A_476 = arith.constant 0 : i32
      %select_n3A = arith.select %reduce_or3A_474, %jit3A, %jit3A_476 : i32
      %add3A_477 = arith.addi %scan3A_420, %select_n3A : i32
      scf.yield %add3A_477 : i32
    }
    %scan3A_124 = arith.constant 256 : i32
    %broadcast_in_dim3A_125 = arith.constant 0.000000e+00 : f32
    %broadcast_in_dim3A_126 = vector.broadcast %broadcast_in_dim3A_125 : f32 to vector<16xf32>
    %while3A_127 = arith.constant 0 : i32
    %while3A_128 = arith.subi %scan3A_123, %while3A_127 : i32
    %while3A_129 = arith.addi %while3A_127, %while3A_128 : i32
    %while3A_130 = arith.constant 1 : i32
    %while3A_131 = arith.divsi %while3A_128, %while3A_130 : i32
    %while3A_132 = arith.muli %while3A_131, %while3A_130 : i32
    %while3A_133 = arith.addi %while3A_127, %while3A_132 : i32
    %while3A_134 = arith.constant 1 : i32
    %while3A_135:16 = scf.for %while3A_419 = %while3A_127 to %while3A_133 step %while3A_134 iter_args(%while3A_420 = %broadcast_in_dim3A_126, %while3A_421 = %broadcast_in_dim3A_126, %while3A_422 = %broadcast_in_dim3A_126, %while3A_423 = %broadcast_in_dim3A_126, %while3A_424 = %broadcast_in_dim3A_126, %while3A_425 = %broadcast_in_dim3A_126, %while3A_426 = %broadcast_in_dim3A_126, %while3A_427 = %broadcast_in_dim3A_126, %while3A_428 = %broadcast_in_dim3A_126, %while3A_429 = %broadcast_in_dim3A_126, %while3A_430 = %broadcast_in_dim3A_126, %while3A_431 = %broadcast_in_dim3A_126, %while3A_432 = %broadcast_in_dim3A_126, %while3A_433 = %broadcast_in_dim3A_126, %while3A_434 = %broadcast_in_dim3A_126, %while3A_435 = %broadcast_in_dim3A_126) -> (vector<16xf32>, vector<16xf32>, vector<16xf32>, vector<16xf32>, vector<16xf32>, vector<16xf32>, vector<16xf32>, vector<16xf32>, vector<16xf32>, vector<16xf32>, vector<16xf32>, vector<16xf32>, vector<16xf32>, vector<16xf32>, vector<16xf32>, vector<16xf32>)  : i32 {
      %get3A = arith.index_cast %while3A_419 : i32 to index
      %get3A_436 = memref.load %arg8[%get3A] : memref<256xi32, #tpu.memory_space<smem>>
      %mul3A_437 = arith.constant 128 : i32
      %mul3A_438 = arith.muli %get3A_436, %mul3A_437 : i32
      %add3A_439 = arith.constant 0 : i32
      %add3A_440 = arith.addi %mul3A_438, %add3A_439 : i32
      %get3A_441 = arith.index_cast %add3A_440 : i32 to index
      %get3A_442 = tpu.vector_load %arg5[%get3A_441] {strides = array<i32>} : memref<32768xf32, #tpu.memory_space<vmem>>, vector<16xf32>,
      %gt3A = arith.cmpf ogt, %get3A_442, %broadcast_in_dim3A_112 : vector<16xf32>
      %jit3A = arith.constant 0.000000e+00 : f32
      %broadcast_in_dim3A_443 = vector.broadcast %jit3A : f32 to vector<16xf32>
      %select_n3A = arith.select %gt3A, %get3A_442, %broadcast_in_dim3A_443 : vector<16xi1>, vector<16xf32>
      %add3A_444 = arith.addf %while3A_420, %select_n3A : vector<16xf32>
      %jit3A_445 = arith.constant 1.000000e+00 : f32
      %jit3A_446 = arith.constant 0.000000e+00 : f32
      %broadcast_in_dim3A_447 = vector.broadcast %jit3A_445 : f32 to vector<16xf32>
      %broadcast_in_dim3A_448 = vector.broadcast %jit3A_446 : f32 to vector<16xf32>
      %select_n3A_449 = arith.select %gt3A, %broadcast_in_dim3A_447, %broadcast_in_dim3A_448 : vector<16xi1>, vector<16xf32>
      %add3A_450 = arith.addf %while3A_428, %select_n3A_449 : vector<16xf32>
      %add3A_451 = arith.constant 16 : i32
      %add3A_452 = arith.addi %mul3A_438, %add3A_451 : i32
      %get3A_453 = arith.index_cast %add3A_452 : i32 to index
      %get3A_454 = tpu.vector_load %arg5[%get3A_453] {strides = array<i32>} : memref<32768xf32, #tpu.memory_space<vmem>>, vector<16xf32>,
      %gt3A_455 = arith.cmpf ogt, %get3A_454, %broadcast_in_dim3A_112 : vector<16xf32>
      %jit3A_456 = arith.constant 0.000000e+00 : f32
      %broadcast_in_dim3A_457 = vector.broadcast %jit3A_456 : f32 to vector<16xf32>
      %select_n3A_458 = arith.select %gt3A_455, %get3A_454, %broadcast_in_dim3A_457 : vector<16xi1>, vector<16xf32>
      %add3A_459 = arith.addf %while3A_421, %select_n3A_458 : vector<16xf32>
      %jit3A_460 = arith.constant 1.000000e+00 : f32
      %jit3A_461 = arith.constant 0.000000e+00 : f32
      %broadcast_in_dim3A_462 = vector.broadcast %jit3A_460 : f32 to vector<16xf32>
      %broadcast_in_dim3A_463 = vector.broadcast %jit3A_461 : f32 to vector<16xf32>
      %select_n3A_464 = arith.select %gt3A_455, %broadcast_in_dim3A_462, %broadcast_in_dim3A_463 : vector<16xi1>, vector<16xf32>
      %add3A_465 = arith.addf %while3A_429, %select_n3A_464 : vector<16xf32>
      %add3A_466 = arith.constant 32 : i32
      %add3A_467 = arith.addi %mul3A_438, %add3A_466 : i32
      %get3A_468 = arith.index_cast %add3A_467 : i32 to index
      %get3A_469 = tpu.vector_load %arg5[%get3A_468] {strides = array<i32>} : memref<32768xf32, #tpu.memory_space<vmem>>, vector<16xf32>,
      %gt3A_470 = arith.cmpf ogt, %get3A_469, %broadcast_in_dim3A_112 : vector<16xf32>
      %jit3A_471 = arith.constant 0.000000e+00 : f32
      %broadcast_in_dim3A_472 = vector.broadcast %jit3A_471 : f32 to vector<16xf32>
      %select_n3A_473 = arith.select %gt3A_470, %get3A_469, %broadcast_in_dim3A_472 : vector<16xi1>, vector<16xf32>
      %add3A_474 = arith.addf %while3A_422, %select_n3A_473 : vector<16xf32>
      %jit3A_475 = arith.constant 1.000000e+00 : f32
      %jit3A_476 = arith.constant 0.000000e+00 : f32
      %broadcast_in_dim3A_477 = vector.broadcast %jit3A_475 : f32 to vector<16xf32>
      %broadcast_in_dim3A_478 = vector.broadcast %jit3A_476 : f32 to vector<16xf32>
      %select_n3A_479 = arith.select %gt3A_470, %broadcast_in_dim3A_477, %broadcast_in_dim3A_478 : vector<16xi1>, vector<16xf32>
      %add3A_480 = arith.addf %while3A_430, %select_n3A_479 : vector<16xf32>
      %add3A_481 = arith.constant 48 : i32
      %add3A_482 = arith.addi %mul3A_438, %add3A_481 : i32
      %get3A_483 = arith.index_cast %add3A_482 : i32 to index
      %get3A_484 = tpu.vector_load %arg5[%get3A_483] {strides = array<i32>} : memref<32768xf32, #tpu.memory_space<vmem>>, vector<16xf32>,
      %gt3A_485 = arith.cmpf ogt, %get3A_484, %broadcast_in_dim3A_112 : vector<16xf32>
      %jit3A_486 = arith.constant 0.000000e+00 : f32
      %broadcast_in_dim3A_487 = vector.broadcast %jit3A_486 : f32 to vector<16xf32>
      %select_n3A_488 = arith.select %gt3A_485, %get3A_484, %broadcast_in_dim3A_487 : vector<16xi1>, vector<16xf32>
      %add3A_489 = arith.addf %while3A_423, %select_n3A_488 : vector<16xf32>
      %jit3A_490 = arith.constant 1.000000e+00 : f32
      %jit3A_491 = arith.constant 0.000000e+00 : f32
      %broadcast_in_dim3A_492 = vector.broadcast %jit3A_490 : f32 to vector<16xf32>
      %broadcast_in_dim3A_493 = vector.broadcast %jit3A_491 : f32 to vector<16xf32>
      %select_n3A_494 = arith.select %gt3A_485, %broadcast_in_dim3A_492, %broadcast_in_dim3A_493 : vector<16xi1>, vector<16xf32>
      %add3A_495 = arith.addf %while3A_431, %select_n3A_494 : vector<16xf32>
      %add3A_496 = arith.constant 64 : i32
      %add3A_497 = arith.addi %mul3A_438, %add3A_496 : i32
      %get3A_498 = arith.index_cast %add3A_497 : i32 to index
      %get3A_499 = tpu.vector_load %arg5[%get3A_498] {strides = array<i32>} : memref<32768xf32, #tpu.memory_space<vmem>>, vector<16xf32>,
      %gt3A_500 = arith.cmpf ogt, %get3A_499, %broadcast_in_dim3A_112 : vector<16xf32>
      %jit3A_501 = arith.constant 0.000000e+00 : f32
      %broadcast_in_dim3A_502 = vector.broadcast %jit3A_501 : f32 to vector<16xf32>
      %select_n3A_503 = arith.select %gt3A_500, %get3A_499, %broadcast_in_dim3A_502 : vector<16xi1>, vector<16xf32>
      %add3A_504 = arith.addf %while3A_424, %select_n3A_503 : vector<16xf32>
      %jit3A_505 = arith.constant 1.000000e+00 : f32
      %jit3A_506 = arith.constant 0.000000e+00 : f32
      %broadcast_in_dim3A_507 = vector.broadcast %jit3A_505 : f32 to vector<16xf32>
      %broadcast_in_dim3A_508 = vector.broadcast %jit3A_506 : f32 to vector<16xf32>
      %select_n3A_509 = arith.select %gt3A_500, %broadcast_in_dim3A_507, %broadcast_in_dim3A_508 : vector<16xi1>, vector<16xf32>
      %add3A_510 = arith.addf %while3A_432, %select_n3A_509 : vector<16xf32>
      %add3A_511 = arith.constant 80 : i32
      %add3A_512 = arith.addi %mul3A_438, %add3A_511 : i32
      %get3A_513 = arith.index_cast %add3A_512 : i32 to index
      %get3A_514 = tpu.vector_load %arg5[%get3A_513] {strides = array<i32>} : memref<32768xf32, #tpu.memory_space<vmem>>, vector<16xf32>,
      %gt3A_515 = arith.cmpf ogt, %get3A_514, %broadcast_in_dim3A_112 : vector<16xf32>
      %jit3A_516 = arith.constant 0.000000e+00 : f32
      %broadcast_in_dim3A_517 = vector.broadcast %jit3A_516 : f32 to vector<16xf32>
      %select_n3A_518 = arith.select %gt3A_515, %get3A_514, %broadcast_in_dim3A_517 : vector<16xi1>, vector<16xf32>
      %add3A_519 = arith.addf %while3A_425, %select_n3A_518 : vector<16xf32>
      %jit3A_520 = arith.constant 1.000000e+00 : f32
      %jit3A_521 = arith.constant 0.000000e+00 : f32
      %broadcast_in_dim3A_522 = vector.broadcast %jit3A_520 : f32 to vector<16xf32>
      %broadcast_in_dim3A_523 = vector.broadcast %jit3A_521 : f32 to vector<16xf32>
      %select_n3A_524 = arith.select %gt3A_515, %broadcast_in_dim3A_522, %broadcast_in_dim3A_523 : vector<16xi1>, vector<16xf32>
      %add3A_525 = arith.addf %while3A_433, %select_n3A_524 : vector<16xf32>
      %add3A_526 = arith.constant 96 : i32
      %add3A_527 = arith.addi %mul3A_438, %add3A_526 : i32
      %get3A_528 = arith.index_cast %add3A_527 : i32 to index
      %get3A_529 = tpu.vector_load %arg5[%get3A_528] {strides = array<i32>} : memref<32768xf32, #tpu.memory_space<vmem>>, vector<16xf32>,
      %gt3A_530 = arith.cmpf ogt, %get3A_529, %broadcast_in_dim3A_112 : vector<16xf32>
      %jit3A_531 = arith.constant 0.000000e+00 : f32
      %broadcast_in_dim3A_532 = vector.broadcast %jit3A_531 : f32 to vector<16xf32>
      %select_n3A_533 = arith.select %gt3A_530, %get3A_529, %broadcast_in_dim3A_532 : vector<16xi1>, vector<16xf32>
      %add3A_534 = arith.addf %while3A_426, %select_n3A_533 : vector<16xf32>
      %jit3A_535 = arith.constant 1.000000e+00 : f32
      %jit3A_536 = arith.constant 0.000000e+00 : f32
      %broadcast_in_dim3A_537 = vector.broadcast %jit3A_535 : f32 to vector<16xf32>
      %broadcast_in_dim3A_538 = vector.broadcast %jit3A_536 : f32 to vector<16xf32>
      %select_n3A_539 = arith.select %gt3A_530, %broadcast_in_dim3A_537, %broadcast_in_dim3A_538 : vector<16xi1>, vector<16xf32>
      %add3A_540 = arith.addf %while3A_434, %select_n3A_539 : vector<16xf32>
      %add3A_541 = arith.constant 112 : i32
      %add3A_542 = arith.addi %mul3A_438, %add3A_541 : i32
      %get3A_543 = arith.index_cast %add3A_542 : i32 to index
      %get3A_544 = tpu.vector_load %arg5[%get3A_543] {strides = array<i32>} : memref<32768xf32, #tpu.memory_space<vmem>>, vector<16xf32>,
      %gt3A_545 = arith.cmpf ogt, %get3A_544, %broadcast_in_dim3A_112 : vector<16xf32>
      %jit3A_546 = arith.constant 0.000000e+00 : f32
      %broadcast_in_dim3A_547 = vector.broadcast %jit3A_546 : f32 to vector<16xf32>
      %select_n3A_548 = arith.select %gt3A_545, %get3A_544, %broadcast_in_dim3A_547 : vector<16xi1>, vector<16xf32>
      %add3A_549 = arith.addf %while3A_427, %select_n3A_548 : vector<16xf32>
      %jit3A_550 = arith.constant 1.000000e+00 : f32
      %jit3A_551 = arith.constant 0.000000e+00 : f32
      %broadcast_in_dim3A_552 = vector.broadcast %jit3A_550 : f32 to vector<16xf32>
      %broadcast_in_dim3A_553 = vector.broadcast %jit3A_551 : f32 to vector<16xf32>
      %select_n3A_554 = arith.select %gt3A_545, %broadcast_in_dim3A_552, %broadcast_in_dim3A_553 : vector<16xi1>, vector<16xf32>
      %add3A_555 = arith.addf %while3A_435, %select_n3A_554 : vector<16xf32>
      scf.yield %add3A_444, %add3A_459, %add3A_474, %add3A_489, %add3A_504, %add3A_519, %add3A_534, %add3A_549, %add3A_450, %add3A_465, %add3A_480, %add3A_495, %add3A_510, %add3A_525, %add3A_540, %add3A_555 : vector<16xf32>, vector<16xf32>, vector<16xf32>, vector<16xf32>, vector<16xf32>, vector<16xf32>, vector<16xf32>, vector<16xf32>, vector<16xf32>, vector<16xf32>, vector<16xf32>, vector<16xf32>, vector<16xf32>, vector<16xf32>, vector<16xf32>, vector<16xf32>
    }
    %while3A_136 = arith.constant 1 : i32
    %while3A_137:16 = scf.for %while3A_419 = %while3A_133 to %while3A_129 step %while3A_136 iter_args(%while3A_420 = %while3A_135#0, %while3A_421 = %while3A_135#1, %while3A_422 = %while3A_135#2, %while3A_423 = %while3A_135#3, %while3A_424 = %while3A_135#4, %while3A_425 = %while3A_135#5, %while3A_426 = %while3A_135#6, %while3A_427 = %while3A_135#7, %while3A_428 = %while3A_135#8, %while3A_429 = %while3A_135#9, %while3A_430 = %while3A_135#10, %while3A_431 = %while3A_135#11, %while3A_432 = %while3A_135#12, %while3A_433 = %while3A_135#13, %while3A_434 = %while3A_135#14, %while3A_435 = %while3A_135#15) -> (vector<16xf32>, vector<16xf32>, vector<16xf32>, vector<16xf32>, vector<16xf32>, vector<16xf32>, vector<16xf32>, vector<16xf32>, vector<16xf32>, vector<16xf32>, vector<16xf32>, vector<16xf32>, vector<16xf32>, vector<16xf32>, vector<16xf32>, vector<16xf32>)  : i32 {
      %get3A = arith.index_cast %while3A_419 : i32 to index
      %get3A_436 = memref.load %arg8[%get3A] : memref<256xi32, #tpu.memory_space<smem>>
      %mul3A_437 = arith.constant 128 : i32
      %mul3A_438 = arith.muli %get3A_436, %mul3A_437 : i32
      %add3A_439 = arith.constant 0 : i32
      %add3A_440 = arith.addi %mul3A_438, %add3A_439 : i32
      %get3A_441 = arith.index_cast %add3A_440 : i32 to index
      %get3A_442 = tpu.vector_load %arg5[%get3A_441] {strides = array<i32>} : memref<32768xf32, #tpu.memory_space<vmem>>, vector<16xf32>,
      %gt3A = arith.cmpf ogt, %get3A_442, %broadcast_in_dim3A_112 : vector<16xf32>
      %jit3A = arith.constant 0.000000e+00 : f32
      %broadcast_in_dim3A_443 = vector.broadcast %jit3A : f32 to vector<16xf32>
      %select_n3A = arith.select %gt3A, %get3A_442, %broadcast_in_dim3A_443 : vector<16xi1>, vector<16xf32>
      %add3A_444 = arith.addf %while3A_420, %select_n3A : vector<16xf32>
      %jit3A_445 = arith.constant 1.000000e+00 : f32
      %jit3A_446 = arith.constant 0.000000e+00 : f32
      %broadcast_in_dim3A_447 = vector.broadcast %jit3A_445 : f32 to vector<16xf32>
      %broadcast_in_dim3A_448 = vector.broadcast %jit3A_446 : f32 to vector<16xf32>
      %select_n3A_449 = arith.select %gt3A, %broadcast_in_dim3A_447, %broadcast_in_dim3A_448 : vector<16xi1>, vector<16xf32>
      %add3A_450 = arith.addf %while3A_428, %select_n3A_449 : vector<16xf32>
      %add3A_451 = arith.constant 16 : i32
      %add3A_452 = arith.addi %mul3A_438, %add3A_451 : i32
      %get3A_453 = arith.index_cast %add3A_452 : i32 to index
      %get3A_454 = tpu.vector_load %arg5[%get3A_453] {strides = array<i32>} : memref<32768xf32, #tpu.memory_space<vmem>>, vector<16xf32>,
      %gt3A_455 = arith.cmpf ogt, %get3A_454, %broadcast_in_dim3A_112 : vector<16xf32>
      %jit3A_456 = arith.constant 0.000000e+00 : f32
      %broadcast_in_dim3A_457 = vector.broadcast %jit3A_456 : f32 to vector<16xf32>
      %select_n3A_458 = arith.select %gt3A_455, %get3A_454, %broadcast_in_dim3A_457 : vector<16xi1>, vector<16xf32>
      %add3A_459 = arith.addf %while3A_421, %select_n3A_458 : vector<16xf32>
      %jit3A_460 = arith.constant 1.000000e+00 : f32
      %jit3A_461 = arith.constant 0.000000e+00 : f32
      %broadcast_in_dim3A_462 = vector.broadcast %jit3A_460 : f32 to vector<16xf32>
      %broadcast_in_dim3A_463 = vector.broadcast %jit3A_461 : f32 to vector<16xf32>
      %select_n3A_464 = arith.select %gt3A_455, %broadcast_in_dim3A_462, %broadcast_in_dim3A_463 : vector<16xi1>, vector<16xf32>
      %add3A_465 = arith.addf %while3A_429, %select_n3A_464 : vector<16xf32>
      %add3A_466 = arith.constant 32 : i32
      %add3A_467 = arith.addi %mul3A_438, %add3A_466 : i32
      %get3A_468 = arith.index_cast %add3A_467 : i32 to index
      %get3A_469 = tpu.vector_load %arg5[%get3A_468] {strides = array<i32>} : memref<32768xf32, #tpu.memory_space<vmem>>, vector<16xf32>,
      %gt3A_470 = arith.cmpf ogt, %get3A_469, %broadcast_in_dim3A_112 : vector<16xf32>
      %jit3A_471 = arith.constant 0.000000e+00 : f32
      %broadcast_in_dim3A_472 = vector.broadcast %jit3A_471 : f32 to vector<16xf32>
      %select_n3A_473 = arith.select %gt3A_470, %get3A_469, %broadcast_in_dim3A_472 : vector<16xi1>, vector<16xf32>
      %add3A_474 = arith.addf %while3A_422, %select_n3A_473 : vector<16xf32>
      %jit3A_475 = arith.constant 1.000000e+00 : f32
      %jit3A_476 = arith.constant 0.000000e+00 : f32
      %broadcast_in_dim3A_477 = vector.broadcast %jit3A_475 : f32 to vector<16xf32>
      %broadcast_in_dim3A_478 = vector.broadcast %jit3A_476 : f32 to vector<16xf32>
      %select_n3A_479 = arith.select %gt3A_470, %broadcast_in_dim3A_477, %broadcast_in_dim3A_478 : vector<16xi1>, vector<16xf32>
      %add3A_480 = arith.addf %while3A_430, %select_n3A_479 : vector<16xf32>
      %add3A_481 = arith.constant 48 : i32
      %add3A_482 = arith.addi %mul3A_438, %add3A_481 : i32
      %get3A_483 = arith.index_cast %add3A_482 : i32 to index
      %get3A_484 = tpu.vector_load %arg5[%get3A_483] {strides = array<i32>} : memref<32768xf32, #tpu.memory_space<vmem>>, vector<16xf32>,
      %gt3A_485 = arith.cmpf ogt, %get3A_484, %broadcast_in_dim3A_112 : vector<16xf32>
      %jit3A_486 = arith.constant 0.000000e+00 : f32
      %broadcast_in_dim3A_487 = vector.broadcast %jit3A_486 : f32 to vector<16xf32>
      %select_n3A_488 = arith.select %gt3A_485, %get3A_484, %broadcast_in_dim3A_487 : vector<16xi1>, vector<16xf32>
      %add3A_489 = arith.addf %while3A_423, %select_n3A_488 : vector<16xf32>
      %jit3A_490 = arith.constant 1.000000e+00 : f32
      %jit3A_491 = arith.constant 0.000000e+00 : f32
      %broadcast_in_dim3A_492 = vector.broadcast %jit3A_490 : f32 to vector<16xf32>
      %broadcast_in_dim3A_493 = vector.broadcast %jit3A_491 : f32 to vector<16xf32>
      %select_n3A_494 = arith.select %gt3A_485, %broadcast_in_dim3A_492, %broadcast_in_dim3A_493 : vector<16xi1>, vector<16xf32>
      %add3A_495 = arith.addf %while3A_431, %select_n3A_494 : vector<16xf32>
      %add3A_496 = arith.constant 64 : i32
      %add3A_497 = arith.addi %mul3A_438, %add3A_496 : i32
      %get3A_498 = arith.index_cast %add3A_497 : i32 to index
      %get3A_499 = tpu.vector_load %arg5[%get3A_498] {strides = array<i32>} : memref<32768xf32, #tpu.memory_space<vmem>>, vector<16xf32>,
      %gt3A_500 = arith.cmpf ogt, %get3A_499, %broadcast_in_dim3A_112 : vector<16xf32>
      %jit3A_501 = arith.constant 0.000000e+00 : f32
      %broadcast_in_dim3A_502 = vector.broadcast %jit3A_501 : f32 to vector<16xf32>
      %select_n3A_503 = arith.select %gt3A_500, %get3A_499, %broadcast_in_dim3A_502 : vector<16xi1>, vector<16xf32>
      %add3A_504 = arith.addf %while3A_424, %select_n3A_503 : vector<16xf32>
      %jit3A_505 = arith.constant 1.000000e+00 : f32
      %jit3A_506 = arith.constant 0.000000e+00 : f32
      %broadcast_in_dim3A_507 = vector.broadcast %jit3A_505 : f32 to vector<16xf32>
      %broadcast_in_dim3A_508 = vector.broadcast %jit3A_506 : f32 to vector<16xf32>
      %select_n3A_509 = arith.select %gt3A_500, %broadcast_in_dim3A_507, %broadcast_in_dim3A_508 : vector<16xi1>, vector<16xf32>
      %add3A_510 = arith.addf %while3A_432, %select_n3A_509 : vector<16xf32>
      %add3A_511 = arith.constant 80 : i32
      %add3A_512 = arith.addi %mul3A_438, %add3A_511 : i32
      %get3A_513 = arith.index_cast %add3A_512 : i32 to index
      %get3A_514 = tpu.vector_load %arg5[%get3A_513] {strides = array<i32>} : memref<32768xf32, #tpu.memory_space<vmem>>, vector<16xf32>,
      %gt3A_515 = arith.cmpf ogt, %get3A_514, %broadcast_in_dim3A_112 : vector<16xf32>
      %jit3A_516 = arith.constant 0.000000e+00 : f32
      %broadcast_in_dim3A_517 = vector.broadcast %jit3A_516 : f32 to vector<16xf32>
      %select_n3A_518 = arith.select %gt3A_515, %get3A_514, %broadcast_in_dim3A_517 : vector<16xi1>, vector<16xf32>
      %add3A_519 = arith.addf %while3A_425, %select_n3A_518 : vector<16xf32>
      %jit3A_520 = arith.constant 1.000000e+00 : f32
      %jit3A_521 = arith.constant 0.000000e+00 : f32
      %broadcast_in_dim3A_522 = vector.broadcast %jit3A_520 : f32 to vector<16xf32>
      %broadcast_in_dim3A_523 = vector.broadcast %jit3A_521 : f32 to vector<16xf32>
      %select_n3A_524 = arith.select %gt3A_515, %broadcast_in_dim3A_522, %broadcast_in_dim3A_523 : vector<16xi1>, vector<16xf32>
      %add3A_525 = arith.addf %while3A_433, %select_n3A_524 : vector<16xf32>
      %add3A_526 = arith.constant 96 : i32
      %add3A_527 = arith.addi %mul3A_438, %add3A_526 : i32
      %get3A_528 = arith.index_cast %add3A_527 : i32 to index
      %get3A_529 = tpu.vector_load %arg5[%get3A_528] {strides = array<i32>} : memref<32768xf32, #tpu.memory_space<vmem>>, vector<16xf32>,
      %gt3A_530 = arith.cmpf ogt, %get3A_529, %broadcast_in_dim3A_112 : vector<16xf32>
      %jit3A_531 = arith.constant 0.000000e+00 : f32
      %broadcast_in_dim3A_532 = vector.broadcast %jit3A_531 : f32 to vector<16xf32>
      %select_n3A_533 = arith.select %gt3A_530, %get3A_529, %broadcast_in_dim3A_532 : vector<16xi1>, vector<16xf32>
      %add3A_534 = arith.addf %while3A_426, %select_n3A_533 : vector<16xf32>
      %jit3A_535 = arith.constant 1.000000e+00 : f32
      %jit3A_536 = arith.constant 0.000000e+00 : f32
      %broadcast_in_dim3A_537 = vector.broadcast %jit3A_535 : f32 to vector<16xf32>
      %broadcast_in_dim3A_538 = vector.broadcast %jit3A_536 : f32 to vector<16xf32>
      %select_n3A_539 = arith.select %gt3A_530, %broadcast_in_dim3A_537, %broadcast_in_dim3A_538 : vector<16xi1>, vector<16xf32>
      %add3A_540 = arith.addf %while3A_434, %select_n3A_539 : vector<16xf32>
      %add3A_541 = arith.constant 112 : i32
      %add3A_542 = arith.addi %mul3A_438, %add3A_541 : i32
      %get3A_543 = arith.index_cast %add3A_542 : i32 to index
      %get3A_544 = tpu.vector_load %arg5[%get3A_543] {strides = array<i32>} : memref<32768xf32, #tpu.memory_space<vmem>>, vector<16xf32>,
      %gt3A_545 = arith.cmpf ogt, %get3A_544, %broadcast_in_dim3A_112 : vector<16xf32>
      %jit3A_546 = arith.constant 0.000000e+00 : f32
      %broadcast_in_dim3A_547 = vector.broadcast %jit3A_546 : f32 to vector<16xf32>
      %select_n3A_548 = arith.select %gt3A_545, %get3A_544, %broadcast_in_dim3A_547 : vector<16xi1>, vector<16xf32>
      %add3A_549 = arith.addf %while3A_427, %select_n3A_548 : vector<16xf32>
      %jit3A_550 = arith.constant 1.000000e+00 : f32
      %jit3A_551 = arith.constant 0.000000e+00 : f32
      %broadcast_in_dim3A_552 = vector.broadcast %jit3A_550 : f32 to vector<16xf32>
      %broadcast_in_dim3A_553 = vector.broadcast %jit3A_551 : f32 to vector<16xf32>
      %select_n3A_554 = arith.select %gt3A_545, %broadcast_in_dim3A_552, %broadcast_in_dim3A_553 : vector<16xi1>, vector<16xf32>
      %add3A_555 = arith.addf %while3A_435, %select_n3A_554 : vector<16xf32>
      scf.yield %add3A_444, %add3A_459, %add3A_474, %add3A_489, %add3A_504, %add3A_519, %add3A_534, %add3A_549, %add3A_450, %add3A_465, %add3A_480, %add3A_495, %add3A_510, %add3A_525, %add3A_540, %add3A_555 : vector<16xf32>, vector<16xf32>, vector<16xf32>, vector<16xf32>, vector<16xf32>, vector<16xf32>, vector<16xf32>, vector<16xf32>, vector<16xf32>, vector<16xf32>, vector<16xf32>, vector<16xf32>, vector<16xf32>, vector<16xf32>, vector<16xf32>, vector<16xf32>
    }
    %add3A_138 = arith.addf %while3A_137#0, %while3A_137#1 : vector<16xf32>
    %add3A_139 = arith.addf %while3A_137#8, %while3A_137#9 : vector<16xf32>
    %add3A_140 = arith.addf %add3A_138, %while3A_137#2 : vector<16xf32>
    %add3A_141 = arith.addf %add3A_139, %while3A_137#10 : vector<16xf32>
    %add3A_142 = arith.addf %add3A_140, %while3A_137#3 : vector<16xf32>
    %add3A_143 = arith.addf %add3A_141, %while3A_137#11 : vector<16xf32>
    %add3A_144 = arith.addf %add3A_142, %while3A_137#4 : vector<16xf32>
    %add3A_145 = arith.addf %add3A_143, %while3A_137#12 : vector<16xf32>
    %add3A_146 = arith.addf %add3A_144, %while3A_137#5 : vector<16xf32>
    %add3A_147 = arith.addf %add3A_145, %while3A_137#13 : vector<16xf32>
    %add3A_148 = arith.addf %add3A_146, %while3A_137#6 : vector<16xf32>
    %add3A_149 = arith.addf %add3A_147, %while3A_137#14 : vector<16xf32>
    %add3A_150 = arith.addf %add3A_148, %while3A_137#7 : vector<16xf32>
    %add3A_151 = arith.addf %add3A_149, %while3A_137#15 : vector<16xf32>
    %reduce_sum3A_152 = arith.constant true
    %reduce_sum3A_153 = vector.broadcast %reduce_sum3A_152 : i1 to vector<16xi1>
    %reduce_sum3A_154 = tpu.scan <sum>, %add3A_150 masked %reduce_sum3A_153 : vector<16xf32>, vector<16xi1> -> vector<16xf32>
    %reduce_sum3A_155 = vector.extract %reduce_sum3A_154[15] : f32 from vector<16xf32>
    %broadcast_in_dim3A_156 = vector.broadcast %reduce_sum3A_155 : f32 to vector<16xf32>
    %reduce_sum3A_157 = arith.constant true
    %reduce_sum3A_158 = vector.broadcast %reduce_sum3A_157 : i1 to vector<16xi1>
    %reduce_sum3A_159 = tpu.scan <sum>, %add3A_151 masked %reduce_sum3A_158 : vector<16xf32>, vector<16xi1> -> vector<16xf32>
    %reduce_sum3A_160 = vector.extract %reduce_sum3A_159[15] : f32 from vector<16xf32>
    %broadcast_in_dim3A_161 = vector.broadcast %reduce_sum3A_160 : f32 to vector<16xf32>
    %sub3A_162 = arith.constant 1.000000e+00 : f32
    %sub3A_163 = vector.broadcast %sub3A_162 : f32 to vector<16xf32>
    %sub3A_164 = arith.subf %broadcast_in_dim3A_156, %sub3A_163 : vector<16xf32>
    %div3A_165 = arith.divf %sub3A_164, %broadcast_in_dim3A_161 : vector<16xf32>
    %while3A_166 = arith.constant 0 : i32
    %while3A_167:3 = scf.while (%while3A_419 = %while3A_166, %while3A_420 = %div3A_165, %while3A_421 = %broadcast_in_dim3A_112) : (i32, vector<16xf32>, vector<16xf32>) -> (i32, vector<16xf32>, vector<16xf32>) {
      %lt3A = arith.constant 16 : i32
      %lt3A_422 = arith.cmpi slt, %while3A_419, %lt3A : i32
      %ne3A = arith.cmpf one, %while3A_420, %while3A_421 : vector<16xf32>
      %reduce_or3A = arith.constant 1.000000e+00 : f32
      %reduce_or3A_423 = arith.constant 0.000000e+00 : f32
      %reduce_or3A_424 = vector.broadcast %reduce_or3A : f32 to vector<16xf32>
      %reduce_or3A_425 = vector.broadcast %reduce_or3A_423 : f32 to vector<16xf32>
      %reduce_or3A_426 = arith.select %ne3A, %reduce_or3A_424, %reduce_or3A_425 : vector<16xi1>, vector<16xf32>
      %reduce_or3A_427 = arith.constant true
      %reduce_or3A_428 = vector.broadcast %reduce_or3A_427 : i1 to vector<16xi1>
      %reduce_or3A_429 = tpu.scan <max>, %reduce_or3A_426 masked %reduce_or3A_428 : vector<16xf32>, vector<16xi1> -> vector<16xf32>
      %reduce_or3A_430 = vector.extract %reduce_or3A_429[15] : f32 from vector<16xf32>
      %reduce_or3A_431 = arith.constant 0.000000e+00 : f32
      %reduce_or3A_432 = arith.cmpf ogt, %reduce_or3A_430, %reduce_or3A_431 : f32
      %and3A = arith.andi %lt3A_422, %reduce_or3A_432 : i1
      scf.condition(%and3A) %while3A_419, %while3A_420, %while3A_421 : i32, vector<16xf32>, vector<16xf32>
    } do {
    ^bb0(%while3A_419: i32, %while3A_420: vector<16xf32>, %while3A_421: vector<16xf32>):
      %add3A_422 = arith.constant 1 : i32
      %add3A_423 = arith.addi %while3A_419, %add3A_422 : i32
      %while3A_424 = arith.constant 0 : i32
      %while3A_425 = arith.subi %scan3A_123, %while3A_424 : i32
      %while3A_426 = arith.addi %while3A_424, %while3A_425 : i32
      %while3A_427 = arith.constant 1 : i32
      %while3A_428 = arith.divsi %while3A_425, %while3A_427 : i32
      %while3A_429 = arith.muli %while3A_428, %while3A_427 : i32
      %while3A_430 = arith.addi %while3A_424, %while3A_429 : i32
      %while3A_431 = arith.constant 1 : i32
      %while3A_432:16 = scf.for %while3A_463 = %while3A_424 to %while3A_430 step %while3A_431 iter_args(%while3A_464 = %broadcast_in_dim3A_126, %while3A_465 = %broadcast_in_dim3A_126, %while3A_466 = %broadcast_in_dim3A_126, %while3A_467 = %broadcast_in_dim3A_126, %while3A_468 = %broadcast_in_dim3A_126, %while3A_469 = %broadcast_in_dim3A_126, %while3A_470 = %broadcast_in_dim3A_126, %while3A_471 = %broadcast_in_dim3A_126, %while3A_472 = %broadcast_in_dim3A_126, %while3A_473 = %broadcast_in_dim3A_126, %while3A_474 = %broadcast_in_dim3A_126, %while3A_475 = %broadcast_in_dim3A_126, %while3A_476 = %broadcast_in_dim3A_126, %while3A_477 = %broadcast_in_dim3A_126, %while3A_478 = %broadcast_in_dim3A_126, %while3A_479 = %broadcast_in_dim3A_126) -> (vector<16xf32>, vector<16xf32>, vector<16xf32>, vector<16xf32>, vector<16xf32>, vector<16xf32>, vector<16xf32>, vector<16xf32>, vector<16xf32>, vector<16xf32>, vector<16xf32>, vector<16xf32>, vector<16xf32>, vector<16xf32>, vector<16xf32>, vector<16xf32>)  : i32 {
        %get3A = arith.index_cast %while3A_463 : i32 to index
        %get3A_480 = memref.load %arg8[%get3A] : memref<256xi32, #tpu.memory_space<smem>>
        %mul3A_481 = arith.constant 128 : i32
        %mul3A_482 = arith.muli %get3A_480, %mul3A_481 : i32
        %add3A_483 = arith.constant 0 : i32
        %add3A_484 = arith.addi %mul3A_482, %add3A_483 : i32
        %get3A_485 = arith.index_cast %add3A_484 : i32 to index
        %get3A_486 = tpu.vector_load %arg5[%get3A_485] {strides = array<i32>} : memref<32768xf32, #tpu.memory_space<vmem>>, vector<16xf32>,
        %gt3A = arith.cmpf ogt, %get3A_486, %while3A_420 : vector<16xf32>
        %jit3A = arith.constant 0.000000e+00 : f32
        %broadcast_in_dim3A_487 = vector.broadcast %jit3A : f32 to vector<16xf32>
        %select_n3A = arith.select %gt3A, %get3A_486, %broadcast_in_dim3A_487 : vector<16xi1>, vector<16xf32>
        %add3A_488 = arith.addf %while3A_464, %select_n3A : vector<16xf32>
        %jit3A_489 = arith.constant 1.000000e+00 : f32
        %jit3A_490 = arith.constant 0.000000e+00 : f32
        %broadcast_in_dim3A_491 = vector.broadcast %jit3A_489 : f32 to vector<16xf32>
        %broadcast_in_dim3A_492 = vector.broadcast %jit3A_490 : f32 to vector<16xf32>
        %select_n3A_493 = arith.select %gt3A, %broadcast_in_dim3A_491, %broadcast_in_dim3A_492 : vector<16xi1>, vector<16xf32>
        %add3A_494 = arith.addf %while3A_472, %select_n3A_493 : vector<16xf32>
        %add3A_495 = arith.constant 16 : i32
        %add3A_496 = arith.addi %mul3A_482, %add3A_495 : i32
        %get3A_497 = arith.index_cast %add3A_496 : i32 to index
        %get3A_498 = tpu.vector_load %arg5[%get3A_497] {strides = array<i32>} : memref<32768xf32, #tpu.memory_space<vmem>>, vector<16xf32>,
        %gt3A_499 = arith.cmpf ogt, %get3A_498, %while3A_420 : vector<16xf32>
        %jit3A_500 = arith.constant 0.000000e+00 : f32
        %broadcast_in_dim3A_501 = vector.broadcast %jit3A_500 : f32 to vector<16xf32>
        %select_n3A_502 = arith.select %gt3A_499, %get3A_498, %broadcast_in_dim3A_501 : vector<16xi1>, vector<16xf32>
        %add3A_503 = arith.addf %while3A_465, %select_n3A_502 : vector<16xf32>
        %jit3A_504 = arith.constant 1.000000e+00 : f32
        %jit3A_505 = arith.constant 0.000000e+00 : f32
        %broadcast_in_dim3A_506 = vector.broadcast %jit3A_504 : f32 to vector<16xf32>
        %broadcast_in_dim3A_507 = vector.broadcast %jit3A_505 : f32 to vector<16xf32>
        %select_n3A_508 = arith.select %gt3A_499, %broadcast_in_dim3A_506, %broadcast_in_dim3A_507 : vector<16xi1>, vector<16xf32>
        %add3A_509 = arith.addf %while3A_473, %select_n3A_508 : vector<16xf32>
        %add3A_510 = arith.constant 32 : i32
        %add3A_511 = arith.addi %mul3A_482, %add3A_510 : i32
        %get3A_512 = arith.index_cast %add3A_511 : i32 to index
        %get3A_513 = tpu.vector_load %arg5[%get3A_512] {strides = array<i32>} : memref<32768xf32, #tpu.memory_space<vmem>>, vector<16xf32>,
        %gt3A_514 = arith.cmpf ogt, %get3A_513, %while3A_420 : vector<16xf32>
        %jit3A_515 = arith.constant 0.000000e+00 : f32
        %broadcast_in_dim3A_516 = vector.broadcast %jit3A_515 : f32 to vector<16xf32>
        %select_n3A_517 = arith.select %gt3A_514, %get3A_513, %broadcast_in_dim3A_516 : vector<16xi1>, vector<16xf32>
        %add3A_518 = arith.addf %while3A_466, %select_n3A_517 : vector<16xf32>
        %jit3A_519 = arith.constant 1.000000e+00 : f32
        %jit3A_520 = arith.constant 0.000000e+00 : f32
        %broadcast_in_dim3A_521 = vector.broadcast %jit3A_519 : f32 to vector<16xf32>
        %broadcast_in_dim3A_522 = vector.broadcast %jit3A_520 : f32 to vector<16xf32>
        %select_n3A_523 = arith.select %gt3A_514, %broadcast_in_dim3A_521, %broadcast_in_dim3A_522 : vector<16xi1>, vector<16xf32>
        %add3A_524 = arith.addf %while3A_474, %select_n3A_523 : vector<16xf32>
        %add3A_525 = arith.constant 48 : i32
        %add3A_526 = arith.addi %mul3A_482, %add3A_525 : i32
        %get3A_527 = arith.index_cast %add3A_526 : i32 to index
        %get3A_528 = tpu.vector_load %arg5[%get3A_527] {strides = array<i32>} : memref<32768xf32, #tpu.memory_space<vmem>>, vector<16xf32>,
        %gt3A_529 = arith.cmpf ogt, %get3A_528, %while3A_420 : vector<16xf32>
        %jit3A_530 = arith.constant 0.000000e+00 : f32
        %broadcast_in_dim3A_531 = vector.broadcast %jit3A_530 : f32 to vector<16xf32>
        %select_n3A_532 = arith.select %gt3A_529, %get3A_528, %broadcast_in_dim3A_531 : vector<16xi1>, vector<16xf32>
        %add3A_533 = arith.addf %while3A_467, %select_n3A_532 : vector<16xf32>
        %jit3A_534 = arith.constant 1.000000e+00 : f32
        %jit3A_535 = arith.constant 0.000000e+00 : f32
        %broadcast_in_dim3A_536 = vector.broadcast %jit3A_534 : f32 to vector<16xf32>
        %broadcast_in_dim3A_537 = vector.broadcast %jit3A_535 : f32 to vector<16xf32>
        %select_n3A_538 = arith.select %gt3A_529, %broadcast_in_dim3A_536, %broadcast_in_dim3A_537 : vector<16xi1>, vector<16xf32>
        %add3A_539 = arith.addf %while3A_475, %select_n3A_538 : vector<16xf32>
        %add3A_540 = arith.constant 64 : i32
        %add3A_541 = arith.addi %mul3A_482, %add3A_540 : i32
        %get3A_542 = arith.index_cast %add3A_541 : i32 to index
        %get3A_543 = tpu.vector_load %arg5[%get3A_542] {strides = array<i32>} : memref<32768xf32, #tpu.memory_space<vmem>>, vector<16xf32>,
        %gt3A_544 = arith.cmpf ogt, %get3A_543, %while3A_420 : vector<16xf32>
        %jit3A_545 = arith.constant 0.000000e+00 : f32
        %broadcast_in_dim3A_546 = vector.broadcast %jit3A_545 : f32 to vector<16xf32>
        %select_n3A_547 = arith.select %gt3A_544, %get3A_543, %broadcast_in_dim3A_546 : vector<16xi1>, vector<16xf32>
        %add3A_548 = arith.addf %while3A_468, %select_n3A_547 : vector<16xf32>
        %jit3A_549 = arith.constant 1.000000e+00 : f32
        %jit3A_550 = arith.constant 0.000000e+00 : f32
        %broadcast_in_dim3A_551 = vector.broadcast %jit3A_549 : f32 to vector<16xf32>
        %broadcast_in_dim3A_552 = vector.broadcast %jit3A_550 : f32 to vector<16xf32>
        %select_n3A_553 = arith.select %gt3A_544, %broadcast_in_dim3A_551, %broadcast_in_dim3A_552 : vector<16xi1>, vector<16xf32>
        %add3A_554 = arith.addf %while3A_476, %select_n3A_553 : vector<16xf32>
        %add3A_555 = arith.constant 80 : i32
        %add3A_556 = arith.addi %mul3A_482, %add3A_555 : i32
        %get3A_557 = arith.index_cast %add3A_556 : i32 to index
        %get3A_558 = tpu.vector_load %arg5[%get3A_557] {strides = array<i32>} : memref<32768xf32, #tpu.memory_space<vmem>>, vector<16xf32>,
        %gt3A_559 = arith.cmpf ogt, %get3A_558, %while3A_420 : vector<16xf32>
        %jit3A_560 = arith.constant 0.000000e+00 : f32
        %broadcast_in_dim3A_561 = vector.broadcast %jit3A_560 : f32 to vector<16xf32>
        %select_n3A_562 = arith.select %gt3A_559, %get3A_558, %broadcast_in_dim3A_561 : vector<16xi1>, vector<16xf32>
        %add3A_563 = arith.addf %while3A_469, %select_n3A_562 : vector<16xf32>
        %jit3A_564 = arith.constant 1.000000e+00 : f32
        %jit3A_565 = arith.constant 0.000000e+00 : f32
        %broadcast_in_dim3A_566 = vector.broadcast %jit3A_564 : f32 to vector<16xf32>
        %broadcast_in_dim3A_567 = vector.broadcast %jit3A_565 : f32 to vector<16xf32>
        %select_n3A_568 = arith.select %gt3A_559, %broadcast_in_dim3A_566, %broadcast_in_dim3A_567 : vector<16xi1>, vector<16xf32>
        %add3A_569 = arith.addf %while3A_477, %select_n3A_568 : vector<16xf32>
        %add3A_570 = arith.constant 96 : i32
        %add3A_571 = arith.addi %mul3A_482, %add3A_570 : i32
        %get3A_572 = arith.index_cast %add3A_571 : i32 to index
        %get3A_573 = tpu.vector_load %arg5[%get3A_572] {strides = array<i32>} : memref<32768xf32, #tpu.memory_space<vmem>>, vector<16xf32>,
        %gt3A_574 = arith.cmpf ogt, %get3A_573, %while3A_420 : vector<16xf32>
        %jit3A_575 = arith.constant 0.000000e+00 : f32
        %broadcast_in_dim3A_576 = vector.broadcast %jit3A_575 : f32 to vector<16xf32>
        %select_n3A_577 = arith.select %gt3A_574, %get3A_573, %broadcast_in_dim3A_576 : vector<16xi1>, vector<16xf32>
        %add3A_578 = arith.addf %while3A_470, %select_n3A_577 : vector<16xf32>
        %jit3A_579 = arith.constant 1.000000e+00 : f32
        %jit3A_580 = arith.constant 0.000000e+00 : f32
        %broadcast_in_dim3A_581 = vector.broadcast %jit3A_579 : f32 to vector<16xf32>
        %broadcast_in_dim3A_582 = vector.broadcast %jit3A_580 : f32 to vector<16xf32>
        %select_n3A_583 = arith.select %gt3A_574, %broadcast_in_dim3A_581, %broadcast_in_dim3A_582 : vector<16xi1>, vector<16xf32>
        %add3A_584 = arith.addf %while3A_478, %select_n3A_583 : vector<16xf32>
        %add3A_585 = arith.constant 112 : i32
        %add3A_586 = arith.addi %mul3A_482, %add3A_585 : i32
        %get3A_587 = arith.index_cast %add3A_586 : i32 to index
        %get3A_588 = tpu.vector_load %arg5[%get3A_587] {strides = array<i32>} : memref<32768xf32, #tpu.memory_space<vmem>>, vector<16xf32>,
        %gt3A_589 = arith.cmpf ogt, %get3A_588, %while3A_420 : vector<16xf32>
        %jit3A_590 = arith.constant 0.000000e+00 : f32
        %broadcast_in_dim3A_591 = vector.broadcast %jit3A_590 : f32 to vector<16xf32>
        %select_n3A_592 = arith.select %gt3A_589, %get3A_588, %broadcast_in_dim3A_591 : vector<16xi1>, vector<16xf32>
        %add3A_593 = arith.addf %while3A_471, %select_n3A_592 : vector<16xf32>
        %jit3A_594 = arith.constant 1.000000e+00 : f32
        %jit3A_595 = arith.constant 0.000000e+00 : f32
        %broadcast_in_dim3A_596 = vector.broadcast %jit3A_594 : f32 to vector<16xf32>
        %broadcast_in_dim3A_597 = vector.broadcast %jit3A_595 : f32 to vector<16xf32>
        %select_n3A_598 = arith.select %gt3A_589, %broadcast_in_dim3A_596, %broadcast_in_dim3A_597 : vector<16xi1>, vector<16xf32>
        %add3A_599 = arith.addf %while3A_479, %select_n3A_598 : vector<16xf32>
        scf.yield %add3A_488, %add3A_503, %add3A_518, %add3A_533, %add3A_548, %add3A_563, %add3A_578, %add3A_593, %add3A_494, %add3A_509, %add3A_524, %add3A_539, %add3A_554, %add3A_569, %add3A_584, %add3A_599 : vector<16xf32>, vector<16xf32>, vector<16xf32>, vector<16xf32>, vector<16xf32>, vector<16xf32>, vector<16xf32>, vector<16xf32>, vector<16xf32>, vector<16xf32>, vector<16xf32>, vector<16xf32>, vector<16xf32>, vector<16xf32>, vector<16xf32>, vector<16xf32>
      }
      %while3A_433 = arith.constant 1 : i32
      %while3A_434:16 = scf.for %while3A_463 = %while3A_430 to %while3A_426 step %while3A_433 iter_args(%while3A_464 = %while3A_432#0, %while3A_465 = %while3A_432#1, %while3A_466 = %while3A_432#2, %while3A_467 = %while3A_432#3, %while3A_468 = %while3A_432#4, %while3A_469 = %while3A_432#5, %while3A_470 = %while3A_432#6, %while3A_471 = %while3A_432#7, %while3A_472 = %while3A_432#8, %while3A_473 = %while3A_432#9, %while3A_474 = %while3A_432#10, %while3A_475 = %while3A_432#11, %while3A_476 = %while3A_432#12, %while3A_477 = %while3A_432#13, %while3A_478 = %while3A_432#14, %while3A_479 = %while3A_432#15) -> (vector<16xf32>, vector<16xf32>, vector<16xf32>, vector<16xf32>, vector<16xf32>, vector<16xf32>, vector<16xf32>, vector<16xf32>, vector<16xf32>, vector<16xf32>, vector<16xf32>, vector<16xf32>, vector<16xf32>, vector<16xf32>, vector<16xf32>, vector<16xf32>)  : i32 {
        %get3A = arith.index_cast %while3A_463 : i32 to index
        %get3A_480 = memref.load %arg8[%get3A] : memref<256xi32, #tpu.memory_space<smem>>
        %mul3A_481 = arith.constant 128 : i32
        %mul3A_482 = arith.muli %get3A_480, %mul3A_481 : i32
        %add3A_483 = arith.constant 0 : i32
        %add3A_484 = arith.addi %mul3A_482, %add3A_483 : i32
        %get3A_485 = arith.index_cast %add3A_484 : i32 to index
        %get3A_486 = tpu.vector_load %arg5[%get3A_485] {strides = array<i32>} : memref<32768xf32, #tpu.memory_space<vmem>>, vector<16xf32>,
        %gt3A = arith.cmpf ogt, %get3A_486, %while3A_420 : vector<16xf32>
        %jit3A = arith.constant 0.000000e+00 : f32
        %broadcast_in_dim3A_487 = vector.broadcast %jit3A : f32 to vector<16xf32>
        %select_n3A = arith.select %gt3A, %get3A_486, %broadcast_in_dim3A_487 : vector<16xi1>, vector<16xf32>
        %add3A_488 = arith.addf %while3A_464, %select_n3A : vector<16xf32>
        %jit3A_489 = arith.constant 1.000000e+00 : f32
        %jit3A_490 = arith.constant 0.000000e+00 : f32
        %broadcast_in_dim3A_491 = vector.broadcast %jit3A_489 : f32 to vector<16xf32>
        %broadcast_in_dim3A_492 = vector.broadcast %jit3A_490 : f32 to vector<16xf32>
        %select_n3A_493 = arith.select %gt3A, %broadcast_in_dim3A_491, %broadcast_in_dim3A_492 : vector<16xi1>, vector<16xf32>
        %add3A_494 = arith.addf %while3A_472, %select_n3A_493 : vector<16xf32>
        %add3A_495 = arith.constant 16 : i32
        %add3A_496 = arith.addi %mul3A_482, %add3A_495 : i32
        %get3A_497 = arith.index_cast %add3A_496 : i32 to index
        %get3A_498 = tpu.vector_load %arg5[%get3A_497] {strides = array<i32>} : memref<32768xf32, #tpu.memory_space<vmem>>, vector<16xf32>,
        %gt3A_499 = arith.cmpf ogt, %get3A_498, %while3A_420 : vector<16xf32>
        %jit3A_500 = arith.constant 0.000000e+00 : f32
        %broadcast_in_dim3A_501 = vector.broadcast %jit3A_500 : f32 to vector<16xf32>
        %select_n3A_502 = arith.select %gt3A_499, %get3A_498, %broadcast_in_dim3A_501 : vector<16xi1>, vector<16xf32>
        %add3A_503 = arith.addf %while3A_465, %select_n3A_502 : vector<16xf32>
        %jit3A_504 = arith.constant 1.000000e+00 : f32
        %jit3A_505 = arith.constant 0.000000e+00 : f32
        %broadcast_in_dim3A_506 = vector.broadcast %jit3A_504 : f32 to vector<16xf32>
        %broadcast_in_dim3A_507 = vector.broadcast %jit3A_505 : f32 to vector<16xf32>
        %select_n3A_508 = arith.select %gt3A_499, %broadcast_in_dim3A_506, %broadcast_in_dim3A_507 : vector<16xi1>, vector<16xf32>
        %add3A_509 = arith.addf %while3A_473, %select_n3A_508 : vector<16xf32>
        %add3A_510 = arith.constant 32 : i32
        %add3A_511 = arith.addi %mul3A_482, %add3A_510 : i32
        %get3A_512 = arith.index_cast %add3A_511 : i32 to index
        %get3A_513 = tpu.vector_load %arg5[%get3A_512] {strides = array<i32>} : memref<32768xf32, #tpu.memory_space<vmem>>, vector<16xf32>,
        %gt3A_514 = arith.cmpf ogt, %get3A_513, %while3A_420 : vector<16xf32>
        %jit3A_515 = arith.constant 0.000000e+00 : f32
        %broadcast_in_dim3A_516 = vector.broadcast %jit3A_515 : f32 to vector<16xf32>
        %select_n3A_517 = arith.select %gt3A_514, %get3A_513, %broadcast_in_dim3A_516 : vector<16xi1>, vector<16xf32>
        %add3A_518 = arith.addf %while3A_466, %select_n3A_517 : vector<16xf32>
        %jit3A_519 = arith.constant 1.000000e+00 : f32
        %jit3A_520 = arith.constant 0.000000e+00 : f32
        %broadcast_in_dim3A_521 = vector.broadcast %jit3A_519 : f32 to vector<16xf32>
        %broadcast_in_dim3A_522 = vector.broadcast %jit3A_520 : f32 to vector<16xf32>
        %select_n3A_523 = arith.select %gt3A_514, %broadcast_in_dim3A_521, %broadcast_in_dim3A_522 : vector<16xi1>, vector<16xf32>
        %add3A_524 = arith.addf %while3A_474, %select_n3A_523 : vector<16xf32>
        %add3A_525 = arith.constant 48 : i32
        %add3A_526 = arith.addi %mul3A_482, %add3A_525 : i32
        %get3A_527 = arith.index_cast %add3A_526 : i32 to index
        %get3A_528 = tpu.vector_load %arg5[%get3A_527] {strides = array<i32>} : memref<32768xf32, #tpu.memory_space<vmem>>, vector<16xf32>,
        %gt3A_529 = arith.cmpf ogt, %get3A_528, %while3A_420 : vector<16xf32>
        %jit3A_530 = arith.constant 0.000000e+00 : f32
        %broadcast_in_dim3A_531 = vector.broadcast %jit3A_530 : f32 to vector<16xf32>
        %select_n3A_532 = arith.select %gt3A_529, %get3A_528, %broadcast_in_dim3A_531 : vector<16xi1>, vector<16xf32>
        %add3A_533 = arith.addf %while3A_467, %select_n3A_532 : vector<16xf32>
        %jit3A_534 = arith.constant 1.000000e+00 : f32
        %jit3A_535 = arith.constant 0.000000e+00 : f32
        %broadcast_in_dim3A_536 = vector.broadcast %jit3A_534 : f32 to vector<16xf32>
        %broadcast_in_dim3A_537 = vector.broadcast %jit3A_535 : f32 to vector<16xf32>
        %select_n3A_538 = arith.select %gt3A_529, %broadcast_in_dim3A_536, %broadcast_in_dim3A_537 : vector<16xi1>, vector<16xf32>
        %add3A_539 = arith.addf %while3A_475, %select_n3A_538 : vector<16xf32>
        %add3A_540 = arith.constant 64 : i32
        %add3A_541 = arith.addi %mul3A_482, %add3A_540 : i32
        %get3A_542 = arith.index_cast %add3A_541 : i32 to index
        %get3A_543 = tpu.vector_load %arg5[%get3A_542] {strides = array<i32>} : memref<32768xf32, #tpu.memory_space<vmem>>, vector<16xf32>,
        %gt3A_544 = arith.cmpf ogt, %get3A_543, %while3A_420 : vector<16xf32>
        %jit3A_545 = arith.constant 0.000000e+00 : f32
        %broadcast_in_dim3A_546 = vector.broadcast %jit3A_545 : f32 to vector<16xf32>
        %select_n3A_547 = arith.select %gt3A_544, %get3A_543, %broadcast_in_dim3A_546 : vector<16xi1>, vector<16xf32>
        %add3A_548 = arith.addf %while3A_468, %select_n3A_547 : vector<16xf32>
        %jit3A_549 = arith.constant 1.000000e+00 : f32
        %jit3A_550 = arith.constant 0.000000e+00 : f32
        %broadcast_in_dim3A_551 = vector.broadcast %jit3A_549 : f32 to vector<16xf32>
        %broadcast_in_dim3A_552 = vector.broadcast %jit3A_550 : f32 to vector<16xf32>
        %select_n3A_553 = arith.select %gt3A_544, %broadcast_in_dim3A_551, %broadcast_in_dim3A_552 : vector<16xi1>, vector<16xf32>
        %add3A_554 = arith.addf %while3A_476, %select_n3A_553 : vector<16xf32>
        %add3A_555 = arith.constant 80 : i32
        %add3A_556 = arith.addi %mul3A_482, %add3A_555 : i32
        %get3A_557 = arith.index_cast %add3A_556 : i32 to index
        %get3A_558 = tpu.vector_load %arg5[%get3A_557] {strides = array<i32>} : memref<32768xf32, #tpu.memory_space<vmem>>, vector<16xf32>,
        %gt3A_559 = arith.cmpf ogt, %get3A_558, %while3A_420 : vector<16xf32>
        %jit3A_560 = arith.constant 0.000000e+00 : f32
        %broadcast_in_dim3A_561 = vector.broadcast %jit3A_560 : f32 to vector<16xf32>
        %select_n3A_562 = arith.select %gt3A_559, %get3A_558, %broadcast_in_dim3A_561 : vector<16xi1>, vector<16xf32>
        %add3A_563 = arith.addf %while3A_469, %select_n3A_562 : vector<16xf32>
        %jit3A_564 = arith.constant 1.000000e+00 : f32
        %jit3A_565 = arith.constant 0.000000e+00 : f32
        %broadcast_in_dim3A_566 = vector.broadcast %jit3A_564 : f32 to vector<16xf32>
        %broadcast_in_dim3A_567 = vector.broadcast %jit3A_565 : f32 to vector<16xf32>
        %select_n3A_568 = arith.select %gt3A_559, %broadcast_in_dim3A_566, %broadcast_in_dim3A_567 : vector<16xi1>, vector<16xf32>
        %add3A_569 = arith.addf %while3A_477, %select_n3A_568 : vector<16xf32>
        %add3A_570 = arith.constant 96 : i32
        %add3A_571 = arith.addi %mul3A_482, %add3A_570 : i32
        %get3A_572 = arith.index_cast %add3A_571 : i32 to index
        %get3A_573 = tpu.vector_load %arg5[%get3A_572] {strides = array<i32>} : memref<32768xf32, #tpu.memory_space<vmem>>, vector<16xf32>,
        %gt3A_574 = arith.cmpf ogt, %get3A_573, %while3A_420 : vector<16xf32>
        %jit3A_575 = arith.constant 0.000000e+00 : f32
        %broadcast_in_dim3A_576 = vector.broadcast %jit3A_575 : f32 to vector<16xf32>
        %select_n3A_577 = arith.select %gt3A_574, %get3A_573, %broadcast_in_dim3A_576 : vector<16xi1>, vector<16xf32>
        %add3A_578 = arith.addf %while3A_470, %select_n3A_577 : vector<16xf32>
        %jit3A_579 = arith.constant 1.000000e+00 : f32
        %jit3A_580 = arith.constant 0.000000e+00 : f32
        %broadcast_in_dim3A_581 = vector.broadcast %jit3A_579 : f32 to vector<16xf32>
        %broadcast_in_dim3A_582 = vector.broadcast %jit3A_580 : f32 to vector<16xf32>
        %select_n3A_583 = arith.select %gt3A_574, %broadcast_in_dim3A_581, %broadcast_in_dim3A_582 : vector<16xi1>, vector<16xf32>
        %add3A_584 = arith.addf %while3A_478, %select_n3A_583 : vector<16xf32>
        %add3A_585 = arith.constant 112 : i32
        %add3A_586 = arith.addi %mul3A_482, %add3A_585 : i32
        %get3A_587 = arith.index_cast %add3A_586 : i32 to index
        %get3A_588 = tpu.vector_load %arg5[%get3A_587] {strides = array<i32>} : memref<32768xf32, #tpu.memory_space<vmem>>, vector<16xf32>,
        %gt3A_589 = arith.cmpf ogt, %get3A_588, %while3A_420 : vector<16xf32>
        %jit3A_590 = arith.constant 0.000000e+00 : f32
        %broadcast_in_dim3A_591 = vector.broadcast %jit3A_590 : f32 to vector<16xf32>
        %select_n3A_592 = arith.select %gt3A_589, %get3A_588, %broadcast_in_dim3A_591 : vector<16xi1>, vector<16xf32>
        %add3A_593 = arith.addf %while3A_471, %select_n3A_592 : vector<16xf32>
        %jit3A_594 = arith.constant 1.000000e+00 : f32
        %jit3A_595 = arith.constant 0.000000e+00 : f32
        %broadcast_in_dim3A_596 = vector.broadcast %jit3A_594 : f32 to vector<16xf32>
        %broadcast_in_dim3A_597 = vector.broadcast %jit3A_595 : f32 to vector<16xf32>
        %select_n3A_598 = arith.select %gt3A_589, %broadcast_in_dim3A_596, %broadcast_in_dim3A_597 : vector<16xi1>, vector<16xf32>
        %add3A_599 = arith.addf %while3A_479, %select_n3A_598 : vector<16xf32>
        scf.yield %add3A_488, %add3A_503, %add3A_518, %add3A_533, %add3A_548, %add3A_563, %add3A_578, %add3A_593, %add3A_494, %add3A_509, %add3A_524, %add3A_539, %add3A_554, %add3A_569, %add3A_584, %add3A_599 : vector<16xf32>, vector<16xf32>, vector<16xf32>, vector<16xf32>, vector<16xf32>, vector<16xf32>, vector<16xf32>, vector<16xf32>, vector<16xf32>, vector<16xf32>, vector<16xf32>, vector<16xf32>, vector<16xf32>, vector<16xf32>, vector<16xf32>, vector<16xf32>
      }
      %add3A_435 = arith.addf %while3A_434#0, %while3A_434#1 : vector<16xf32>
      %add3A_436 = arith.addf %while3A_434#8, %while3A_434#9 : vector<16xf32>
      %add3A_437 = arith.addf %add3A_435, %while3A_434#2 : vector<16xf32>
      %add3A_438 = arith.addf %add3A_436, %while3A_434#10 : vector<16xf32>
      %add3A_439 = arith.addf %add3A_437, %while3A_434#3 : vector<16xf32>
      %add3A_440 = arith.addf %add3A_438, %while3A_434#11 : vector<16xf32>
      %add3A_441 = arith.addf %add3A_439, %while3A_434#4 : vector<16xf32>
      %add3A_442 = arith.addf %add3A_440, %while3A_434#12 : vector<16xf32>
      %add3A_443 = arith.addf %add3A_441, %while3A_434#5 : vector<16xf32>
      %add3A_444 = arith.addf %add3A_442, %while3A_434#13 : vector<16xf32>
      %add3A_445 = arith.addf %add3A_443, %while3A_434#6 : vector<16xf32>
      %add3A_446 = arith.addf %add3A_444, %while3A_434#14 : vector<16xf32>
      %add3A_447 = arith.addf %add3A_445, %while3A_434#7 : vector<16xf32>
      %add3A_448 = arith.addf %add3A_446, %while3A_434#15 : vector<16xf32>
      %reduce_sum3A_449 = arith.constant true
      %reduce_sum3A_450 = vector.broadcast %reduce_sum3A_449 : i1 to vector<16xi1>
      %reduce_sum3A_451 = tpu.scan <sum>, %add3A_447 masked %reduce_sum3A_450 : vector<16xf32>, vector<16xi1> -> vector<16xf32>
      %reduce_sum3A_452 = vector.extract %reduce_sum3A_451[15] : f32 from vector<16xf32>
      %broadcast_in_dim3A_453 = vector.broadcast %reduce_sum3A_452 : f32 to vector<16xf32>
      %reduce_sum3A_454 = arith.constant true
      %reduce_sum3A_455 = vector.broadcast %reduce_sum3A_454 : i1 to vector<16xi1>
      %reduce_sum3A_456 = tpu.scan <sum>, %add3A_448 masked %reduce_sum3A_455 : vector<16xf32>, vector<16xi1> -> vector<16xf32>
      %reduce_sum3A_457 = vector.extract %reduce_sum3A_456[15] : f32 from vector<16xf32>
      %broadcast_in_dim3A_458 = vector.broadcast %reduce_sum3A_457 : f32 to vector<16xf32>
      %sub3A_459 = arith.constant 1.000000e+00 : f32
      %sub3A_460 = vector.broadcast %sub3A_459 : f32 to vector<16xf32>
      %sub3A_461 = arith.subf %broadcast_in_dim3A_453, %sub3A_460 : vector<16xf32>
      %div3A_462 = arith.divf %sub3A_461, %broadcast_in_dim3A_458 : vector<16xf32>
      scf.yield %add3A_423, %div3A_462, %while3A_420 : i32, vector<16xf32>, vector<16xf32>
    }
    %dma_wait3A_168 = arith.constant 0 : i32
    %dma_wait3A_169 = tpu.memref_slice %arg3[%add3A_4, %dma_wait3A_168] : memref<128x32768xf32, #tpu.memory_space<hbm>> -> memref<1x32768xf32, #tpu.memory_space<hbm>>
    %dma_wait3A_170 = tpu.memref_squeeze %dma_wait3A_169 : memref<1x32768xf32, #tpu.memory_space<hbm>> -> memref<32768xf32, #tpu.memory_space<hbm>>
    %dma_wait3A_171 = arith.constant 0 : i32
    %dma_wait3A_172 = tpu.memref_slice %arg3[%add3A_4, %dma_wait3A_171] : memref<128x32768xf32, #tpu.memory_space<hbm>> -> memref<1x32768xf32, #tpu.memory_space<hbm>>
    %dma_wait3A_173 = tpu.memref_squeeze %dma_wait3A_172 : memref<1x32768xf32, #tpu.memory_space<hbm>> -> memref<32768xf32, #tpu.memory_space<hbm>>
    tpu.wait_dma2 semaphore(%arg9 : memref<!tpu.dma_semaphore, #tpu.memory_space<semaphore_mem>>) src(%arg6 : memref<32768xf32, #tpu.memory_space<vmem>>) dst(%dma_wait3A_173 : memref<32768xf32, #tpu.memory_space<hbm>>)
    %scan3A_174 = arith.constant 0 : i32
    %scan3A_175 = arith.constant 0 : i32
    %scan3A_176 = arith.constant 256 : i32
    %scan3A_177 = arith.addi %scan3A_175, %scan3A_176 : i32
    %scan3A_178 = arith.constant 1 : i32
    %scan3A_179 = scf.for %scan3A_419 = %scan3A_175 to %scan3A_177 step %scan3A_178 iter_args(%scan3A_420 = %scan3A_174) -> (i32)  : i32 {
      %mul3A_421 = arith.constant 128 : i32
      %mul3A_422 = arith.muli %scan3A_419, %mul3A_421 : i32
      %add3A_423 = arith.constant 0 : i32
      %add3A_424 = arith.addi %mul3A_422, %add3A_423 : i32
      %get3A = arith.index_cast %add3A_424 : i32 to index
      %get3A_425 = tpu.vector_load %arg5[%get3A] {strides = array<i32>} : memref<32768xf32, #tpu.memory_space<vmem>>, vector<16xf32>,
      %sub3A_426 = arith.subf %get3A_425, %while3A_167#1 : vector<16xf32>
      %max3A_427 = arith.constant 0.000000e+00 : f32
      %max3A_428 = vector.broadcast %max3A_427 : f32 to vector<16xf32>
      %max3A_429 = arith.maximumf %sub3A_426, %max3A_428 : vector<16xf32>
      %swap3A = arith.index_cast %add3A_424 : i32 to index
      %swap3A_430 = tpu.vector_load %arg6[%swap3A] {strides = array<i32>} : memref<32768xf32, #tpu.memory_space<vmem>>, vector<16xf32>,
      tpu.vector_store %arg6[%swap3A], %max3A_429 {strides = array<i32>} : memref<32768xf32, #tpu.memory_space<vmem>>, vector<16xf32>,
      %min3A = arith.minimumf %get3A_425, %while3A_167#1 : vector<16xf32>
      %swap3A_431 = arith.index_cast %add3A_424 : i32 to index
      %swap3A_432 = tpu.vector_load %arg7[%swap3A_431] {strides = array<i32>} : memref<32768xf32, #tpu.memory_space<vmem>>, vector<16xf32>,
      tpu.vector_store %arg7[%swap3A_431], %min3A {strides = array<i32>} : memref<32768xf32, #tpu.memory_space<vmem>>, vector<16xf32>,
      %add3A_433 = arith.constant 16 : i32
      %add3A_434 = arith.addi %mul3A_422, %add3A_433 : i32
      %get3A_435 = arith.index_cast %add3A_434 : i32 to index
      %get3A_436 = tpu.vector_load %arg5[%get3A_435] {strides = array<i32>} : memref<32768xf32, #tpu.memory_space<vmem>>, vector<16xf32>,
      %sub3A_437 = arith.subf %get3A_436, %while3A_167#1 : vector<16xf32>
      %max3A_438 = arith.constant 0.000000e+00 : f32
      %max3A_439 = vector.broadcast %max3A_438 : f32 to vector<16xf32>
      %max3A_440 = arith.maximumf %sub3A_437, %max3A_439 : vector<16xf32>
      %swap3A_441 = arith.index_cast %add3A_434 : i32 to index
      %swap3A_442 = tpu.vector_load %arg6[%swap3A_441] {strides = array<i32>} : memref<32768xf32, #tpu.memory_space<vmem>>, vector<16xf32>,
      tpu.vector_store %arg6[%swap3A_441], %max3A_440 {strides = array<i32>} : memref<32768xf32, #tpu.memory_space<vmem>>, vector<16xf32>,
      %min3A_443 = arith.minimumf %get3A_436, %while3A_167#1 : vector<16xf32>
      %swap3A_444 = arith.index_cast %add3A_434 : i32 to index
      %swap3A_445 = tpu.vector_load %arg7[%swap3A_444] {strides = array<i32>} : memref<32768xf32, #tpu.memory_space<vmem>>, vector<16xf32>,
      tpu.vector_store %arg7[%swap3A_444], %min3A_443 {strides = array<i32>} : memref<32768xf32, #tpu.memory_space<vmem>>, vector<16xf32>,
      %add3A_446 = arith.constant 32 : i32
      %add3A_447 = arith.addi %mul3A_422, %add3A_446 : i32
      %get3A_448 = arith.index_cast %add3A_447 : i32 to index
      %get3A_449 = tpu.vector_load %arg5[%get3A_448] {strides = array<i32>} : memref<32768xf32, #tpu.memory_space<vmem>>, vector<16xf32>,
      %sub3A_450 = arith.subf %get3A_449, %while3A_167#1 : vector<16xf32>
      %max3A_451 = arith.constant 0.000000e+00 : f32
      %max3A_452 = vector.broadcast %max3A_451 : f32 to vector<16xf32>
      %max3A_453 = arith.maximumf %sub3A_450, %max3A_452 : vector<16xf32>
      %swap3A_454 = arith.index_cast %add3A_447 : i32 to index
      %swap3A_455 = tpu.vector_load %arg6[%swap3A_454] {strides = array<i32>} : memref<32768xf32, #tpu.memory_space<vmem>>, vector<16xf32>,
      tpu.vector_store %arg6[%swap3A_454], %max3A_453 {strides = array<i32>} : memref<32768xf32, #tpu.memory_space<vmem>>, vector<16xf32>,
      %min3A_456 = arith.minimumf %get3A_449, %while3A_167#1 : vector<16xf32>
      %swap3A_457 = arith.index_cast %add3A_447 : i32 to index
      %swap3A_458 = tpu.vector_load %arg7[%swap3A_457] {strides = array<i32>} : memref<32768xf32, #tpu.memory_space<vmem>>, vector<16xf32>,
      tpu.vector_store %arg7[%swap3A_457], %min3A_456 {strides = array<i32>} : memref<32768xf32, #tpu.memory_space<vmem>>, vector<16xf32>,
      %add3A_459 = arith.constant 48 : i32
      %add3A_460 = arith.addi %mul3A_422, %add3A_459 : i32
      %get3A_461 = arith.index_cast %add3A_460 : i32 to index
      %get3A_462 = tpu.vector_load %arg5[%get3A_461] {strides = array<i32>} : memref<32768xf32, #tpu.memory_space<vmem>>, vector<16xf32>,
      %sub3A_463 = arith.subf %get3A_462, %while3A_167#1 : vector<16xf32>
      %max3A_464 = arith.constant 0.000000e+00 : f32
      %max3A_465 = vector.broadcast %max3A_464 : f32 to vector<16xf32>
      %max3A_466 = arith.maximumf %sub3A_463, %max3A_465 : vector<16xf32>
      %swap3A_467 = arith.index_cast %add3A_460 : i32 to index
      %swap3A_468 = tpu.vector_load %arg6[%swap3A_467] {strides = array<i32>} : memref<32768xf32, #tpu.memory_space<vmem>>, vector<16xf32>,
      tpu.vector_store %arg6[%swap3A_467], %max3A_466 {strides = array<i32>} : memref<32768xf32, #tpu.memory_space<vmem>>, vector<16xf32>,
      %min3A_469 = arith.minimumf %get3A_462, %while3A_167#1 : vector<16xf32>
      %swap3A_470 = arith.index_cast %add3A_460 : i32 to index
      %swap3A_471 = tpu.vector_load %arg7[%swap3A_470] {strides = array<i32>} : memref<32768xf32, #tpu.memory_space<vmem>>, vector<16xf32>,
      tpu.vector_store %arg7[%swap3A_470], %min3A_469 {strides = array<i32>} : memref<32768xf32, #tpu.memory_space<vmem>>, vector<16xf32>,
      %add3A_472 = arith.constant 64 : i32
      %add3A_473 = arith.addi %mul3A_422, %add3A_472 : i32
      %get3A_474 = arith.index_cast %add3A_473 : i32 to index
      %get3A_475 = tpu.vector_load %arg5[%get3A_474] {strides = array<i32>} : memref<32768xf32, #tpu.memory_space<vmem>>, vector<16xf32>,
      %sub3A_476 = arith.subf %get3A_475, %while3A_167#1 : vector<16xf32>
      %max3A_477 = arith.constant 0.000000e+00 : f32
      %max3A_478 = vector.broadcast %max3A_477 : f32 to vector<16xf32>
      %max3A_479 = arith.maximumf %sub3A_476, %max3A_478 : vector<16xf32>
      %swap3A_480 = arith.index_cast %add3A_473 : i32 to index
      %swap3A_481 = tpu.vector_load %arg6[%swap3A_480] {strides = array<i32>} : memref<32768xf32, #tpu.memory_space<vmem>>, vector<16xf32>,
      tpu.vector_store %arg6[%swap3A_480], %max3A_479 {strides = array<i32>} : memref<32768xf32, #tpu.memory_space<vmem>>, vector<16xf32>,
      %min3A_482 = arith.minimumf %get3A_475, %while3A_167#1 : vector<16xf32>
      %swap3A_483 = arith.index_cast %add3A_473 : i32 to index
      %swap3A_484 = tpu.vector_load %arg7[%swap3A_483] {strides = array<i32>} : memref<32768xf32, #tpu.memory_space<vmem>>, vector<16xf32>,
      tpu.vector_store %arg7[%swap3A_483], %min3A_482 {strides = array<i32>} : memref<32768xf32, #tpu.memory_space<vmem>>, vector<16xf32>,
      %add3A_485 = arith.constant 80 : i32
      %add3A_486 = arith.addi %mul3A_422, %add3A_485 : i32
      %get3A_487 = arith.index_cast %add3A_486 : i32 to index
      %get3A_488 = tpu.vector_load %arg5[%get3A_487] {strides = array<i32>} : memref<32768xf32, #tpu.memory_space<vmem>>, vector<16xf32>,
      %sub3A_489 = arith.subf %get3A_488, %while3A_167#1 : vector<16xf32>
      %max3A_490 = arith.constant 0.000000e+00 : f32
      %max3A_491 = vector.broadcast %max3A_490 : f32 to vector<16xf32>
      %max3A_492 = arith.maximumf %sub3A_489, %max3A_491 : vector<16xf32>
      %swap3A_493 = arith.index_cast %add3A_486 : i32 to index
      %swap3A_494 = tpu.vector_load %arg6[%swap3A_493] {strides = array<i32>} : memref<32768xf32, #tpu.memory_space<vmem>>, vector<16xf32>,
      tpu.vector_store %arg6[%swap3A_493], %max3A_492 {strides = array<i32>} : memref<32768xf32, #tpu.memory_space<vmem>>, vector<16xf32>,
      %min3A_495 = arith.minimumf %get3A_488, %while3A_167#1 : vector<16xf32>
      %swap3A_496 = arith.index_cast %add3A_486 : i32 to index
      %swap3A_497 = tpu.vector_load %arg7[%swap3A_496] {strides = array<i32>} : memref<32768xf32, #tpu.memory_space<vmem>>, vector<16xf32>,
      tpu.vector_store %arg7[%swap3A_496], %min3A_495 {strides = array<i32>} : memref<32768xf32, #tpu.memory_space<vmem>>, vector<16xf32>,
      %add3A_498 = arith.constant 96 : i32
      %add3A_499 = arith.addi %mul3A_422, %add3A_498 : i32
      %get3A_500 = arith.index_cast %add3A_499 : i32 to index
      %get3A_501 = tpu.vector_load %arg5[%get3A_500] {strides = array<i32>} : memref<32768xf32, #tpu.memory_space<vmem>>, vector<16xf32>,
      %sub3A_502 = arith.subf %get3A_501, %while3A_167#1 : vector<16xf32>
      %max3A_503 = arith.constant 0.000000e+00 : f32
      %max3A_504 = vector.broadcast %max3A_503 : f32 to vector<16xf32>
      %max3A_505 = arith.maximumf %sub3A_502, %max3A_504 : vector<16xf32>
      %swap3A_506 = arith.index_cast %add3A_499 : i32 to index
      %swap3A_507 = tpu.vector_load %arg6[%swap3A_506] {strides = array<i32>} : memref<32768xf32, #tpu.memory_space<vmem>>, vector<16xf32>,
      tpu.vector_store %arg6[%swap3A_506], %max3A_505 {strides = array<i32>} : memref<32768xf32, #tpu.memory_space<vmem>>, vector<16xf32>,
      %min3A_508 = arith.minimumf %get3A_501, %while3A_167#1 : vector<16xf32>
      %swap3A_509 = arith.index_cast %add3A_499 : i32 to index
      %swap3A_510 = tpu.vector_load %arg7[%swap3A_509] {strides = array<i32>} : memref<32768xf32, #tpu.memory_space<vmem>>, vector<16xf32>,
      tpu.vector_store %arg7[%swap3A_509], %min3A_508 {strides = array<i32>} : memref<32768xf32, #tpu.memory_space<vmem>>, vector<16xf32>,
      %add3A_511 = arith.constant 112 : i32
      %add3A_512 = arith.addi %mul3A_422, %add3A_511 : i32
      %get3A_513 = arith.index_cast %add3A_512 : i32 to index
      %get3A_514 = tpu.vector_load %arg5[%get3A_513] {strides = array<i32>} : memref<32768xf32, #tpu.memory_space<vmem>>, vector<16xf32>,
      %sub3A_515 = arith.subf %get3A_514, %while3A_167#1 : vector<16xf32>
      %max3A_516 = arith.constant 0.000000e+00 : f32
      %max3A_517 = vector.broadcast %max3A_516 : f32 to vector<16xf32>
      %max3A_518 = arith.maximumf %sub3A_515, %max3A_517 : vector<16xf32>
      %swap3A_519 = arith.index_cast %add3A_512 : i32 to index
      %swap3A_520 = tpu.vector_load %arg6[%swap3A_519] {strides = array<i32>} : memref<32768xf32, #tpu.memory_space<vmem>>, vector<16xf32>,
      tpu.vector_store %arg6[%swap3A_519], %max3A_518 {strides = array<i32>} : memref<32768xf32, #tpu.memory_space<vmem>>, vector<16xf32>,
      %min3A_521 = arith.minimumf %get3A_514, %while3A_167#1 : vector<16xf32>
      %swap3A_522 = arith.index_cast %add3A_512 : i32 to index
      %swap3A_523 = tpu.vector_load %arg7[%swap3A_522] {strides = array<i32>} : memref<32768xf32, #tpu.memory_space<vmem>>, vector<16xf32>,
      tpu.vector_store %arg7[%swap3A_522], %min3A_521 {strides = array<i32>} : memref<32768xf32, #tpu.memory_space<vmem>>, vector<16xf32>,
      %scan3A_524 = arith.constant 0 : i32
      scf.yield %scan3A_524 : i32
    }
    %scan3A_180 = arith.constant 256 : i32
    %dma_start3A_181 = arith.constant 0 : i32
    %dma_start3A_182 = tpu.memref_slice %arg3[%add3A_90, %dma_start3A_181] : memref<128x32768xf32, #tpu.memory_space<hbm>> -> memref<1x32768xf32, #tpu.memory_space<hbm>>
    %dma_start3A_183 = tpu.memref_squeeze %dma_start3A_182 : memref<1x32768xf32, #tpu.memory_space<hbm>> -> memref<32768xf32, #tpu.memory_space<hbm>>
    %dma_start3A_184 = arith.constant 0 : i32
    %dma_start3A_185 = tpu.memref_slice %arg3[%add3A_90, %dma_start3A_184] : memref<128x32768xf32, #tpu.memory_space<hbm>> -> memref<1x32768xf32, #tpu.memory_space<hbm>>
    %dma_start3A_186 = tpu.memref_squeeze %dma_start3A_185 : memref<1x32768xf32, #tpu.memory_space<hbm>> -> memref<32768xf32, #tpu.memory_space<hbm>>
    tpu.enqueue_dma source(%arg6 : memref<32768xf32, #tpu.memory_space<vmem>>) target(%dma_start3A_186 : memref<32768xf32, #tpu.memory_space<hbm>>) target_semaphore(%arg9 : memref<!tpu.dma_semaphore, #tpu.memory_space<semaphore_mem>>)
    %dma_start3A_187 = arith.constant 0 : i32
    %dma_start3A_188 = tpu.memref_slice %arg4[%add3A_90, %dma_start3A_187] : memref<128x32768xf32, #tpu.memory_space<hbm>> -> memref<1x32768xf32, #tpu.memory_space<hbm>>
    %dma_start3A_189 = tpu.memref_squeeze %dma_start3A_188 : memref<1x32768xf32, #tpu.memory_space<hbm>> -> memref<32768xf32, #tpu.memory_space<hbm>>
    %dma_start3A_190 = arith.constant 0 : i32
    %dma_start3A_191 = tpu.memref_slice %arg4[%add3A_90, %dma_start3A_190] : memref<128x32768xf32, #tpu.memory_space<hbm>> -> memref<1x32768xf32, #tpu.memory_space<hbm>>
    %dma_start3A_192 = tpu.memref_squeeze %dma_start3A_191 : memref<1x32768xf32, #tpu.memory_space<hbm>> -> memref<32768xf32, #tpu.memory_space<hbm>>
    tpu.enqueue_dma source(%arg7 : memref<32768xf32, #tpu.memory_space<vmem>>) target(%dma_start3A_192 : memref<32768xf32, #tpu.memory_space<hbm>>) target_semaphore(%arg10 : memref<!tpu.dma_semaphore, #tpu.memory_space<semaphore_mem>>)
    %mul3A_193 = arith.constant 4 : i32
    %mul3A_194 = arith.muli %add3A, %mul3A_193 : i32
    %add3A_195 = arith.constant 2 : i32
    %add3A_196 = arith.addi %mul3A_194, %add3A_195 : i32
    "tpu.region"() ({
      %run_scoped3A = tpu.sem_alloc : memref<!tpu.dma_semaphore, #tpu.memory_space<semaphore_mem>>
      %dma_start3A_419 = arith.constant 0 : i32
      %dma_start3A_420 = tpu.memref_slice %arg2[%add3A_196, %dma_start3A_419] : memref<128x32768xf32, #tpu.memory_space<hbm>> -> memref<1x32768xf32, #tpu.memory_space<hbm>>
      %dma_start3A_421 = tpu.memref_squeeze %dma_start3A_420 : memref<1x32768xf32, #tpu.memory_space<hbm>> -> memref<32768xf32, #tpu.memory_space<hbm>>
      %dma_start3A_422 = arith.constant 0 : i32
      %dma_start3A_423 = tpu.memref_slice %arg2[%add3A_196, %dma_start3A_422] : memref<128x32768xf32, #tpu.memory_space<hbm>> -> memref<1x32768xf32, #tpu.memory_space<hbm>>
      %dma_start3A_424 = tpu.memref_squeeze %dma_start3A_423 : memref<1x32768xf32, #tpu.memory_space<hbm>> -> memref<32768xf32, #tpu.memory_space<hbm>>
      tpu.enqueue_dma source(%dma_start3A_424 : memref<32768xf32, #tpu.memory_space<hbm>>) target(%arg5 : memref<32768xf32, #tpu.memory_space<vmem>>) target_semaphore(%run_scoped3A : memref<!tpu.dma_semaphore, #tpu.memory_space<semaphore_mem>>)
      %dma_wait3A_425 = arith.constant 0 : i32
      %dma_wait3A_426 = tpu.memref_slice %arg2[%add3A_196, %dma_wait3A_425] : memref<128x32768xf32, #tpu.memory_space<hbm>> -> memref<1x32768xf32, #tpu.memory_space<hbm>>
      %dma_wait3A_427 = tpu.memref_squeeze %dma_wait3A_426 : memref<1x32768xf32, #tpu.memory_space<hbm>> -> memref<32768xf32, #tpu.memory_space<hbm>>
      %dma_wait3A_428 = arith.constant 0 : i32
      %dma_wait3A_429 = tpu.memref_slice %arg2[%add3A_196, %dma_wait3A_428] : memref<128x32768xf32, #tpu.memory_space<hbm>> -> memref<1x32768xf32, #tpu.memory_space<hbm>>
      %dma_wait3A_430 = tpu.memref_squeeze %dma_wait3A_429 : memref<1x32768xf32, #tpu.memory_space<hbm>> -> memref<32768xf32, #tpu.memory_space<hbm>>
      tpu.wait_dma2 semaphore(%run_scoped3A : memref<!tpu.dma_semaphore, #tpu.memory_space<semaphore_mem>>) src(%dma_wait3A_430 : memref<32768xf32, #tpu.memory_space<hbm>>) dst(%arg5 : memref<32768xf32, #tpu.memory_space<vmem>>)
      tpu.yield
    }) : () -> ()
    %broadcast_in_dim3A_197 = arith.constant 0xFF800000 : f32
    %broadcast_in_dim3A_198 = vector.broadcast %broadcast_in_dim3A_197 : f32 to vector<16xf32>
    %scan3A_199 = arith.constant 0 : i32
    %scan3A_200 = arith.constant 256 : i32
    %scan3A_201 = arith.addi %scan3A_199, %scan3A_200 : i32
    %scan3A_202 = arith.constant 1 : i32
    %scan3A_203:8 = scf.for %scan3A_419 = %scan3A_199 to %scan3A_201 step %scan3A_202 iter_args(%scan3A_420 = %broadcast_in_dim3A_198, %scan3A_421 = %broadcast_in_dim3A_198, %scan3A_422 = %broadcast_in_dim3A_198, %scan3A_423 = %broadcast_in_dim3A_198, %scan3A_424 = %broadcast_in_dim3A_198, %scan3A_425 = %broadcast_in_dim3A_198, %scan3A_426 = %broadcast_in_dim3A_198, %scan3A_427 = %broadcast_in_dim3A_198) -> (vector<16xf32>, vector<16xf32>, vector<16xf32>, vector<16xf32>, vector<16xf32>, vector<16xf32>, vector<16xf32>, vector<16xf32>)  : i32 {
      %mul3A_428 = arith.constant 128 : i32
      %mul3A_429 = arith.muli %scan3A_419, %mul3A_428 : i32
      %add3A_430 = arith.constant 0 : i32
      %add3A_431 = arith.addi %mul3A_429, %add3A_430 : i32
      %get3A = arith.index_cast %add3A_431 : i32 to index
      %get3A_432 = tpu.vector_load %arg5[%get3A] {strides = array<i32>} : memref<32768xf32, #tpu.memory_space<vmem>>, vector<16xf32>,
      %max3A_433 = arith.maximumf %scan3A_420, %get3A_432 : vector<16xf32>
      %add3A_434 = arith.constant 16 : i32
      %add3A_435 = arith.addi %mul3A_429, %add3A_434 : i32
      %get3A_436 = arith.index_cast %add3A_435 : i32 to index
      %get3A_437 = tpu.vector_load %arg5[%get3A_436] {strides = array<i32>} : memref<32768xf32, #tpu.memory_space<vmem>>, vector<16xf32>,
      %max3A_438 = arith.maximumf %scan3A_421, %get3A_437 : vector<16xf32>
      %add3A_439 = arith.constant 32 : i32
      %add3A_440 = arith.addi %mul3A_429, %add3A_439 : i32
      %get3A_441 = arith.index_cast %add3A_440 : i32 to index
      %get3A_442 = tpu.vector_load %arg5[%get3A_441] {strides = array<i32>} : memref<32768xf32, #tpu.memory_space<vmem>>, vector<16xf32>,
      %max3A_443 = arith.maximumf %scan3A_422, %get3A_442 : vector<16xf32>
      %add3A_444 = arith.constant 48 : i32
      %add3A_445 = arith.addi %mul3A_429, %add3A_444 : i32
      %get3A_446 = arith.index_cast %add3A_445 : i32 to index
      %get3A_447 = tpu.vector_load %arg5[%get3A_446] {strides = array<i32>} : memref<32768xf32, #tpu.memory_space<vmem>>, vector<16xf32>,
      %max3A_448 = arith.maximumf %scan3A_423, %get3A_447 : vector<16xf32>
      %add3A_449 = arith.constant 64 : i32
      %add3A_450 = arith.addi %mul3A_429, %add3A_449 : i32
      %get3A_451 = arith.index_cast %add3A_450 : i32 to index
      %get3A_452 = tpu.vector_load %arg5[%get3A_451] {strides = array<i32>} : memref<32768xf32, #tpu.memory_space<vmem>>, vector<16xf32>,
      %max3A_453 = arith.maximumf %scan3A_424, %get3A_452 : vector<16xf32>
      %add3A_454 = arith.constant 80 : i32
      %add3A_455 = arith.addi %mul3A_429, %add3A_454 : i32
      %get3A_456 = arith.index_cast %add3A_455 : i32 to index
      %get3A_457 = tpu.vector_load %arg5[%get3A_456] {strides = array<i32>} : memref<32768xf32, #tpu.memory_space<vmem>>, vector<16xf32>,
      %max3A_458 = arith.maximumf %scan3A_425, %get3A_457 : vector<16xf32>
      %add3A_459 = arith.constant 96 : i32
      %add3A_460 = arith.addi %mul3A_429, %add3A_459 : i32
      %get3A_461 = arith.index_cast %add3A_460 : i32 to index
      %get3A_462 = tpu.vector_load %arg5[%get3A_461] {strides = array<i32>} : memref<32768xf32, #tpu.memory_space<vmem>>, vector<16xf32>,
      %max3A_463 = arith.maximumf %scan3A_426, %get3A_462 : vector<16xf32>
      %add3A_464 = arith.constant 112 : i32
      %add3A_465 = arith.addi %mul3A_429, %add3A_464 : i32
      %get3A_466 = arith.index_cast %add3A_465 : i32 to index
      %get3A_467 = tpu.vector_load %arg5[%get3A_466] {strides = array<i32>} : memref<32768xf32, #tpu.memory_space<vmem>>, vector<16xf32>,
      %max3A_468 = arith.maximumf %scan3A_427, %get3A_467 : vector<16xf32>
      scf.yield %max3A_433, %max3A_438, %max3A_443, %max3A_448, %max3A_453, %max3A_458, %max3A_463, %max3A_468 : vector<16xf32>, vector<16xf32>, vector<16xf32>, vector<16xf32>, vector<16xf32>, vector<16xf32>, vector<16xf32>, vector<16xf32>
    }
    %scan3A_204 = arith.constant 256 : i32
    %max3A_205 = arith.maximumf %scan3A_203#0, %scan3A_203#1 : vector<16xf32>
    %max3A_206 = arith.maximumf %max3A_205, %scan3A_203#2 : vector<16xf32>
    %max3A_207 = arith.maximumf %max3A_206, %scan3A_203#3 : vector<16xf32>
    %max3A_208 = arith.maximumf %max3A_207, %scan3A_203#4 : vector<16xf32>
    %max3A_209 = arith.maximumf %max3A_208, %scan3A_203#5 : vector<16xf32>
    %max3A_210 = arith.maximumf %max3A_209, %scan3A_203#6 : vector<16xf32>
    %max3A_211 = arith.maximumf %max3A_210, %scan3A_203#7 : vector<16xf32>
    %reduce_max3A_212 = arith.constant true
    %reduce_max3A_213 = vector.broadcast %reduce_max3A_212 : i1 to vector<16xi1>
    %reduce_max3A_214 = tpu.scan <max>, %max3A_211 masked %reduce_max3A_213 : vector<16xf32>, vector<16xi1> -> vector<16xf32>
    %reduce_max3A_215 = vector.extract %reduce_max3A_214[15] : f32 from vector<16xf32>
    %sub3A_216 = arith.constant 1.000000e+00 : f32
    %sub3A_217 = arith.subf %reduce_max3A_215, %sub3A_216 : f32
    %broadcast_in_dim3A_218 = vector.broadcast %sub3A_217 : f32 to vector<16xf32>
    %dma_wait3A_219 = arith.constant 0 : i32
    %dma_wait3A_220 = tpu.memref_slice %arg4[%add3A_90, %dma_wait3A_219] : memref<128x32768xf32, #tpu.memory_space<hbm>> -> memref<1x32768xf32, #tpu.memory_space<hbm>>
    %dma_wait3A_221 = tpu.memref_squeeze %dma_wait3A_220 : memref<1x32768xf32, #tpu.memory_space<hbm>> -> memref<32768xf32, #tpu.memory_space<hbm>>
    %dma_wait3A_222 = arith.constant 0 : i32
    %dma_wait3A_223 = tpu.memref_slice %arg4[%add3A_90, %dma_wait3A_222] : memref<128x32768xf32, #tpu.memory_space<hbm>> -> memref<1x32768xf32, #tpu.memory_space<hbm>>
    %dma_wait3A_224 = tpu.memref_squeeze %dma_wait3A_223 : memref<1x32768xf32, #tpu.memory_space<hbm>> -> memref<32768xf32, #tpu.memory_space<hbm>>
    tpu.wait_dma2 semaphore(%arg10 : memref<!tpu.dma_semaphore, #tpu.memory_space<semaphore_mem>>) src(%arg7 : memref<32768xf32, #tpu.memory_space<vmem>>) dst(%dma_wait3A_224 : memref<32768xf32, #tpu.memory_space<hbm>>)
    %scan3A_225 = arith.constant 0 : i32
    %scan3A_226 = arith.constant 0 : i32
    %scan3A_227 = arith.constant 256 : i32
    %scan3A_228 = arith.addi %scan3A_226, %scan3A_227 : i32
    %scan3A_229 = arith.constant 1 : i32
    %scan3A_230 = scf.for %scan3A_419 = %scan3A_226 to %scan3A_228 step %scan3A_229 iter_args(%scan3A_420 = %scan3A_225) -> (i32)  : i32 {
      %mul3A_421 = arith.constant 128 : i32
      %mul3A_422 = arith.muli %scan3A_419, %mul3A_421 : i32
      %get3A = arith.index_cast %mul3A_422 : i32 to index
      %get3A_423 = tpu.vector_load %arg5[%get3A] {strides = array<i32>} : memref<32768xf32, #tpu.memory_space<vmem>>, vector<16xf32>,
      %gt3A = arith.cmpf ogt, %get3A_423, %broadcast_in_dim3A_218 : vector<16xf32>
      %add3A_424 = arith.constant 16 : i32
      %add3A_425 = arith.addi %mul3A_422, %add3A_424 : i32
      %get3A_426 = arith.index_cast %add3A_425 : i32 to index
      %get3A_427 = tpu.vector_load %arg5[%get3A_426] {strides = array<i32>} : memref<32768xf32, #tpu.memory_space<vmem>>, vector<16xf32>,
      %gt3A_428 = arith.cmpf ogt, %get3A_427, %broadcast_in_dim3A_218 : vector<16xf32>
      %or3A = arith.ori %gt3A, %gt3A_428 : vector<16xi1>
      %add3A_429 = arith.constant 32 : i32
      %add3A_430 = arith.addi %mul3A_422, %add3A_429 : i32
      %get3A_431 = arith.index_cast %add3A_430 : i32 to index
      %get3A_432 = tpu.vector_load %arg5[%get3A_431] {strides = array<i32>} : memref<32768xf32, #tpu.memory_space<vmem>>, vector<16xf32>,
      %gt3A_433 = arith.cmpf ogt, %get3A_432, %broadcast_in_dim3A_218 : vector<16xf32>
      %or3A_434 = arith.ori %or3A, %gt3A_433 : vector<16xi1>
      %add3A_435 = arith.constant 48 : i32
      %add3A_436 = arith.addi %mul3A_422, %add3A_435 : i32
      %get3A_437 = arith.index_cast %add3A_436 : i32 to index
      %get3A_438 = tpu.vector_load %arg5[%get3A_437] {strides = array<i32>} : memref<32768xf32, #tpu.memory_space<vmem>>, vector<16xf32>,
      %gt3A_439 = arith.cmpf ogt, %get3A_438, %broadcast_in_dim3A_218 : vector<16xf32>
      %or3A_440 = arith.ori %or3A_434, %gt3A_439 : vector<16xi1>
      %add3A_441 = arith.constant 64 : i32
      %add3A_442 = arith.addi %mul3A_422, %add3A_441 : i32
      %get3A_443 = arith.index_cast %add3A_442 : i32 to index
      %get3A_444 = tpu.vector_load %arg5[%get3A_443] {strides = array<i32>} : memref<32768xf32, #tpu.memory_space<vmem>>, vector<16xf32>,
      %gt3A_445 = arith.cmpf ogt, %get3A_444, %broadcast_in_dim3A_218 : vector<16xf32>
      %or3A_446 = arith.ori %or3A_440, %gt3A_445 : vector<16xi1>
      %add3A_447 = arith.constant 80 : i32
      %add3A_448 = arith.addi %mul3A_422, %add3A_447 : i32
      %get3A_449 = arith.index_cast %add3A_448 : i32 to index
      %get3A_450 = tpu.vector_load %arg5[%get3A_449] {strides = array<i32>} : memref<32768xf32, #tpu.memory_space<vmem>>, vector<16xf32>,
      %gt3A_451 = arith.cmpf ogt, %get3A_450, %broadcast_in_dim3A_218 : vector<16xf32>
      %or3A_452 = arith.ori %or3A_446, %gt3A_451 : vector<16xi1>
      %add3A_453 = arith.constant 96 : i32
      %add3A_454 = arith.addi %mul3A_422, %add3A_453 : i32
      %get3A_455 = arith.index_cast %add3A_454 : i32 to index
      %get3A_456 = tpu.vector_load %arg5[%get3A_455] {strides = array<i32>} : memref<32768xf32, #tpu.memory_space<vmem>>, vector<16xf32>,
      %gt3A_457 = arith.cmpf ogt, %get3A_456, %broadcast_in_dim3A_218 : vector<16xf32>
      %or3A_458 = arith.ori %or3A_452, %gt3A_457 : vector<16xi1>
      %add3A_459 = arith.constant 112 : i32
      %add3A_460 = arith.addi %mul3A_422, %add3A_459 : i32
      %get3A_461 = arith.index_cast %add3A_460 : i32 to index
      %get3A_462 = tpu.vector_load %arg5[%get3A_461] {strides = array<i32>} : memref<32768xf32, #tpu.memory_space<vmem>>, vector<16xf32>,
      %gt3A_463 = arith.cmpf ogt, %get3A_462, %broadcast_in_dim3A_218 : vector<16xf32>
      %or3A_464 = arith.ori %or3A_458, %gt3A_463 : vector<16xi1>
      %reduce_or3A = arith.constant 1.000000e+00 : f32
      %reduce_or3A_465 = arith.constant 0.000000e+00 : f32
      %reduce_or3A_466 = vector.broadcast %reduce_or3A : f32 to vector<16xf32>
      %reduce_or3A_467 = vector.broadcast %reduce_or3A_465 : f32 to vector<16xf32>
      %reduce_or3A_468 = arith.select %or3A_464, %reduce_or3A_466, %reduce_or3A_467 : vector<16xi1>, vector<16xf32>
      %reduce_or3A_469 = arith.constant true
      %reduce_or3A_470 = vector.broadcast %reduce_or3A_469 : i1 to vector<16xi1>
      %reduce_or3A_471 = tpu.scan <max>, %reduce_or3A_468 masked %reduce_or3A_470 : vector<16xf32>, vector<16xi1> -> vector<16xf32>
      %reduce_or3A_472 = vector.extract %reduce_or3A_471[15] : f32 from vector<16xf32>
      %reduce_or3A_473 = arith.constant 0.000000e+00 : f32
      %reduce_or3A_474 = arith.cmpf ogt, %reduce_or3A_472, %reduce_or3A_473 : f32
      %convert_element_type3A = arith.extui %reduce_or3A_474 : i1 to i32
      %cond3A = arith.constant 0 : i32
      %cond3A_475 = arith.cmpi ne, %convert_element_type3A, %cond3A : i32
      scf.if %cond3A_475 {
        %swap3A = arith.index_cast %scan3A_420 : i32 to index
        %swap3A_478 = memref.load %arg8[%swap3A] : memref<256xi32, #tpu.memory_space<smem>>
        memref.store %scan3A_419, %arg8[%swap3A] : memref<256xi32, #tpu.memory_space<smem>>
      } else {
      }
      %jit3A = arith.constant 1 : i32
      %jit3A_476 = arith.constant 0 : i32
      %select_n3A = arith.select %reduce_or3A_474, %jit3A, %jit3A_476 : i32
      %add3A_477 = arith.addi %scan3A_420, %select_n3A : i32
      scf.yield %add3A_477 : i32
    }
    %scan3A_231 = arith.constant 256 : i32
    %broadcast_in_dim3A_232 = arith.constant 0.000000e+00 : f32
    %broadcast_in_dim3A_233 = vector.broadcast %broadcast_in_dim3A_232 : f32 to vector<16xf32>
    %while3A_234 = arith.constant 0 : i32
    %while3A_235 = arith.subi %scan3A_230, %while3A_234 : i32
    %while3A_236 = arith.addi %while3A_234, %while3A_235 : i32
    %while3A_237 = arith.constant 1 : i32
    %while3A_238 = arith.divsi %while3A_235, %while3A_237 : i32
    %while3A_239 = arith.muli %while3A_238, %while3A_237 : i32
    %while3A_240 = arith.addi %while3A_234, %while3A_239 : i32
    %while3A_241 = arith.constant 1 : i32
    %while3A_242:16 = scf.for %while3A_419 = %while3A_234 to %while3A_240 step %while3A_241 iter_args(%while3A_420 = %broadcast_in_dim3A_233, %while3A_421 = %broadcast_in_dim3A_233, %while3A_422 = %broadcast_in_dim3A_233, %while3A_423 = %broadcast_in_dim3A_233, %while3A_424 = %broadcast_in_dim3A_233, %while3A_425 = %broadcast_in_dim3A_233, %while3A_426 = %broadcast_in_dim3A_233, %while3A_427 = %broadcast_in_dim3A_233, %while3A_428 = %broadcast_in_dim3A_233, %while3A_429 = %broadcast_in_dim3A_233, %while3A_430 = %broadcast_in_dim3A_233, %while3A_431 = %broadcast_in_dim3A_233, %while3A_432 = %broadcast_in_dim3A_233, %while3A_433 = %broadcast_in_dim3A_233, %while3A_434 = %broadcast_in_dim3A_233, %while3A_435 = %broadcast_in_dim3A_233) -> (vector<16xf32>, vector<16xf32>, vector<16xf32>, vector<16xf32>, vector<16xf32>, vector<16xf32>, vector<16xf32>, vector<16xf32>, vector<16xf32>, vector<16xf32>, vector<16xf32>, vector<16xf32>, vector<16xf32>, vector<16xf32>, vector<16xf32>, vector<16xf32>)  : i32 {
      %get3A = arith.index_cast %while3A_419 : i32 to index
      %get3A_436 = memref.load %arg8[%get3A] : memref<256xi32, #tpu.memory_space<smem>>
      %mul3A_437 = arith.constant 128 : i32
      %mul3A_438 = arith.muli %get3A_436, %mul3A_437 : i32
      %add3A_439 = arith.constant 0 : i32
      %add3A_440 = arith.addi %mul3A_438, %add3A_439 : i32
      %get3A_441 = arith.index_cast %add3A_440 : i32 to index
      %get3A_442 = tpu.vector_load %arg5[%get3A_441] {strides = array<i32>} : memref<32768xf32, #tpu.memory_space<vmem>>, vector<16xf32>,
      %gt3A = arith.cmpf ogt, %get3A_442, %broadcast_in_dim3A_218 : vector<16xf32>
      %jit3A = arith.constant 0.000000e+00 : f32
      %broadcast_in_dim3A_443 = vector.broadcast %jit3A : f32 to vector<16xf32>
      %select_n3A = arith.select %gt3A, %get3A_442, %broadcast_in_dim3A_443 : vector<16xi1>, vector<16xf32>
      %add3A_444 = arith.addf %while3A_420, %select_n3A : vector<16xf32>
      %jit3A_445 = arith.constant 1.000000e+00 : f32
      %jit3A_446 = arith.constant 0.000000e+00 : f32
      %broadcast_in_dim3A_447 = vector.broadcast %jit3A_445 : f32 to vector<16xf32>
      %broadcast_in_dim3A_448 = vector.broadcast %jit3A_446 : f32 to vector<16xf32>
      %select_n3A_449 = arith.select %gt3A, %broadcast_in_dim3A_447, %broadcast_in_dim3A_448 : vector<16xi1>, vector<16xf32>
      %add3A_450 = arith.addf %while3A_428, %select_n3A_449 : vector<16xf32>
      %add3A_451 = arith.constant 16 : i32
      %add3A_452 = arith.addi %mul3A_438, %add3A_451 : i32
      %get3A_453 = arith.index_cast %add3A_452 : i32 to index
      %get3A_454 = tpu.vector_load %arg5[%get3A_453] {strides = array<i32>} : memref<32768xf32, #tpu.memory_space<vmem>>, vector<16xf32>,
      %gt3A_455 = arith.cmpf ogt, %get3A_454, %broadcast_in_dim3A_218 : vector<16xf32>
      %jit3A_456 = arith.constant 0.000000e+00 : f32
      %broadcast_in_dim3A_457 = vector.broadcast %jit3A_456 : f32 to vector<16xf32>
      %select_n3A_458 = arith.select %gt3A_455, %get3A_454, %broadcast_in_dim3A_457 : vector<16xi1>, vector<16xf32>
      %add3A_459 = arith.addf %while3A_421, %select_n3A_458 : vector<16xf32>
      %jit3A_460 = arith.constant 1.000000e+00 : f32
      %jit3A_461 = arith.constant 0.000000e+00 : f32
      %broadcast_in_dim3A_462 = vector.broadcast %jit3A_460 : f32 to vector<16xf32>
      %broadcast_in_dim3A_463 = vector.broadcast %jit3A_461 : f32 to vector<16xf32>
      %select_n3A_464 = arith.select %gt3A_455, %broadcast_in_dim3A_462, %broadcast_in_dim3A_463 : vector<16xi1>, vector<16xf32>
      %add3A_465 = arith.addf %while3A_429, %select_n3A_464 : vector<16xf32>
      %add3A_466 = arith.constant 32 : i32
      %add3A_467 = arith.addi %mul3A_438, %add3A_466 : i32
      %get3A_468 = arith.index_cast %add3A_467 : i32 to index
      %get3A_469 = tpu.vector_load %arg5[%get3A_468] {strides = array<i32>} : memref<32768xf32, #tpu.memory_space<vmem>>, vector<16xf32>,
      %gt3A_470 = arith.cmpf ogt, %get3A_469, %broadcast_in_dim3A_218 : vector<16xf32>
      %jit3A_471 = arith.constant 0.000000e+00 : f32
      %broadcast_in_dim3A_472 = vector.broadcast %jit3A_471 : f32 to vector<16xf32>
      %select_n3A_473 = arith.select %gt3A_470, %get3A_469, %broadcast_in_dim3A_472 : vector<16xi1>, vector<16xf32>
      %add3A_474 = arith.addf %while3A_422, %select_n3A_473 : vector<16xf32>
      %jit3A_475 = arith.constant 1.000000e+00 : f32
      %jit3A_476 = arith.constant 0.000000e+00 : f32
      %broadcast_in_dim3A_477 = vector.broadcast %jit3A_475 : f32 to vector<16xf32>
      %broadcast_in_dim3A_478 = vector.broadcast %jit3A_476 : f32 to vector<16xf32>
      %select_n3A_479 = arith.select %gt3A_470, %broadcast_in_dim3A_477, %broadcast_in_dim3A_478 : vector<16xi1>, vector<16xf32>
      %add3A_480 = arith.addf %while3A_430, %select_n3A_479 : vector<16xf32>
      %add3A_481 = arith.constant 48 : i32
      %add3A_482 = arith.addi %mul3A_438, %add3A_481 : i32
      %get3A_483 = arith.index_cast %add3A_482 : i32 to index
      %get3A_484 = tpu.vector_load %arg5[%get3A_483] {strides = array<i32>} : memref<32768xf32, #tpu.memory_space<vmem>>, vector<16xf32>,
      %gt3A_485 = arith.cmpf ogt, %get3A_484, %broadcast_in_dim3A_218 : vector<16xf32>
      %jit3A_486 = arith.constant 0.000000e+00 : f32
      %broadcast_in_dim3A_487 = vector.broadcast %jit3A_486 : f32 to vector<16xf32>
      %select_n3A_488 = arith.select %gt3A_485, %get3A_484, %broadcast_in_dim3A_487 : vector<16xi1>, vector<16xf32>
      %add3A_489 = arith.addf %while3A_423, %select_n3A_488 : vector<16xf32>
      %jit3A_490 = arith.constant 1.000000e+00 : f32
      %jit3A_491 = arith.constant 0.000000e+00 : f32
      %broadcast_in_dim3A_492 = vector.broadcast %jit3A_490 : f32 to vector<16xf32>
      %broadcast_in_dim3A_493 = vector.broadcast %jit3A_491 : f32 to vector<16xf32>
      %select_n3A_494 = arith.select %gt3A_485, %broadcast_in_dim3A_492, %broadcast_in_dim3A_493 : vector<16xi1>, vector<16xf32>
      %add3A_495 = arith.addf %while3A_431, %select_n3A_494 : vector<16xf32>
      %add3A_496 = arith.constant 64 : i32
      %add3A_497 = arith.addi %mul3A_438, %add3A_496 : i32
      %get3A_498 = arith.index_cast %add3A_497 : i32 to index
      %get3A_499 = tpu.vector_load %arg5[%get3A_498] {strides = array<i32>} : memref<32768xf32, #tpu.memory_space<vmem>>, vector<16xf32>,
      %gt3A_500 = arith.cmpf ogt, %get3A_499, %broadcast_in_dim3A_218 : vector<16xf32>
      %jit3A_501 = arith.constant 0.000000e+00 : f32
      %broadcast_in_dim3A_502 = vector.broadcast %jit3A_501 : f32 to vector<16xf32>
      %select_n3A_503 = arith.select %gt3A_500, %get3A_499, %broadcast_in_dim3A_502 : vector<16xi1>, vector<16xf32>
      %add3A_504 = arith.addf %while3A_424, %select_n3A_503 : vector<16xf32>
      %jit3A_505 = arith.constant 1.000000e+00 : f32
      %jit3A_506 = arith.constant 0.000000e+00 : f32
      %broadcast_in_dim3A_507 = vector.broadcast %jit3A_505 : f32 to vector<16xf32>
      %broadcast_in_dim3A_508 = vector.broadcast %jit3A_506 : f32 to vector<16xf32>
      %select_n3A_509 = arith.select %gt3A_500, %broadcast_in_dim3A_507, %broadcast_in_dim3A_508 : vector<16xi1>, vector<16xf32>
      %add3A_510 = arith.addf %while3A_432, %select_n3A_509 : vector<16xf32>
      %add3A_511 = arith.constant 80 : i32
      %add3A_512 = arith.addi %mul3A_438, %add3A_511 : i32
      %get3A_513 = arith.index_cast %add3A_512 : i32 to index
      %get3A_514 = tpu.vector_load %arg5[%get3A_513] {strides = array<i32>} : memref<32768xf32, #tpu.memory_space<vmem>>, vector<16xf32>,
      %gt3A_515 = arith.cmpf ogt, %get3A_514, %broadcast_in_dim3A_218 : vector<16xf32>
      %jit3A_516 = arith.constant 0.000000e+00 : f32
      %broadcast_in_dim3A_517 = vector.broadcast %jit3A_516 : f32 to vector<16xf32>
      %select_n3A_518 = arith.select %gt3A_515, %get3A_514, %broadcast_in_dim3A_517 : vector<16xi1>, vector<16xf32>
      %add3A_519 = arith.addf %while3A_425, %select_n3A_518 : vector<16xf32>
      %jit3A_520 = arith.constant 1.000000e+00 : f32
      %jit3A_521 = arith.constant 0.000000e+00 : f32
      %broadcast_in_dim3A_522 = vector.broadcast %jit3A_520 : f32 to vector<16xf32>
      %broadcast_in_dim3A_523 = vector.broadcast %jit3A_521 : f32 to vector<16xf32>
      %select_n3A_524 = arith.select %gt3A_515, %broadcast_in_dim3A_522, %broadcast_in_dim3A_523 : vector<16xi1>, vector<16xf32>
      %add3A_525 = arith.addf %while3A_433, %select_n3A_524 : vector<16xf32>
      %add3A_526 = arith.constant 96 : i32
      %add3A_527 = arith.addi %mul3A_438, %add3A_526 : i32
      %get3A_528 = arith.index_cast %add3A_527 : i32 to index
      %get3A_529 = tpu.vector_load %arg5[%get3A_528] {strides = array<i32>} : memref<32768xf32, #tpu.memory_space<vmem>>, vector<16xf32>,
      %gt3A_530 = arith.cmpf ogt, %get3A_529, %broadcast_in_dim3A_218 : vector<16xf32>
      %jit3A_531 = arith.constant 0.000000e+00 : f32
      %broadcast_in_dim3A_532 = vector.broadcast %jit3A_531 : f32 to vector<16xf32>
      %select_n3A_533 = arith.select %gt3A_530, %get3A_529, %broadcast_in_dim3A_532 : vector<16xi1>, vector<16xf32>
      %add3A_534 = arith.addf %while3A_426, %select_n3A_533 : vector<16xf32>
      %jit3A_535 = arith.constant 1.000000e+00 : f32
      %jit3A_536 = arith.constant 0.000000e+00 : f32
      %broadcast_in_dim3A_537 = vector.broadcast %jit3A_535 : f32 to vector<16xf32>
      %broadcast_in_dim3A_538 = vector.broadcast %jit3A_536 : f32 to vector<16xf32>
      %select_n3A_539 = arith.select %gt3A_530, %broadcast_in_dim3A_537, %broadcast_in_dim3A_538 : vector<16xi1>, vector<16xf32>
      %add3A_540 = arith.addf %while3A_434, %select_n3A_539 : vector<16xf32>
      %add3A_541 = arith.constant 112 : i32
      %add3A_542 = arith.addi %mul3A_438, %add3A_541 : i32
      %get3A_543 = arith.index_cast %add3A_542 : i32 to index
      %get3A_544 = tpu.vector_load %arg5[%get3A_543] {strides = array<i32>} : memref<32768xf32, #tpu.memory_space<vmem>>, vector<16xf32>,
      %gt3A_545 = arith.cmpf ogt, %get3A_544, %broadcast_in_dim3A_218 : vector<16xf32>
      %jit3A_546 = arith.constant 0.000000e+00 : f32
      %broadcast_in_dim3A_547 = vector.broadcast %jit3A_546 : f32 to vector<16xf32>
      %select_n3A_548 = arith.select %gt3A_545, %get3A_544, %broadcast_in_dim3A_547 : vector<16xi1>, vector<16xf32>
      %add3A_549 = arith.addf %while3A_427, %select_n3A_548 : vector<16xf32>
      %jit3A_550 = arith.constant 1.000000e+00 : f32
      %jit3A_551 = arith.constant 0.000000e+00 : f32
      %broadcast_in_dim3A_552 = vector.broadcast %jit3A_550 : f32 to vector<16xf32>
      %broadcast_in_dim3A_553 = vector.broadcast %jit3A_551 : f32 to vector<16xf32>
      %select_n3A_554 = arith.select %gt3A_545, %broadcast_in_dim3A_552, %broadcast_in_dim3A_553 : vector<16xi1>, vector<16xf32>
      %add3A_555 = arith.addf %while3A_435, %select_n3A_554 : vector<16xf32>
      scf.yield %add3A_444, %add3A_459, %add3A_474, %add3A_489, %add3A_504, %add3A_519, %add3A_534, %add3A_549, %add3A_450, %add3A_465, %add3A_480, %add3A_495, %add3A_510, %add3A_525, %add3A_540, %add3A_555 : vector<16xf32>, vector<16xf32>, vector<16xf32>, vector<16xf32>, vector<16xf32>, vector<16xf32>, vector<16xf32>, vector<16xf32>, vector<16xf32>, vector<16xf32>, vector<16xf32>, vector<16xf32>, vector<16xf32>, vector<16xf32>, vector<16xf32>, vector<16xf32>
    }
    %while3A_243 = arith.constant 1 : i32
    %while3A_244:16 = scf.for %while3A_419 = %while3A_240 to %while3A_236 step %while3A_243 iter_args(%while3A_420 = %while3A_242#0, %while3A_421 = %while3A_242#1, %while3A_422 = %while3A_242#2, %while3A_423 = %while3A_242#3, %while3A_424 = %while3A_242#4, %while3A_425 = %while3A_242#5, %while3A_426 = %while3A_242#6, %while3A_427 = %while3A_242#7, %while3A_428 = %while3A_242#8, %while3A_429 = %while3A_242#9, %while3A_430 = %while3A_242#10, %while3A_431 = %while3A_242#11, %while3A_432 = %while3A_242#12, %while3A_433 = %while3A_242#13, %while3A_434 = %while3A_242#14, %while3A_435 = %while3A_242#15) -> (vector<16xf32>, vector<16xf32>, vector<16xf32>, vector<16xf32>, vector<16xf32>, vector<16xf32>, vector<16xf32>, vector<16xf32>, vector<16xf32>, vector<16xf32>, vector<16xf32>, vector<16xf32>, vector<16xf32>, vector<16xf32>, vector<16xf32>, vector<16xf32>)  : i32 {
      %get3A = arith.index_cast %while3A_419 : i32 to index
      %get3A_436 = memref.load %arg8[%get3A] : memref<256xi32, #tpu.memory_space<smem>>
      %mul3A_437 = arith.constant 128 : i32
      %mul3A_438 = arith.muli %get3A_436, %mul3A_437 : i32
      %add3A_439 = arith.constant 0 : i32
      %add3A_440 = arith.addi %mul3A_438, %add3A_439 : i32
      %get3A_441 = arith.index_cast %add3A_440 : i32 to index
      %get3A_442 = tpu.vector_load %arg5[%get3A_441] {strides = array<i32>} : memref<32768xf32, #tpu.memory_space<vmem>>, vector<16xf32>,
      %gt3A = arith.cmpf ogt, %get3A_442, %broadcast_in_dim3A_218 : vector<16xf32>
      %jit3A = arith.constant 0.000000e+00 : f32
      %broadcast_in_dim3A_443 = vector.broadcast %jit3A : f32 to vector<16xf32>
      %select_n3A = arith.select %gt3A, %get3A_442, %broadcast_in_dim3A_443 : vector<16xi1>, vector<16xf32>
      %add3A_444 = arith.addf %while3A_420, %select_n3A : vector<16xf32>
      %jit3A_445 = arith.constant 1.000000e+00 : f32
      %jit3A_446 = arith.constant 0.000000e+00 : f32
      %broadcast_in_dim3A_447 = vector.broadcast %jit3A_445 : f32 to vector<16xf32>
      %broadcast_in_dim3A_448 = vector.broadcast %jit3A_446 : f32 to vector<16xf32>
      %select_n3A_449 = arith.select %gt3A, %broadcast_in_dim3A_447, %broadcast_in_dim3A_448 : vector<16xi1>, vector<16xf32>
      %add3A_450 = arith.addf %while3A_428, %select_n3A_449 : vector<16xf32>
      %add3A_451 = arith.constant 16 : i32
      %add3A_452 = arith.addi %mul3A_438, %add3A_451 : i32
      %get3A_453 = arith.index_cast %add3A_452 : i32 to index
      %get3A_454 = tpu.vector_load %arg5[%get3A_453] {strides = array<i32>} : memref<32768xf32, #tpu.memory_space<vmem>>, vector<16xf32>,
      %gt3A_455 = arith.cmpf ogt, %get3A_454, %broadcast_in_dim3A_218 : vector<16xf32>
      %jit3A_456 = arith.constant 0.000000e+00 : f32
      %broadcast_in_dim3A_457 = vector.broadcast %jit3A_456 : f32 to vector<16xf32>
      %select_n3A_458 = arith.select %gt3A_455, %get3A_454, %broadcast_in_dim3A_457 : vector<16xi1>, vector<16xf32>
      %add3A_459 = arith.addf %while3A_421, %select_n3A_458 : vector<16xf32>
      %jit3A_460 = arith.constant 1.000000e+00 : f32
      %jit3A_461 = arith.constant 0.000000e+00 : f32
      %broadcast_in_dim3A_462 = vector.broadcast %jit3A_460 : f32 to vector<16xf32>
      %broadcast_in_dim3A_463 = vector.broadcast %jit3A_461 : f32 to vector<16xf32>
      %select_n3A_464 = arith.select %gt3A_455, %broadcast_in_dim3A_462, %broadcast_in_dim3A_463 : vector<16xi1>, vector<16xf32>
      %add3A_465 = arith.addf %while3A_429, %select_n3A_464 : vector<16xf32>
      %add3A_466 = arith.constant 32 : i32
      %add3A_467 = arith.addi %mul3A_438, %add3A_466 : i32
      %get3A_468 = arith.index_cast %add3A_467 : i32 to index
      %get3A_469 = tpu.vector_load %arg5[%get3A_468] {strides = array<i32>} : memref<32768xf32, #tpu.memory_space<vmem>>, vector<16xf32>,
      %gt3A_470 = arith.cmpf ogt, %get3A_469, %broadcast_in_dim3A_218 : vector<16xf32>
      %jit3A_471 = arith.constant 0.000000e+00 : f32
      %broadcast_in_dim3A_472 = vector.broadcast %jit3A_471 : f32 to vector<16xf32>
      %select_n3A_473 = arith.select %gt3A_470, %get3A_469, %broadcast_in_dim3A_472 : vector<16xi1>, vector<16xf32>
      %add3A_474 = arith.addf %while3A_422, %select_n3A_473 : vector<16xf32>
      %jit3A_475 = arith.constant 1.000000e+00 : f32
      %jit3A_476 = arith.constant 0.000000e+00 : f32
      %broadcast_in_dim3A_477 = vector.broadcast %jit3A_475 : f32 to vector<16xf32>
      %broadcast_in_dim3A_478 = vector.broadcast %jit3A_476 : f32 to vector<16xf32>
      %select_n3A_479 = arith.select %gt3A_470, %broadcast_in_dim3A_477, %broadcast_in_dim3A_478 : vector<16xi1>, vector<16xf32>
      %add3A_480 = arith.addf %while3A_430, %select_n3A_479 : vector<16xf32>
      %add3A_481 = arith.constant 48 : i32
      %add3A_482 = arith.addi %mul3A_438, %add3A_481 : i32
      %get3A_483 = arith.index_cast %add3A_482 : i32 to index
      %get3A_484 = tpu.vector_load %arg5[%get3A_483] {strides = array<i32>} : memref<32768xf32, #tpu.memory_space<vmem>>, vector<16xf32>,
      %gt3A_485 = arith.cmpf ogt, %get3A_484, %broadcast_in_dim3A_218 : vector<16xf32>
      %jit3A_486 = arith.constant 0.000000e+00 : f32
      %broadcast_in_dim3A_487 = vector.broadcast %jit3A_486 : f32 to vector<16xf32>
      %select_n3A_488 = arith.select %gt3A_485, %get3A_484, %broadcast_in_dim3A_487 : vector<16xi1>, vector<16xf32>
      %add3A_489 = arith.addf %while3A_423, %select_n3A_488 : vector<16xf32>
      %jit3A_490 = arith.constant 1.000000e+00 : f32
      %jit3A_491 = arith.constant 0.000000e+00 : f32
      %broadcast_in_dim3A_492 = vector.broadcast %jit3A_490 : f32 to vector<16xf32>
      %broadcast_in_dim3A_493 = vector.broadcast %jit3A_491 : f32 to vector<16xf32>
      %select_n3A_494 = arith.select %gt3A_485, %broadcast_in_dim3A_492, %broadcast_in_dim3A_493 : vector<16xi1>, vector<16xf32>
      %add3A_495 = arith.addf %while3A_431, %select_n3A_494 : vector<16xf32>
      %add3A_496 = arith.constant 64 : i32
      %add3A_497 = arith.addi %mul3A_438, %add3A_496 : i32
      %get3A_498 = arith.index_cast %add3A_497 : i32 to index
      %get3A_499 = tpu.vector_load %arg5[%get3A_498] {strides = array<i32>} : memref<32768xf32, #tpu.memory_space<vmem>>, vector<16xf32>,
      %gt3A_500 = arith.cmpf ogt, %get3A_499, %broadcast_in_dim3A_218 : vector<16xf32>
      %jit3A_501 = arith.constant 0.000000e+00 : f32
      %broadcast_in_dim3A_502 = vector.broadcast %jit3A_501 : f32 to vector<16xf32>
      %select_n3A_503 = arith.select %gt3A_500, %get3A_499, %broadcast_in_dim3A_502 : vector<16xi1>, vector<16xf32>
      %add3A_504 = arith.addf %while3A_424, %select_n3A_503 : vector<16xf32>
      %jit3A_505 = arith.constant 1.000000e+00 : f32
      %jit3A_506 = arith.constant 0.000000e+00 : f32
      %broadcast_in_dim3A_507 = vector.broadcast %jit3A_505 : f32 to vector<16xf32>
      %broadcast_in_dim3A_508 = vector.broadcast %jit3A_506 : f32 to vector<16xf32>
      %select_n3A_509 = arith.select %gt3A_500, %broadcast_in_dim3A_507, %broadcast_in_dim3A_508 : vector<16xi1>, vector<16xf32>
      %add3A_510 = arith.addf %while3A_432, %select_n3A_509 : vector<16xf32>
      %add3A_511 = arith.constant 80 : i32
      %add3A_512 = arith.addi %mul3A_438, %add3A_511 : i32
      %get3A_513 = arith.index_cast %add3A_512 : i32 to index
      %get3A_514 = tpu.vector_load %arg5[%get3A_513] {strides = array<i32>} : memref<32768xf32, #tpu.memory_space<vmem>>, vector<16xf32>,
      %gt3A_515 = arith.cmpf ogt, %get3A_514, %broadcast_in_dim3A_218 : vector<16xf32>
      %jit3A_516 = arith.constant 0.000000e+00 : f32
      %broadcast_in_dim3A_517 = vector.broadcast %jit3A_516 : f32 to vector<16xf32>
      %select_n3A_518 = arith.select %gt3A_515, %get3A_514, %broadcast_in_dim3A_517 : vector<16xi1>, vector<16xf32>
      %add3A_519 = arith.addf %while3A_425, %select_n3A_518 : vector<16xf32>
      %jit3A_520 = arith.constant 1.000000e+00 : f32
      %jit3A_521 = arith.constant 0.000000e+00 : f32
      %broadcast_in_dim3A_522 = vector.broadcast %jit3A_520 : f32 to vector<16xf32>
      %broadcast_in_dim3A_523 = vector.broadcast %jit3A_521 : f32 to vector<16xf32>
      %select_n3A_524 = arith.select %gt3A_515, %broadcast_in_dim3A_522, %broadcast_in_dim3A_523 : vector<16xi1>, vector<16xf32>
      %add3A_525 = arith.addf %while3A_433, %select_n3A_524 : vector<16xf32>
      %add3A_526 = arith.constant 96 : i32
      %add3A_527 = arith.addi %mul3A_438, %add3A_526 : i32
      %get3A_528 = arith.index_cast %add3A_527 : i32 to index
      %get3A_529 = tpu.vector_load %arg5[%get3A_528] {strides = array<i32>} : memref<32768xf32, #tpu.memory_space<vmem>>, vector<16xf32>,
      %gt3A_530 = arith.cmpf ogt, %get3A_529, %broadcast_in_dim3A_218 : vector<16xf32>
      %jit3A_531 = arith.constant 0.000000e+00 : f32
      %broadcast_in_dim3A_532 = vector.broadcast %jit3A_531 : f32 to vector<16xf32>
      %select_n3A_533 = arith.select %gt3A_530, %get3A_529, %broadcast_in_dim3A_532 : vector<16xi1>, vector<16xf32>
      %add3A_534 = arith.addf %while3A_426, %select_n3A_533 : vector<16xf32>
      %jit3A_535 = arith.constant 1.000000e+00 : f32
      %jit3A_536 = arith.constant 0.000000e+00 : f32
      %broadcast_in_dim3A_537 = vector.broadcast %jit3A_535 : f32 to vector<16xf32>
      %broadcast_in_dim3A_538 = vector.broadcast %jit3A_536 : f32 to vector<16xf32>
      %select_n3A_539 = arith.select %gt3A_530, %broadcast_in_dim3A_537, %broadcast_in_dim3A_538 : vector<16xi1>, vector<16xf32>
      %add3A_540 = arith.addf %while3A_434, %select_n3A_539 : vector<16xf32>
      %add3A_541 = arith.constant 112 : i32
      %add3A_542 = arith.addi %mul3A_438, %add3A_541 : i32
      %get3A_543 = arith.index_cast %add3A_542 : i32 to index
      %get3A_544 = tpu.vector_load %arg5[%get3A_543] {strides = array<i32>} : memref<32768xf32, #tpu.memory_space<vmem>>, vector<16xf32>,
      %gt3A_545 = arith.cmpf ogt, %get3A_544, %broadcast_in_dim3A_218 : vector<16xf32>
      %jit3A_546 = arith.constant 0.000000e+00 : f32
      %broadcast_in_dim3A_547 = vector.broadcast %jit3A_546 : f32 to vector<16xf32>
      %select_n3A_548 = arith.select %gt3A_545, %get3A_544, %broadcast_in_dim3A_547 : vector<16xi1>, vector<16xf32>
      %add3A_549 = arith.addf %while3A_427, %select_n3A_548 : vector<16xf32>
      %jit3A_550 = arith.constant 1.000000e+00 : f32
      %jit3A_551 = arith.constant 0.000000e+00 : f32
      %broadcast_in_dim3A_552 = vector.broadcast %jit3A_550 : f32 to vector<16xf32>
      %broadcast_in_dim3A_553 = vector.broadcast %jit3A_551 : f32 to vector<16xf32>
      %select_n3A_554 = arith.select %gt3A_545, %broadcast_in_dim3A_552, %broadcast_in_dim3A_553 : vector<16xi1>, vector<16xf32>
      %add3A_555 = arith.addf %while3A_435, %select_n3A_554 : vector<16xf32>
      scf.yield %add3A_444, %add3A_459, %add3A_474, %add3A_489, %add3A_504, %add3A_519, %add3A_534, %add3A_549, %add3A_450, %add3A_465, %add3A_480, %add3A_495, %add3A_510, %add3A_525, %add3A_540, %add3A_555 : vector<16xf32>, vector<16xf32>, vector<16xf32>, vector<16xf32>, vector<16xf32>, vector<16xf32>, vector<16xf32>, vector<16xf32>, vector<16xf32>, vector<16xf32>, vector<16xf32>, vector<16xf32>, vector<16xf32>, vector<16xf32>, vector<16xf32>, vector<16xf32>
    }
    %add3A_245 = arith.addf %while3A_244#0, %while3A_244#1 : vector<16xf32>
    %add3A_246 = arith.addf %while3A_244#8, %while3A_244#9 : vector<16xf32>
    %add3A_247 = arith.addf %add3A_245, %while3A_244#2 : vector<16xf32>
    %add3A_248 = arith.addf %add3A_246, %while3A_244#10 : vector<16xf32>
    %add3A_249 = arith.addf %add3A_247, %while3A_244#3 : vector<16xf32>
    %add3A_250 = arith.addf %add3A_248, %while3A_244#11 : vector<16xf32>
    %add3A_251 = arith.addf %add3A_249, %while3A_244#4 : vector<16xf32>
    %add3A_252 = arith.addf %add3A_250, %while3A_244#12 : vector<16xf32>
    %add3A_253 = arith.addf %add3A_251, %while3A_244#5 : vector<16xf32>
    %add3A_254 = arith.addf %add3A_252, %while3A_244#13 : vector<16xf32>
    %add3A_255 = arith.addf %add3A_253, %while3A_244#6 : vector<16xf32>
    %add3A_256 = arith.addf %add3A_254, %while3A_244#14 : vector<16xf32>
    %add3A_257 = arith.addf %add3A_255, %while3A_244#7 : vector<16xf32>
    %add3A_258 = arith.addf %add3A_256, %while3A_244#15 : vector<16xf32>
    %reduce_sum3A_259 = arith.constant true
    %reduce_sum3A_260 = vector.broadcast %reduce_sum3A_259 : i1 to vector<16xi1>
    %reduce_sum3A_261 = tpu.scan <sum>, %add3A_257 masked %reduce_sum3A_260 : vector<16xf32>, vector<16xi1> -> vector<16xf32>
    %reduce_sum3A_262 = vector.extract %reduce_sum3A_261[15] : f32 from vector<16xf32>
    %broadcast_in_dim3A_263 = vector.broadcast %reduce_sum3A_262 : f32 to vector<16xf32>
    %reduce_sum3A_264 = arith.constant true
    %reduce_sum3A_265 = vector.broadcast %reduce_sum3A_264 : i1 to vector<16xi1>
    %reduce_sum3A_266 = tpu.scan <sum>, %add3A_258 masked %reduce_sum3A_265 : vector<16xf32>, vector<16xi1> -> vector<16xf32>
    %reduce_sum3A_267 = vector.extract %reduce_sum3A_266[15] : f32 from vector<16xf32>
    %broadcast_in_dim3A_268 = vector.broadcast %reduce_sum3A_267 : f32 to vector<16xf32>
    %sub3A_269 = arith.constant 1.000000e+00 : f32
    %sub3A_270 = vector.broadcast %sub3A_269 : f32 to vector<16xf32>
    %sub3A_271 = arith.subf %broadcast_in_dim3A_263, %sub3A_270 : vector<16xf32>
    %div3A_272 = arith.divf %sub3A_271, %broadcast_in_dim3A_268 : vector<16xf32>
    %while3A_273 = arith.constant 0 : i32
    %while3A_274:3 = scf.while (%while3A_419 = %while3A_273, %while3A_420 = %div3A_272, %while3A_421 = %broadcast_in_dim3A_218) : (i32, vector<16xf32>, vector<16xf32>) -> (i32, vector<16xf32>, vector<16xf32>) {
      %lt3A = arith.constant 16 : i32
      %lt3A_422 = arith.cmpi slt, %while3A_419, %lt3A : i32
      %ne3A = arith.cmpf one, %while3A_420, %while3A_421 : vector<16xf32>
      %reduce_or3A = arith.constant 1.000000e+00 : f32
      %reduce_or3A_423 = arith.constant 0.000000e+00 : f32
      %reduce_or3A_424 = vector.broadcast %reduce_or3A : f32 to vector<16xf32>
      %reduce_or3A_425 = vector.broadcast %reduce_or3A_423 : f32 to vector<16xf32>
      %reduce_or3A_426 = arith.select %ne3A, %reduce_or3A_424, %reduce_or3A_425 : vector<16xi1>, vector<16xf32>
      %reduce_or3A_427 = arith.constant true
      %reduce_or3A_428 = vector.broadcast %reduce_or3A_427 : i1 to vector<16xi1>
      %reduce_or3A_429 = tpu.scan <max>, %reduce_or3A_426 masked %reduce_or3A_428 : vector<16xf32>, vector<16xi1> -> vector<16xf32>
      %reduce_or3A_430 = vector.extract %reduce_or3A_429[15] : f32 from vector<16xf32>
      %reduce_or3A_431 = arith.constant 0.000000e+00 : f32
      %reduce_or3A_432 = arith.cmpf ogt, %reduce_or3A_430, %reduce_or3A_431 : f32
      %and3A = arith.andi %lt3A_422, %reduce_or3A_432 : i1
      scf.condition(%and3A) %while3A_419, %while3A_420, %while3A_421 : i32, vector<16xf32>, vector<16xf32>
    } do {
    ^bb0(%while3A_419: i32, %while3A_420: vector<16xf32>, %while3A_421: vector<16xf32>):
      %add3A_422 = arith.constant 1 : i32
      %add3A_423 = arith.addi %while3A_419, %add3A_422 : i32
      %while3A_424 = arith.constant 0 : i32
      %while3A_425 = arith.subi %scan3A_230, %while3A_424 : i32
      %while3A_426 = arith.addi %while3A_424, %while3A_425 : i32
      %while3A_427 = arith.constant 1 : i32
      %while3A_428 = arith.divsi %while3A_425, %while3A_427 : i32
      %while3A_429 = arith.muli %while3A_428, %while3A_427 : i32
      %while3A_430 = arith.addi %while3A_424, %while3A_429 : i32
      %while3A_431 = arith.constant 1 : i32
      %while3A_432:16 = scf.for %while3A_463 = %while3A_424 to %while3A_430 step %while3A_431 iter_args(%while3A_464 = %broadcast_in_dim3A_233, %while3A_465 = %broadcast_in_dim3A_233, %while3A_466 = %broadcast_in_dim3A_233, %while3A_467 = %broadcast_in_dim3A_233, %while3A_468 = %broadcast_in_dim3A_233, %while3A_469 = %broadcast_in_dim3A_233, %while3A_470 = %broadcast_in_dim3A_233, %while3A_471 = %broadcast_in_dim3A_233, %while3A_472 = %broadcast_in_dim3A_233, %while3A_473 = %broadcast_in_dim3A_233, %while3A_474 = %broadcast_in_dim3A_233, %while3A_475 = %broadcast_in_dim3A_233, %while3A_476 = %broadcast_in_dim3A_233, %while3A_477 = %broadcast_in_dim3A_233, %while3A_478 = %broadcast_in_dim3A_233, %while3A_479 = %broadcast_in_dim3A_233) -> (vector<16xf32>, vector<16xf32>, vector<16xf32>, vector<16xf32>, vector<16xf32>, vector<16xf32>, vector<16xf32>, vector<16xf32>, vector<16xf32>, vector<16xf32>, vector<16xf32>, vector<16xf32>, vector<16xf32>, vector<16xf32>, vector<16xf32>, vector<16xf32>)  : i32 {
        %get3A = arith.index_cast %while3A_463 : i32 to index
        %get3A_480 = memref.load %arg8[%get3A] : memref<256xi32, #tpu.memory_space<smem>>
        %mul3A_481 = arith.constant 128 : i32
        %mul3A_482 = arith.muli %get3A_480, %mul3A_481 : i32
        %add3A_483 = arith.constant 0 : i32
        %add3A_484 = arith.addi %mul3A_482, %add3A_483 : i32
        %get3A_485 = arith.index_cast %add3A_484 : i32 to index
        %get3A_486 = tpu.vector_load %arg5[%get3A_485] {strides = array<i32>} : memref<32768xf32, #tpu.memory_space<vmem>>, vector<16xf32>,
        %gt3A = arith.cmpf ogt, %get3A_486, %while3A_420 : vector<16xf32>
        %jit3A = arith.constant 0.000000e+00 : f32
        %broadcast_in_dim3A_487 = vector.broadcast %jit3A : f32 to vector<16xf32>
        %select_n3A = arith.select %gt3A, %get3A_486, %broadcast_in_dim3A_487 : vector<16xi1>, vector<16xf32>
        %add3A_488 = arith.addf %while3A_464, %select_n3A : vector<16xf32>
        %jit3A_489 = arith.constant 1.000000e+00 : f32
        %jit3A_490 = arith.constant 0.000000e+00 : f32
        %broadcast_in_dim3A_491 = vector.broadcast %jit3A_489 : f32 to vector<16xf32>
        %broadcast_in_dim3A_492 = vector.broadcast %jit3A_490 : f32 to vector<16xf32>
        %select_n3A_493 = arith.select %gt3A, %broadcast_in_dim3A_491, %broadcast_in_dim3A_492 : vector<16xi1>, vector<16xf32>
        %add3A_494 = arith.addf %while3A_472, %select_n3A_493 : vector<16xf32>
        %add3A_495 = arith.constant 16 : i32
        %add3A_496 = arith.addi %mul3A_482, %add3A_495 : i32
        %get3A_497 = arith.index_cast %add3A_496 : i32 to index
        %get3A_498 = tpu.vector_load %arg5[%get3A_497] {strides = array<i32>} : memref<32768xf32, #tpu.memory_space<vmem>>, vector<16xf32>,
        %gt3A_499 = arith.cmpf ogt, %get3A_498, %while3A_420 : vector<16xf32>
        %jit3A_500 = arith.constant 0.000000e+00 : f32
        %broadcast_in_dim3A_501 = vector.broadcast %jit3A_500 : f32 to vector<16xf32>
        %select_n3A_502 = arith.select %gt3A_499, %get3A_498, %broadcast_in_dim3A_501 : vector<16xi1>, vector<16xf32>
        %add3A_503 = arith.addf %while3A_465, %select_n3A_502 : vector<16xf32>
        %jit3A_504 = arith.constant 1.000000e+00 : f32
        %jit3A_505 = arith.constant 0.000000e+00 : f32
        %broadcast_in_dim3A_506 = vector.broadcast %jit3A_504 : f32 to vector<16xf32>
        %broadcast_in_dim3A_507 = vector.broadcast %jit3A_505 : f32 to vector<16xf32>
        %select_n3A_508 = arith.select %gt3A_499, %broadcast_in_dim3A_506, %broadcast_in_dim3A_507 : vector<16xi1>, vector<16xf32>
        %add3A_509 = arith.addf %while3A_473, %select_n3A_508 : vector<16xf32>
        %add3A_510 = arith.constant 32 : i32
        %add3A_511 = arith.addi %mul3A_482, %add3A_510 : i32
        %get3A_512 = arith.index_cast %add3A_511 : i32 to index
        %get3A_513 = tpu.vector_load %arg5[%get3A_512] {strides = array<i32>} : memref<32768xf32, #tpu.memory_space<vmem>>, vector<16xf32>,
        %gt3A_514 = arith.cmpf ogt, %get3A_513, %while3A_420 : vector<16xf32>
        %jit3A_515 = arith.constant 0.000000e+00 : f32
        %broadcast_in_dim3A_516 = vector.broadcast %jit3A_515 : f32 to vector<16xf32>
        %select_n3A_517 = arith.select %gt3A_514, %get3A_513, %broadcast_in_dim3A_516 : vector<16xi1>, vector<16xf32>
        %add3A_518 = arith.addf %while3A_466, %select_n3A_517 : vector<16xf32>
        %jit3A_519 = arith.constant 1.000000e+00 : f32
        %jit3A_520 = arith.constant 0.000000e+00 : f32
        %broadcast_in_dim3A_521 = vector.broadcast %jit3A_519 : f32 to vector<16xf32>
        %broadcast_in_dim3A_522 = vector.broadcast %jit3A_520 : f32 to vector<16xf32>
        %select_n3A_523 = arith.select %gt3A_514, %broadcast_in_dim3A_521, %broadcast_in_dim3A_522 : vector<16xi1>, vector<16xf32>
        %add3A_524 = arith.addf %while3A_474, %select_n3A_523 : vector<16xf32>
        %add3A_525 = arith.constant 48 : i32
        %add3A_526 = arith.addi %mul3A_482, %add3A_525 : i32
        %get3A_527 = arith.index_cast %add3A_526 : i32 to index
        %get3A_528 = tpu.vector_load %arg5[%get3A_527] {strides = array<i32>} : memref<32768xf32, #tpu.memory_space<vmem>>, vector<16xf32>,
        %gt3A_529 = arith.cmpf ogt, %get3A_528, %while3A_420 : vector<16xf32>
        %jit3A_530 = arith.constant 0.000000e+00 : f32
        %broadcast_in_dim3A_531 = vector.broadcast %jit3A_530 : f32 to vector<16xf32>
        %select_n3A_532 = arith.select %gt3A_529, %get3A_528, %broadcast_in_dim3A_531 : vector<16xi1>, vector<16xf32>
        %add3A_533 = arith.addf %while3A_467, %select_n3A_532 : vector<16xf32>
        %jit3A_534 = arith.constant 1.000000e+00 : f32
        %jit3A_535 = arith.constant 0.000000e+00 : f32
        %broadcast_in_dim3A_536 = vector.broadcast %jit3A_534 : f32 to vector<16xf32>
        %broadcast_in_dim3A_537 = vector.broadcast %jit3A_535 : f32 to vector<16xf32>
        %select_n3A_538 = arith.select %gt3A_529, %broadcast_in_dim3A_536, %broadcast_in_dim3A_537 : vector<16xi1>, vector<16xf32>
        %add3A_539 = arith.addf %while3A_475, %select_n3A_538 : vector<16xf32>
        %add3A_540 = arith.constant 64 : i32
        %add3A_541 = arith.addi %mul3A_482, %add3A_540 : i32
        %get3A_542 = arith.index_cast %add3A_541 : i32 to index
        %get3A_543 = tpu.vector_load %arg5[%get3A_542] {strides = array<i32>} : memref<32768xf32, #tpu.memory_space<vmem>>, vector<16xf32>,
        %gt3A_544 = arith.cmpf ogt, %get3A_543, %while3A_420 : vector<16xf32>
        %jit3A_545 = arith.constant 0.000000e+00 : f32
        %broadcast_in_dim3A_546 = vector.broadcast %jit3A_545 : f32 to vector<16xf32>
        %select_n3A_547 = arith.select %gt3A_544, %get3A_543, %broadcast_in_dim3A_546 : vector<16xi1>, vector<16xf32>
        %add3A_548 = arith.addf %while3A_468, %select_n3A_547 : vector<16xf32>
        %jit3A_549 = arith.constant 1.000000e+00 : f32
        %jit3A_550 = arith.constant 0.000000e+00 : f32
        %broadcast_in_dim3A_551 = vector.broadcast %jit3A_549 : f32 to vector<16xf32>
        %broadcast_in_dim3A_552 = vector.broadcast %jit3A_550 : f32 to vector<16xf32>
        %select_n3A_553 = arith.select %gt3A_544, %broadcast_in_dim3A_551, %broadcast_in_dim3A_552 : vector<16xi1>, vector<16xf32>
        %add3A_554 = arith.addf %while3A_476, %select_n3A_553 : vector<16xf32>
        %add3A_555 = arith.constant 80 : i32
        %add3A_556 = arith.addi %mul3A_482, %add3A_555 : i32
        %get3A_557 = arith.index_cast %add3A_556 : i32 to index
        %get3A_558 = tpu.vector_load %arg5[%get3A_557] {strides = array<i32>} : memref<32768xf32, #tpu.memory_space<vmem>>, vector<16xf32>,
        %gt3A_559 = arith.cmpf ogt, %get3A_558, %while3A_420 : vector<16xf32>
        %jit3A_560 = arith.constant 0.000000e+00 : f32
        %broadcast_in_dim3A_561 = vector.broadcast %jit3A_560 : f32 to vector<16xf32>
        %select_n3A_562 = arith.select %gt3A_559, %get3A_558, %broadcast_in_dim3A_561 : vector<16xi1>, vector<16xf32>
        %add3A_563 = arith.addf %while3A_469, %select_n3A_562 : vector<16xf32>
        %jit3A_564 = arith.constant 1.000000e+00 : f32
        %jit3A_565 = arith.constant 0.000000e+00 : f32
        %broadcast_in_dim3A_566 = vector.broadcast %jit3A_564 : f32 to vector<16xf32>
        %broadcast_in_dim3A_567 = vector.broadcast %jit3A_565 : f32 to vector<16xf32>
        %select_n3A_568 = arith.select %gt3A_559, %broadcast_in_dim3A_566, %broadcast_in_dim3A_567 : vector<16xi1>, vector<16xf32>
        %add3A_569 = arith.addf %while3A_477, %select_n3A_568 : vector<16xf32>
        %add3A_570 = arith.constant 96 : i32
        %add3A_571 = arith.addi %mul3A_482, %add3A_570 : i32
        %get3A_572 = arith.index_cast %add3A_571 : i32 to index
        %get3A_573 = tpu.vector_load %arg5[%get3A_572] {strides = array<i32>} : memref<32768xf32, #tpu.memory_space<vmem>>, vector<16xf32>,
        %gt3A_574 = arith.cmpf ogt, %get3A_573, %while3A_420 : vector<16xf32>
        %jit3A_575 = arith.constant 0.000000e+00 : f32
        %broadcast_in_dim3A_576 = vector.broadcast %jit3A_575 : f32 to vector<16xf32>
        %select_n3A_577 = arith.select %gt3A_574, %get3A_573, %broadcast_in_dim3A_576 : vector<16xi1>, vector<16xf32>
        %add3A_578 = arith.addf %while3A_470, %select_n3A_577 : vector<16xf32>
        %jit3A_579 = arith.constant 1.000000e+00 : f32
        %jit3A_580 = arith.constant 0.000000e+00 : f32
        %broadcast_in_dim3A_581 = vector.broadcast %jit3A_579 : f32 to vector<16xf32>
        %broadcast_in_dim3A_582 = vector.broadcast %jit3A_580 : f32 to vector<16xf32>
        %select_n3A_583 = arith.select %gt3A_574, %broadcast_in_dim3A_581, %broadcast_in_dim3A_582 : vector<16xi1>, vector<16xf32>
        %add3A_584 = arith.addf %while3A_478, %select_n3A_583 : vector<16xf32>
        %add3A_585 = arith.constant 112 : i32
        %add3A_586 = arith.addi %mul3A_482, %add3A_585 : i32
        %get3A_587 = arith.index_cast %add3A_586 : i32 to index
        %get3A_588 = tpu.vector_load %arg5[%get3A_587] {strides = array<i32>} : memref<32768xf32, #tpu.memory_space<vmem>>, vector<16xf32>,
        %gt3A_589 = arith.cmpf ogt, %get3A_588, %while3A_420 : vector<16xf32>
        %jit3A_590 = arith.constant 0.000000e+00 : f32
        %broadcast_in_dim3A_591 = vector.broadcast %jit3A_590 : f32 to vector<16xf32>
        %select_n3A_592 = arith.select %gt3A_589, %get3A_588, %broadcast_in_dim3A_591 : vector<16xi1>, vector<16xf32>
        %add3A_593 = arith.addf %while3A_471, %select_n3A_592 : vector<16xf32>
        %jit3A_594 = arith.constant 1.000000e+00 : f32
        %jit3A_595 = arith.constant 0.000000e+00 : f32
        %broadcast_in_dim3A_596 = vector.broadcast %jit3A_594 : f32 to vector<16xf32>
        %broadcast_in_dim3A_597 = vector.broadcast %jit3A_595 : f32 to vector<16xf32>
        %select_n3A_598 = arith.select %gt3A_589, %broadcast_in_dim3A_596, %broadcast_in_dim3A_597 : vector<16xi1>, vector<16xf32>
        %add3A_599 = arith.addf %while3A_479, %select_n3A_598 : vector<16xf32>
        scf.yield %add3A_488, %add3A_503, %add3A_518, %add3A_533, %add3A_548, %add3A_563, %add3A_578, %add3A_593, %add3A_494, %add3A_509, %add3A_524, %add3A_539, %add3A_554, %add3A_569, %add3A_584, %add3A_599 : vector<16xf32>, vector<16xf32>, vector<16xf32>, vector<16xf32>, vector<16xf32>, vector<16xf32>, vector<16xf32>, vector<16xf32>, vector<16xf32>, vector<16xf32>, vector<16xf32>, vector<16xf32>, vector<16xf32>, vector<16xf32>, vector<16xf32>, vector<16xf32>
      }
      %while3A_433 = arith.constant 1 : i32
      %while3A_434:16 = scf.for %while3A_463 = %while3A_430 to %while3A_426 step %while3A_433 iter_args(%while3A_464 = %while3A_432#0, %while3A_465 = %while3A_432#1, %while3A_466 = %while3A_432#2, %while3A_467 = %while3A_432#3, %while3A_468 = %while3A_432#4, %while3A_469 = %while3A_432#5, %while3A_470 = %while3A_432#6, %while3A_471 = %while3A_432#7, %while3A_472 = %while3A_432#8, %while3A_473 = %while3A_432#9, %while3A_474 = %while3A_432#10, %while3A_475 = %while3A_432#11, %while3A_476 = %while3A_432#12, %while3A_477 = %while3A_432#13, %while3A_478 = %while3A_432#14, %while3A_479 = %while3A_432#15) -> (vector<16xf32>, vector<16xf32>, vector<16xf32>, vector<16xf32>, vector<16xf32>, vector<16xf32>, vector<16xf32>, vector<16xf32>, vector<16xf32>, vector<16xf32>, vector<16xf32>, vector<16xf32>, vector<16xf32>, vector<16xf32>, vector<16xf32>, vector<16xf32>)  : i32 {
        %get3A = arith.index_cast %while3A_463 : i32 to index
        %get3A_480 = memref.load %arg8[%get3A] : memref<256xi32, #tpu.memory_space<smem>>
        %mul3A_481 = arith.constant 128 : i32
        %mul3A_482 = arith.muli %get3A_480, %mul3A_481 : i32
        %add3A_483 = arith.constant 0 : i32
        %add3A_484 = arith.addi %mul3A_482, %add3A_483 : i32
        %get3A_485 = arith.index_cast %add3A_484 : i32 to index
        %get3A_486 = tpu.vector_load %arg5[%get3A_485] {strides = array<i32>} : memref<32768xf32, #tpu.memory_space<vmem>>, vector<16xf32>,
        %gt3A = arith.cmpf ogt, %get3A_486, %while3A_420 : vector<16xf32>
        %jit3A = arith.constant 0.000000e+00 : f32
        %broadcast_in_dim3A_487 = vector.broadcast %jit3A : f32 to vector<16xf32>
        %select_n3A = arith.select %gt3A, %get3A_486, %broadcast_in_dim3A_487 : vector<16xi1>, vector<16xf32>
        %add3A_488 = arith.addf %while3A_464, %select_n3A : vector<16xf32>
        %jit3A_489 = arith.constant 1.000000e+00 : f32
        %jit3A_490 = arith.constant 0.000000e+00 : f32
        %broadcast_in_dim3A_491 = vector.broadcast %jit3A_489 : f32 to vector<16xf32>
        %broadcast_in_dim3A_492 = vector.broadcast %jit3A_490 : f32 to vector<16xf32>
        %select_n3A_493 = arith.select %gt3A, %broadcast_in_dim3A_491, %broadcast_in_dim3A_492 : vector<16xi1>, vector<16xf32>
        %add3A_494 = arith.addf %while3A_472, %select_n3A_493 : vector<16xf32>
        %add3A_495 = arith.constant 16 : i32
        %add3A_496 = arith.addi %mul3A_482, %add3A_495 : i32
        %get3A_497 = arith.index_cast %add3A_496 : i32 to index
        %get3A_498 = tpu.vector_load %arg5[%get3A_497] {strides = array<i32>} : memref<32768xf32, #tpu.memory_space<vmem>>, vector<16xf32>,
        %gt3A_499 = arith.cmpf ogt, %get3A_498, %while3A_420 : vector<16xf32>
        %jit3A_500 = arith.constant 0.000000e+00 : f32
        %broadcast_in_dim3A_501 = vector.broadcast %jit3A_500 : f32 to vector<16xf32>
        %select_n3A_502 = arith.select %gt3A_499, %get3A_498, %broadcast_in_dim3A_501 : vector<16xi1>, vector<16xf32>
        %add3A_503 = arith.addf %while3A_465, %select_n3A_502 : vector<16xf32>
        %jit3A_504 = arith.constant 1.000000e+00 : f32
        %jit3A_505 = arith.constant 0.000000e+00 : f32
        %broadcast_in_dim3A_506 = vector.broadcast %jit3A_504 : f32 to vector<16xf32>
        %broadcast_in_dim3A_507 = vector.broadcast %jit3A_505 : f32 to vector<16xf32>
        %select_n3A_508 = arith.select %gt3A_499, %broadcast_in_dim3A_506, %broadcast_in_dim3A_507 : vector<16xi1>, vector<16xf32>
        %add3A_509 = arith.addf %while3A_473, %select_n3A_508 : vector<16xf32>
        %add3A_510 = arith.constant 32 : i32
        %add3A_511 = arith.addi %mul3A_482, %add3A_510 : i32
        %get3A_512 = arith.index_cast %add3A_511 : i32 to index
        %get3A_513 = tpu.vector_load %arg5[%get3A_512] {strides = array<i32>} : memref<32768xf32, #tpu.memory_space<vmem>>, vector<16xf32>,
        %gt3A_514 = arith.cmpf ogt, %get3A_513, %while3A_420 : vector<16xf32>
        %jit3A_515 = arith.constant 0.000000e+00 : f32
        %broadcast_in_dim3A_516 = vector.broadcast %jit3A_515 : f32 to vector<16xf32>
        %select_n3A_517 = arith.select %gt3A_514, %get3A_513, %broadcast_in_dim3A_516 : vector<16xi1>, vector<16xf32>
        %add3A_518 = arith.addf %while3A_466, %select_n3A_517 : vector<16xf32>
        %jit3A_519 = arith.constant 1.000000e+00 : f32
        %jit3A_520 = arith.constant 0.000000e+00 : f32
        %broadcast_in_dim3A_521 = vector.broadcast %jit3A_519 : f32 to vector<16xf32>
        %broadcast_in_dim3A_522 = vector.broadcast %jit3A_520 : f32 to vector<16xf32>
        %select_n3A_523 = arith.select %gt3A_514, %broadcast_in_dim3A_521, %broadcast_in_dim3A_522 : vector<16xi1>, vector<16xf32>
        %add3A_524 = arith.addf %while3A_474, %select_n3A_523 : vector<16xf32>
        %add3A_525 = arith.constant 48 : i32
        %add3A_526 = arith.addi %mul3A_482, %add3A_525 : i32
        %get3A_527 = arith.index_cast %add3A_526 : i32 to index
        %get3A_528 = tpu.vector_load %arg5[%get3A_527] {strides = array<i32>} : memref<32768xf32, #tpu.memory_space<vmem>>, vector<16xf32>,
        %gt3A_529 = arith.cmpf ogt, %get3A_528, %while3A_420 : vector<16xf32>
        %jit3A_530 = arith.constant 0.000000e+00 : f32
        %broadcast_in_dim3A_531 = vector.broadcast %jit3A_530 : f32 to vector<16xf32>
        %select_n3A_532 = arith.select %gt3A_529, %get3A_528, %broadcast_in_dim3A_531 : vector<16xi1>, vector<16xf32>
        %add3A_533 = arith.addf %while3A_467, %select_n3A_532 : vector<16xf32>
        %jit3A_534 = arith.constant 1.000000e+00 : f32
        %jit3A_535 = arith.constant 0.000000e+00 : f32
        %broadcast_in_dim3A_536 = vector.broadcast %jit3A_534 : f32 to vector<16xf32>
        %broadcast_in_dim3A_537 = vector.broadcast %jit3A_535 : f32 to vector<16xf32>
        %select_n3A_538 = arith.select %gt3A_529, %broadcast_in_dim3A_536, %broadcast_in_dim3A_537 : vector<16xi1>, vector<16xf32>
        %add3A_539 = arith.addf %while3A_475, %select_n3A_538 : vector<16xf32>
        %add3A_540 = arith.constant 64 : i32
        %add3A_541 = arith.addi %mul3A_482, %add3A_540 : i32
        %get3A_542 = arith.index_cast %add3A_541 : i32 to index
        %get3A_543 = tpu.vector_load %arg5[%get3A_542] {strides = array<i32>} : memref<32768xf32, #tpu.memory_space<vmem>>, vector<16xf32>,
        %gt3A_544 = arith.cmpf ogt, %get3A_543, %while3A_420 : vector<16xf32>
        %jit3A_545 = arith.constant 0.000000e+00 : f32
        %broadcast_in_dim3A_546 = vector.broadcast %jit3A_545 : f32 to vector<16xf32>
        %select_n3A_547 = arith.select %gt3A_544, %get3A_543, %broadcast_in_dim3A_546 : vector<16xi1>, vector<16xf32>
        %add3A_548 = arith.addf %while3A_468, %select_n3A_547 : vector<16xf32>
        %jit3A_549 = arith.constant 1.000000e+00 : f32
        %jit3A_550 = arith.constant 0.000000e+00 : f32
        %broadcast_in_dim3A_551 = vector.broadcast %jit3A_549 : f32 to vector<16xf32>
        %broadcast_in_dim3A_552 = vector.broadcast %jit3A_550 : f32 to vector<16xf32>
        %select_n3A_553 = arith.select %gt3A_544, %broadcast_in_dim3A_551, %broadcast_in_dim3A_552 : vector<16xi1>, vector<16xf32>
        %add3A_554 = arith.addf %while3A_476, %select_n3A_553 : vector<16xf32>
        %add3A_555 = arith.constant 80 : i32
        %add3A_556 = arith.addi %mul3A_482, %add3A_555 : i32
        %get3A_557 = arith.index_cast %add3A_556 : i32 to index
        %get3A_558 = tpu.vector_load %arg5[%get3A_557] {strides = array<i32>} : memref<32768xf32, #tpu.memory_space<vmem>>, vector<16xf32>,
        %gt3A_559 = arith.cmpf ogt, %get3A_558, %while3A_420 : vector<16xf32>
        %jit3A_560 = arith.constant 0.000000e+00 : f32
        %broadcast_in_dim3A_561 = vector.broadcast %jit3A_560 : f32 to vector<16xf32>
        %select_n3A_562 = arith.select %gt3A_559, %get3A_558, %broadcast_in_dim3A_561 : vector<16xi1>, vector<16xf32>
        %add3A_563 = arith.addf %while3A_469, %select_n3A_562 : vector<16xf32>
        %jit3A_564 = arith.constant 1.000000e+00 : f32
        %jit3A_565 = arith.constant 0.000000e+00 : f32
        %broadcast_in_dim3A_566 = vector.broadcast %jit3A_564 : f32 to vector<16xf32>
        %broadcast_in_dim3A_567 = vector.broadcast %jit3A_565 : f32 to vector<16xf32>
        %select_n3A_568 = arith.select %gt3A_559, %broadcast_in_dim3A_566, %broadcast_in_dim3A_567 : vector<16xi1>, vector<16xf32>
        %add3A_569 = arith.addf %while3A_477, %select_n3A_568 : vector<16xf32>
        %add3A_570 = arith.constant 96 : i32
        %add3A_571 = arith.addi %mul3A_482, %add3A_570 : i32
        %get3A_572 = arith.index_cast %add3A_571 : i32 to index
        %get3A_573 = tpu.vector_load %arg5[%get3A_572] {strides = array<i32>} : memref<32768xf32, #tpu.memory_space<vmem>>, vector<16xf32>,
        %gt3A_574 = arith.cmpf ogt, %get3A_573, %while3A_420 : vector<16xf32>
        %jit3A_575 = arith.constant 0.000000e+00 : f32
        %broadcast_in_dim3A_576 = vector.broadcast %jit3A_575 : f32 to vector<16xf32>
        %select_n3A_577 = arith.select %gt3A_574, %get3A_573, %broadcast_in_dim3A_576 : vector<16xi1>, vector<16xf32>
        %add3A_578 = arith.addf %while3A_470, %select_n3A_577 : vector<16xf32>
        %jit3A_579 = arith.constant 1.000000e+00 : f32
        %jit3A_580 = arith.constant 0.000000e+00 : f32
        %broadcast_in_dim3A_581 = vector.broadcast %jit3A_579 : f32 to vector<16xf32>
        %broadcast_in_dim3A_582 = vector.broadcast %jit3A_580 : f32 to vector<16xf32>
        %select_n3A_583 = arith.select %gt3A_574, %broadcast_in_dim3A_581, %broadcast_in_dim3A_582 : vector<16xi1>, vector<16xf32>
        %add3A_584 = arith.addf %while3A_478, %select_n3A_583 : vector<16xf32>
        %add3A_585 = arith.constant 112 : i32
        %add3A_586 = arith.addi %mul3A_482, %add3A_585 : i32
        %get3A_587 = arith.index_cast %add3A_586 : i32 to index
        %get3A_588 = tpu.vector_load %arg5[%get3A_587] {strides = array<i32>} : memref<32768xf32, #tpu.memory_space<vmem>>, vector<16xf32>,
        %gt3A_589 = arith.cmpf ogt, %get3A_588, %while3A_420 : vector<16xf32>
        %jit3A_590 = arith.constant 0.000000e+00 : f32
        %broadcast_in_dim3A_591 = vector.broadcast %jit3A_590 : f32 to vector<16xf32>
        %select_n3A_592 = arith.select %gt3A_589, %get3A_588, %broadcast_in_dim3A_591 : vector<16xi1>, vector<16xf32>
        %add3A_593 = arith.addf %while3A_471, %select_n3A_592 : vector<16xf32>
        %jit3A_594 = arith.constant 1.000000e+00 : f32
        %jit3A_595 = arith.constant 0.000000e+00 : f32
        %broadcast_in_dim3A_596 = vector.broadcast %jit3A_594 : f32 to vector<16xf32>
        %broadcast_in_dim3A_597 = vector.broadcast %jit3A_595 : f32 to vector<16xf32>
        %select_n3A_598 = arith.select %gt3A_589, %broadcast_in_dim3A_596, %broadcast_in_dim3A_597 : vector<16xi1>, vector<16xf32>
        %add3A_599 = arith.addf %while3A_479, %select_n3A_598 : vector<16xf32>
        scf.yield %add3A_488, %add3A_503, %add3A_518, %add3A_533, %add3A_548, %add3A_563, %add3A_578, %add3A_593, %add3A_494, %add3A_509, %add3A_524, %add3A_539, %add3A_554, %add3A_569, %add3A_584, %add3A_599 : vector<16xf32>, vector<16xf32>, vector<16xf32>, vector<16xf32>, vector<16xf32>, vector<16xf32>, vector<16xf32>, vector<16xf32>, vector<16xf32>, vector<16xf32>, vector<16xf32>, vector<16xf32>, vector<16xf32>, vector<16xf32>, vector<16xf32>, vector<16xf32>
      }
      %add3A_435 = arith.addf %while3A_434#0, %while3A_434#1 : vector<16xf32>
      %add3A_436 = arith.addf %while3A_434#8, %while3A_434#9 : vector<16xf32>
      %add3A_437 = arith.addf %add3A_435, %while3A_434#2 : vector<16xf32>
      %add3A_438 = arith.addf %add3A_436, %while3A_434#10 : vector<16xf32>
      %add3A_439 = arith.addf %add3A_437, %while3A_434#3 : vector<16xf32>
      %add3A_440 = arith.addf %add3A_438, %while3A_434#11 : vector<16xf32>
      %add3A_441 = arith.addf %add3A_439, %while3A_434#4 : vector<16xf32>
      %add3A_442 = arith.addf %add3A_440, %while3A_434#12 : vector<16xf32>
      %add3A_443 = arith.addf %add3A_441, %while3A_434#5 : vector<16xf32>
      %add3A_444 = arith.addf %add3A_442, %while3A_434#13 : vector<16xf32>
      %add3A_445 = arith.addf %add3A_443, %while3A_434#6 : vector<16xf32>
      %add3A_446 = arith.addf %add3A_444, %while3A_434#14 : vector<16xf32>
      %add3A_447 = arith.addf %add3A_445, %while3A_434#7 : vector<16xf32>
      %add3A_448 = arith.addf %add3A_446, %while3A_434#15 : vector<16xf32>
      %reduce_sum3A_449 = arith.constant true
      %reduce_sum3A_450 = vector.broadcast %reduce_sum3A_449 : i1 to vector<16xi1>
      %reduce_sum3A_451 = tpu.scan <sum>, %add3A_447 masked %reduce_sum3A_450 : vector<16xf32>, vector<16xi1> -> vector<16xf32>
      %reduce_sum3A_452 = vector.extract %reduce_sum3A_451[15] : f32 from vector<16xf32>
      %broadcast_in_dim3A_453 = vector.broadcast %reduce_sum3A_452 : f32 to vector<16xf32>
      %reduce_sum3A_454 = arith.constant true
      %reduce_sum3A_455 = vector.broadcast %reduce_sum3A_454 : i1 to vector<16xi1>
      %reduce_sum3A_456 = tpu.scan <sum>, %add3A_448 masked %reduce_sum3A_455 : vector<16xf32>, vector<16xi1> -> vector<16xf32>
      %reduce_sum3A_457 = vector.extract %reduce_sum3A_456[15] : f32 from vector<16xf32>
      %broadcast_in_dim3A_458 = vector.broadcast %reduce_sum3A_457 : f32 to vector<16xf32>
      %sub3A_459 = arith.constant 1.000000e+00 : f32
      %sub3A_460 = vector.broadcast %sub3A_459 : f32 to vector<16xf32>
      %sub3A_461 = arith.subf %broadcast_in_dim3A_453, %sub3A_460 : vector<16xf32>
      %div3A_462 = arith.divf %sub3A_461, %broadcast_in_dim3A_458 : vector<16xf32>
      scf.yield %add3A_423, %div3A_462, %while3A_420 : i32, vector<16xf32>, vector<16xf32>
    }
    %dma_wait3A_275 = arith.constant 0 : i32
    %dma_wait3A_276 = tpu.memref_slice %arg3[%add3A_90, %dma_wait3A_275] : memref<128x32768xf32, #tpu.memory_space<hbm>> -> memref<1x32768xf32, #tpu.memory_space<hbm>>
    %dma_wait3A_277 = tpu.memref_squeeze %dma_wait3A_276 : memref<1x32768xf32, #tpu.memory_space<hbm>> -> memref<32768xf32, #tpu.memory_space<hbm>>
    %dma_wait3A_278 = arith.constant 0 : i32
    %dma_wait3A_279 = tpu.memref_slice %arg3[%add3A_90, %dma_wait3A_278] : memref<128x32768xf32, #tpu.memory_space<hbm>> -> memref<1x32768xf32, #tpu.memory_space<hbm>>
    %dma_wait3A_280 = tpu.memref_squeeze %dma_wait3A_279 : memref<1x32768xf32, #tpu.memory_space<hbm>> -> memref<32768xf32, #tpu.memory_space<hbm>>
    tpu.wait_dma2 semaphore(%arg9 : memref<!tpu.dma_semaphore, #tpu.memory_space<semaphore_mem>>) src(%arg6 : memref<32768xf32, #tpu.memory_space<vmem>>) dst(%dma_wait3A_280 : memref<32768xf32, #tpu.memory_space<hbm>>)
    %scan3A_281 = arith.constant 0 : i32
    %scan3A_282 = arith.constant 0 : i32
    %scan3A_283 = arith.constant 256 : i32
    %scan3A_284 = arith.addi %scan3A_282, %scan3A_283 : i32
    %scan3A_285 = arith.constant 1 : i32
    %scan3A_286 = scf.for %scan3A_419 = %scan3A_282 to %scan3A_284 step %scan3A_285 iter_args(%scan3A_420 = %scan3A_281) -> (i32)  : i32 {
      %mul3A_421 = arith.constant 128 : i32
      %mul3A_422 = arith.muli %scan3A_419, %mul3A_421 : i32
      %add3A_423 = arith.constant 0 : i32
      %add3A_424 = arith.addi %mul3A_422, %add3A_423 : i32
      %get3A = arith.index_cast %add3A_424 : i32 to index
      %get3A_425 = tpu.vector_load %arg5[%get3A] {strides = array<i32>} : memref<32768xf32, #tpu.memory_space<vmem>>, vector<16xf32>,
      %sub3A_426 = arith.subf %get3A_425, %while3A_274#1 : vector<16xf32>
      %max3A_427 = arith.constant 0.000000e+00 : f32
      %max3A_428 = vector.broadcast %max3A_427 : f32 to vector<16xf32>
      %max3A_429 = arith.maximumf %sub3A_426, %max3A_428 : vector<16xf32>
      %swap3A = arith.index_cast %add3A_424 : i32 to index
      %swap3A_430 = tpu.vector_load %arg6[%swap3A] {strides = array<i32>} : memref<32768xf32, #tpu.memory_space<vmem>>, vector<16xf32>,
      tpu.vector_store %arg6[%swap3A], %max3A_429 {strides = array<i32>} : memref<32768xf32, #tpu.memory_space<vmem>>, vector<16xf32>,
      %min3A = arith.minimumf %get3A_425, %while3A_274#1 : vector<16xf32>
      %swap3A_431 = arith.index_cast %add3A_424 : i32 to index
      %swap3A_432 = tpu.vector_load %arg7[%swap3A_431] {strides = array<i32>} : memref<32768xf32, #tpu.memory_space<vmem>>, vector<16xf32>,
      tpu.vector_store %arg7[%swap3A_431], %min3A {strides = array<i32>} : memref<32768xf32, #tpu.memory_space<vmem>>, vector<16xf32>,
      %add3A_433 = arith.constant 16 : i32
      %add3A_434 = arith.addi %mul3A_422, %add3A_433 : i32
      %get3A_435 = arith.index_cast %add3A_434 : i32 to index
      %get3A_436 = tpu.vector_load %arg5[%get3A_435] {strides = array<i32>} : memref<32768xf32, #tpu.memory_space<vmem>>, vector<16xf32>,
      %sub3A_437 = arith.subf %get3A_436, %while3A_274#1 : vector<16xf32>
      %max3A_438 = arith.constant 0.000000e+00 : f32
      %max3A_439 = vector.broadcast %max3A_438 : f32 to vector<16xf32>
      %max3A_440 = arith.maximumf %sub3A_437, %max3A_439 : vector<16xf32>
      %swap3A_441 = arith.index_cast %add3A_434 : i32 to index
      %swap3A_442 = tpu.vector_load %arg6[%swap3A_441] {strides = array<i32>} : memref<32768xf32, #tpu.memory_space<vmem>>, vector<16xf32>,
      tpu.vector_store %arg6[%swap3A_441], %max3A_440 {strides = array<i32>} : memref<32768xf32, #tpu.memory_space<vmem>>, vector<16xf32>,
      %min3A_443 = arith.minimumf %get3A_436, %while3A_274#1 : vector<16xf32>
      %swap3A_444 = arith.index_cast %add3A_434 : i32 to index
      %swap3A_445 = tpu.vector_load %arg7[%swap3A_444] {strides = array<i32>} : memref<32768xf32, #tpu.memory_space<vmem>>, vector<16xf32>,
      tpu.vector_store %arg7[%swap3A_444], %min3A_443 {strides = array<i32>} : memref<32768xf32, #tpu.memory_space<vmem>>, vector<16xf32>,
      %add3A_446 = arith.constant 32 : i32
      %add3A_447 = arith.addi %mul3A_422, %add3A_446 : i32
      %get3A_448 = arith.index_cast %add3A_447 : i32 to index
      %get3A_449 = tpu.vector_load %arg5[%get3A_448] {strides = array<i32>} : memref<32768xf32, #tpu.memory_space<vmem>>, vector<16xf32>,
      %sub3A_450 = arith.subf %get3A_449, %while3A_274#1 : vector<16xf32>
      %max3A_451 = arith.constant 0.000000e+00 : f32
      %max3A_452 = vector.broadcast %max3A_451 : f32 to vector<16xf32>
      %max3A_453 = arith.maximumf %sub3A_450, %max3A_452 : vector<16xf32>
      %swap3A_454 = arith.index_cast %add3A_447 : i32 to index
      %swap3A_455 = tpu.vector_load %arg6[%swap3A_454] {strides = array<i32>} : memref<32768xf32, #tpu.memory_space<vmem>>, vector<16xf32>,
      tpu.vector_store %arg6[%swap3A_454], %max3A_453 {strides = array<i32>} : memref<32768xf32, #tpu.memory_space<vmem>>, vector<16xf32>,
      %min3A_456 = arith.minimumf %get3A_449, %while3A_274#1 : vector<16xf32>
      %swap3A_457 = arith.index_cast %add3A_447 : i32 to index
      %swap3A_458 = tpu.vector_load %arg7[%swap3A_457] {strides = array<i32>} : memref<32768xf32, #tpu.memory_space<vmem>>, vector<16xf32>,
      tpu.vector_store %arg7[%swap3A_457], %min3A_456 {strides = array<i32>} : memref<32768xf32, #tpu.memory_space<vmem>>, vector<16xf32>,
      %add3A_459 = arith.constant 48 : i32
      %add3A_460 = arith.addi %mul3A_422, %add3A_459 : i32
      %get3A_461 = arith.index_cast %add3A_460 : i32 to index
      %get3A_462 = tpu.vector_load %arg5[%get3A_461] {strides = array<i32>} : memref<32768xf32, #tpu.memory_space<vmem>>, vector<16xf32>,
      %sub3A_463 = arith.subf %get3A_462, %while3A_274#1 : vector<16xf32>
      %max3A_464 = arith.constant 0.000000e+00 : f32
      %max3A_465 = vector.broadcast %max3A_464 : f32 to vector<16xf32>
      %max3A_466 = arith.maximumf %sub3A_463, %max3A_465 : vector<16xf32>
      %swap3A_467 = arith.index_cast %add3A_460 : i32 to index
      %swap3A_468 = tpu.vector_load %arg6[%swap3A_467] {strides = array<i32>} : memref<32768xf32, #tpu.memory_space<vmem>>, vector<16xf32>,
      tpu.vector_store %arg6[%swap3A_467], %max3A_466 {strides = array<i32>} : memref<32768xf32, #tpu.memory_space<vmem>>, vector<16xf32>,
      %min3A_469 = arith.minimumf %get3A_462, %while3A_274#1 : vector<16xf32>
      %swap3A_470 = arith.index_cast %add3A_460 : i32 to index
      %swap3A_471 = tpu.vector_load %arg7[%swap3A_470] {strides = array<i32>} : memref<32768xf32, #tpu.memory_space<vmem>>, vector<16xf32>,
      tpu.vector_store %arg7[%swap3A_470], %min3A_469 {strides = array<i32>} : memref<32768xf32, #tpu.memory_space<vmem>>, vector<16xf32>,
      %add3A_472 = arith.constant 64 : i32
      %add3A_473 = arith.addi %mul3A_422, %add3A_472 : i32
      %get3A_474 = arith.index_cast %add3A_473 : i32 to index
      %get3A_475 = tpu.vector_load %arg5[%get3A_474] {strides = array<i32>} : memref<32768xf32, #tpu.memory_space<vmem>>, vector<16xf32>,
      %sub3A_476 = arith.subf %get3A_475, %while3A_274#1 : vector<16xf32>
      %max3A_477 = arith.constant 0.000000e+00 : f32
      %max3A_478 = vector.broadcast %max3A_477 : f32 to vector<16xf32>
      %max3A_479 = arith.maximumf %sub3A_476, %max3A_478 : vector<16xf32>
      %swap3A_480 = arith.index_cast %add3A_473 : i32 to index
      %swap3A_481 = tpu.vector_load %arg6[%swap3A_480] {strides = array<i32>} : memref<32768xf32, #tpu.memory_space<vmem>>, vector<16xf32>,
      tpu.vector_store %arg6[%swap3A_480], %max3A_479 {strides = array<i32>} : memref<32768xf32, #tpu.memory_space<vmem>>, vector<16xf32>,
      %min3A_482 = arith.minimumf %get3A_475, %while3A_274#1 : vector<16xf32>
      %swap3A_483 = arith.index_cast %add3A_473 : i32 to index
      %swap3A_484 = tpu.vector_load %arg7[%swap3A_483] {strides = array<i32>} : memref<32768xf32, #tpu.memory_space<vmem>>, vector<16xf32>,
      tpu.vector_store %arg7[%swap3A_483], %min3A_482 {strides = array<i32>} : memref<32768xf32, #tpu.memory_space<vmem>>, vector<16xf32>,
      %add3A_485 = arith.constant 80 : i32
      %add3A_486 = arith.addi %mul3A_422, %add3A_485 : i32
      %get3A_487 = arith.index_cast %add3A_486 : i32 to index
      %get3A_488 = tpu.vector_load %arg5[%get3A_487] {strides = array<i32>} : memref<32768xf32, #tpu.memory_space<vmem>>, vector<16xf32>,
      %sub3A_489 = arith.subf %get3A_488, %while3A_274#1 : vector<16xf32>
      %max3A_490 = arith.constant 0.000000e+00 : f32
      %max3A_491 = vector.broadcast %max3A_490 : f32 to vector<16xf32>
      %max3A_492 = arith.maximumf %sub3A_489, %max3A_491 : vector<16xf32>
      %swap3A_493 = arith.index_cast %add3A_486 : i32 to index
      %swap3A_494 = tpu.vector_load %arg6[%swap3A_493] {strides = array<i32>} : memref<32768xf32, #tpu.memory_space<vmem>>, vector<16xf32>,
      tpu.vector_store %arg6[%swap3A_493], %max3A_492 {strides = array<i32>} : memref<32768xf32, #tpu.memory_space<vmem>>, vector<16xf32>,
      %min3A_495 = arith.minimumf %get3A_488, %while3A_274#1 : vector<16xf32>
      %swap3A_496 = arith.index_cast %add3A_486 : i32 to index
      %swap3A_497 = tpu.vector_load %arg7[%swap3A_496] {strides = array<i32>} : memref<32768xf32, #tpu.memory_space<vmem>>, vector<16xf32>,
      tpu.vector_store %arg7[%swap3A_496], %min3A_495 {strides = array<i32>} : memref<32768xf32, #tpu.memory_space<vmem>>, vector<16xf32>,
      %add3A_498 = arith.constant 96 : i32
      %add3A_499 = arith.addi %mul3A_422, %add3A_498 : i32
      %get3A_500 = arith.index_cast %add3A_499 : i32 to index
      %get3A_501 = tpu.vector_load %arg5[%get3A_500] {strides = array<i32>} : memref<32768xf32, #tpu.memory_space<vmem>>, vector<16xf32>,
      %sub3A_502 = arith.subf %get3A_501, %while3A_274#1 : vector<16xf32>
      %max3A_503 = arith.constant 0.000000e+00 : f32
      %max3A_504 = vector.broadcast %max3A_503 : f32 to vector<16xf32>
      %max3A_505 = arith.maximumf %sub3A_502, %max3A_504 : vector<16xf32>
      %swap3A_506 = arith.index_cast %add3A_499 : i32 to index
      %swap3A_507 = tpu.vector_load %arg6[%swap3A_506] {strides = array<i32>} : memref<32768xf32, #tpu.memory_space<vmem>>, vector<16xf32>,
      tpu.vector_store %arg6[%swap3A_506], %max3A_505 {strides = array<i32>} : memref<32768xf32, #tpu.memory_space<vmem>>, vector<16xf32>,
      %min3A_508 = arith.minimumf %get3A_501, %while3A_274#1 : vector<16xf32>
      %swap3A_509 = arith.index_cast %add3A_499 : i32 to index
      %swap3A_510 = tpu.vector_load %arg7[%swap3A_509] {strides = array<i32>} : memref<32768xf32, #tpu.memory_space<vmem>>, vector<16xf32>,
      tpu.vector_store %arg7[%swap3A_509], %min3A_508 {strides = array<i32>} : memref<32768xf32, #tpu.memory_space<vmem>>, vector<16xf32>,
      %add3A_511 = arith.constant 112 : i32
      %add3A_512 = arith.addi %mul3A_422, %add3A_511 : i32
      %get3A_513 = arith.index_cast %add3A_512 : i32 to index
      %get3A_514 = tpu.vector_load %arg5[%get3A_513] {strides = array<i32>} : memref<32768xf32, #tpu.memory_space<vmem>>, vector<16xf32>,
      %sub3A_515 = arith.subf %get3A_514, %while3A_274#1 : vector<16xf32>
      %max3A_516 = arith.constant 0.000000e+00 : f32
      %max3A_517 = vector.broadcast %max3A_516 : f32 to vector<16xf32>
      %max3A_518 = arith.maximumf %sub3A_515, %max3A_517 : vector<16xf32>
      %swap3A_519 = arith.index_cast %add3A_512 : i32 to index
      %swap3A_520 = tpu.vector_load %arg6[%swap3A_519] {strides = array<i32>} : memref<32768xf32, #tpu.memory_space<vmem>>, vector<16xf32>,
      tpu.vector_store %arg6[%swap3A_519], %max3A_518 {strides = array<i32>} : memref<32768xf32, #tpu.memory_space<vmem>>, vector<16xf32>,
      %min3A_521 = arith.minimumf %get3A_514, %while3A_274#1 : vector<16xf32>
      %swap3A_522 = arith.index_cast %add3A_512 : i32 to index
      %swap3A_523 = tpu.vector_load %arg7[%swap3A_522] {strides = array<i32>} : memref<32768xf32, #tpu.memory_space<vmem>>, vector<16xf32>,
      tpu.vector_store %arg7[%swap3A_522], %min3A_521 {strides = array<i32>} : memref<32768xf32, #tpu.memory_space<vmem>>, vector<16xf32>,
      %scan3A_524 = arith.constant 0 : i32
      scf.yield %scan3A_524 : i32
    }
    %scan3A_287 = arith.constant 256 : i32
    %dma_start3A_288 = arith.constant 0 : i32
    %dma_start3A_289 = tpu.memref_slice %arg3[%add3A_196, %dma_start3A_288] : memref<128x32768xf32, #tpu.memory_space<hbm>> -> memref<1x32768xf32, #tpu.memory_space<hbm>>
    %dma_start3A_290 = tpu.memref_squeeze %dma_start3A_289 : memref<1x32768xf32, #tpu.memory_space<hbm>> -> memref<32768xf32, #tpu.memory_space<hbm>>
    %dma_start3A_291 = arith.constant 0 : i32
    %dma_start3A_292 = tpu.memref_slice %arg3[%add3A_196, %dma_start3A_291] : memref<128x32768xf32, #tpu.memory_space<hbm>> -> memref<1x32768xf32, #tpu.memory_space<hbm>>
    %dma_start3A_293 = tpu.memref_squeeze %dma_start3A_292 : memref<1x32768xf32, #tpu.memory_space<hbm>> -> memref<32768xf32, #tpu.memory_space<hbm>>
    tpu.enqueue_dma source(%arg6 : memref<32768xf32, #tpu.memory_space<vmem>>) target(%dma_start3A_293 : memref<32768xf32, #tpu.memory_space<hbm>>) target_semaphore(%arg9 : memref<!tpu.dma_semaphore, #tpu.memory_space<semaphore_mem>>)
    %dma_start3A_294 = arith.constant 0 : i32
    %dma_start3A_295 = tpu.memref_slice %arg4[%add3A_196, %dma_start3A_294] : memref<128x32768xf32, #tpu.memory_space<hbm>> -> memref<1x32768xf32, #tpu.memory_space<hbm>>
    %dma_start3A_296 = tpu.memref_squeeze %dma_start3A_295 : memref<1x32768xf32, #tpu.memory_space<hbm>> -> memref<32768xf32, #tpu.memory_space<hbm>>
    %dma_start3A_297 = arith.constant 0 : i32
    %dma_start3A_298 = tpu.memref_slice %arg4[%add3A_196, %dma_start3A_297] : memref<128x32768xf32, #tpu.memory_space<hbm>> -> memref<1x32768xf32, #tpu.memory_space<hbm>>
    %dma_start3A_299 = tpu.memref_squeeze %dma_start3A_298 : memref<1x32768xf32, #tpu.memory_space<hbm>> -> memref<32768xf32, #tpu.memory_space<hbm>>
    tpu.enqueue_dma source(%arg7 : memref<32768xf32, #tpu.memory_space<vmem>>) target(%dma_start3A_299 : memref<32768xf32, #tpu.memory_space<hbm>>) target_semaphore(%arg10 : memref<!tpu.dma_semaphore, #tpu.memory_space<semaphore_mem>>)
    %mul3A_300 = arith.constant 4 : i32
    %mul3A_301 = arith.muli %add3A, %mul3A_300 : i32
    %add3A_302 = arith.constant 3 : i32
    %add3A_303 = arith.addi %mul3A_301, %add3A_302 : i32
    "tpu.region"() ({
      %run_scoped3A = tpu.sem_alloc : memref<!tpu.dma_semaphore, #tpu.memory_space<semaphore_mem>>
      %dma_start3A_419 = arith.constant 0 : i32
      %dma_start3A_420 = tpu.memref_slice %arg2[%add3A_303, %dma_start3A_419] : memref<128x32768xf32, #tpu.memory_space<hbm>> -> memref<1x32768xf32, #tpu.memory_space<hbm>>
      %dma_start3A_421 = tpu.memref_squeeze %dma_start3A_420 : memref<1x32768xf32, #tpu.memory_space<hbm>> -> memref<32768xf32, #tpu.memory_space<hbm>>
      %dma_start3A_422 = arith.constant 0 : i32
      %dma_start3A_423 = tpu.memref_slice %arg2[%add3A_303, %dma_start3A_422] : memref<128x32768xf32, #tpu.memory_space<hbm>> -> memref<1x32768xf32, #tpu.memory_space<hbm>>
      %dma_start3A_424 = tpu.memref_squeeze %dma_start3A_423 : memref<1x32768xf32, #tpu.memory_space<hbm>> -> memref<32768xf32, #tpu.memory_space<hbm>>
      tpu.enqueue_dma source(%dma_start3A_424 : memref<32768xf32, #tpu.memory_space<hbm>>) target(%arg5 : memref<32768xf32, #tpu.memory_space<vmem>>) target_semaphore(%run_scoped3A : memref<!tpu.dma_semaphore, #tpu.memory_space<semaphore_mem>>)
      %dma_wait3A_425 = arith.constant 0 : i32
      %dma_wait3A_426 = tpu.memref_slice %arg2[%add3A_303, %dma_wait3A_425] : memref<128x32768xf32, #tpu.memory_space<hbm>> -> memref<1x32768xf32, #tpu.memory_space<hbm>>
      %dma_wait3A_427 = tpu.memref_squeeze %dma_wait3A_426 : memref<1x32768xf32, #tpu.memory_space<hbm>> -> memref<32768xf32, #tpu.memory_space<hbm>>
      %dma_wait3A_428 = arith.constant 0 : i32
      %dma_wait3A_429 = tpu.memref_slice %arg2[%add3A_303, %dma_wait3A_428] : memref<128x32768xf32, #tpu.memory_space<hbm>> -> memref<1x32768xf32, #tpu.memory_space<hbm>>
      %dma_wait3A_430 = tpu.memref_squeeze %dma_wait3A_429 : memref<1x32768xf32, #tpu.memory_space<hbm>> -> memref<32768xf32, #tpu.memory_space<hbm>>
      tpu.wait_dma2 semaphore(%run_scoped3A : memref<!tpu.dma_semaphore, #tpu.memory_space<semaphore_mem>>) src(%dma_wait3A_430 : memref<32768xf32, #tpu.memory_space<hbm>>) dst(%arg5 : memref<32768xf32, #tpu.memory_space<vmem>>)
      tpu.yield
    }) : () -> ()
    %broadcast_in_dim3A_304 = arith.constant 0xFF800000 : f32
    %broadcast_in_dim3A_305 = vector.broadcast %broadcast_in_dim3A_304 : f32 to vector<16xf32>
    %scan3A_306 = arith.constant 0 : i32
    %scan3A_307 = arith.constant 256 : i32
    %scan3A_308 = arith.addi %scan3A_306, %scan3A_307 : i32
    %scan3A_309 = arith.constant 1 : i32
    %scan3A_310:8 = scf.for %scan3A_419 = %scan3A_306 to %scan3A_308 step %scan3A_309 iter_args(%scan3A_420 = %broadcast_in_dim3A_305, %scan3A_421 = %broadcast_in_dim3A_305, %scan3A_422 = %broadcast_in_dim3A_305, %scan3A_423 = %broadcast_in_dim3A_305, %scan3A_424 = %broadcast_in_dim3A_305, %scan3A_425 = %broadcast_in_dim3A_305, %scan3A_426 = %broadcast_in_dim3A_305, %scan3A_427 = %broadcast_in_dim3A_305) -> (vector<16xf32>, vector<16xf32>, vector<16xf32>, vector<16xf32>, vector<16xf32>, vector<16xf32>, vector<16xf32>, vector<16xf32>)  : i32 {
      %mul3A_428 = arith.constant 128 : i32
      %mul3A_429 = arith.muli %scan3A_419, %mul3A_428 : i32
      %add3A_430 = arith.constant 0 : i32
      %add3A_431 = arith.addi %mul3A_429, %add3A_430 : i32
      %get3A = arith.index_cast %add3A_431 : i32 to index
      %get3A_432 = tpu.vector_load %arg5[%get3A] {strides = array<i32>} : memref<32768xf32, #tpu.memory_space<vmem>>, vector<16xf32>,
      %max3A_433 = arith.maximumf %scan3A_420, %get3A_432 : vector<16xf32>
      %add3A_434 = arith.constant 16 : i32
      %add3A_435 = arith.addi %mul3A_429, %add3A_434 : i32
      %get3A_436 = arith.index_cast %add3A_435 : i32 to index
      %get3A_437 = tpu.vector_load %arg5[%get3A_436] {strides = array<i32>} : memref<32768xf32, #tpu.memory_space<vmem>>, vector<16xf32>,
      %max3A_438 = arith.maximumf %scan3A_421, %get3A_437 : vector<16xf32>
      %add3A_439 = arith.constant 32 : i32
      %add3A_440 = arith.addi %mul3A_429, %add3A_439 : i32
      %get3A_441 = arith.index_cast %add3A_440 : i32 to index
      %get3A_442 = tpu.vector_load %arg5[%get3A_441] {strides = array<i32>} : memref<32768xf32, #tpu.memory_space<vmem>>, vector<16xf32>,
      %max3A_443 = arith.maximumf %scan3A_422, %get3A_442 : vector<16xf32>
      %add3A_444 = arith.constant 48 : i32
      %add3A_445 = arith.addi %mul3A_429, %add3A_444 : i32
      %get3A_446 = arith.index_cast %add3A_445 : i32 to index
      %get3A_447 = tpu.vector_load %arg5[%get3A_446] {strides = array<i32>} : memref<32768xf32, #tpu.memory_space<vmem>>, vector<16xf32>,
      %max3A_448 = arith.maximumf %scan3A_423, %get3A_447 : vector<16xf32>
      %add3A_449 = arith.constant 64 : i32
      %add3A_450 = arith.addi %mul3A_429, %add3A_449 : i32
      %get3A_451 = arith.index_cast %add3A_450 : i32 to index
      %get3A_452 = tpu.vector_load %arg5[%get3A_451] {strides = array<i32>} : memref<32768xf32, #tpu.memory_space<vmem>>, vector<16xf32>,
      %max3A_453 = arith.maximumf %scan3A_424, %get3A_452 : vector<16xf32>
      %add3A_454 = arith.constant 80 : i32
      %add3A_455 = arith.addi %mul3A_429, %add3A_454 : i32
      %get3A_456 = arith.index_cast %add3A_455 : i32 to index
      %get3A_457 = tpu.vector_load %arg5[%get3A_456] {strides = array<i32>} : memref<32768xf32, #tpu.memory_space<vmem>>, vector<16xf32>,
      %max3A_458 = arith.maximumf %scan3A_425, %get3A_457 : vector<16xf32>
      %add3A_459 = arith.constant 96 : i32
      %add3A_460 = arith.addi %mul3A_429, %add3A_459 : i32
      %get3A_461 = arith.index_cast %add3A_460 : i32 to index
      %get3A_462 = tpu.vector_load %arg5[%get3A_461] {strides = array<i32>} : memref<32768xf32, #tpu.memory_space<vmem>>, vector<16xf32>,
      %max3A_463 = arith.maximumf %scan3A_426, %get3A_462 : vector<16xf32>
      %add3A_464 = arith.constant 112 : i32
      %add3A_465 = arith.addi %mul3A_429, %add3A_464 : i32
      %get3A_466 = arith.index_cast %add3A_465 : i32 to index
      %get3A_467 = tpu.vector_load %arg5[%get3A_466] {strides = array<i32>} : memref<32768xf32, #tpu.memory_space<vmem>>, vector<16xf32>,
      %max3A_468 = arith.maximumf %scan3A_427, %get3A_467 : vector<16xf32>
      scf.yield %max3A_433, %max3A_438, %max3A_443, %max3A_448, %max3A_453, %max3A_458, %max3A_463, %max3A_468 : vector<16xf32>, vector<16xf32>, vector<16xf32>, vector<16xf32>, vector<16xf32>, vector<16xf32>, vector<16xf32>, vector<16xf32>
    }
    %scan3A_311 = arith.constant 256 : i32
    %max3A_312 = arith.maximumf %scan3A_310#0, %scan3A_310#1 : vector<16xf32>
    %max3A_313 = arith.maximumf %max3A_312, %scan3A_310#2 : vector<16xf32>
    %max3A_314 = arith.maximumf %max3A_313, %scan3A_310#3 : vector<16xf32>
    %max3A_315 = arith.maximumf %max3A_314, %scan3A_310#4 : vector<16xf32>
    %max3A_316 = arith.maximumf %max3A_315, %scan3A_310#5 : vector<16xf32>
    %max3A_317 = arith.maximumf %max3A_316, %scan3A_310#6 : vector<16xf32>
    %max3A_318 = arith.maximumf %max3A_317, %scan3A_310#7 : vector<16xf32>
    %reduce_max3A_319 = arith.constant true
    %reduce_max3A_320 = vector.broadcast %reduce_max3A_319 : i1 to vector<16xi1>
    %reduce_max3A_321 = tpu.scan <max>, %max3A_318 masked %reduce_max3A_320 : vector<16xf32>, vector<16xi1> -> vector<16xf32>
    %reduce_max3A_322 = vector.extract %reduce_max3A_321[15] : f32 from vector<16xf32>
    %sub3A_323 = arith.constant 1.000000e+00 : f32
    %sub3A_324 = arith.subf %reduce_max3A_322, %sub3A_323 : f32
    %broadcast_in_dim3A_325 = vector.broadcast %sub3A_324 : f32 to vector<16xf32>
    %dma_wait3A_326 = arith.constant 0 : i32
    %dma_wait3A_327 = tpu.memref_slice %arg4[%add3A_196, %dma_wait3A_326] : memref<128x32768xf32, #tpu.memory_space<hbm>> -> memref<1x32768xf32, #tpu.memory_space<hbm>>
    %dma_wait3A_328 = tpu.memref_squeeze %dma_wait3A_327 : memref<1x32768xf32, #tpu.memory_space<hbm>> -> memref<32768xf32, #tpu.memory_space<hbm>>
    %dma_wait3A_329 = arith.constant 0 : i32
    %dma_wait3A_330 = tpu.memref_slice %arg4[%add3A_196, %dma_wait3A_329] : memref<128x32768xf32, #tpu.memory_space<hbm>> -> memref<1x32768xf32, #tpu.memory_space<hbm>>
    %dma_wait3A_331 = tpu.memref_squeeze %dma_wait3A_330 : memref<1x32768xf32, #tpu.memory_space<hbm>> -> memref<32768xf32, #tpu.memory_space<hbm>>
    tpu.wait_dma2 semaphore(%arg10 : memref<!tpu.dma_semaphore, #tpu.memory_space<semaphore_mem>>) src(%arg7 : memref<32768xf32, #tpu.memory_space<vmem>>) dst(%dma_wait3A_331 : memref<32768xf32, #tpu.memory_space<hbm>>)
    %scan3A_332 = arith.constant 0 : i32
    %scan3A_333 = arith.constant 0 : i32
    %scan3A_334 = arith.constant 256 : i32
    %scan3A_335 = arith.addi %scan3A_333, %scan3A_334 : i32
    %scan3A_336 = arith.constant 1 : i32
    %scan3A_337 = scf.for %scan3A_419 = %scan3A_333 to %scan3A_335 step %scan3A_336 iter_args(%scan3A_420 = %scan3A_332) -> (i32)  : i32 {
      %mul3A_421 = arith.constant 128 : i32
      %mul3A_422 = arith.muli %scan3A_419, %mul3A_421 : i32
      %get3A = arith.index_cast %mul3A_422 : i32 to index
      %get3A_423 = tpu.vector_load %arg5[%get3A] {strides = array<i32>} : memref<32768xf32, #tpu.memory_space<vmem>>, vector<16xf32>,
      %gt3A = arith.cmpf ogt, %get3A_423, %broadcast_in_dim3A_325 : vector<16xf32>
      %add3A_424 = arith.constant 16 : i32
      %add3A_425 = arith.addi %mul3A_422, %add3A_424 : i32
      %get3A_426 = arith.index_cast %add3A_425 : i32 to index
      %get3A_427 = tpu.vector_load %arg5[%get3A_426] {strides = array<i32>} : memref<32768xf32, #tpu.memory_space<vmem>>, vector<16xf32>,
      %gt3A_428 = arith.cmpf ogt, %get3A_427, %broadcast_in_dim3A_325 : vector<16xf32>
      %or3A = arith.ori %gt3A, %gt3A_428 : vector<16xi1>
      %add3A_429 = arith.constant 32 : i32
      %add3A_430 = arith.addi %mul3A_422, %add3A_429 : i32
      %get3A_431 = arith.index_cast %add3A_430 : i32 to index
      %get3A_432 = tpu.vector_load %arg5[%get3A_431] {strides = array<i32>} : memref<32768xf32, #tpu.memory_space<vmem>>, vector<16xf32>,
      %gt3A_433 = arith.cmpf ogt, %get3A_432, %broadcast_in_dim3A_325 : vector<16xf32>
      %or3A_434 = arith.ori %or3A, %gt3A_433 : vector<16xi1>
      %add3A_435 = arith.constant 48 : i32
      %add3A_436 = arith.addi %mul3A_422, %add3A_435 : i32
      %get3A_437 = arith.index_cast %add3A_436 : i32 to index
      %get3A_438 = tpu.vector_load %arg5[%get3A_437] {strides = array<i32>} : memref<32768xf32, #tpu.memory_space<vmem>>, vector<16xf32>,
      %gt3A_439 = arith.cmpf ogt, %get3A_438, %broadcast_in_dim3A_325 : vector<16xf32>
      %or3A_440 = arith.ori %or3A_434, %gt3A_439 : vector<16xi1>
      %add3A_441 = arith.constant 64 : i32
      %add3A_442 = arith.addi %mul3A_422, %add3A_441 : i32
      %get3A_443 = arith.index_cast %add3A_442 : i32 to index
      %get3A_444 = tpu.vector_load %arg5[%get3A_443] {strides = array<i32>} : memref<32768xf32, #tpu.memory_space<vmem>>, vector<16xf32>,
      %gt3A_445 = arith.cmpf ogt, %get3A_444, %broadcast_in_dim3A_325 : vector<16xf32>
      %or3A_446 = arith.ori %or3A_440, %gt3A_445 : vector<16xi1>
      %add3A_447 = arith.constant 80 : i32
      %add3A_448 = arith.addi %mul3A_422, %add3A_447 : i32
      %get3A_449 = arith.index_cast %add3A_448 : i32 to index
      %get3A_450 = tpu.vector_load %arg5[%get3A_449] {strides = array<i32>} : memref<32768xf32, #tpu.memory_space<vmem>>, vector<16xf32>,
      %gt3A_451 = arith.cmpf ogt, %get3A_450, %broadcast_in_dim3A_325 : vector<16xf32>
      %or3A_452 = arith.ori %or3A_446, %gt3A_451 : vector<16xi1>
      %add3A_453 = arith.constant 96 : i32
      %add3A_454 = arith.addi %mul3A_422, %add3A_453 : i32
      %get3A_455 = arith.index_cast %add3A_454 : i32 to index
      %get3A_456 = tpu.vector_load %arg5[%get3A_455] {strides = array<i32>} : memref<32768xf32, #tpu.memory_space<vmem>>, vector<16xf32>,
      %gt3A_457 = arith.cmpf ogt, %get3A_456, %broadcast_in_dim3A_325 : vector<16xf32>
      %or3A_458 = arith.ori %or3A_452, %gt3A_457 : vector<16xi1>
      %add3A_459 = arith.constant 112 : i32
      %add3A_460 = arith.addi %mul3A_422, %add3A_459 : i32
      %get3A_461 = arith.index_cast %add3A_460 : i32 to index
      %get3A_462 = tpu.vector_load %arg5[%get3A_461] {strides = array<i32>} : memref<32768xf32, #tpu.memory_space<vmem>>, vector<16xf32>,
      %gt3A_463 = arith.cmpf ogt, %get3A_462, %broadcast_in_dim3A_325 : vector<16xf32>
      %or3A_464 = arith.ori %or3A_458, %gt3A_463 : vector<16xi1>
      %reduce_or3A = arith.constant 1.000000e+00 : f32
      %reduce_or3A_465 = arith.constant 0.000000e+00 : f32
      %reduce_or3A_466 = vector.broadcast %reduce_or3A : f32 to vector<16xf32>
      %reduce_or3A_467 = vector.broadcast %reduce_or3A_465 : f32 to vector<16xf32>
      %reduce_or3A_468 = arith.select %or3A_464, %reduce_or3A_466, %reduce_or3A_467 : vector<16xi1>, vector<16xf32>
      %reduce_or3A_469 = arith.constant true
      %reduce_or3A_470 = vector.broadcast %reduce_or3A_469 : i1 to vector<16xi1>
      %reduce_or3A_471 = tpu.scan <max>, %reduce_or3A_468 masked %reduce_or3A_470 : vector<16xf32>, vector<16xi1> -> vector<16xf32>
      %reduce_or3A_472 = vector.extract %reduce_or3A_471[15] : f32 from vector<16xf32>
      %reduce_or3A_473 = arith.constant 0.000000e+00 : f32
      %reduce_or3A_474 = arith.cmpf ogt, %reduce_or3A_472, %reduce_or3A_473 : f32
      %convert_element_type3A = arith.extui %reduce_or3A_474 : i1 to i32
      %cond3A = arith.constant 0 : i32
      %cond3A_475 = arith.cmpi ne, %convert_element_type3A, %cond3A : i32
      scf.if %cond3A_475 {
        %swap3A = arith.index_cast %scan3A_420 : i32 to index
        %swap3A_478 = memref.load %arg8[%swap3A] : memref<256xi32, #tpu.memory_space<smem>>
        memref.store %scan3A_419, %arg8[%swap3A] : memref<256xi32, #tpu.memory_space<smem>>
      } else {
      }
      %jit3A = arith.constant 1 : i32
      %jit3A_476 = arith.constant 0 : i32
      %select_n3A = arith.select %reduce_or3A_474, %jit3A, %jit3A_476 : i32
      %add3A_477 = arith.addi %scan3A_420, %select_n3A : i32
      scf.yield %add3A_477 : i32
    }
    %scan3A_338 = arith.constant 256 : i32
    %broadcast_in_dim3A_339 = arith.constant 0.000000e+00 : f32
    %broadcast_in_dim3A_340 = vector.broadcast %broadcast_in_dim3A_339 : f32 to vector<16xf32>
    %while3A_341 = arith.constant 0 : i32
    %while3A_342 = arith.subi %scan3A_337, %while3A_341 : i32
    %while3A_343 = arith.addi %while3A_341, %while3A_342 : i32
    %while3A_344 = arith.constant 1 : i32
    %while3A_345 = arith.divsi %while3A_342, %while3A_344 : i32
    %while3A_346 = arith.muli %while3A_345, %while3A_344 : i32
    %while3A_347 = arith.addi %while3A_341, %while3A_346 : i32
    %while3A_348 = arith.constant 1 : i32
    %while3A_349:16 = scf.for %while3A_419 = %while3A_341 to %while3A_347 step %while3A_348 iter_args(%while3A_420 = %broadcast_in_dim3A_340, %while3A_421 = %broadcast_in_dim3A_340, %while3A_422 = %broadcast_in_dim3A_340, %while3A_423 = %broadcast_in_dim3A_340, %while3A_424 = %broadcast_in_dim3A_340, %while3A_425 = %broadcast_in_dim3A_340, %while3A_426 = %broadcast_in_dim3A_340, %while3A_427 = %broadcast_in_dim3A_340, %while3A_428 = %broadcast_in_dim3A_340, %while3A_429 = %broadcast_in_dim3A_340, %while3A_430 = %broadcast_in_dim3A_340, %while3A_431 = %broadcast_in_dim3A_340, %while3A_432 = %broadcast_in_dim3A_340, %while3A_433 = %broadcast_in_dim3A_340, %while3A_434 = %broadcast_in_dim3A_340, %while3A_435 = %broadcast_in_dim3A_340) -> (vector<16xf32>, vector<16xf32>, vector<16xf32>, vector<16xf32>, vector<16xf32>, vector<16xf32>, vector<16xf32>, vector<16xf32>, vector<16xf32>, vector<16xf32>, vector<16xf32>, vector<16xf32>, vector<16xf32>, vector<16xf32>, vector<16xf32>, vector<16xf32>)  : i32 {
      %get3A = arith.index_cast %while3A_419 : i32 to index
      %get3A_436 = memref.load %arg8[%get3A] : memref<256xi32, #tpu.memory_space<smem>>
      %mul3A_437 = arith.constant 128 : i32
      %mul3A_438 = arith.muli %get3A_436, %mul3A_437 : i32
      %add3A_439 = arith.constant 0 : i32
      %add3A_440 = arith.addi %mul3A_438, %add3A_439 : i32
      %get3A_441 = arith.index_cast %add3A_440 : i32 to index
      %get3A_442 = tpu.vector_load %arg5[%get3A_441] {strides = array<i32>} : memref<32768xf32, #tpu.memory_space<vmem>>, vector<16xf32>,
      %gt3A = arith.cmpf ogt, %get3A_442, %broadcast_in_dim3A_325 : vector<16xf32>
      %jit3A = arith.constant 0.000000e+00 : f32
      %broadcast_in_dim3A_443 = vector.broadcast %jit3A : f32 to vector<16xf32>
      %select_n3A = arith.select %gt3A, %get3A_442, %broadcast_in_dim3A_443 : vector<16xi1>, vector<16xf32>
      %add3A_444 = arith.addf %while3A_420, %select_n3A : vector<16xf32>
      %jit3A_445 = arith.constant 1.000000e+00 : f32
      %jit3A_446 = arith.constant 0.000000e+00 : f32
      %broadcast_in_dim3A_447 = vector.broadcast %jit3A_445 : f32 to vector<16xf32>
      %broadcast_in_dim3A_448 = vector.broadcast %jit3A_446 : f32 to vector<16xf32>
      %select_n3A_449 = arith.select %gt3A, %broadcast_in_dim3A_447, %broadcast_in_dim3A_448 : vector<16xi1>, vector<16xf32>
      %add3A_450 = arith.addf %while3A_428, %select_n3A_449 : vector<16xf32>
      %add3A_451 = arith.constant 16 : i32
      %add3A_452 = arith.addi %mul3A_438, %add3A_451 : i32
      %get3A_453 = arith.index_cast %add3A_452 : i32 to index
      %get3A_454 = tpu.vector_load %arg5[%get3A_453] {strides = array<i32>} : memref<32768xf32, #tpu.memory_space<vmem>>, vector<16xf32>,
      %gt3A_455 = arith.cmpf ogt, %get3A_454, %broadcast_in_dim3A_325 : vector<16xf32>
      %jit3A_456 = arith.constant 0.000000e+00 : f32
      %broadcast_in_dim3A_457 = vector.broadcast %jit3A_456 : f32 to vector<16xf32>
      %select_n3A_458 = arith.select %gt3A_455, %get3A_454, %broadcast_in_dim3A_457 : vector<16xi1>, vector<16xf32>
      %add3A_459 = arith.addf %while3A_421, %select_n3A_458 : vector<16xf32>
      %jit3A_460 = arith.constant 1.000000e+00 : f32
      %jit3A_461 = arith.constant 0.000000e+00 : f32
      %broadcast_in_dim3A_462 = vector.broadcast %jit3A_460 : f32 to vector<16xf32>
      %broadcast_in_dim3A_463 = vector.broadcast %jit3A_461 : f32 to vector<16xf32>
      %select_n3A_464 = arith.select %gt3A_455, %broadcast_in_dim3A_462, %broadcast_in_dim3A_463 : vector<16xi1>, vector<16xf32>
      %add3A_465 = arith.addf %while3A_429, %select_n3A_464 : vector<16xf32>
      %add3A_466 = arith.constant 32 : i32
      %add3A_467 = arith.addi %mul3A_438, %add3A_466 : i32
      %get3A_468 = arith.index_cast %add3A_467 : i32 to index
      %get3A_469 = tpu.vector_load %arg5[%get3A_468] {strides = array<i32>} : memref<32768xf32, #tpu.memory_space<vmem>>, vector<16xf32>,
      %gt3A_470 = arith.cmpf ogt, %get3A_469, %broadcast_in_dim3A_325 : vector<16xf32>
      %jit3A_471 = arith.constant 0.000000e+00 : f32
      %broadcast_in_dim3A_472 = vector.broadcast %jit3A_471 : f32 to vector<16xf32>
      %select_n3A_473 = arith.select %gt3A_470, %get3A_469, %broadcast_in_dim3A_472 : vector<16xi1>, vector<16xf32>
      %add3A_474 = arith.addf %while3A_422, %select_n3A_473 : vector<16xf32>
      %jit3A_475 = arith.constant 1.000000e+00 : f32
      %jit3A_476 = arith.constant 0.000000e+00 : f32
      %broadcast_in_dim3A_477 = vector.broadcast %jit3A_475 : f32 to vector<16xf32>
      %broadcast_in_dim3A_478 = vector.broadcast %jit3A_476 : f32 to vector<16xf32>
      %select_n3A_479 = arith.select %gt3A_470, %broadcast_in_dim3A_477, %broadcast_in_dim3A_478 : vector<16xi1>, vector<16xf32>
      %add3A_480 = arith.addf %while3A_430, %select_n3A_479 : vector<16xf32>
      %add3A_481 = arith.constant 48 : i32
      %add3A_482 = arith.addi %mul3A_438, %add3A_481 : i32
      %get3A_483 = arith.index_cast %add3A_482 : i32 to index
      %get3A_484 = tpu.vector_load %arg5[%get3A_483] {strides = array<i32>} : memref<32768xf32, #tpu.memory_space<vmem>>, vector<16xf32>,
      %gt3A_485 = arith.cmpf ogt, %get3A_484, %broadcast_in_dim3A_325 : vector<16xf32>
      %jit3A_486 = arith.constant 0.000000e+00 : f32
      %broadcast_in_dim3A_487 = vector.broadcast %jit3A_486 : f32 to vector<16xf32>
      %select_n3A_488 = arith.select %gt3A_485, %get3A_484, %broadcast_in_dim3A_487 : vector<16xi1>, vector<16xf32>
      %add3A_489 = arith.addf %while3A_423, %select_n3A_488 : vector<16xf32>
      %jit3A_490 = arith.constant 1.000000e+00 : f32
      %jit3A_491 = arith.constant 0.000000e+00 : f32
      %broadcast_in_dim3A_492 = vector.broadcast %jit3A_490 : f32 to vector<16xf32>
      %broadcast_in_dim3A_493 = vector.broadcast %jit3A_491 : f32 to vector<16xf32>
      %select_n3A_494 = arith.select %gt3A_485, %broadcast_in_dim3A_492, %broadcast_in_dim3A_493 : vector<16xi1>, vector<16xf32>
      %add3A_495 = arith.addf %while3A_431, %select_n3A_494 : vector<16xf32>
      %add3A_496 = arith.constant 64 : i32
      %add3A_497 = arith.addi %mul3A_438, %add3A_496 : i32
      %get3A_498 = arith.index_cast %add3A_497 : i32 to index
      %get3A_499 = tpu.vector_load %arg5[%get3A_498] {strides = array<i32>} : memref<32768xf32, #tpu.memory_space<vmem>>, vector<16xf32>,
      %gt3A_500 = arith.cmpf ogt, %get3A_499, %broadcast_in_dim3A_325 : vector<16xf32>
      %jit3A_501 = arith.constant 0.000000e+00 : f32
      %broadcast_in_dim3A_502 = vector.broadcast %jit3A_501 : f32 to vector<16xf32>
      %select_n3A_503 = arith.select %gt3A_500, %get3A_499, %broadcast_in_dim3A_502 : vector<16xi1>, vector<16xf32>
      %add3A_504 = arith.addf %while3A_424, %select_n3A_503 : vector<16xf32>
      %jit3A_505 = arith.constant 1.000000e+00 : f32
      %jit3A_506 = arith.constant 0.000000e+00 : f32
      %broadcast_in_dim3A_507 = vector.broadcast %jit3A_505 : f32 to vector<16xf32>
      %broadcast_in_dim3A_508 = vector.broadcast %jit3A_506 : f32 to vector<16xf32>
      %select_n3A_509 = arith.select %gt3A_500, %broadcast_in_dim3A_507, %broadcast_in_dim3A_508 : vector<16xi1>, vector<16xf32>
      %add3A_510 = arith.addf %while3A_432, %select_n3A_509 : vector<16xf32>
      %add3A_511 = arith.constant 80 : i32
      %add3A_512 = arith.addi %mul3A_438, %add3A_511 : i32
      %get3A_513 = arith.index_cast %add3A_512 : i32 to index
      %get3A_514 = tpu.vector_load %arg5[%get3A_513] {strides = array<i32>} : memref<32768xf32, #tpu.memory_space<vmem>>, vector<16xf32>,
      %gt3A_515 = arith.cmpf ogt, %get3A_514, %broadcast_in_dim3A_325 : vector<16xf32>
      %jit3A_516 = arith.constant 0.000000e+00 : f32
      %broadcast_in_dim3A_517 = vector.broadcast %jit3A_516 : f32 to vector<16xf32>
      %select_n3A_518 = arith.select %gt3A_515, %get3A_514, %broadcast_in_dim3A_517 : vector<16xi1>, vector<16xf32>
      %add3A_519 = arith.addf %while3A_425, %select_n3A_518 : vector<16xf32>
      %jit3A_520 = arith.constant 1.000000e+00 : f32
      %jit3A_521 = arith.constant 0.000000e+00 : f32
      %broadcast_in_dim3A_522 = vector.broadcast %jit3A_520 : f32 to vector<16xf32>
      %broadcast_in_dim3A_523 = vector.broadcast %jit3A_521 : f32 to vector<16xf32>
      %select_n3A_524 = arith.select %gt3A_515, %broadcast_in_dim3A_522, %broadcast_in_dim3A_523 : vector<16xi1>, vector<16xf32>
      %add3A_525 = arith.addf %while3A_433, %select_n3A_524 : vector<16xf32>
      %add3A_526 = arith.constant 96 : i32
      %add3A_527 = arith.addi %mul3A_438, %add3A_526 : i32
      %get3A_528 = arith.index_cast %add3A_527 : i32 to index
      %get3A_529 = tpu.vector_load %arg5[%get3A_528] {strides = array<i32>} : memref<32768xf32, #tpu.memory_space<vmem>>, vector<16xf32>,
      %gt3A_530 = arith.cmpf ogt, %get3A_529, %broadcast_in_dim3A_325 : vector<16xf32>
      %jit3A_531 = arith.constant 0.000000e+00 : f32
      %broadcast_in_dim3A_532 = vector.broadcast %jit3A_531 : f32 to vector<16xf32>
      %select_n3A_533 = arith.select %gt3A_530, %get3A_529, %broadcast_in_dim3A_532 : vector<16xi1>, vector<16xf32>
      %add3A_534 = arith.addf %while3A_426, %select_n3A_533 : vector<16xf32>
      %jit3A_535 = arith.constant 1.000000e+00 : f32
      %jit3A_536 = arith.constant 0.000000e+00 : f32
      %broadcast_in_dim3A_537 = vector.broadcast %jit3A_535 : f32 to vector<16xf32>
      %broadcast_in_dim3A_538 = vector.broadcast %jit3A_536 : f32 to vector<16xf32>
      %select_n3A_539 = arith.select %gt3A_530, %broadcast_in_dim3A_537, %broadcast_in_dim3A_538 : vector<16xi1>, vector<16xf32>
      %add3A_540 = arith.addf %while3A_434, %select_n3A_539 : vector<16xf32>
      %add3A_541 = arith.constant 112 : i32
      %add3A_542 = arith.addi %mul3A_438, %add3A_541 : i32
      %get3A_543 = arith.index_cast %add3A_542 : i32 to index
      %get3A_544 = tpu.vector_load %arg5[%get3A_543] {strides = array<i32>} : memref<32768xf32, #tpu.memory_space<vmem>>, vector<16xf32>,
      %gt3A_545 = arith.cmpf ogt, %get3A_544, %broadcast_in_dim3A_325 : vector<16xf32>
      %jit3A_546 = arith.constant 0.000000e+00 : f32
      %broadcast_in_dim3A_547 = vector.broadcast %jit3A_546 : f32 to vector<16xf32>
      %select_n3A_548 = arith.select %gt3A_545, %get3A_544, %broadcast_in_dim3A_547 : vector<16xi1>, vector<16xf32>
      %add3A_549 = arith.addf %while3A_427, %select_n3A_548 : vector<16xf32>
      %jit3A_550 = arith.constant 1.000000e+00 : f32
      %jit3A_551 = arith.constant 0.000000e+00 : f32
      %broadcast_in_dim3A_552 = vector.broadcast %jit3A_550 : f32 to vector<16xf32>
      %broadcast_in_dim3A_553 = vector.broadcast %jit3A_551 : f32 to vector<16xf32>
      %select_n3A_554 = arith.select %gt3A_545, %broadcast_in_dim3A_552, %broadcast_in_dim3A_553 : vector<16xi1>, vector<16xf32>
      %add3A_555 = arith.addf %while3A_435, %select_n3A_554 : vector<16xf32>
      scf.yield %add3A_444, %add3A_459, %add3A_474, %add3A_489, %add3A_504, %add3A_519, %add3A_534, %add3A_549, %add3A_450, %add3A_465, %add3A_480, %add3A_495, %add3A_510, %add3A_525, %add3A_540, %add3A_555 : vector<16xf32>, vector<16xf32>, vector<16xf32>, vector<16xf32>, vector<16xf32>, vector<16xf32>, vector<16xf32>, vector<16xf32>, vector<16xf32>, vector<16xf32>, vector<16xf32>, vector<16xf32>, vector<16xf32>, vector<16xf32>, vector<16xf32>, vector<16xf32>
    }
    %while3A_350 = arith.constant 1 : i32
    %while3A_351:16 = scf.for %while3A_419 = %while3A_347 to %while3A_343 step %while3A_350 iter_args(%while3A_420 = %while3A_349#0, %while3A_421 = %while3A_349#1, %while3A_422 = %while3A_349#2, %while3A_423 = %while3A_349#3, %while3A_424 = %while3A_349#4, %while3A_425 = %while3A_349#5, %while3A_426 = %while3A_349#6, %while3A_427 = %while3A_349#7, %while3A_428 = %while3A_349#8, %while3A_429 = %while3A_349#9, %while3A_430 = %while3A_349#10, %while3A_431 = %while3A_349#11, %while3A_432 = %while3A_349#12, %while3A_433 = %while3A_349#13, %while3A_434 = %while3A_349#14, %while3A_435 = %while3A_349#15) -> (vector<16xf32>, vector<16xf32>, vector<16xf32>, vector<16xf32>, vector<16xf32>, vector<16xf32>, vector<16xf32>, vector<16xf32>, vector<16xf32>, vector<16xf32>, vector<16xf32>, vector<16xf32>, vector<16xf32>, vector<16xf32>, vector<16xf32>, vector<16xf32>)  : i32 {
      %get3A = arith.index_cast %while3A_419 : i32 to index
      %get3A_436 = memref.load %arg8[%get3A] : memref<256xi32, #tpu.memory_space<smem>>
      %mul3A_437 = arith.constant 128 : i32
      %mul3A_438 = arith.muli %get3A_436, %mul3A_437 : i32
      %add3A_439 = arith.constant 0 : i32
      %add3A_440 = arith.addi %mul3A_438, %add3A_439 : i32
      %get3A_441 = arith.index_cast %add3A_440 : i32 to index
      %get3A_442 = tpu.vector_load %arg5[%get3A_441] {strides = array<i32>} : memref<32768xf32, #tpu.memory_space<vmem>>, vector<16xf32>,
      %gt3A = arith.cmpf ogt, %get3A_442, %broadcast_in_dim3A_325 : vector<16xf32>
      %jit3A = arith.constant 0.000000e+00 : f32
      %broadcast_in_dim3A_443 = vector.broadcast %jit3A : f32 to vector<16xf32>
      %select_n3A = arith.select %gt3A, %get3A_442, %broadcast_in_dim3A_443 : vector<16xi1>, vector<16xf32>
      %add3A_444 = arith.addf %while3A_420, %select_n3A : vector<16xf32>
      %jit3A_445 = arith.constant 1.000000e+00 : f32
      %jit3A_446 = arith.constant 0.000000e+00 : f32
      %broadcast_in_dim3A_447 = vector.broadcast %jit3A_445 : f32 to vector<16xf32>
      %broadcast_in_dim3A_448 = vector.broadcast %jit3A_446 : f32 to vector<16xf32>
      %select_n3A_449 = arith.select %gt3A, %broadcast_in_dim3A_447, %broadcast_in_dim3A_448 : vector<16xi1>, vector<16xf32>
      %add3A_450 = arith.addf %while3A_428, %select_n3A_449 : vector<16xf32>
      %add3A_451 = arith.constant 16 : i32
      %add3A_452 = arith.addi %mul3A_438, %add3A_451 : i32
      %get3A_453 = arith.index_cast %add3A_452 : i32 to index
      %get3A_454 = tpu.vector_load %arg5[%get3A_453] {strides = array<i32>} : memref<32768xf32, #tpu.memory_space<vmem>>, vector<16xf32>,
      %gt3A_455 = arith.cmpf ogt, %get3A_454, %broadcast_in_dim3A_325 : vector<16xf32>
      %jit3A_456 = arith.constant 0.000000e+00 : f32
      %broadcast_in_dim3A_457 = vector.broadcast %jit3A_456 : f32 to vector<16xf32>
      %select_n3A_458 = arith.select %gt3A_455, %get3A_454, %broadcast_in_dim3A_457 : vector<16xi1>, vector<16xf32>
      %add3A_459 = arith.addf %while3A_421, %select_n3A_458 : vector<16xf32>
      %jit3A_460 = arith.constant 1.000000e+00 : f32
      %jit3A_461 = arith.constant 0.000000e+00 : f32
      %broadcast_in_dim3A_462 = vector.broadcast %jit3A_460 : f32 to vector<16xf32>
      %broadcast_in_dim3A_463 = vector.broadcast %jit3A_461 : f32 to vector<16xf32>
      %select_n3A_464 = arith.select %gt3A_455, %broadcast_in_dim3A_462, %broadcast_in_dim3A_463 : vector<16xi1>, vector<16xf32>
      %add3A_465 = arith.addf %while3A_429, %select_n3A_464 : vector<16xf32>
      %add3A_466 = arith.constant 32 : i32
      %add3A_467 = arith.addi %mul3A_438, %add3A_466 : i32
      %get3A_468 = arith.index_cast %add3A_467 : i32 to index
      %get3A_469 = tpu.vector_load %arg5[%get3A_468] {strides = array<i32>} : memref<32768xf32, #tpu.memory_space<vmem>>, vector<16xf32>,
      %gt3A_470 = arith.cmpf ogt, %get3A_469, %broadcast_in_dim3A_325 : vector<16xf32>
      %jit3A_471 = arith.constant 0.000000e+00 : f32
      %broadcast_in_dim3A_472 = vector.broadcast %jit3A_471 : f32 to vector<16xf32>
      %select_n3A_473 = arith.select %gt3A_470, %get3A_469, %broadcast_in_dim3A_472 : vector<16xi1>, vector<16xf32>
      %add3A_474 = arith.addf %while3A_422, %select_n3A_473 : vector<16xf32>
      %jit3A_475 = arith.constant 1.000000e+00 : f32
      %jit3A_476 = arith.constant 0.000000e+00 : f32
      %broadcast_in_dim3A_477 = vector.broadcast %jit3A_475 : f32 to vector<16xf32>
      %broadcast_in_dim3A_478 = vector.broadcast %jit3A_476 : f32 to vector<16xf32>
      %select_n3A_479 = arith.select %gt3A_470, %broadcast_in_dim3A_477, %broadcast_in_dim3A_478 : vector<16xi1>, vector<16xf32>
      %add3A_480 = arith.addf %while3A_430, %select_n3A_479 : vector<16xf32>
      %add3A_481 = arith.constant 48 : i32
      %add3A_482 = arith.addi %mul3A_438, %add3A_481 : i32
      %get3A_483 = arith.index_cast %add3A_482 : i32 to index
      %get3A_484 = tpu.vector_load %arg5[%get3A_483] {strides = array<i32>} : memref<32768xf32, #tpu.memory_space<vmem>>, vector<16xf32>,
      %gt3A_485 = arith.cmpf ogt, %get3A_484, %broadcast_in_dim3A_325 : vector<16xf32>
      %jit3A_486 = arith.constant 0.000000e+00 : f32
      %broadcast_in_dim3A_487 = vector.broadcast %jit3A_486 : f32 to vector<16xf32>
      %select_n3A_488 = arith.select %gt3A_485, %get3A_484, %broadcast_in_dim3A_487 : vector<16xi1>, vector<16xf32>
      %add3A_489 = arith.addf %while3A_423, %select_n3A_488 : vector<16xf32>
      %jit3A_490 = arith.constant 1.000000e+00 : f32
      %jit3A_491 = arith.constant 0.000000e+00 : f32
      %broadcast_in_dim3A_492 = vector.broadcast %jit3A_490 : f32 to vector<16xf32>
      %broadcast_in_dim3A_493 = vector.broadcast %jit3A_491 : f32 to vector<16xf32>
      %select_n3A_494 = arith.select %gt3A_485, %broadcast_in_dim3A_492, %broadcast_in_dim3A_493 : vector<16xi1>, vector<16xf32>
      %add3A_495 = arith.addf %while3A_431, %select_n3A_494 : vector<16xf32>
      %add3A_496 = arith.constant 64 : i32
      %add3A_497 = arith.addi %mul3A_438, %add3A_496 : i32
      %get3A_498 = arith.index_cast %add3A_497 : i32 to index
      %get3A_499 = tpu.vector_load %arg5[%get3A_498] {strides = array<i32>} : memref<32768xf32, #tpu.memory_space<vmem>>, vector<16xf32>,
      %gt3A_500 = arith.cmpf ogt, %get3A_499, %broadcast_in_dim3A_325 : vector<16xf32>
      %jit3A_501 = arith.constant 0.000000e+00 : f32
      %broadcast_in_dim3A_502 = vector.broadcast %jit3A_501 : f32 to vector<16xf32>
      %select_n3A_503 = arith.select %gt3A_500, %get3A_499, %broadcast_in_dim3A_502 : vector<16xi1>, vector<16xf32>
      %add3A_504 = arith.addf %while3A_424, %select_n3A_503 : vector<16xf32>
      %jit3A_505 = arith.constant 1.000000e+00 : f32
      %jit3A_506 = arith.constant 0.000000e+00 : f32
      %broadcast_in_dim3A_507 = vector.broadcast %jit3A_505 : f32 to vector<16xf32>
      %broadcast_in_dim3A_508 = vector.broadcast %jit3A_506 : f32 to vector<16xf32>
      %select_n3A_509 = arith.select %gt3A_500, %broadcast_in_dim3A_507, %broadcast_in_dim3A_508 : vector<16xi1>, vector<16xf32>
      %add3A_510 = arith.addf %while3A_432, %select_n3A_509 : vector<16xf32>
      %add3A_511 = arith.constant 80 : i32
      %add3A_512 = arith.addi %mul3A_438, %add3A_511 : i32
      %get3A_513 = arith.index_cast %add3A_512 : i32 to index
      %get3A_514 = tpu.vector_load %arg5[%get3A_513] {strides = array<i32>} : memref<32768xf32, #tpu.memory_space<vmem>>, vector<16xf32>,
      %gt3A_515 = arith.cmpf ogt, %get3A_514, %broadcast_in_dim3A_325 : vector<16xf32>
      %jit3A_516 = arith.constant 0.000000e+00 : f32
      %broadcast_in_dim3A_517 = vector.broadcast %jit3A_516 : f32 to vector<16xf32>
      %select_n3A_518 = arith.select %gt3A_515, %get3A_514, %broadcast_in_dim3A_517 : vector<16xi1>, vector<16xf32>
      %add3A_519 = arith.addf %while3A_425, %select_n3A_518 : vector<16xf32>
      %jit3A_520 = arith.constant 1.000000e+00 : f32
      %jit3A_521 = arith.constant 0.000000e+00 : f32
      %broadcast_in_dim3A_522 = vector.broadcast %jit3A_520 : f32 to vector<16xf32>
      %broadcast_in_dim3A_523 = vector.broadcast %jit3A_521 : f32 to vector<16xf32>
      %select_n3A_524 = arith.select %gt3A_515, %broadcast_in_dim3A_522, %broadcast_in_dim3A_523 : vector<16xi1>, vector<16xf32>
      %add3A_525 = arith.addf %while3A_433, %select_n3A_524 : vector<16xf32>
      %add3A_526 = arith.constant 96 : i32
      %add3A_527 = arith.addi %mul3A_438, %add3A_526 : i32
      %get3A_528 = arith.index_cast %add3A_527 : i32 to index
      %get3A_529 = tpu.vector_load %arg5[%get3A_528] {strides = array<i32>} : memref<32768xf32, #tpu.memory_space<vmem>>, vector<16xf32>,
      %gt3A_530 = arith.cmpf ogt, %get3A_529, %broadcast_in_dim3A_325 : vector<16xf32>
      %jit3A_531 = arith.constant 0.000000e+00 : f32
      %broadcast_in_dim3A_532 = vector.broadcast %jit3A_531 : f32 to vector<16xf32>
      %select_n3A_533 = arith.select %gt3A_530, %get3A_529, %broadcast_in_dim3A_532 : vector<16xi1>, vector<16xf32>
      %add3A_534 = arith.addf %while3A_426, %select_n3A_533 : vector<16xf32>
      %jit3A_535 = arith.constant 1.000000e+00 : f32
      %jit3A_536 = arith.constant 0.000000e+00 : f32
      %broadcast_in_dim3A_537 = vector.broadcast %jit3A_535 : f32 to vector<16xf32>
      %broadcast_in_dim3A_538 = vector.broadcast %jit3A_536 : f32 to vector<16xf32>
      %select_n3A_539 = arith.select %gt3A_530, %broadcast_in_dim3A_537, %broadcast_in_dim3A_538 : vector<16xi1>, vector<16xf32>
      %add3A_540 = arith.addf %while3A_434, %select_n3A_539 : vector<16xf32>
      %add3A_541 = arith.constant 112 : i32
      %add3A_542 = arith.addi %mul3A_438, %add3A_541 : i32
      %get3A_543 = arith.index_cast %add3A_542 : i32 to index
      %get3A_544 = tpu.vector_load %arg5[%get3A_543] {strides = array<i32>} : memref<32768xf32, #tpu.memory_space<vmem>>, vector<16xf32>,
      %gt3A_545 = arith.cmpf ogt, %get3A_544, %broadcast_in_dim3A_325 : vector<16xf32>
      %jit3A_546 = arith.constant 0.000000e+00 : f32
      %broadcast_in_dim3A_547 = vector.broadcast %jit3A_546 : f32 to vector<16xf32>
      %select_n3A_548 = arith.select %gt3A_545, %get3A_544, %broadcast_in_dim3A_547 : vector<16xi1>, vector<16xf32>
      %add3A_549 = arith.addf %while3A_427, %select_n3A_548 : vector<16xf32>
      %jit3A_550 = arith.constant 1.000000e+00 : f32
      %jit3A_551 = arith.constant 0.000000e+00 : f32
      %broadcast_in_dim3A_552 = vector.broadcast %jit3A_550 : f32 to vector<16xf32>
      %broadcast_in_dim3A_553 = vector.broadcast %jit3A_551 : f32 to vector<16xf32>
      %select_n3A_554 = arith.select %gt3A_545, %broadcast_in_dim3A_552, %broadcast_in_dim3A_553 : vector<16xi1>, vector<16xf32>
      %add3A_555 = arith.addf %while3A_435, %select_n3A_554 : vector<16xf32>
      scf.yield %add3A_444, %add3A_459, %add3A_474, %add3A_489, %add3A_504, %add3A_519, %add3A_534, %add3A_549, %add3A_450, %add3A_465, %add3A_480, %add3A_495, %add3A_510, %add3A_525, %add3A_540, %add3A_555 : vector<16xf32>, vector<16xf32>, vector<16xf32>, vector<16xf32>, vector<16xf32>, vector<16xf32>, vector<16xf32>, vector<16xf32>, vector<16xf32>, vector<16xf32>, vector<16xf32>, vector<16xf32>, vector<16xf32>, vector<16xf32>, vector<16xf32>, vector<16xf32>
    }
    %add3A_352 = arith.addf %while3A_351#0, %while3A_351#1 : vector<16xf32>
    %add3A_353 = arith.addf %while3A_351#8, %while3A_351#9 : vector<16xf32>
    %add3A_354 = arith.addf %add3A_352, %while3A_351#2 : vector<16xf32>
    %add3A_355 = arith.addf %add3A_353, %while3A_351#10 : vector<16xf32>
    %add3A_356 = arith.addf %add3A_354, %while3A_351#3 : vector<16xf32>
    %add3A_357 = arith.addf %add3A_355, %while3A_351#11 : vector<16xf32>
    %add3A_358 = arith.addf %add3A_356, %while3A_351#4 : vector<16xf32>
    %add3A_359 = arith.addf %add3A_357, %while3A_351#12 : vector<16xf32>
    %add3A_360 = arith.addf %add3A_358, %while3A_351#5 : vector<16xf32>
    %add3A_361 = arith.addf %add3A_359, %while3A_351#13 : vector<16xf32>
    %add3A_362 = arith.addf %add3A_360, %while3A_351#6 : vector<16xf32>
    %add3A_363 = arith.addf %add3A_361, %while3A_351#14 : vector<16xf32>
    %add3A_364 = arith.addf %add3A_362, %while3A_351#7 : vector<16xf32>
    %add3A_365 = arith.addf %add3A_363, %while3A_351#15 : vector<16xf32>
    %reduce_sum3A_366 = arith.constant true
    %reduce_sum3A_367 = vector.broadcast %reduce_sum3A_366 : i1 to vector<16xi1>
    %reduce_sum3A_368 = tpu.scan <sum>, %add3A_364 masked %reduce_sum3A_367 : vector<16xf32>, vector<16xi1> -> vector<16xf32>
    %reduce_sum3A_369 = vector.extract %reduce_sum3A_368[15] : f32 from vector<16xf32>
    %broadcast_in_dim3A_370 = vector.broadcast %reduce_sum3A_369 : f32 to vector<16xf32>
    %reduce_sum3A_371 = arith.constant true
    %reduce_sum3A_372 = vector.broadcast %reduce_sum3A_371 : i1 to vector<16xi1>
    %reduce_sum3A_373 = tpu.scan <sum>, %add3A_365 masked %reduce_sum3A_372 : vector<16xf32>, vector<16xi1> -> vector<16xf32>
    %reduce_sum3A_374 = vector.extract %reduce_sum3A_373[15] : f32 from vector<16xf32>
    %broadcast_in_dim3A_375 = vector.broadcast %reduce_sum3A_374 : f32 to vector<16xf32>
    %sub3A_376 = arith.constant 1.000000e+00 : f32
    %sub3A_377 = vector.broadcast %sub3A_376 : f32 to vector<16xf32>
    %sub3A_378 = arith.subf %broadcast_in_dim3A_370, %sub3A_377 : vector<16xf32>
    %div3A_379 = arith.divf %sub3A_378, %broadcast_in_dim3A_375 : vector<16xf32>
    %while3A_380 = arith.constant 0 : i32
    %while3A_381:3 = scf.while (%while3A_419 = %while3A_380, %while3A_420 = %div3A_379, %while3A_421 = %broadcast_in_dim3A_325) : (i32, vector<16xf32>, vector<16xf32>) -> (i32, vector<16xf32>, vector<16xf32>) {
      %lt3A = arith.constant 16 : i32
      %lt3A_422 = arith.cmpi slt, %while3A_419, %lt3A : i32
      %ne3A = arith.cmpf one, %while3A_420, %while3A_421 : vector<16xf32>
      %reduce_or3A = arith.constant 1.000000e+00 : f32
      %reduce_or3A_423 = arith.constant 0.000000e+00 : f32
      %reduce_or3A_424 = vector.broadcast %reduce_or3A : f32 to vector<16xf32>
      %reduce_or3A_425 = vector.broadcast %reduce_or3A_423 : f32 to vector<16xf32>
      %reduce_or3A_426 = arith.select %ne3A, %reduce_or3A_424, %reduce_or3A_425 : vector<16xi1>, vector<16xf32>
      %reduce_or3A_427 = arith.constant true
      %reduce_or3A_428 = vector.broadcast %reduce_or3A_427 : i1 to vector<16xi1>
      %reduce_or3A_429 = tpu.scan <max>, %reduce_or3A_426 masked %reduce_or3A_428 : vector<16xf32>, vector<16xi1> -> vector<16xf32>
      %reduce_or3A_430 = vector.extract %reduce_or3A_429[15] : f32 from vector<16xf32>
      %reduce_or3A_431 = arith.constant 0.000000e+00 : f32
      %reduce_or3A_432 = arith.cmpf ogt, %reduce_or3A_430, %reduce_or3A_431 : f32
      %and3A = arith.andi %lt3A_422, %reduce_or3A_432 : i1
      scf.condition(%and3A) %while3A_419, %while3A_420, %while3A_421 : i32, vector<16xf32>, vector<16xf32>
    } do {
    ^bb0(%while3A_419: i32, %while3A_420: vector<16xf32>, %while3A_421: vector<16xf32>):
      %add3A_422 = arith.constant 1 : i32
      %add3A_423 = arith.addi %while3A_419, %add3A_422 : i32
      %while3A_424 = arith.constant 0 : i32
      %while3A_425 = arith.subi %scan3A_337, %while3A_424 : i32
      %while3A_426 = arith.addi %while3A_424, %while3A_425 : i32
      %while3A_427 = arith.constant 1 : i32
      %while3A_428 = arith.divsi %while3A_425, %while3A_427 : i32
      %while3A_429 = arith.muli %while3A_428, %while3A_427 : i32
      %while3A_430 = arith.addi %while3A_424, %while3A_429 : i32
      %while3A_431 = arith.constant 1 : i32
      %while3A_432:16 = scf.for %while3A_463 = %while3A_424 to %while3A_430 step %while3A_431 iter_args(%while3A_464 = %broadcast_in_dim3A_340, %while3A_465 = %broadcast_in_dim3A_340, %while3A_466 = %broadcast_in_dim3A_340, %while3A_467 = %broadcast_in_dim3A_340, %while3A_468 = %broadcast_in_dim3A_340, %while3A_469 = %broadcast_in_dim3A_340, %while3A_470 = %broadcast_in_dim3A_340, %while3A_471 = %broadcast_in_dim3A_340, %while3A_472 = %broadcast_in_dim3A_340, %while3A_473 = %broadcast_in_dim3A_340, %while3A_474 = %broadcast_in_dim3A_340, %while3A_475 = %broadcast_in_dim3A_340, %while3A_476 = %broadcast_in_dim3A_340, %while3A_477 = %broadcast_in_dim3A_340, %while3A_478 = %broadcast_in_dim3A_340, %while3A_479 = %broadcast_in_dim3A_340) -> (vector<16xf32>, vector<16xf32>, vector<16xf32>, vector<16xf32>, vector<16xf32>, vector<16xf32>, vector<16xf32>, vector<16xf32>, vector<16xf32>, vector<16xf32>, vector<16xf32>, vector<16xf32>, vector<16xf32>, vector<16xf32>, vector<16xf32>, vector<16xf32>)  : i32 {
        %get3A = arith.index_cast %while3A_463 : i32 to index
        %get3A_480 = memref.load %arg8[%get3A] : memref<256xi32, #tpu.memory_space<smem>>
        %mul3A_481 = arith.constant 128 : i32
        %mul3A_482 = arith.muli %get3A_480, %mul3A_481 : i32
        %add3A_483 = arith.constant 0 : i32
        %add3A_484 = arith.addi %mul3A_482, %add3A_483 : i32
        %get3A_485 = arith.index_cast %add3A_484 : i32 to index
        %get3A_486 = tpu.vector_load %arg5[%get3A_485] {strides = array<i32>} : memref<32768xf32, #tpu.memory_space<vmem>>, vector<16xf32>,
        %gt3A = arith.cmpf ogt, %get3A_486, %while3A_420 : vector<16xf32>
        %jit3A = arith.constant 0.000000e+00 : f32
        %broadcast_in_dim3A_487 = vector.broadcast %jit3A : f32 to vector<16xf32>
        %select_n3A = arith.select %gt3A, %get3A_486, %broadcast_in_dim3A_487 : vector<16xi1>, vector<16xf32>
        %add3A_488 = arith.addf %while3A_464, %select_n3A : vector<16xf32>
        %jit3A_489 = arith.constant 1.000000e+00 : f32
        %jit3A_490 = arith.constant 0.000000e+00 : f32
        %broadcast_in_dim3A_491 = vector.broadcast %jit3A_489 : f32 to vector<16xf32>
        %broadcast_in_dim3A_492 = vector.broadcast %jit3A_490 : f32 to vector<16xf32>
        %select_n3A_493 = arith.select %gt3A, %broadcast_in_dim3A_491, %broadcast_in_dim3A_492 : vector<16xi1>, vector<16xf32>
        %add3A_494 = arith.addf %while3A_472, %select_n3A_493 : vector<16xf32>
        %add3A_495 = arith.constant 16 : i32
        %add3A_496 = arith.addi %mul3A_482, %add3A_495 : i32
        %get3A_497 = arith.index_cast %add3A_496 : i32 to index
        %get3A_498 = tpu.vector_load %arg5[%get3A_497] {strides = array<i32>} : memref<32768xf32, #tpu.memory_space<vmem>>, vector<16xf32>,
        %gt3A_499 = arith.cmpf ogt, %get3A_498, %while3A_420 : vector<16xf32>
        %jit3A_500 = arith.constant 0.000000e+00 : f32
        %broadcast_in_dim3A_501 = vector.broadcast %jit3A_500 : f32 to vector<16xf32>
        %select_n3A_502 = arith.select %gt3A_499, %get3A_498, %broadcast_in_dim3A_501 : vector<16xi1>, vector<16xf32>
        %add3A_503 = arith.addf %while3A_465, %select_n3A_502 : vector<16xf32>
        %jit3A_504 = arith.constant 1.000000e+00 : f32
        %jit3A_505 = arith.constant 0.000000e+00 : f32
        %broadcast_in_dim3A_506 = vector.broadcast %jit3A_504 : f32 to vector<16xf32>
        %broadcast_in_dim3A_507 = vector.broadcast %jit3A_505 : f32 to vector<16xf32>
        %select_n3A_508 = arith.select %gt3A_499, %broadcast_in_dim3A_506, %broadcast_in_dim3A_507 : vector<16xi1>, vector<16xf32>
        %add3A_509 = arith.addf %while3A_473, %select_n3A_508 : vector<16xf32>
        %add3A_510 = arith.constant 32 : i32
        %add3A_511 = arith.addi %mul3A_482, %add3A_510 : i32
        %get3A_512 = arith.index_cast %add3A_511 : i32 to index
        %get3A_513 = tpu.vector_load %arg5[%get3A_512] {strides = array<i32>} : memref<32768xf32, #tpu.memory_space<vmem>>, vector<16xf32>,
        %gt3A_514 = arith.cmpf ogt, %get3A_513, %while3A_420 : vector<16xf32>
        %jit3A_515 = arith.constant 0.000000e+00 : f32
        %broadcast_in_dim3A_516 = vector.broadcast %jit3A_515 : f32 to vector<16xf32>
        %select_n3A_517 = arith.select %gt3A_514, %get3A_513, %broadcast_in_dim3A_516 : vector<16xi1>, vector<16xf32>
        %add3A_518 = arith.addf %while3A_466, %select_n3A_517 : vector<16xf32>
        %jit3A_519 = arith.constant 1.000000e+00 : f32
        %jit3A_520 = arith.constant 0.000000e+00 : f32
        %broadcast_in_dim3A_521 = vector.broadcast %jit3A_519 : f32 to vector<16xf32>
        %broadcast_in_dim3A_522 = vector.broadcast %jit3A_520 : f32 to vector<16xf32>
        %select_n3A_523 = arith.select %gt3A_514, %broadcast_in_dim3A_521, %broadcast_in_dim3A_522 : vector<16xi1>, vector<16xf32>
        %add3A_524 = arith.addf %while3A_474, %select_n3A_523 : vector<16xf32>
        %add3A_525 = arith.constant 48 : i32
        %add3A_526 = arith.addi %mul3A_482, %add3A_525 : i32
        %get3A_527 = arith.index_cast %add3A_526 : i32 to index
        %get3A_528 = tpu.vector_load %arg5[%get3A_527] {strides = array<i32>} : memref<32768xf32, #tpu.memory_space<vmem>>, vector<16xf32>,
        %gt3A_529 = arith.cmpf ogt, %get3A_528, %while3A_420 : vector<16xf32>
        %jit3A_530 = arith.constant 0.000000e+00 : f32
        %broadcast_in_dim3A_531 = vector.broadcast %jit3A_530 : f32 to vector<16xf32>
        %select_n3A_532 = arith.select %gt3A_529, %get3A_528, %broadcast_in_dim3A_531 : vector<16xi1>, vector<16xf32>
        %add3A_533 = arith.addf %while3A_467, %select_n3A_532 : vector<16xf32>
        %jit3A_534 = arith.constant 1.000000e+00 : f32
        %jit3A_535 = arith.constant 0.000000e+00 : f32
        %broadcast_in_dim3A_536 = vector.broadcast %jit3A_534 : f32 to vector<16xf32>
        %broadcast_in_dim3A_537 = vector.broadcast %jit3A_535 : f32 to vector<16xf32>
        %select_n3A_538 = arith.select %gt3A_529, %broadcast_in_dim3A_536, %broadcast_in_dim3A_537 : vector<16xi1>, vector<16xf32>
        %add3A_539 = arith.addf %while3A_475, %select_n3A_538 : vector<16xf32>
        %add3A_540 = arith.constant 64 : i32
        %add3A_541 = arith.addi %mul3A_482, %add3A_540 : i32
        %get3A_542 = arith.index_cast %add3A_541 : i32 to index
        %get3A_543 = tpu.vector_load %arg5[%get3A_542] {strides = array<i32>} : memref<32768xf32, #tpu.memory_space<vmem>>, vector<16xf32>,
        %gt3A_544 = arith.cmpf ogt, %get3A_543, %while3A_420 : vector<16xf32>
        %jit3A_545 = arith.constant 0.000000e+00 : f32
        %broadcast_in_dim3A_546 = vector.broadcast %jit3A_545 : f32 to vector<16xf32>
        %select_n3A_547 = arith.select %gt3A_544, %get3A_543, %broadcast_in_dim3A_546 : vector<16xi1>, vector<16xf32>
        %add3A_548 = arith.addf %while3A_468, %select_n3A_547 : vector<16xf32>
        %jit3A_549 = arith.constant 1.000000e+00 : f32
        %jit3A_550 = arith.constant 0.000000e+00 : f32
        %broadcast_in_dim3A_551 = vector.broadcast %jit3A_549 : f32 to vector<16xf32>
        %broadcast_in_dim3A_552 = vector.broadcast %jit3A_550 : f32 to vector<16xf32>
        %select_n3A_553 = arith.select %gt3A_544, %broadcast_in_dim3A_551, %broadcast_in_dim3A_552 : vector<16xi1>, vector<16xf32>
        %add3A_554 = arith.addf %while3A_476, %select_n3A_553 : vector<16xf32>
        %add3A_555 = arith.constant 80 : i32
        %add3A_556 = arith.addi %mul3A_482, %add3A_555 : i32
        %get3A_557 = arith.index_cast %add3A_556 : i32 to index
        %get3A_558 = tpu.vector_load %arg5[%get3A_557] {strides = array<i32>} : memref<32768xf32, #tpu.memory_space<vmem>>, vector<16xf32>,
        %gt3A_559 = arith.cmpf ogt, %get3A_558, %while3A_420 : vector<16xf32>
        %jit3A_560 = arith.constant 0.000000e+00 : f32
        %broadcast_in_dim3A_561 = vector.broadcast %jit3A_560 : f32 to vector<16xf32>
        %select_n3A_562 = arith.select %gt3A_559, %get3A_558, %broadcast_in_dim3A_561 : vector<16xi1>, vector<16xf32>
        %add3A_563 = arith.addf %while3A_469, %select_n3A_562 : vector<16xf32>
        %jit3A_564 = arith.constant 1.000000e+00 : f32
        %jit3A_565 = arith.constant 0.000000e+00 : f32
        %broadcast_in_dim3A_566 = vector.broadcast %jit3A_564 : f32 to vector<16xf32>
        %broadcast_in_dim3A_567 = vector.broadcast %jit3A_565 : f32 to vector<16xf32>
        %select_n3A_568 = arith.select %gt3A_559, %broadcast_in_dim3A_566, %broadcast_in_dim3A_567 : vector<16xi1>, vector<16xf32>
        %add3A_569 = arith.addf %while3A_477, %select_n3A_568 : vector<16xf32>
        %add3A_570 = arith.constant 96 : i32
        %add3A_571 = arith.addi %mul3A_482, %add3A_570 : i32
        %get3A_572 = arith.index_cast %add3A_571 : i32 to index
        %get3A_573 = tpu.vector_load %arg5[%get3A_572] {strides = array<i32>} : memref<32768xf32, #tpu.memory_space<vmem>>, vector<16xf32>,
        %gt3A_574 = arith.cmpf ogt, %get3A_573, %while3A_420 : vector<16xf32>
        %jit3A_575 = arith.constant 0.000000e+00 : f32
        %broadcast_in_dim3A_576 = vector.broadcast %jit3A_575 : f32 to vector<16xf32>
        %select_n3A_577 = arith.select %gt3A_574, %get3A_573, %broadcast_in_dim3A_576 : vector<16xi1>, vector<16xf32>
        %add3A_578 = arith.addf %while3A_470, %select_n3A_577 : vector<16xf32>
        %jit3A_579 = arith.constant 1.000000e+00 : f32
        %jit3A_580 = arith.constant 0.000000e+00 : f32
        %broadcast_in_dim3A_581 = vector.broadcast %jit3A_579 : f32 to vector<16xf32>
        %broadcast_in_dim3A_582 = vector.broadcast %jit3A_580 : f32 to vector<16xf32>
        %select_n3A_583 = arith.select %gt3A_574, %broadcast_in_dim3A_581, %broadcast_in_dim3A_582 : vector<16xi1>, vector<16xf32>
        %add3A_584 = arith.addf %while3A_478, %select_n3A_583 : vector<16xf32>
        %add3A_585 = arith.constant 112 : i32
        %add3A_586 = arith.addi %mul3A_482, %add3A_585 : i32
        %get3A_587 = arith.index_cast %add3A_586 : i32 to index
        %get3A_588 = tpu.vector_load %arg5[%get3A_587] {strides = array<i32>} : memref<32768xf32, #tpu.memory_space<vmem>>, vector<16xf32>,
        %gt3A_589 = arith.cmpf ogt, %get3A_588, %while3A_420 : vector<16xf32>
        %jit3A_590 = arith.constant 0.000000e+00 : f32
        %broadcast_in_dim3A_591 = vector.broadcast %jit3A_590 : f32 to vector<16xf32>
        %select_n3A_592 = arith.select %gt3A_589, %get3A_588, %broadcast_in_dim3A_591 : vector<16xi1>, vector<16xf32>
        %add3A_593 = arith.addf %while3A_471, %select_n3A_592 : vector<16xf32>
        %jit3A_594 = arith.constant 1.000000e+00 : f32
        %jit3A_595 = arith.constant 0.000000e+00 : f32
        %broadcast_in_dim3A_596 = vector.broadcast %jit3A_594 : f32 to vector<16xf32>
        %broadcast_in_dim3A_597 = vector.broadcast %jit3A_595 : f32 to vector<16xf32>
        %select_n3A_598 = arith.select %gt3A_589, %broadcast_in_dim3A_596, %broadcast_in_dim3A_597 : vector<16xi1>, vector<16xf32>
        %add3A_599 = arith.addf %while3A_479, %select_n3A_598 : vector<16xf32>
        scf.yield %add3A_488, %add3A_503, %add3A_518, %add3A_533, %add3A_548, %add3A_563, %add3A_578, %add3A_593, %add3A_494, %add3A_509, %add3A_524, %add3A_539, %add3A_554, %add3A_569, %add3A_584, %add3A_599 : vector<16xf32>, vector<16xf32>, vector<16xf32>, vector<16xf32>, vector<16xf32>, vector<16xf32>, vector<16xf32>, vector<16xf32>, vector<16xf32>, vector<16xf32>, vector<16xf32>, vector<16xf32>, vector<16xf32>, vector<16xf32>, vector<16xf32>, vector<16xf32>
      }
      %while3A_433 = arith.constant 1 : i32
      %while3A_434:16 = scf.for %while3A_463 = %while3A_430 to %while3A_426 step %while3A_433 iter_args(%while3A_464 = %while3A_432#0, %while3A_465 = %while3A_432#1, %while3A_466 = %while3A_432#2, %while3A_467 = %while3A_432#3, %while3A_468 = %while3A_432#4, %while3A_469 = %while3A_432#5, %while3A_470 = %while3A_432#6, %while3A_471 = %while3A_432#7, %while3A_472 = %while3A_432#8, %while3A_473 = %while3A_432#9, %while3A_474 = %while3A_432#10, %while3A_475 = %while3A_432#11, %while3A_476 = %while3A_432#12, %while3A_477 = %while3A_432#13, %while3A_478 = %while3A_432#14, %while3A_479 = %while3A_432#15) -> (vector<16xf32>, vector<16xf32>, vector<16xf32>, vector<16xf32>, vector<16xf32>, vector<16xf32>, vector<16xf32>, vector<16xf32>, vector<16xf32>, vector<16xf32>, vector<16xf32>, vector<16xf32>, vector<16xf32>, vector<16xf32>, vector<16xf32>, vector<16xf32>)  : i32 {
        %get3A = arith.index_cast %while3A_463 : i32 to index
        %get3A_480 = memref.load %arg8[%get3A] : memref<256xi32, #tpu.memory_space<smem>>
        %mul3A_481 = arith.constant 128 : i32
        %mul3A_482 = arith.muli %get3A_480, %mul3A_481 : i32
        %add3A_483 = arith.constant 0 : i32
        %add3A_484 = arith.addi %mul3A_482, %add3A_483 : i32
        %get3A_485 = arith.index_cast %add3A_484 : i32 to index
        %get3A_486 = tpu.vector_load %arg5[%get3A_485] {strides = array<i32>} : memref<32768xf32, #tpu.memory_space<vmem>>, vector<16xf32>,
        %gt3A = arith.cmpf ogt, %get3A_486, %while3A_420 : vector<16xf32>
        %jit3A = arith.constant 0.000000e+00 : f32
        %broadcast_in_dim3A_487 = vector.broadcast %jit3A : f32 to vector<16xf32>
        %select_n3A = arith.select %gt3A, %get3A_486, %broadcast_in_dim3A_487 : vector<16xi1>, vector<16xf32>
        %add3A_488 = arith.addf %while3A_464, %select_n3A : vector<16xf32>
        %jit3A_489 = arith.constant 1.000000e+00 : f32
        %jit3A_490 = arith.constant 0.000000e+00 : f32
        %broadcast_in_dim3A_491 = vector.broadcast %jit3A_489 : f32 to vector<16xf32>
        %broadcast_in_dim3A_492 = vector.broadcast %jit3A_490 : f32 to vector<16xf32>
        %select_n3A_493 = arith.select %gt3A, %broadcast_in_dim3A_491, %broadcast_in_dim3A_492 : vector<16xi1>, vector<16xf32>
        %add3A_494 = arith.addf %while3A_472, %select_n3A_493 : vector<16xf32>
        %add3A_495 = arith.constant 16 : i32
        %add3A_496 = arith.addi %mul3A_482, %add3A_495 : i32
        %get3A_497 = arith.index_cast %add3A_496 : i32 to index
        %get3A_498 = tpu.vector_load %arg5[%get3A_497] {strides = array<i32>} : memref<32768xf32, #tpu.memory_space<vmem>>, vector<16xf32>,
        %gt3A_499 = arith.cmpf ogt, %get3A_498, %while3A_420 : vector<16xf32>
        %jit3A_500 = arith.constant 0.000000e+00 : f32
        %broadcast_in_dim3A_501 = vector.broadcast %jit3A_500 : f32 to vector<16xf32>
        %select_n3A_502 = arith.select %gt3A_499, %get3A_498, %broadcast_in_dim3A_501 : vector<16xi1>, vector<16xf32>
        %add3A_503 = arith.addf %while3A_465, %select_n3A_502 : vector<16xf32>
        %jit3A_504 = arith.constant 1.000000e+00 : f32
        %jit3A_505 = arith.constant 0.000000e+00 : f32
        %broadcast_in_dim3A_506 = vector.broadcast %jit3A_504 : f32 to vector<16xf32>
        %broadcast_in_dim3A_507 = vector.broadcast %jit3A_505 : f32 to vector<16xf32>
        %select_n3A_508 = arith.select %gt3A_499, %broadcast_in_dim3A_506, %broadcast_in_dim3A_507 : vector<16xi1>, vector<16xf32>
        %add3A_509 = arith.addf %while3A_473, %select_n3A_508 : vector<16xf32>
        %add3A_510 = arith.constant 32 : i32
        %add3A_511 = arith.addi %mul3A_482, %add3A_510 : i32
        %get3A_512 = arith.index_cast %add3A_511 : i32 to index
        %get3A_513 = tpu.vector_load %arg5[%get3A_512] {strides = array<i32>} : memref<32768xf32, #tpu.memory_space<vmem>>, vector<16xf32>,
        %gt3A_514 = arith.cmpf ogt, %get3A_513, %while3A_420 : vector<16xf32>
        %jit3A_515 = arith.constant 0.000000e+00 : f32
        %broadcast_in_dim3A_516 = vector.broadcast %jit3A_515 : f32 to vector<16xf32>
        %select_n3A_517 = arith.select %gt3A_514, %get3A_513, %broadcast_in_dim3A_516 : vector<16xi1>, vector<16xf32>
        %add3A_518 = arith.addf %while3A_466, %select_n3A_517 : vector<16xf32>
        %jit3A_519 = arith.constant 1.000000e+00 : f32
        %jit3A_520 = arith.constant 0.000000e+00 : f32
        %broadcast_in_dim3A_521 = vector.broadcast %jit3A_519 : f32 to vector<16xf32>
        %broadcast_in_dim3A_522 = vector.broadcast %jit3A_520 : f32 to vector<16xf32>
        %select_n3A_523 = arith.select %gt3A_514, %broadcast_in_dim3A_521, %broadcast_in_dim3A_522 : vector<16xi1>, vector<16xf32>
        %add3A_524 = arith.addf %while3A_474, %select_n3A_523 : vector<16xf32>
        %add3A_525 = arith.constant 48 : i32
        %add3A_526 = arith.addi %mul3A_482, %add3A_525 : i32
        %get3A_527 = arith.index_cast %add3A_526 : i32 to index
        %get3A_528 = tpu.vector_load %arg5[%get3A_527] {strides = array<i32>} : memref<32768xf32, #tpu.memory_space<vmem>>, vector<16xf32>,
        %gt3A_529 = arith.cmpf ogt, %get3A_528, %while3A_420 : vector<16xf32>
        %jit3A_530 = arith.constant 0.000000e+00 : f32
        %broadcast_in_dim3A_531 = vector.broadcast %jit3A_530 : f32 to vector<16xf32>
        %select_n3A_532 = arith.select %gt3A_529, %get3A_528, %broadcast_in_dim3A_531 : vector<16xi1>, vector<16xf32>
        %add3A_533 = arith.addf %while3A_467, %select_n3A_532 : vector<16xf32>
        %jit3A_534 = arith.constant 1.000000e+00 : f32
        %jit3A_535 = arith.constant 0.000000e+00 : f32
        %broadcast_in_dim3A_536 = vector.broadcast %jit3A_534 : f32 to vector<16xf32>
        %broadcast_in_dim3A_537 = vector.broadcast %jit3A_535 : f32 to vector<16xf32>
        %select_n3A_538 = arith.select %gt3A_529, %broadcast_in_dim3A_536, %broadcast_in_dim3A_537 : vector<16xi1>, vector<16xf32>
        %add3A_539 = arith.addf %while3A_475, %select_n3A_538 : vector<16xf32>
        %add3A_540 = arith.constant 64 : i32
        %add3A_541 = arith.addi %mul3A_482, %add3A_540 : i32
        %get3A_542 = arith.index_cast %add3A_541 : i32 to index
        %get3A_543 = tpu.vector_load %arg5[%get3A_542] {strides = array<i32>} : memref<32768xf32, #tpu.memory_space<vmem>>, vector<16xf32>,
        %gt3A_544 = arith.cmpf ogt, %get3A_543, %while3A_420 : vector<16xf32>
        %jit3A_545 = arith.constant 0.000000e+00 : f32
        %broadcast_in_dim3A_546 = vector.broadcast %jit3A_545 : f32 to vector<16xf32>
        %select_n3A_547 = arith.select %gt3A_544, %get3A_543, %broadcast_in_dim3A_546 : vector<16xi1>, vector<16xf32>
        %add3A_548 = arith.addf %while3A_468, %select_n3A_547 : vector<16xf32>
        %jit3A_549 = arith.constant 1.000000e+00 : f32
        %jit3A_550 = arith.constant 0.000000e+00 : f32
        %broadcast_in_dim3A_551 = vector.broadcast %jit3A_549 : f32 to vector<16xf32>
        %broadcast_in_dim3A_552 = vector.broadcast %jit3A_550 : f32 to vector<16xf32>
        %select_n3A_553 = arith.select %gt3A_544, %broadcast_in_dim3A_551, %broadcast_in_dim3A_552 : vector<16xi1>, vector<16xf32>
        %add3A_554 = arith.addf %while3A_476, %select_n3A_553 : vector<16xf32>
        %add3A_555 = arith.constant 80 : i32
        %add3A_556 = arith.addi %mul3A_482, %add3A_555 : i32
        %get3A_557 = arith.index_cast %add3A_556 : i32 to index
        %get3A_558 = tpu.vector_load %arg5[%get3A_557] {strides = array<i32>} : memref<32768xf32, #tpu.memory_space<vmem>>, vector<16xf32>,
        %gt3A_559 = arith.cmpf ogt, %get3A_558, %while3A_420 : vector<16xf32>
        %jit3A_560 = arith.constant 0.000000e+00 : f32
        %broadcast_in_dim3A_561 = vector.broadcast %jit3A_560 : f32 to vector<16xf32>
        %select_n3A_562 = arith.select %gt3A_559, %get3A_558, %broadcast_in_dim3A_561 : vector<16xi1>, vector<16xf32>
        %add3A_563 = arith.addf %while3A_469, %select_n3A_562 : vector<16xf32>
        %jit3A_564 = arith.constant 1.000000e+00 : f32
        %jit3A_565 = arith.constant 0.000000e+00 : f32
        %broadcast_in_dim3A_566 = vector.broadcast %jit3A_564 : f32 to vector<16xf32>
        %broadcast_in_dim3A_567 = vector.broadcast %jit3A_565 : f32 to vector<16xf32>
        %select_n3A_568 = arith.select %gt3A_559, %broadcast_in_dim3A_566, %broadcast_in_dim3A_567 : vector<16xi1>, vector<16xf32>
        %add3A_569 = arith.addf %while3A_477, %select_n3A_568 : vector<16xf32>
        %add3A_570 = arith.constant 96 : i32
        %add3A_571 = arith.addi %mul3A_482, %add3A_570 : i32
        %get3A_572 = arith.index_cast %add3A_571 : i32 to index
        %get3A_573 = tpu.vector_load %arg5[%get3A_572] {strides = array<i32>} : memref<32768xf32, #tpu.memory_space<vmem>>, vector<16xf32>,
        %gt3A_574 = arith.cmpf ogt, %get3A_573, %while3A_420 : vector<16xf32>
        %jit3A_575 = arith.constant 0.000000e+00 : f32
        %broadcast_in_dim3A_576 = vector.broadcast %jit3A_575 : f32 to vector<16xf32>
        %select_n3A_577 = arith.select %gt3A_574, %get3A_573, %broadcast_in_dim3A_576 : vector<16xi1>, vector<16xf32>
        %add3A_578 = arith.addf %while3A_470, %select_n3A_577 : vector<16xf32>
        %jit3A_579 = arith.constant 1.000000e+00 : f32
        %jit3A_580 = arith.constant 0.000000e+00 : f32
        %broadcast_in_dim3A_581 = vector.broadcast %jit3A_579 : f32 to vector<16xf32>
        %broadcast_in_dim3A_582 = vector.broadcast %jit3A_580 : f32 to vector<16xf32>
        %select_n3A_583 = arith.select %gt3A_574, %broadcast_in_dim3A_581, %broadcast_in_dim3A_582 : vector<16xi1>, vector<16xf32>
        %add3A_584 = arith.addf %while3A_478, %select_n3A_583 : vector<16xf32>
        %add3A_585 = arith.constant 112 : i32
        %add3A_586 = arith.addi %mul3A_482, %add3A_585 : i32
        %get3A_587 = arith.index_cast %add3A_586 : i32 to index
        %get3A_588 = tpu.vector_load %arg5[%get3A_587] {strides = array<i32>} : memref<32768xf32, #tpu.memory_space<vmem>>, vector<16xf32>,
        %gt3A_589 = arith.cmpf ogt, %get3A_588, %while3A_420 : vector<16xf32>
        %jit3A_590 = arith.constant 0.000000e+00 : f32
        %broadcast_in_dim3A_591 = vector.broadcast %jit3A_590 : f32 to vector<16xf32>
        %select_n3A_592 = arith.select %gt3A_589, %get3A_588, %broadcast_in_dim3A_591 : vector<16xi1>, vector<16xf32>
        %add3A_593 = arith.addf %while3A_471, %select_n3A_592 : vector<16xf32>
        %jit3A_594 = arith.constant 1.000000e+00 : f32
        %jit3A_595 = arith.constant 0.000000e+00 : f32
        %broadcast_in_dim3A_596 = vector.broadcast %jit3A_594 : f32 to vector<16xf32>
        %broadcast_in_dim3A_597 = vector.broadcast %jit3A_595 : f32 to vector<16xf32>
        %select_n3A_598 = arith.select %gt3A_589, %broadcast_in_dim3A_596, %broadcast_in_dim3A_597 : vector<16xi1>, vector<16xf32>
        %add3A_599 = arith.addf %while3A_479, %select_n3A_598 : vector<16xf32>
        scf.yield %add3A_488, %add3A_503, %add3A_518, %add3A_533, %add3A_548, %add3A_563, %add3A_578, %add3A_593, %add3A_494, %add3A_509, %add3A_524, %add3A_539, %add3A_554, %add3A_569, %add3A_584, %add3A_599 : vector<16xf32>, vector<16xf32>, vector<16xf32>, vector<16xf32>, vector<16xf32>, vector<16xf32>, vector<16xf32>, vector<16xf32>, vector<16xf32>, vector<16xf32>, vector<16xf32>, vector<16xf32>, vector<16xf32>, vector<16xf32>, vector<16xf32>, vector<16xf32>
      }
      %add3A_435 = arith.addf %while3A_434#0, %while3A_434#1 : vector<16xf32>
      %add3A_436 = arith.addf %while3A_434#8, %while3A_434#9 : vector<16xf32>
      %add3A_437 = arith.addf %add3A_435, %while3A_434#2 : vector<16xf32>
      %add3A_438 = arith.addf %add3A_436, %while3A_434#10 : vector<16xf32>
      %add3A_439 = arith.addf %add3A_437, %while3A_434#3 : vector<16xf32>
      %add3A_440 = arith.addf %add3A_438, %while3A_434#11 : vector<16xf32>
      %add3A_441 = arith.addf %add3A_439, %while3A_434#4 : vector<16xf32>
      %add3A_442 = arith.addf %add3A_440, %while3A_434#12 : vector<16xf32>
      %add3A_443 = arith.addf %add3A_441, %while3A_434#5 : vector<16xf32>
      %add3A_444 = arith.addf %add3A_442, %while3A_434#13 : vector<16xf32>
      %add3A_445 = arith.addf %add3A_443, %while3A_434#6 : vector<16xf32>
      %add3A_446 = arith.addf %add3A_444, %while3A_434#14 : vector<16xf32>
      %add3A_447 = arith.addf %add3A_445, %while3A_434#7 : vector<16xf32>
      %add3A_448 = arith.addf %add3A_446, %while3A_434#15 : vector<16xf32>
      %reduce_sum3A_449 = arith.constant true
      %reduce_sum3A_450 = vector.broadcast %reduce_sum3A_449 : i1 to vector<16xi1>
      %reduce_sum3A_451 = tpu.scan <sum>, %add3A_447 masked %reduce_sum3A_450 : vector<16xf32>, vector<16xi1> -> vector<16xf32>
      %reduce_sum3A_452 = vector.extract %reduce_sum3A_451[15] : f32 from vector<16xf32>
      %broadcast_in_dim3A_453 = vector.broadcast %reduce_sum3A_452 : f32 to vector<16xf32>
      %reduce_sum3A_454 = arith.constant true
      %reduce_sum3A_455 = vector.broadcast %reduce_sum3A_454 : i1 to vector<16xi1>
      %reduce_sum3A_456 = tpu.scan <sum>, %add3A_448 masked %reduce_sum3A_455 : vector<16xf32>, vector<16xi1> -> vector<16xf32>
      %reduce_sum3A_457 = vector.extract %reduce_sum3A_456[15] : f32 from vector<16xf32>
      %broadcast_in_dim3A_458 = vector.broadcast %reduce_sum3A_457 : f32 to vector<16xf32>
      %sub3A_459 = arith.constant 1.000000e+00 : f32
      %sub3A_460 = vector.broadcast %sub3A_459 : f32 to vector<16xf32>
      %sub3A_461 = arith.subf %broadcast_in_dim3A_453, %sub3A_460 : vector<16xf32>
      %div3A_462 = arith.divf %sub3A_461, %broadcast_in_dim3A_458 : vector<16xf32>
      scf.yield %add3A_423, %div3A_462, %while3A_420 : i32, vector<16xf32>, vector<16xf32>
    }
    %dma_wait3A_382 = arith.constant 0 : i32
    %dma_wait3A_383 = tpu.memref_slice %arg3[%add3A_196, %dma_wait3A_382] : memref<128x32768xf32, #tpu.memory_space<hbm>> -> memref<1x32768xf32, #tpu.memory_space<hbm>>
    %dma_wait3A_384 = tpu.memref_squeeze %dma_wait3A_383 : memref<1x32768xf32, #tpu.memory_space<hbm>> -> memref<32768xf32, #tpu.memory_space<hbm>>
    %dma_wait3A_385 = arith.constant 0 : i32
    %dma_wait3A_386 = tpu.memref_slice %arg3[%add3A_196, %dma_wait3A_385] : memref<128x32768xf32, #tpu.memory_space<hbm>> -> memref<1x32768xf32, #tpu.memory_space<hbm>>
    %dma_wait3A_387 = tpu.memref_squeeze %dma_wait3A_386 : memref<1x32768xf32, #tpu.memory_space<hbm>> -> memref<32768xf32, #tpu.memory_space<hbm>>
    tpu.wait_dma2 semaphore(%arg9 : memref<!tpu.dma_semaphore, #tpu.memory_space<semaphore_mem>>) src(%arg6 : memref<32768xf32, #tpu.memory_space<vmem>>) dst(%dma_wait3A_387 : memref<32768xf32, #tpu.memory_space<hbm>>)
    %scan3A_388 = arith.constant 0 : i32
    %scan3A_389 = arith.constant 0 : i32
    %scan3A_390 = arith.constant 256 : i32
    %scan3A_391 = arith.addi %scan3A_389, %scan3A_390 : i32
    %scan3A_392 = arith.constant 1 : i32
    %scan3A_393 = scf.for %scan3A_419 = %scan3A_389 to %scan3A_391 step %scan3A_392 iter_args(%scan3A_420 = %scan3A_388) -> (i32)  : i32 {
      %mul3A_421 = arith.constant 128 : i32
      %mul3A_422 = arith.muli %scan3A_419, %mul3A_421 : i32
      %add3A_423 = arith.constant 0 : i32
      %add3A_424 = arith.addi %mul3A_422, %add3A_423 : i32
      %get3A = arith.index_cast %add3A_424 : i32 to index
      %get3A_425 = tpu.vector_load %arg5[%get3A] {strides = array<i32>} : memref<32768xf32, #tpu.memory_space<vmem>>, vector<16xf32>,
      %sub3A_426 = arith.subf %get3A_425, %while3A_381#1 : vector<16xf32>
      %max3A_427 = arith.constant 0.000000e+00 : f32
      %max3A_428 = vector.broadcast %max3A_427 : f32 to vector<16xf32>
      %max3A_429 = arith.maximumf %sub3A_426, %max3A_428 : vector<16xf32>
      %swap3A = arith.index_cast %add3A_424 : i32 to index
      %swap3A_430 = tpu.vector_load %arg6[%swap3A] {strides = array<i32>} : memref<32768xf32, #tpu.memory_space<vmem>>, vector<16xf32>,
      tpu.vector_store %arg6[%swap3A], %max3A_429 {strides = array<i32>} : memref<32768xf32, #tpu.memory_space<vmem>>, vector<16xf32>,
      %min3A = arith.minimumf %get3A_425, %while3A_381#1 : vector<16xf32>
      %swap3A_431 = arith.index_cast %add3A_424 : i32 to index
      %swap3A_432 = tpu.vector_load %arg7[%swap3A_431] {strides = array<i32>} : memref<32768xf32, #tpu.memory_space<vmem>>, vector<16xf32>,
      tpu.vector_store %arg7[%swap3A_431], %min3A {strides = array<i32>} : memref<32768xf32, #tpu.memory_space<vmem>>, vector<16xf32>,
      %add3A_433 = arith.constant 16 : i32
      %add3A_434 = arith.addi %mul3A_422, %add3A_433 : i32
      %get3A_435 = arith.index_cast %add3A_434 : i32 to index
      %get3A_436 = tpu.vector_load %arg5[%get3A_435] {strides = array<i32>} : memref<32768xf32, #tpu.memory_space<vmem>>, vector<16xf32>,
      %sub3A_437 = arith.subf %get3A_436, %while3A_381#1 : vector<16xf32>
      %max3A_438 = arith.constant 0.000000e+00 : f32
      %max3A_439 = vector.broadcast %max3A_438 : f32 to vector<16xf32>
      %max3A_440 = arith.maximumf %sub3A_437, %max3A_439 : vector<16xf32>
      %swap3A_441 = arith.index_cast %add3A_434 : i32 to index
      %swap3A_442 = tpu.vector_load %arg6[%swap3A_441] {strides = array<i32>} : memref<32768xf32, #tpu.memory_space<vmem>>, vector<16xf32>,
      tpu.vector_store %arg6[%swap3A_441], %max3A_440 {strides = array<i32>} : memref<32768xf32, #tpu.memory_space<vmem>>, vector<16xf32>,
      %min3A_443 = arith.minimumf %get3A_436, %while3A_381#1 : vector<16xf32>
      %swap3A_444 = arith.index_cast %add3A_434 : i32 to index
      %swap3A_445 = tpu.vector_load %arg7[%swap3A_444] {strides = array<i32>} : memref<32768xf32, #tpu.memory_space<vmem>>, vector<16xf32>,
      tpu.vector_store %arg7[%swap3A_444], %min3A_443 {strides = array<i32>} : memref<32768xf32, #tpu.memory_space<vmem>>, vector<16xf32>,
      %add3A_446 = arith.constant 32 : i32
      %add3A_447 = arith.addi %mul3A_422, %add3A_446 : i32
      %get3A_448 = arith.index_cast %add3A_447 : i32 to index
      %get3A_449 = tpu.vector_load %arg5[%get3A_448] {strides = array<i32>} : memref<32768xf32, #tpu.memory_space<vmem>>, vector<16xf32>,
      %sub3A_450 = arith.subf %get3A_449, %while3A_381#1 : vector<16xf32>
      %max3A_451 = arith.constant 0.000000e+00 : f32
      %max3A_452 = vector.broadcast %max3A_451 : f32 to vector<16xf32>
      %max3A_453 = arith.maximumf %sub3A_450, %max3A_452 : vector<16xf32>
      %swap3A_454 = arith.index_cast %add3A_447 : i32 to index
      %swap3A_455 = tpu.vector_load %arg6[%swap3A_454] {strides = array<i32>} : memref<32768xf32, #tpu.memory_space<vmem>>, vector<16xf32>,
      tpu.vector_store %arg6[%swap3A_454], %max3A_453 {strides = array<i32>} : memref<32768xf32, #tpu.memory_space<vmem>>, vector<16xf32>,
      %min3A_456 = arith.minimumf %get3A_449, %while3A_381#1 : vector<16xf32>
      %swap3A_457 = arith.index_cast %add3A_447 : i32 to index
      %swap3A_458 = tpu.vector_load %arg7[%swap3A_457] {strides = array<i32>} : memref<32768xf32, #tpu.memory_space<vmem>>, vector<16xf32>,
      tpu.vector_store %arg7[%swap3A_457], %min3A_456 {strides = array<i32>} : memref<32768xf32, #tpu.memory_space<vmem>>, vector<16xf32>,
      %add3A_459 = arith.constant 48 : i32
      %add3A_460 = arith.addi %mul3A_422, %add3A_459 : i32
      %get3A_461 = arith.index_cast %add3A_460 : i32 to index
      %get3A_462 = tpu.vector_load %arg5[%get3A_461] {strides = array<i32>} : memref<32768xf32, #tpu.memory_space<vmem>>, vector<16xf32>,
      %sub3A_463 = arith.subf %get3A_462, %while3A_381#1 : vector<16xf32>
      %max3A_464 = arith.constant 0.000000e+00 : f32
      %max3A_465 = vector.broadcast %max3A_464 : f32 to vector<16xf32>
      %max3A_466 = arith.maximumf %sub3A_463, %max3A_465 : vector<16xf32>
      %swap3A_467 = arith.index_cast %add3A_460 : i32 to index
      %swap3A_468 = tpu.vector_load %arg6[%swap3A_467] {strides = array<i32>} : memref<32768xf32, #tpu.memory_space<vmem>>, vector<16xf32>,
      tpu.vector_store %arg6[%swap3A_467], %max3A_466 {strides = array<i32>} : memref<32768xf32, #tpu.memory_space<vmem>>, vector<16xf32>,
      %min3A_469 = arith.minimumf %get3A_462, %while3A_381#1 : vector<16xf32>
      %swap3A_470 = arith.index_cast %add3A_460 : i32 to index
      %swap3A_471 = tpu.vector_load %arg7[%swap3A_470] {strides = array<i32>} : memref<32768xf32, #tpu.memory_space<vmem>>, vector<16xf32>,
      tpu.vector_store %arg7[%swap3A_470], %min3A_469 {strides = array<i32>} : memref<32768xf32, #tpu.memory_space<vmem>>, vector<16xf32>,
      %add3A_472 = arith.constant 64 : i32
      %add3A_473 = arith.addi %mul3A_422, %add3A_472 : i32
      %get3A_474 = arith.index_cast %add3A_473 : i32 to index
      %get3A_475 = tpu.vector_load %arg5[%get3A_474] {strides = array<i32>} : memref<32768xf32, #tpu.memory_space<vmem>>, vector<16xf32>,
      %sub3A_476 = arith.subf %get3A_475, %while3A_381#1 : vector<16xf32>
      %max3A_477 = arith.constant 0.000000e+00 : f32
      %max3A_478 = vector.broadcast %max3A_477 : f32 to vector<16xf32>
      %max3A_479 = arith.maximumf %sub3A_476, %max3A_478 : vector<16xf32>
      %swap3A_480 = arith.index_cast %add3A_473 : i32 to index
      %swap3A_481 = tpu.vector_load %arg6[%swap3A_480] {strides = array<i32>} : memref<32768xf32, #tpu.memory_space<vmem>>, vector<16xf32>,
      tpu.vector_store %arg6[%swap3A_480], %max3A_479 {strides = array<i32>} : memref<32768xf32, #tpu.memory_space<vmem>>, vector<16xf32>,
      %min3A_482 = arith.minimumf %get3A_475, %while3A_381#1 : vector<16xf32>
      %swap3A_483 = arith.index_cast %add3A_473 : i32 to index
      %swap3A_484 = tpu.vector_load %arg7[%swap3A_483] {strides = array<i32>} : memref<32768xf32, #tpu.memory_space<vmem>>, vector<16xf32>,
      tpu.vector_store %arg7[%swap3A_483], %min3A_482 {strides = array<i32>} : memref<32768xf32, #tpu.memory_space<vmem>>, vector<16xf32>,
      %add3A_485 = arith.constant 80 : i32
      %add3A_486 = arith.addi %mul3A_422, %add3A_485 : i32
      %get3A_487 = arith.index_cast %add3A_486 : i32 to index
      %get3A_488 = tpu.vector_load %arg5[%get3A_487] {strides = array<i32>} : memref<32768xf32, #tpu.memory_space<vmem>>, vector<16xf32>,
      %sub3A_489 = arith.subf %get3A_488, %while3A_381#1 : vector<16xf32>
      %max3A_490 = arith.constant 0.000000e+00 : f32
      %max3A_491 = vector.broadcast %max3A_490 : f32 to vector<16xf32>
      %max3A_492 = arith.maximumf %sub3A_489, %max3A_491 : vector<16xf32>
      %swap3A_493 = arith.index_cast %add3A_486 : i32 to index
      %swap3A_494 = tpu.vector_load %arg6[%swap3A_493] {strides = array<i32>} : memref<32768xf32, #tpu.memory_space<vmem>>, vector<16xf32>,
      tpu.vector_store %arg6[%swap3A_493], %max3A_492 {strides = array<i32>} : memref<32768xf32, #tpu.memory_space<vmem>>, vector<16xf32>,
      %min3A_495 = arith.minimumf %get3A_488, %while3A_381#1 : vector<16xf32>
      %swap3A_496 = arith.index_cast %add3A_486 : i32 to index
      %swap3A_497 = tpu.vector_load %arg7[%swap3A_496] {strides = array<i32>} : memref<32768xf32, #tpu.memory_space<vmem>>, vector<16xf32>,
      tpu.vector_store %arg7[%swap3A_496], %min3A_495 {strides = array<i32>} : memref<32768xf32, #tpu.memory_space<vmem>>, vector<16xf32>,
      %add3A_498 = arith.constant 96 : i32
      %add3A_499 = arith.addi %mul3A_422, %add3A_498 : i32
      %get3A_500 = arith.index_cast %add3A_499 : i32 to index
      %get3A_501 = tpu.vector_load %arg5[%get3A_500] {strides = array<i32>} : memref<32768xf32, #tpu.memory_space<vmem>>, vector<16xf32>,
      %sub3A_502 = arith.subf %get3A_501, %while3A_381#1 : vector<16xf32>
      %max3A_503 = arith.constant 0.000000e+00 : f32
      %max3A_504 = vector.broadcast %max3A_503 : f32 to vector<16xf32>
      %max3A_505 = arith.maximumf %sub3A_502, %max3A_504 : vector<16xf32>
      %swap3A_506 = arith.index_cast %add3A_499 : i32 to index
      %swap3A_507 = tpu.vector_load %arg6[%swap3A_506] {strides = array<i32>} : memref<32768xf32, #tpu.memory_space<vmem>>, vector<16xf32>,
      tpu.vector_store %arg6[%swap3A_506], %max3A_505 {strides = array<i32>} : memref<32768xf32, #tpu.memory_space<vmem>>, vector<16xf32>,
      %min3A_508 = arith.minimumf %get3A_501, %while3A_381#1 : vector<16xf32>
      %swap3A_509 = arith.index_cast %add3A_499 : i32 to index
      %swap3A_510 = tpu.vector_load %arg7[%swap3A_509] {strides = array<i32>} : memref<32768xf32, #tpu.memory_space<vmem>>, vector<16xf32>,
      tpu.vector_store %arg7[%swap3A_509], %min3A_508 {strides = array<i32>} : memref<32768xf32, #tpu.memory_space<vmem>>, vector<16xf32>,
      %add3A_511 = arith.constant 112 : i32
      %add3A_512 = arith.addi %mul3A_422, %add3A_511 : i32
      %get3A_513 = arith.index_cast %add3A_512 : i32 to index
      %get3A_514 = tpu.vector_load %arg5[%get3A_513] {strides = array<i32>} : memref<32768xf32, #tpu.memory_space<vmem>>, vector<16xf32>,
      %sub3A_515 = arith.subf %get3A_514, %while3A_381#1 : vector<16xf32>
      %max3A_516 = arith.constant 0.000000e+00 : f32
      %max3A_517 = vector.broadcast %max3A_516 : f32 to vector<16xf32>
      %max3A_518 = arith.maximumf %sub3A_515, %max3A_517 : vector<16xf32>
      %swap3A_519 = arith.index_cast %add3A_512 : i32 to index
      %swap3A_520 = tpu.vector_load %arg6[%swap3A_519] {strides = array<i32>} : memref<32768xf32, #tpu.memory_space<vmem>>, vector<16xf32>,
      tpu.vector_store %arg6[%swap3A_519], %max3A_518 {strides = array<i32>} : memref<32768xf32, #tpu.memory_space<vmem>>, vector<16xf32>,
      %min3A_521 = arith.minimumf %get3A_514, %while3A_381#1 : vector<16xf32>
      %swap3A_522 = arith.index_cast %add3A_512 : i32 to index
      %swap3A_523 = tpu.vector_load %arg7[%swap3A_522] {strides = array<i32>} : memref<32768xf32, #tpu.memory_space<vmem>>, vector<16xf32>,
      tpu.vector_store %arg7[%swap3A_522], %min3A_521 {strides = array<i32>} : memref<32768xf32, #tpu.memory_space<vmem>>, vector<16xf32>,
      %scan3A_524 = arith.constant 0 : i32
      scf.yield %scan3A_524 : i32
    }
    %scan3A_394 = arith.constant 256 : i32
    %dma_start3A_395 = arith.constant 0 : i32
    %dma_start3A_396 = tpu.memref_slice %arg3[%add3A_303, %dma_start3A_395] : memref<128x32768xf32, #tpu.memory_space<hbm>> -> memref<1x32768xf32, #tpu.memory_space<hbm>>
    %dma_start3A_397 = tpu.memref_squeeze %dma_start3A_396 : memref<1x32768xf32, #tpu.memory_space<hbm>> -> memref<32768xf32, #tpu.memory_space<hbm>>
    %dma_start3A_398 = arith.constant 0 : i32
    %dma_start3A_399 = tpu.memref_slice %arg3[%add3A_303, %dma_start3A_398] : memref<128x32768xf32, #tpu.memory_space<hbm>> -> memref<1x32768xf32, #tpu.memory_space<hbm>>
    %dma_start3A_400 = tpu.memref_squeeze %dma_start3A_399 : memref<1x32768xf32, #tpu.memory_space<hbm>> -> memref<32768xf32, #tpu.memory_space<hbm>>
    tpu.enqueue_dma source(%arg6 : memref<32768xf32, #tpu.memory_space<vmem>>) target(%dma_start3A_400 : memref<32768xf32, #tpu.memory_space<hbm>>) target_semaphore(%arg9 : memref<!tpu.dma_semaphore, #tpu.memory_space<semaphore_mem>>)
    %dma_start3A_401 = arith.constant 0 : i32
    %dma_start3A_402 = tpu.memref_slice %arg4[%add3A_303, %dma_start3A_401] : memref<128x32768xf32, #tpu.memory_space<hbm>> -> memref<1x32768xf32, #tpu.memory_space<hbm>>
    %dma_start3A_403 = tpu.memref_squeeze %dma_start3A_402 : memref<1x32768xf32, #tpu.memory_space<hbm>> -> memref<32768xf32, #tpu.memory_space<hbm>>
    %dma_start3A_404 = arith.constant 0 : i32
    %dma_start3A_405 = tpu.memref_slice %arg4[%add3A_303, %dma_start3A_404] : memref<128x32768xf32, #tpu.memory_space<hbm>> -> memref<1x32768xf32, #tpu.memory_space<hbm>>
    %dma_start3A_406 = tpu.memref_squeeze %dma_start3A_405 : memref<1x32768xf32, #tpu.memory_space<hbm>> -> memref<32768xf32, #tpu.memory_space<hbm>>
    tpu.enqueue_dma source(%arg7 : memref<32768xf32, #tpu.memory_space<vmem>>) target(%dma_start3A_406 : memref<32768xf32, #tpu.memory_space<hbm>>) target_semaphore(%arg10 : memref<!tpu.dma_semaphore, #tpu.memory_space<semaphore_mem>>)
    %dma_wait3A_407 = arith.constant 0 : i32
    %dma_wait3A_408 = tpu.memref_slice %arg3[%add3A_303, %dma_wait3A_407] : memref<128x32768xf32, #tpu.memory_space<hbm>> -> memref<1x32768xf32, #tpu.memory_space<hbm>>
    %dma_wait3A_409 = tpu.memref_squeeze %dma_wait3A_408 : memref<1x32768xf32, #tpu.memory_space<hbm>> -> memref<32768xf32, #tpu.memory_space<hbm>>
    %dma_wait3A_410 = arith.constant 0 : i32
    %dma_wait3A_411 = tpu.memref_slice %arg3[%add3A_303, %dma_wait3A_410] : memref<128x32768xf32, #tpu.memory_space<hbm>> -> memref<1x32768xf32, #tpu.memory_space<hbm>>
    %dma_wait3A_412 = tpu.memref_squeeze %dma_wait3A_411 : memref<1x32768xf32, #tpu.memory_space<hbm>> -> memref<32768xf32, #tpu.memory_space<hbm>>
    tpu.wait_dma2 semaphore(%arg9 : memref<!tpu.dma_semaphore, #tpu.memory_space<semaphore_mem>>) src(%arg6 : memref<32768xf32, #tpu.memory_space<vmem>>) dst(%dma_wait3A_412 : memref<32768xf32, #tpu.memory_space<hbm>>)
    %dma_wait3A_413 = arith.constant 0 : i32
    %dma_wait3A_414 = tpu.memref_slice %arg4[%add3A_303, %dma_wait3A_413] : memref<128x32768xf32, #tpu.memory_space<hbm>> -> memref<1x32768xf32, #tpu.memory_space<hbm>>
    %dma_wait3A_415 = tpu.memref_squeeze %dma_wait3A_414 : memref<1x32768xf32, #tpu.memory_space<hbm>> -> memref<32768xf32, #tpu.memory_space<hbm>>
    %dma_wait3A_416 = arith.constant 0 : i32
    %dma_wait3A_417 = tpu.memref_slice %arg4[%add3A_303, %dma_wait3A_416] : memref<128x32768xf32, #tpu.memory_space<hbm>> -> memref<1x32768xf32, #tpu.memory_space<hbm>>
    %dma_wait3A_418 = tpu.memref_squeeze %dma_wait3A_417 : memref<1x32768xf32, #tpu.memory_space<hbm>> -> memref<32768xf32, #tpu.memory_space<hbm>>
    tpu.wait_dma2 semaphore(%arg10 : memref<!tpu.dma_semaphore, #tpu.memory_space<semaphore_mem>>) src(%arg7 : memref<32768xf32, #tpu.memory_space<vmem>>) dst(%dma_wait3A_418 : memref<32768xf32, #tpu.memory_space<hbm>>)
    return
  }
}

</mosaic_0001>

<sc_bundles>
// kernel: kernel.3.cloned.1.call-start
scs
__scs_entry_jumppad:
0x0: {  	(pc) =	sbr.rel $0x88, $3  }
0x1: {  	(tag) =	ssettag $0x0;
	lr =	simm.s32 $0x1  }
0x2: {  	[smem:$0x3FA0] =	sst lr;
	_ =	strace $0xD0000000  }
0x3: {  	_ = 	snop  }
0x4: {  	_ = 	snop  }
0x5: {  	_ = 	snop  }
0x6: {  	_ = 	snop  }
0x7: {  	_ = 	snop  }
__scs_overlays_trampoline_lowered:
0x8: {  	[smem:$0x3FAF] =	sst s0  }
0x9: {  	[smem:$0x3FB0] =	sst s1  }
0xa: {  	[smem:$0x3FB1] =	sst s2  }
0xb: {  	[smem:$0x3FB2] =	sst s3  }
0xc: {  	[smem:$0x3FB3] =	sst s4  }
0xd: {  	[smem:$0x3FB4] =	sst s5  }
0xe: {  	[smem:$0x3FB5] =	sst s6  }
0xf: {  	[smem:$0x3FB6] =	sst s7  }
0x10: {  	[smem:$0x3FB7] =	sst s8  }
0x11: {  	[smem:$0x3FB8] =	sst s9;
	s0 =	simm.s32 @!p0 $0x0  }
0x12: {  	s1 =	sld [smem:$0x3F9E];
	s0 =	simm.s32 @p0 $0x1  }
0x13: {  	[smem:$0x3FB9] =	sst s0;
	s0 =	simm.s32 @!p1 $0x0  }
0x14: {  	s2 =	sld [smem:$0x3F9D];
	s0 =	simm.s32 @p1 $0x1  }
0x15: {  	[smem:$0x3FBA] =	sst s0;
	s0 =	simm.s32 @!p2 $0x0  }
0x16: {  	s3 =	sld [smem:$0x3FDB];
	s0 =	simm.s32 @p2 $0x1  }
0x17: {  	s4 =	simm.s32 $0x1BF5;
	[smem:$0x3FBC] =	sst s0  }
0x18: {  	s0 =	sld [smem:$0x3F9F];
	_ =	swait.ge [sflag:s4], $0x0  }
0x19: {  	s7 =	sld [smem:$0x3FA0]  }
0x1a: {  	s8 =	sadd.s32 $0xFFFFE003, lr  }
0x1b: {  	s9 =	sadd.s32 $0xFFFFFEF7, lr;
	s5 =	simm.s32 $0xFFFFFFFF;
	p2 =	slt.u32 s8, $0xFFFFF086  }
0x1c: {  	p1 =	slt.u32 s9, $0xF7A;
	s5 =	simm.s32 @!p2 $0x0  }
0x1d: {  	s5 =	simm.s32 @p1 $0x1;
	p0 =	seq.s32 s7, s2  }
0x1e: {  	s7 =	smul.u32 @!p0 $0xF7A, s2;
	p2 =	seq.s32 @!p0 s5, $0x0  }
0x1f: {  	s9 =	smul.u32 $0xF7A, s1;
	s8 =	simm.s32 @!p0 $0x1BF5;
	p2 =	por !p2, p0  }
0x20: {  	[sflag:s8] =	ssyncset.s32 @!p0 $0xFFFFF086;
	s6 =	sadd.s32 @!p0 s3, s7;
	s7 =	simm.s32 @!p0 $0x108  }
0x21: {  	s3 =	sadd.s32 s3, s9;
	s6 =	sadd.s32 @!p0 $0x88, s6;
	s7 =	simm.s32 @p2 $0x1082  }
0x22: {  	[simem:s7], [sflag:s8] =	dma.local @!p0 [hbm:s6], $0xF7A  }
0x23: {  	s9 =	sor.u32 $0xD0000000, s2;
	s6 =	simm.s32 $0x108;
	_ =	swait.ge @!p0 [sflag:s8], $0x0  }
0x24: {  	s3 =	sadd.s32 $0x88, s3;
	s6 =	simm.s32 @!p1 $0x1082;
	[sflag:s4] =	ssyncset.s32 $0xFFFFF086  }
0x25: {  	[simem:s6], [sflag:s4] =	dma.local [hbm:s3], $0xF7A  }
0x26: {  	[smem:$0x3FA0] =	sst s1;
	(tag) =	ssettag s2;
	_ =	strace s9  }
0x27: {  	s1 =	sld [smem:$0x3FB0]  }
0x28: {  	s2 =	sld [smem:$0x3FB1]  }
0x29: {  	s4 =	sld [smem:$0x3FB3]  }
0x2a: {  	p0 =	seq.s32 s5, $0x0;
	s5 =	sld [smem:$0x3FB4]  }
0x2b: {  	s6 =	sld [smem:$0x3FB5]  }
0x2c: {  	s7 =	sld [smem:$0x3FB6]  }
0x2d: {  	s3 =	simm.s32 $0x108;
	s8 =	sld [smem:$0x3FB7]  }
0x2e: {  	s3 =	simm.s32 @!p0 $0x1082;
	s9 =	sld [smem:$0x3FB8]  }
0x2f: {  	lr =	sadd.s32 s0, s3;
	s0 =	sld [smem:$0x3FAF]  }
0x30: {  	s3 =	sld [smem:$0x3FB2]  }
0x31: {  	[smem:$0x3FBB] =	sst s10  }
0x32: {  	s10 =	sld [smem:$0x3FB9];
	_ =	sdelay $0x3  }
0x33: {  	p0 =	seq.s32 s10, $0x1;
	s10 =	sld [smem:$0x3FBB];
	_ =	sdelay $0x3  }
0x34: {  	[smem:$0x3FBB] =	sst s10  }
0x35: {  	s10 =	sld [smem:$0x3FBA];
	_ =	sdelay $0x3  }
0x36: {  	p1 =	seq.s32 s10, $0x1;
	s10 =	sld [smem:$0x3FBB];
	_ =	sdelay $0x3  }
0x37: {  	[smem:$0x3FBB] =	sst s10  }
0x38: {  	s10 =	sld [smem:$0x3FBC]  }
0x39: {  	_ = 	snop;
	(pc) =	sbr.ind lr, $3  }
0x3a: {  	_ = 	snop  }
0x3b: {  	_ = 	snop  }
0x3c: {  	p2 =	seq.s32 s10, $0x1;
	s10 =	sld [smem:$0x3FBB]  }
0x3d: {  	_ =	shalt  }
0x3e: {  	_ =	shalt  }
0x3f: {  	_ =	shalt  }
0x40: {  	_ =	shalt  }
0x41: {  	_ =	shalt  }
0x42: {  	_ =	shalt  }
0x43: {  	_ =	shalt  }
0x44: {  	_ =	shalt  }
0x45: {  	_ =	shalt  }
0x46: {  	_ =	shalt  }
0x47: {  	_ =	shalt  }
0x48: {  	_ =	shalt  }
0x49: {  	_ =	shalt  }
0x4a: {  	_ =	shalt  }
0x4b: {  	_ =	shalt  }
0x4c: {  	_ =	shalt  }
0x4d: {  	_ =	shalt  }
0x4e: {  	_ =	shalt  }
0x4f: {  	_ =	shalt  }
0x50: {  	_ =	shalt  }
0x51: {  	_ =	shalt  }
0x52: {  	_ =	shalt  }
0x53: {  	_ =	shalt  }
0x54: {  	_ =	shalt  }
0x55: {  	_ =	shalt  }
0x56: {  	_ =	shalt  }
0x57: {  	_ =	shalt  }
0x58: {  	_ =	shalt  }
0x59: {  	_ =	shalt  }
0x5a: {  	_ =	shalt  }
0x5b: {  	_ =	shalt  }
0x5c: {  	_ =	shalt  }
0x5d: {  	_ =	shalt  }
0x5e: {  	_ =	shalt  }
0x5f: {  	_ =	shalt  }
0x60: {  	_ =	shalt  }
0x61: {  	_ =	shalt  }
0x62: {  	_ =	shalt  }
0x63: {  	_ =	shalt  }
0x64: {  	_ =	shalt  }
0x65: {  	_ =	shalt  }
0x66: {  	_ =	shalt  }
0x67: {  	_ =	shalt  }
0x68: {  	_ =	shalt  }
0x69: {  	_ =	shalt  }
0x6a: {  	_ =	shalt  }
0x6b: {  	_ =	shalt  }
0x6c: {  	_ =	shalt  }
0x6d: {  	_ =	shalt  }
0x6e: {  	_ =	shalt  }
0x6f: {  	_ =	shalt  }
0x70: {  	_ =	shalt  }
0x71: {  	_ =	shalt  }
0x72: {  	_ =	shalt  }
0x73: {  	_ =	shalt  }
0x74: {  	_ =	shalt  }
0x75: {  	_ =	shalt  }
0x76: {  	_ =	shalt  }
0x77: {  	_ =	shalt  }
0x78: {  	_ =	shalt  }
0x79: {  	_ =	shalt  }
0x7a: {  	_ =	shalt  }
0x7b: {  	_ =	shalt  }
0x7c: {  	_ =	shalt  }
0x7d: {  	_ =	shalt  }
0x7e: {  	_ =	shalt  }
0x7f: {  	_ =	shalt  }
0x80: {  	_ =	shalt  }
0x81: {  	_ =	shalt  }
0x82: {  	_ =	shalt  }
0x83: {  	_ =	shalt  }
0x84: {  	_ =	shalt  }
0x85: {  	_ =	shalt  }
0x86: {  	_ =	shalt  }
0x87: {  	_ =	shalt  }
.Lfunc_end0:
.L_simem_size_0:
called_computation_lowered:
.L_overlay_start_0:
0x88: {  	s2 =	sld [smem:$0x3FD9]  }
0x89: {  	s3 =	sld [smem:$0x3FFE];
	_ =	sdelay $0x1  }
0x8a: {  	s1 =	srdreg.scid  }
0x8b: {  	s0 =	sand.u32 $0x1, s1  }
0x8c: {  	s15 =	sshll.u32 s0, $0xA;
	s2 =	sadd.s32 s3, s2  }
0x8d: {  	s2 =	sadd.s32 s2, s15  }
0x8e: {  	[smem:$0x3FC7] =	sst s2  }
0x8f: {  	_ = 	snop  }
0x90: {  	s2 =	sld [smem:$0x3FD0];
	_ =	sdelay $0x2  }
0x91: {  	s4 =	simm.s32 $0xA;
	s5 =	simm.s32 $0x10;
	s16 =	sld [smem:$0x3FC9]  }
0x92: {  	[smem:s5], [sflag:s4] =	dma.local [hbm:s2], $0x1  }
0x93: {  	_ =	swait.eq [sflag:s4], $0x1  }
0x94: {  	[sflag:s4] =	ssyncset.done $0x0  }
0x95: {  	s17 =	sld [smem:$0x10];
	[sflag:s4] =	ssyncadd.s32 $0xFFFFFFFF  }
0x96: {  	s18 =	sld [smem:$0x11];
	(tm) =	ssettm $0x1  }
0x97: {  	s19 =	sld [smem:$0x3FFB];
	_ =	sdelay $0x3  }
0x98: {  	_ =	strace s19  }
0x99: {  	s5 =	sld [smem:$0x3FFC];
	_ =	sdelay $0x3  }
0x9a: {  	_ =	strace s5  }
0x9b: {  	s5 =	sld [smem:$0x3FFD];
	_ =	sdelay $0x3  }
0x9c: {  	_ =	strace s5  }
0x9d: {  	_ =	strace $0x8FFFFFFF  }
0x9e: {  	s20 =	sld [smem:$0x3FDB];
	_ =	sdelay $0x1  }
0x9f: {  	s6 =	simm.s32 $_scs_section_size  }
0xa0: {  	s7 =	simm.s32 $_size__tile_overlayer_lowered;
	s8 =	simm.s32 $_tile_overlayer_lowered  }
0xa1: {  	s23 =	simm.s32 $0x1BFF;
	s22 =	sshll.u32 s8, $0x1;
	s5 =	sadd.s32 s6, s20  }
0xa2: {  	s9 =	simm.s32 $0x0;
	s21 =	sshll.u32 s7, $0x1;
	s7 =	sadd.s32 s22, s5  }
0xa3: {  	[timem:s9], [sflag:s23] =	dma.local [hbm:s7], s21  }
0xa4: {  	_ =	swait.ge [sflag:s23], s21  }
0xa5: {  	s6 =	ssub.s32 $0x0, s21;
	[sflag:s23] =	ssyncset.done $0x0  }
0xa6: {  	[sflag:s23] =	ssyncadd.s32 s6;
	_ =	sdelay $0x1  }
0xa7: {  	s24 =	simm.s32 $0x1B8B  }
0xa8: {  	_ =	swait.ge [sflag:s24], $0x1  }
0xa9: {  	[sflag:s24] =	ssyncset.done $0x0  }
0xaa: {  	s25 =	simm.s32 $0x1B8E;
	[sflag:s24] =	ssyncadd.s32 $0xFFFFFFFF  }
0xab: {  	s26 =	simm.s32 $execute0_lowered;
	[smem:$0x3FD2] =	sst s25  }
0xac: {  	s6 =	sshll.u32 s26, $0x1;
	_ =	strace $0x80000046;
	[dreg:$0x1] =	wrdreg $0xFFFFFFFF  }
0xad: {  	s28 =	simm.s32 $_size_execute0_lowered;
	s5 =	sadd.s32 s5, s6;
	[dreg:$0x0] =	wrdreg $0x0  }
0xae: {  	s6 =	sshll.u32 s28, $0x1;
	[dreg:$0x2] =	wrdreg s5  }
0xaf: {  	[dreg:$0x3] =	wrdreg s6  }
0xb0: {  	[dreg:$0x4] =	wrdreg $0xC0  }
0xb1: {  	_ =	task [dreg:s9], $0x5FFFF  }
0xb2: {  	[dreg:$0x1] =	wrdreg $0xFFFFFFFF  }
0xb3: {  	[dreg:$0x0] =	wrdreg $0x60  }
0xb4: {  	[dreg:$0x2] =	wrdreg s16  }
0xb5: {  	[dreg:$0x3] =	wrdreg s17  }
0xb6: {  	[dreg:$0x4] =	wrdreg s18  }
0xb7: {  	[dreg:$0x5] =	wrdreg $0x9  }
0xb8: {  	_ =	task.clear_ibuf [dreg:s9], $0x6FFFF;
	_ =	strace $0x90000046  }
0xb9: {  	s29 =	simm.s32 $0x9;
	_ =	strace $0x80000048  }
0xba: {  	_ =	swait.ge [sflag:s29], $0x1  }
0xbb: {  	[sflag:s29] =	ssyncadd.s32 $0xFFFFFFFF  }
0xbc: {  	_ =	strace $0x90000048  }
0xbd: {  	_ =	sfence  }
0xbe: {  	s30 =	sld [smem:$0x0];
	_ =	sdelay $0x2  }
0xbf: {  	s31 =	sshll.u32 s1, $0xD;
	s1 =	sshrl.u32 s1, $0x2  }
0xc0: {  	s3 =	sand.u32 $0x4000, s31;
	s1 =	sadd.s32 s1, s30  }
0xc1: {  	s0 =	sor.u32 s3, s0;
	s1 =	sshll.u32 s1, $0x11  }
0xc2: {  	s0 =	sor.u32 s1, s0  }
0xc3: {  	s0 =	sadd.s32 $0x8F2B, s0  }
0xc4: {  	[sflag:s0] =	ssyncadd.remote.s32 $0x1  }
0xc5: {  	_ =	sfence.sel $0xFFFF  }
0xc6: {  	[dreg:$0x0] =	wrdreg $0xFFFFFFFF;
	(pc) =	sbr.abs _section_cstart, $3  }
0xc7: {  	[dreg:$0x1] =	wrdreg $0xFFFFFFFF  }
0xc8: {  	_ =	task.clear_ibuf [dreg:s9], $0x2FFFF;
	_ =	strace $0x9FFFFFFF  }
0xc9: {  	(tm) =	ssettm $0x7FFFFFFF  }
tec
execute0_lowered:
.L_overlay_start_1:
0x0: {  	(tag) =	ssettag $0x1  }
0x1: {  	s0 =	rddreg [dreg:$0x0]  }
0x2: {  	s13 =	rddreg [dreg:$0x1]  }
0x3: {  	s14 =	rddreg [dreg:$0x2]  }
0x4: {  	s1 =	srdreg.scid;
	s2 =	simm.s32 $0x0;
	s31 =	stileid.u32  }
0x5: {  	s17 =	simm.s32 $0x400;
	s18 =	simm.s32 $0x3;
	s19 =	simm.s32 $0x1  }
0x6: {  	s20 =	simm.s32 $0x8000;
	s21 =	simm.s32 $0x10000;
	s22 =	simm.s32 $0x2  }
0x7: {  	s23 =	simm.s32 $0x0;
	s3 =	sand.u32 $0x1, s1;
	[smem:$0x7FF] =	sst s2  }
0x8: {  	s6 =	sshll.u32 s31, $0xF;
	s4 =	ssub.s32 $0x2, s3;
	s3 =	sshll.u32 s3, $0x6  }
0x9: {  	_ =	strace $0x80000047;
	s5 =	sshrl.u32 s4, $0x1;
	s12 =	sor.u32 s3, s6  }
0xa: {  	s15 =	ssub.s32 s4, s5;
	s3 =	sadd.s32 s0, s12;
	s4 =	sadd.s32 s13, s12  }
0xb: {  	s8 =	sor.u32 $0x10, s12;
	s5 =	sadd.s32 s14, s12;
	s11 =	sor.u32 $0x20, s12  }
0xc: {  	s16 =	sor.u32 $0x30, s12;
	s6 =	sadd.s32 s0, s8;
	s7 =	sadd.s32 s13, s8  }
0xd: {  	s8 =	sadd.s32 s14, s8;
	s9 =	sadd.s32 s0, s11;
	s10 =	sadd.s32 s13, s11  }
0xe: {  	s11 =	sadd.s32 s14, s11;
	s12 =	sadd.s32 s0, s16;
	s13 =	sadd.s32 s13, s16  }
0xf: {  	v0 =	vimm.f32 $0.0e+00;
	s14 =	sadd.s32 s14, s16;
	s15 =	smax.u32 s15, $0x1;
	s16 =	simm.s32 $0x80  }
.LBB2_1:
0x10: {  	[tilespmem:s2], [sflag:$0x3] =	stream.strided.gather [hbm4b:s3+s16], $0x8000, s17, s16, $0x38;
	[tilespmem:$0x18000] =	vst v63  }
0x11: {  	_ =	swait.ge [sflag:s18], $0x8000  }
0x12: {  	[sflag:s18] =	ssyncset.done $0x0  }
0x13: {  	s25 =	simm.s32 $0x0;
	[sflag:s18] =	ssyncadd.s32 $0xFFFF8000  }
0x14: {  	v1 =	vld [tilespmem:s25+$0x70]  }
0x15: {  	v2 =	vld [tilespmem:s25+$0x0]  }
0x16: {  	v4 =	vld [tilespmem:s25+$0x10]  }
0x17: {  	v13 =	vld [tilespmem:s25+$0x20]  }
0x18: {  	v11 =	vld [tilespmem:s25+$0x30]  }
0x19: {  	v3 =	vimm.f32 $-Inf;
	v6 =	vimm.f32 $-Inf;
	v5 =	vld [tilespmem:s25+$0x40]  }
0x1a: {  	v7 =	vimm.f32 $-Inf;
	v8 =	vld [tilespmem:s25+$0x50];
	v1 =	vmax.f32 v3, v1;
	v9 =	vmax.f32 v3, v2  }
0x1b: {  	s0 =	simm.s32 $0x80;
	s24 =	simm.s32 $0x400;
	v12 =	vld [tilespmem:s25+$0x60];
	v10 =	vmax.f32 v3, v4;
	v4 =	vimm.f32 $-Inf;
	v2 =	vimm.f32 $-Inf  }
.LBB2_2:
0x1c: {  	p0 =	sne.s32 s24, $0x1FE00;
	v14 =	vld [tilespmem:s0+$0x70];
	v3 =	vmax.f32 v3, v13  }
0x1d: {  	v15 =	vld [tilespmem:s0+$0x0];
	v6 =	vmax.f32 v6, v11  }
0x1e: {  	v16 =	vld [tilespmem:s0+$0x10];
	v7 =	vmax.f32 v7, v5  }
.Ltmp0:
0x1f: {  	v13 =	vld [tilespmem:s0+$0x20];
	v4 =	vmax.f32 v4, v8;
	(pc) =	sbr.rel @p0 .LBB2_2-.Ltmp0, $4  }
0x20: {  	v11 =	vld [tilespmem:s0+$0x30];
	v2 =	vmax.f32 v2, v12  }
0x21: {  	v5 =	vld [tilespmem:s0+$0x40];
	v1 =	vmax.f32 v1, v14  }
0x22: {  	v9 =	vmax.f32 v9, v15;
	v8 =	vld [tilespmem:s0+$0x50]  }
0x23: {  	v10 =	vmax.f32 v10, v16;
	v12 =	vld [tilespmem:s0+$0x60];
	s0 =	sshra.s32 s24, $0x2;
	s24 =	sadd.s32 $0x200, s24  }
0x24: {  	v14 =	vld [tilespmem:s0+$0x0]  }
0x25: {  	v15 =	vld [tilespmem:s0+$0x10]  }
0x26: {  	v16 =	vld [tilespmem:s0+$0x20]  }
0x27: {  	v17 =	vld [tilespmem:s0+$0x30]  }
0x28: {  	v18 =	vld [tilespmem:s0+$0x40]  }
0x29: {  	v19 =	vld [tilespmem:s0+$0x50]  }
0x2a: {  	v3 =	vmax.f32 v3, v13;
	v57 =	vld [tilespmem:s0+$0x60];
	v9 =	vmax.f32 v9, v14;
	v10 =	vmax.f32 v10, v15  }
0x2b: {  	v58 =	vld [tilespmem:s0+$0x70];
	v6 =	vmax.f32 v6, v11;
	v3 =	vmax.f32 v3, v16;
	v9 =	vmax.f32 v9, v10  }
0x2c: {  	v5 =	vmax.f32 v7, v5;
	v6 =	vmax.f32 v6, v17;
	v3 =	vmax.f32 v9, v3  }
0x2d: {  	v4 =	vmax.f32 v4, v8;
	v5 =	vmax.f32 v5, v18;
	v3 =	vmax.f32 v3, v6  }
0x2e: {  	v2 =	vmax.f32 v2, v12;
	v4 =	vmax.f32 v4, v19;
	v3 =	vmax.f32 v3, v5  }
0x2f: {  	v2 =	vmax.f32 v2, v57;
	v3 =	vmax.f32 v3, v4  }
0x30: {  	v1 =	vmax.f32 v1, v58;
	v2 =	vmax.f32 v3, v2  }
0x31: {  	v1 =	vmax.f32 v2, v1  }
0x32: {  	(xrf0) =	vmax.scan.msk.f32 $0xffff, v1;
	_ =	sdelay $0x5  }
0x33: {  	v1, _, _ =	vpop (xrf0)  }
0x34: {  	(v2sf) =	vpush v1, $0xF;
	_ =	sdelay $0xa  }
0x35: {  	s1 =	simm.s32 $0xC0  }
0x36: {  	s26 =	simm.s32 $0x40;
	v60 =	vld [tilespmem:s1+$0x30]  }
0x37: {  	v3 =	vld [tilespmem:s26+$0xFFFFFFD0]  }
0x38: {  	v2 =	vld [tilespmem:s26+$0xFFFFFFC0]  }
0x39: {  	v4 =	vld [tilespmem:s26+$0xFFFFFFE0];
	s25 =	spop (v2sf)  }
0x3a: {  	v5 =	vld [tilespmem:s26+$0xFFFFFFF0];
	s0 =	sadd.f32 $-1.000000000e+00, s25  }
0x3b: {  	v6 =	vld [tilespmem:s26+$0x0]  }
0x3c: {  	v7 =	vld [tilespmem:s26+$0x10];
	v1 =	vmov s0  }
0x3d: {  	v8 =	vld [tilespmem:s26+$0x20];
	vm0 =	vgt.f32 v2, v1;
	vm1 =	vgt.f32 v3, v1  }
0x3e: {  	s25 =	simm.s32 $0x140;
	v2 =	vld [tilespmem:s26+$0x30];
	vm0 =	vmor vm0, vm1;
	vm1 =	vgt.f32 v4, v1  }
0x3f: {  	v61 =	vld [tilespmem:s25+$0xFFFFFFC0];
	vm0 =	vmor vm0, vm1;
	vm1 =	vgt.f32 v5, v1  }
0x40: {  	v62 =	vld [tilespmem:s25+$0xFFFFFFD0];
	vm0 =	vmor vm0, vm1;
	vm1 =	vgt.f32 v6, v1  }
0x41: {  	v3 =	vld [tilespmem:s1+$0xFFFFFFC0];
	vm0 =	vmor vm0, vm1;
	vm1 =	vgt.f32 v7, v1  }
0x42: {  	v4 =	vld [tilespmem:s1+$0xFFFFFFD0];
	vm0 =	vmor vm0, vm1;
	vm1 =	vgt.f32 v8, v1  }
0x43: {  	v5 =	vld [tilespmem:s1+$0xFFFFFFE0];
	vm0 =	vmor vm0, vm1;
	vm1 =	vgt.f32 v2, v1  }
0x44: {  	v6 =	vld [tilespmem:s1+$0xFFFFFFF0];
	vm0 =	vmor vm0, vm1  }
0x45: {  	v7 =	vld [tilespmem:s1+$0x0];
	v59 =	vsel vm0, $0x3F800000, v0  }
0x46: {  	v2 =	vld [tilespmem:s1+$0x10];
	(xrf0) =	vmax.scan.msk.f32 $0xffff, v59  }
0x47: {  	v63 =	vld [tilespmem:s25+$0xFFFFFFE0];
	vm1 =	vgt.f32 v4, v1;
	vm0 =	vgt.f32 v3, v1  }
0x48: {  	v8 =	vld [tilespmem:s1+$0x20];
	vm0 =	vmor vm0, vm1;
	vm1 =	vgt.f32 v5, v1  }
0x49: {  	v3 =	vld [tilespmem:s25+$0xFFFFFFF0];
	vm2 =	vgt.f32 v6, v1;
	vm0 =	vmor vm0, vm1  }
0x4a: {  	v4 =	vld [tilespmem:s25+$0x0];
	vm1 =	vgt.f32 v7, v1;
	vm0 =	vmor vm0, vm2  }
0x4b: {  	v5 =	vld [tilespmem:s25+$0x10];
	vm2 =	vgt.f32 v2, v1;
	vm0 =	vmor vm0, vm1  }
0x4c: {  	vm3 =	vgt.f32 v61, v1;
	v6 =	vld [tilespmem:s25+$0x20];
	vm1 =	vgt.f32 v62, v1;
	vm0 =	vmor vm0, vm2;
	v2, _, _ =	vpop (xrf0)  }
0x4d: {  	s26 =	simm.s32 $0x1C0;
	vm1 =	vmor vm3, vm1;
	vm2 =	vgt.f32 v63, v1;
	(v2sf) =	vpush v2, $0xF;
	v2 =	vld [tilespmem:s25+$0x30]  }
0x4e: {  	v7 =	vld [tilespmem:s26+$0xFFFFFFC0];
	vm3 =	vgt.f32 v8, v1;
	vm1 =	vmor vm1, vm2;
	vm2 =	vgt.f32 v3, v1  }
0x4f: {  	v3 =	vld [tilespmem:s26+$0xFFFFFFD0];
	vm0 =	vmor vm0, vm3;
	vm1 =	vmor vm1, vm2;
	vm2 =	vgt.f32 v4, v1  }
0x50: {  	vm3 =	vgt.f32 v60, v1;
	v4 =	vld [tilespmem:s26+$0xFFFFFFE0];
	vm1 =	vmor vm1, vm2;
	vm2 =	vgt.f32 v5, v1  }
0x51: {  	vm0 =	vmor vm0, vm3;
	v5 =	vld [tilespmem:s26+$0xFFFFFFF0];
	vm1 =	vmor vm1, vm2;
	vm2 =	vgt.f32 v6, v1  }
0x52: {  	v8 =	vsel vm0, $0x3F800000, v0;
	v6 =	vld [tilespmem:s26+$0x0];
	vm0 =	vmor vm1, vm2;
	vm1 =	vgt.f32 v2, v1  }
0x53: {  	(xrf0) =	vmax.scan.msk.f32 $0xffff, v8;
	v2 =	vld [tilespmem:s26+$0x10];
	vm0 =	vmor vm0, vm1  }
0x54: {  	vm2 =	vgt.f32 v7, v1;
	vm1 =	vgt.f32 v3, v1;
	v3 =	vld [tilespmem:s26+$0x20];
	v7 =	vsel vm0, $0x3F800000, v0  }
0x55: {  	s1 =	simm.s32 $0x240;
	v8 =	vld [tilespmem:s26+$0x30];
	vm0 =	vmor vm2, vm1;
	vm1 =	vgt.f32 v4, v1;
	(xrf0) =	vmax.scan.msk.f32 $0xffff, v7  }
0x56: {  	v7 =	vld [tilespmem:s1+$0xFFFFFFC0];
	vm0 =	vmor vm0, vm1;
	vm1 =	vgt.f32 v5, v1  }
0x57: {  	vm0 =	vmor vm0, vm1;
	vm1 =	vgt.f32 v6, v1  }
0x58: {  	vm0 =	vmor vm0, vm1;
	vm1 =	vgt.f32 v2, v1  }
0x59: {  	vm0 =	vmor vm0, vm1;
	vm1 =	vgt.f32 v3, v1;
	v3, _, _ =	vpop (xrf0)  }
0x5a: {  	vm0 =	vmor vm0, vm1;
	vm1 =	vgt.f32 v8, v1;
	(v2sf) =	vpush v3, $0xF  }
0x5b: {  	v5 =	vld [tilespmem:s1+$0xFFFFFFD0];
	vm0 =	vmor vm0, vm1;
	vm1 =	vgt.f32 v7, v1;
	v7, _, _ =	vpop (xrf0)  }
0x5c: {  	v6 =	vld [tilespmem:s1+$0xFFFFFFE0];
	s30 =	spop (v2sf);
	(v2sf) =	vpush v7, $0xF  }
0x5d: {  	v4 =	vld [tilespmem:s1+$0xFFFFFFF0]  }
0x5e: {  	v2 =	vld [tilespmem:s1+$0x0]  }
0x5f: {  	s24 =	simm.s32 $0x0;
	s29 =	simm.s32 $0x1;
	s28 =	simm.s32 $0x2;
	v3 =	vld [tilespmem:s1+$0x10]  }
0x60: {  	s31 =	simm.s32 $0x5;
	s0 =	simm.s32 $0x2C0;
	vm2 =	vgt.f32 v5, v1;
	v5 =	vld [tilespmem:s1+$0x20];
	v8 =	vsel vm0, $0x3F800000, v0;
	p0 =	sgt.f32 s30, $0.0e+00  }
0x61: {  	s25 =	simm.s32 $0x3;
	s26 =	simm.s32 $0x4;
	vm0 =	vmor vm1, vm2;
	vm1 =	vgt.f32 v6, v1;
	v6 =	vld [tilespmem:s1+$0x30];
	(xrf0) =	vmax.scan.msk.f32 $0xffff, v8;
	s30 =	simm.s32 $0x0  }
.LBB2_4:
0x62: {  	[smem:s30] =	sst @p0 s24  }
0x63: {  	s1 =	simm.s32 $0x1;
	s24 =	smov.u32 s29;
	s29 =	smov.u32 s28  }
0x64: {  	v7 =	vld [tilespmem:s0+$0xFFFFFFC0];
	vm0 =	vmor vm0, vm1;
	vm1 =	vgt.f32 v4, v1;
	s28 =	smov.u32 s25;
	s25 =	smov.u32 s26;
	s1 =	simm.s32 @!p0 $0x0  }
0x65: {  	s26 =	smov.u32 s31;
	s31 =	sadd.s32 $0x1, s31;
	vm0 =	vmor vm0, vm1;
	vm1 =	vgt.f32 v2, v1;
	v8 =	vld [tilespmem:s0+$0xFFFFFFD0];
	s30 =	sadd.s32 s1, s30  }
0x66: {  	p1 =	seq.s32 s31, $0x100;
	vm0 =	vmor vm0, vm1;
	vm1 =	vgt.f32 v3, v1;
	v9 =	vld [tilespmem:s0+$0xFFFFFFE0]  }
.Ltmp1:
0x67: {  	vm0 =	vmor vm0, vm1;
	vm1 =	vgt.f32 v5, v1;
	v4 =	vld [tilespmem:s0+$0xFFFFFFF0];
	(pc) =	sbr.rel @!p1 .LBB2_4-.Ltmp1, $4  }
0x68: {  	vm0 =	vmor vm0, vm1;
	vm1 =	vgt.f32 v6, v1;
	v2 =	vld [tilespmem:s0+$0x0]  }
0x69: {  	vm2 =	vgt.f32 v7, v1;
	vm0 =	vmor vm0, vm1;
	v3 =	vld [tilespmem:s0+$0x10];
	v6, _, _ =	vpop (xrf0);
	s1 =	spop (v2sf)  }
0x6a: {  	v7 =	vsel vm0, $0x3F800000, v0;
	vm1 =	vgt.f32 v8, v1;
	v5 =	vld [tilespmem:s0+$0x20];
	(v2sf) =	vpush v6, $0xF;
	p0 =	sgt.f32 s1, $0.0e+00  }
0x6b: {  	vm0 =	vmor vm2, vm1;
	vm1 =	vgt.f32 v9, v1;
	v6 =	vld [tilespmem:s0+$0x30];
	s0 =	sadd.s32 $0x80, s0;
	(xrf0) =	vmax.scan.msk.f32 $0xffff, v7  }
0x6c: {  	vm0 =	vmor vm0, vm1;
	vm11 =	vgt.f32 v4, v1  }
0x6d: {  	vm0 =	vmor vm0, vm11;
	vm12 =	vgt.f32 v2, v1  }
0x6e: {  	vm0 =	vmor vm0, vm12;
	vm13 =	vgt.f32 v3, v1  }
0x6f: {  	vm0 =	vmor vm0, vm13;
	vm14 =	vgt.f32 v5, v1  }
0x70: {  	vm0 =	vmor vm0, vm14;
	vm15 =	vgt.f32 v6, v1  }
0x71: {  	vm0 =	vmor vm0, vm15  }
0x72: {  	v2 =	vsel vm0, $0x3F800000, v0  }
0x73: {  	(xrf0) =	vmax.scan.msk.f32 $0xffff, v2;
	_ =	sdelay $0x4  }
0x74: {  	v2, _, _ =	vpop (xrf0)  }
0x75: {  	(v2sf) =	vpush v2, $0xF;
	v2, _, _ =	vpop (xrf0)  }
0x76: {  	(v2sf) =	vpush v2, $0xF;
	_ =	sdelay $0x8  }
0x77: {  	s0 =	spop (v2sf)  }
0x78: {  	[smem:s30] =	sst @p0 s24;
	p1 =	sgt.f32 s0, $0.0e+00;
	s0 =	simm.s32 $0x1  }
0x79: {  	s24 =	simm.s32 $0x1;
	s0 =	simm.s32 @!p0 $0x0;
	s1 =	spop (v2sf)  }
0x7a: {  	s0 =	sadd.s32 s0, s30;
	s24 =	simm.s32 @!p1 $0x0;
	p0 =	sgt.f32 s1, $0.0e+00  }
0x7b: {  	[smem:s0] =	sst @p1 s29;
	s0 =	sadd.s32 s24, s0  }
0x7c: {  	[smem:s0] =	sst @p0 s28;
	s30 =	spop (v2sf)  }
0x7d: {  	s24 =	simm.s32 $0x1;
	p1 =	sgt.f32 s30, $0.0e+00;
	s31 =	spop (v2sf)  }
0x7e: {  	s24 =	simm.s32 @!p0 $0x0;
	s28 =	simm.s32 $0x1;
	p0 =	sgt.f32 s31, $0.0e+00  }
0x7f: {  	s1 =	sadd.s32 s24, s0;
	s0 =	simm.s32 $0x1;
	s28 =	simm.s32 @!p1 $0x0  }
0x80: {  	[smem:s1] =	sst @p1 s25;
	s25 =	sadd.s32 s28, s1;
	s0 =	simm.s32 @!p0 $0x0  }
0x81: {  	s24 =	sadd.s32 s0, s25  }
0x82: {  	[smem:s25] =	sst @p0 s26;
	p0 =	slt.s32 s24, $0x1  }
.Ltmp2:
0x83: {  	_ = 	snop;
	(pc) =	sbr.rel @p0 .LBB2_6-.Ltmp2, $1  }
0x84: {  	_ =	sdelay $0x3  }
0x85: {  	s1 =	sld [smem:$0x0];
	_ =	sdelay $0x2  }
0x86: {  	s1 =	sshll.u32 s1, $0x9  }
0x87: {  	s1 =	sshra.s32 s1, $0x2  }
0x88: {  	v7 =	vld [tilespmem:s1+$0x70]  }
0x89: {  	v12 =	vld [tilespmem:s1+$0x60]  }
0x8a: {  	v2 =	vimm.f32 $0.0e+00;
	v3 =	vld [tilespmem:s1+$0x50]  }
0x8b: {  	s0 =	sadd.s32 s0, s25;
	v4 =	vimm.f32 $0.0e+00;
	v6 =	vimm.f32 $0.0e+00;
	v5 =	vimm.f32 $0.0e+00;
	v9 =	vld [tilespmem:s1+$0x40]  }
0x8c: {  	v20 =	vimm.f32 $0.0e+00;
	v15 =	vimm.f32 $0.0e+00;
	v10 =	vimm.f32 $0.0e+00;
	p1 =	sne.s32 s0, $0x1  }
.Ltmp3:
0x8d: {  	v19 =	vimm.f32 $0.0e+00;
	v11 =	vimm.f32 $0.0e+00;
	v16 =	vimm.f32 $0.0e+00;
	(pc) =	sbr.rel @!p1 .LBB2_9-.Ltmp3, $4  }
0x8e: {  	v13 =	vimm.f32 $0.0e+00;
	v17 =	vimm.f32 $0.0e+00;
	v8 =	vimm.f32 $0.0e+00;
	v14 =	vld [tilespmem:s1+$0x20]  }
0x8f: {  	v22 =	vimm.f32 $0.0e+00;
	v18 =	vimm.f32 $0.0e+00;
	v26 =	vld [tilespmem:s1+$0x0];
	vm3 =	vgt.f32 v3, v1  }
0x90: {  	v25 =	vld [tilespmem:s1+$0x10];
	vm2 =	vgt.f32 v12, v1;
	vm1 =	vgt.f32 v7, v1;
	vm0 =	vgt.f32 v9, v1  }
0x91: {  	s26 =	simm.s32 $0x1;
	s25 =	sadd.s32 $0xFFFFFFFF, s0;
	v21 =	vld [tilespmem:s1+$0x30];
	v24 =	vnsel vm3, $0x0, v3;
	v23 =	vsel vm2, $0x3F800000, v0;
	v3 =	vimm.f32 $0.0e+00  }
.LBB2_8:
0x92: {  	s0 =	sld [smem:s26+$0x0];
	p1 =	sne.s32 s25, $0x1;
	s25 =	sadd.s32 $0xFFFFFFFF, s25;
	v2 =	vadd.f32 v24, v2;
	v12 =	vnsel vm2, $0x0, v12;
	v4 =	vadd.f32 v23, v4  }
0x93: {  	v23 =	vsel vm3, $0x3F800000, v0;
	v24 =	vnsel vm1, $0x0, v7;
	v7 =	vsel vm1, $0x3F800000, v0  }
0x94: {  	v6 =	vadd.f32 v23, v6;
	v5 =	vadd.f32 v12, v5;
	vm1 =	vgt.f32 v26, v1  }
0x95: {  	v3 =	vadd.f32 v7, v3;
	s0 =	sshll.u32 s0, $0x9;
	v12 =	vnsel vm1, $0x0, v26;
	vm2 =	vgt.f32 v25, v1  }
0x96: {  	v23 =	vsel vm0, $0x3F800000, v0;
	s0 =	sshra.s32 s0, $0x2;
	v20 =	vadd.f32 v12, v20;
	v12 =	vnsel vm2, $0x0, v25  }
0x97: {  	v10 =	vadd.f32 v23, v10;
	v25 =	vsel vm1, $0x3F800000, v0;
	v7 =	vld [tilespmem:s0+$0x70];
	v15 =	vadd.f32 v12, v15  }
0x98: {  	vm3 =	vgt.f32 v21, v1;
	v23 =	vnsel vm0, $0x0, v9;
	vm1 =	vgt.f32 v14, v1;
	v12 =	vld [tilespmem:s0+$0x60]  }
0x99: {  	v21 =	vnsel vm3, $0x0, v21;
	v28 =	vsel vm2, $0x3F800000, v0;
	v26 =	vsel vm1, $0x3F800000, v0;
	v27 =	vld [tilespmem:s0+$0x50]  }
0x9a: {  	v11 =	vadd.f32 v23, v11;
	v19 =	vadd.f32 v25, v19;
	v25 =	vnsel vm1, $0x0, v14;
	v9 =	vld [tilespmem:s0+$0x40]  }
.Ltmp4:
0x9b: {  	v13 =	vadd.f32 v21, v13;
	v23 =	vsel vm3, $0x3F800000, v0;
	v16 =	vadd.f32 v25, v16;
	v14 =	vld [tilespmem:s0+$0x20];
	(pc) =	sbr.rel @p1 .LBB2_8-.Ltmp4, $4  }
0x9c: {  	v8 =	vadd.f32 v24, v8;
	v17 =	vadd.f32 v26, v17;
	v21 =	vld [tilespmem:s0+$0x30]  }
0x9d: {  	v18 =	vadd.f32 v23, v18;
	v22 =	vadd.f32 v28, v22;
	v26 =	vld [tilespmem:s0+$0x0]  }
0x9e: {  	vm1 =	vgt.f32 v7, v1;
	vm2 =	vgt.f32 v12, v1;
	v25 =	vld [tilespmem:s0+$0x10];
	vm3 =	vgt.f32 v27, v1  }
0x9f: {  	s26 =	sadd.s32 $0x1, s26;
	v23 =	vsel vm2, $0x3F800000, v0;
	vm0 =	vgt.f32 v9, v1;
	v24 =	vnsel vm3, $0x0, v27  }
.LBB2_9:
0xa0: {  	_ =	sdelay $0x1  }
0xa1: {  	vm14 =	vgt.f32 v14, v1;
	vm4 =	vgt.f32 v26, v1  }
0xa2: {  	v14 =	vnsel vm14, $0x0, v14;
	v55 =	vsel vm14, $0x3F800000, v0;
	v26 =	vnsel vm4, $0x0, v26  }
0xa3: {  	v27 =	vsel vm4, $0x3F800000, v0;
	vm13 =	vgt.f32 v25, v1;
	v20 =	vadd.f32 v26, v20  }
0xa4: {  	v25 =	vnsel vm13, $0x0, v25;
	v54 =	vsel vm13, $0x3F800000, v0;
	v19 =	vadd.f32 v27, v19  }
0xa5: {  	vm15 =	vgt.f32 v21, v1;
	v15 =	vadd.f32 v25, v15;
	v22 =	vadd.f32 v54, v22  }
0xa6: {  	v14 =	vadd.f32 v14, v16;
	v56 =	vadd.f32 v55, v17;
	v21 =	vnsel vm15, $0x0, v21  }
0xa7: {  	v57 =	vsel vm15, $0x3F800000, v0;
	v15 =	vadd.f32 v15, v20;
	v19 =	vadd.f32 v22, v19  }
0xa8: {  	v58 =	vsel vm0, $0x3F800000, v0;
	v13 =	vadd.f32 v21, v13;
	v17 =	vadd.f32 v57, v18  }
0xa9: {  	v9 =	vnsel vm0, $0x0, v9;
	v14 =	vadd.f32 v14, v15;
	v59 =	vadd.f32 v56, v19  }
0xaa: {  	v10 =	vadd.f32 v58, v10;
	v9 =	vadd.f32 v9, v11  }
0xab: {  	v60 =	vsel vm3, $0x3F800000, v0;
	v13 =	vadd.f32 v13, v14;
	v61 =	vadd.f32 v17, v59  }
0xac: {  	v2 =	vadd.f32 v24, v2;
	v6 =	vadd.f32 v60, v6  }
0xad: {  	v62 =	vnsel vm2, $0x0, v12;
	v9 =	vadd.f32 v9, v13;
	v10 =	vadd.f32 v10, v61  }
0xae: {  	v4 =	vadd.f32 v23, v4;
	v7 =	vnsel vm1, $0x0, v7;
	v5 =	vadd.f32 v62, v5  }
.Ltmp5:
0xaf: {  	v63 =	vsel vm1, $0x3F800000, v0;
	v2 =	vadd.f32 v2, v9;
	v6 =	vadd.f32 v6, v10;
	(pc) =	sbr.rel .LBB2_10-.Ltmp5, $3  }
0xb0: {  	v3 =	vadd.f32 v63, v3;
	v7 =	vadd.f32 v7, v8  }
0xb1: {  	v2 =	vadd.f32 v5, v2;
	v4 =	vadd.f32 v4, v6;
	_ =	sdelay $0x1  }
0xb2: {  	v2 =	vadd.f32 v7, v2;
	v3 =	vadd.f32 v3, v4  }
.LBB2_6:
0xb3: {  	v2 =	vimm.f32 $0.0e+00;
	v3 =	vimm.f32 $0.0e+00  }
.LBB2_10:
0xb4: {  	_ = 	snop  }
0xb5: {  	(xrf2) =	vadd.scan.msk.f32 $0xffff, v2  }
0xb6: {  	(xrf2) =	vadd.scan.msk.f32 $0xffff, v3;
	_ =	sdelay $0x8  }
0xb7: {  	v2, _, _ =	vpop (xrf2)  }
0xb8: {  	v3, _, _ =	vpop (xrf2)  }
0xb9: {  	v3 =	vbroadcast v3, $0xF;
	_ =	sdelay $0x1  }
0xba: {  	(erf) = vrcp.f32 v3;
	_ =	sdelay $0x5  }
0xbb: {  	v2 =	vadd.f32 $-1.000000000e+00, v2;
	_ =	sdelay $0x1  }
0xbc: {  	v2 =	vbroadcast v2, $0xF  }
0xbd: {  	v3 =	vpop (erf)  }
0xbe: {  	v2 =	vmul.f32 v3, v2;
	_ =	sdelay $0x1  }
0xbf: {  	vm0 =	vlt.f32 v2, v1;
	vm1 =	vgt.f32 v2, v1  }
0xc0: {  	vm0 =	vmor vm1, vm0  }
0xc1: {  	v1 =	vsel vm0, $0x3F800000, v0  }
0xc2: {  	(xrf0) =	vmax.scan.msk.f32 $0xffff, v1;
	_ =	sdelay $0x5  }
0xc3: {  	v1, _, _ =	vpop (xrf0)  }
0xc4: {  	(v2sf) =	vpush v1, $0xF;
	_ =	sdelay $0xe  }
0xc5: {  	s0 =	spop (v2sf)  }
0xc6: {  	p1 =	sgt.f32 s0, $0.0e+00  }
.Ltmp6:
0xc7: {  	_ = 	snop;
	(pc) =	sbr.rel @!p1 .LBB2_19-.Ltmp6, $1  }
0xc8: {  	_ =	sdelay $0x3  }
.Ltmp7:
0xc9: {  	(pc) =	sbr.rel .LBB2_12-.Ltmp7, $2  }
0xca: {  	_ =	sdelay $0x2  }
0xcb: {  	s25 =	simm.s32 $0x0;
	s26 =	simm.s32 $0x0  }
.LBB2_13:
0xcc: {  	v3 =	vimm.f32 $0.0e+00  }
.LBB2_17:
0xcd: {  	(xrf2) =	vadd.scan.msk.f32 $0xffff, v1  }
0xce: {  	(xrf2) =	vadd.scan.msk.f32 $0xffff, v3;
	_ =	sdelay $0x8  }
0xcf: {  	v1, _, _ =	vpop (xrf2)  }
0xd0: {  	v3, _, _ =	vpop (xrf2)  }
0xd1: {  	v3 =	vbroadcast v3, $0xF;
	_ =	sdelay $0x1  }
0xd2: {  	(erf) = vrcp.f32 v3;
	_ =	sdelay $0x5  }
0xd3: {  	v1 =	vadd.f32 $-1.000000000e+00, v1;
	_ =	sdelay $0x1  }
0xd4: {  	v1 =	vbroadcast v1, $0xF  }
0xd5: {  	v3 =	vpop (erf)  }
0xd6: {  	v1 =	vmul.f32 v3, v1;
	_ =	sdelay $0x1  }
0xd7: {  	vm0 =	vlt.f32 v1, v2;
	vm1 =	vgt.f32 v1, v2  }
0xd8: {  	vm0 =	vmor vm1, vm0  }
0xd9: {  	v2 =	vsel vm0, $0x3F800000, v0  }
0xda: {  	(xrf0) =	vmax.scan.msk.f32 $0xffff, v2;
	_ =	sdelay $0x5  }
0xdb: {  	v2, _, _ =	vpop (xrf0)  }
0xdc: {  	(v2sf) =	vpush v2, $0xF;
	_ =	sdelay $0xe  }
0xdd: {  	p1 =	sgt.u32 s26, $0xE;
	s0 =	spop (v2sf)  }
0xde: {  	p2 =	sgt.f32 @!p1 s0, $0.0e+00;
	_ =	sdelay $0x1  }
0xdf: {  	p2 =	por p1, !p2  }
.Ltmp8:
0xe0: {  	_ = 	snop;
	(pc) =	sbr.rel @p2 .LBB2_18-.Ltmp8, $2  }
0xe1: {  	_ =	sdelay $0x2  }
0xe2: {  	s26 =	sadd.s32 $0x1, s26;
	v2 =	vmov v1  }
.LBB2_12:
.Ltmp9:
0xe3: {  	(pc) =	sbr.rel @p0 .LBB2_13-.Ltmp9, $2  }
0xe4: {  	_ =	sdelay $0x2  }
0xe5: {  	v1 =	vimm.f32 $0.0e+00  }
0xe6: {  	s0 =	sld [smem:s25+$0x0];
	_ =	sdelay $0x2  }
0xe7: {  	s0 =	sshll.u32 s0, $0x9  }
0xe8: {  	s0 =	sshra.s32 s0, $0x2  }
0xe9: {  	v7 =	vld [tilespmem:s0+$0x70]  }
0xea: {  	v12 =	vld [tilespmem:s0+$0x60]  }
0xeb: {  	v3 =	vld [tilespmem:s0+$0x50]  }
0xec: {  	v4 =	vimm.f32 $0.0e+00;
	v6 =	vimm.f32 $0.0e+00;
	v5 =	vimm.f32 $0.0e+00;
	v9 =	vld [tilespmem:s0+$0x40]  }
0xed: {  	v20 =	vimm.f32 $0.0e+00;
	v15 =	vimm.f32 $0.0e+00;
	v10 =	vimm.f32 $0.0e+00;
	p1 =	sne.s32 s24, $0x1  }
.Ltmp10:
0xee: {  	v19 =	vimm.f32 $0.0e+00;
	v11 =	vimm.f32 $0.0e+00;
	v16 =	vimm.f32 $0.0e+00;
	(pc) =	sbr.rel @!p1 .LBB2_16-.Ltmp10, $4  }
0xef: {  	v13 =	vimm.f32 $0.0e+00;
	v17 =	vimm.f32 $0.0e+00;
	v8 =	vimm.f32 $0.0e+00;
	v14 =	vld [tilespmem:s0+$0x20]  }
0xf0: {  	v22 =	vimm.f32 $0.0e+00;
	v18 =	vimm.f32 $0.0e+00;
	v26 =	vld [tilespmem:s0+$0x0];
	vm3 =	vgt.f32 v3, v2  }
0xf1: {  	v25 =	vld [tilespmem:s0+$0x10];
	vm2 =	vgt.f32 v12, v2;
	vm1 =	vgt.f32 v7, v2;
	vm0 =	vgt.f32 v9, v2  }
0xf2: {  	s28 =	sadd.s32 $0xFFFFFFFF, s24;
	s29 =	sadd.s32 $0x1, s25;
	v21 =	vld [tilespmem:s0+$0x30];
	v24 =	vnsel vm3, $0x0, v3;
	v23 =	vsel vm2, $0x3F800000, v0;
	v3 =	vimm.f32 $0.0e+00  }
.LBB2_15:
0xf3: {  	s0 =	sld [smem:s29+$0x0];
	p1 =	sne.s32 s28, $0x1;
	s28 =	sadd.s32 $0xFFFFFFFF, s28;
	v1 =	vadd.f32 v24, v1;
	v12 =	vnsel vm2, $0x0, v12;
	v4 =	vadd.f32 v23, v4  }
0xf4: {  	v23 =	vsel vm3, $0x3F800000, v0;
	v24 =	vnsel vm1, $0x0, v7;
	v7 =	vsel vm1, $0x3F800000, v0  }
0xf5: {  	v6 =	vadd.f32 v23, v6;
	v5 =	vadd.f32 v12, v5;
	vm1 =	vgt.f32 v26, v2  }
0xf6: {  	v3 =	vadd.f32 v7, v3;
	s0 =	sshll.u32 s0, $0x9;
	v12 =	vnsel vm1, $0x0, v26;
	vm2 =	vgt.f32 v25, v2  }
0xf7: {  	v23 =	vsel vm0, $0x3F800000, v0;
	s0 =	sshra.s32 s0, $0x2;
	v20 =	vadd.f32 v12, v20;
	v12 =	vnsel vm2, $0x0, v25  }
0xf8: {  	v10 =	vadd.f32 v23, v10;
	v25 =	vsel vm1, $0x3F800000, v0;
	v7 =	vld [tilespmem:s0+$0x70];
	v15 =	vadd.f32 v12, v15  }
0xf9: {  	vm3 =	vgt.f32 v21, v2;
	v23 =	vnsel vm0, $0x0, v9;
	vm1 =	vgt.f32 v14, v2;
	v12 =	vld [tilespmem:s0+$0x60]  }
0xfa: {  	v21 =	vnsel vm3, $0x0, v21;
	v28 =	vsel vm2, $0x3F800000, v0;
	v26 =	vsel vm1, $0x3F800000, v0;
	v27 =	vld [tilespmem:s0+$0x50]  }
0xfb: {  	v11 =	vadd.f32 v23, v11;
	v19 =	vadd.f32 v25, v19;
	v25 =	vnsel vm1, $0x0, v14;
	v9 =	vld [tilespmem:s0+$0x40]  }
.Ltmp11:
0xfc: {  	v13 =	vadd.f32 v21, v13;
	v23 =	vsel vm3, $0x3F800000, v0;
	v16 =	vadd.f32 v25, v16;
	v14 =	vld [tilespmem:s0+$0x20];
	(pc) =	sbr.rel @p1 .LBB2_15-.Ltmp11, $4  }
0xfd: {  	v8 =	vadd.f32 v24, v8;
	v17 =	vadd.f32 v26, v17;
	v21 =	vld [tilespmem:s0+$0x30]  }
0xfe: {  	v18 =	vadd.f32 v23, v18;
	v22 =	vadd.f32 v28, v22;
	v26 =	vld [tilespmem:s0+$0x0]  }
0xff: {  	vm1 =	vgt.f32 v7, v2;
	vm2 =	vgt.f32 v12, v2;
	v25 =	vld [tilespmem:s0+$0x10];
	vm3 =	vgt.f32 v27, v2  }
0x100: {  	s29 =	sadd.s32 $0x1, s29;
	v23 =	vsel vm2, $0x3F800000, v0;
	vm0 =	vgt.f32 v9, v2;
	v24 =	vnsel vm3, $0x0, v27  }
.LBB2_16:
0x101: {  	_ =	sdelay $0x1  }
0x102: {  	vm14 =	vgt.f32 v14, v2  }
0x103: {  	vm4 =	vgt.f32 v26, v2;
	v14 =	vnsel vm14, $0x0, v14;
	vm13 =	vgt.f32 v25, v2  }
0x104: {  	v26 =	vnsel vm4, $0x0, v26;
	v27 =	vsel vm4, $0x3F800000, v0;
	v25 =	vnsel vm13, $0x0, v25  }
0x105: {  	v20 =	vadd.f32 v26, v20;
	v54 =	vsel vm13, $0x3F800000, v0;
	v15 =	vadd.f32 v25, v15  }
0x106: {  	v55 =	vsel vm14, $0x3F800000, v0;
	v19 =	vadd.f32 v27, v19;
	v22 =	vadd.f32 v54, v22  }
0x107: {  	v14 =	vadd.f32 v14, v16;
	vm15 =	vgt.f32 v21, v2;
	v15 =	vadd.f32 v15, v20  }
0x108: {  	v56 =	vadd.f32 v55, v17;
	v21 =	vnsel vm15, $0x0, v21;
	v19 =	vadd.f32 v22, v19  }
0x109: {  	v57 =	vsel vm15, $0x3F800000, v0;
	v13 =	vadd.f32 v21, v13;
	v14 =	vadd.f32 v14, v15  }
0x10a: {  	v9 =	vnsel vm0, $0x0, v9;
	v17 =	vadd.f32 v57, v18;
	v59 =	vadd.f32 v56, v19  }
0x10b: {  	v58 =	vsel vm0, $0x3F800000, v0;
	v9 =	vadd.f32 v9, v11;
	v13 =	vadd.f32 v13, v14  }
0x10c: {  	v10 =	vadd.f32 v58, v10;
	v61 =	vadd.f32 v17, v59  }
0x10d: {  	v60 =	vsel vm3, $0x3F800000, v0;
	v1 =	vadd.f32 v24, v1;
	v9 =	vadd.f32 v9, v13  }
0x10e: {  	v62 =	vnsel vm2, $0x0, v12;
	v6 =	vadd.f32 v60, v6;
	v10 =	vadd.f32 v10, v61  }
0x10f: {  	v5 =	vadd.f32 v62, v5;
	v1 =	vadd.f32 v1, v9  }
.Ltmp12:
0x110: {  	v4 =	vadd.f32 v23, v4;
	v7 =	vnsel vm1, $0x0, v7;
	v6 =	vadd.f32 v6, v10;
	(pc) =	sbr.rel .LBB2_17-.Ltmp12, $4  }
0x111: {  	v63 =	vsel vm1, $0x3F800000, v0;
	v7 =	vadd.f32 v7, v8;
	v1 =	vadd.f32 v5, v1  }
0x112: {  	v3 =	vadd.f32 v63, v3;
	v4 =	vadd.f32 v4, v6  }
0x113: {  	v1 =	vadd.f32 v7, v1  }
0x114: {  	v3 =	vadd.f32 v3, v4  }
.LBB2_18:
0x115: {  	v2 =	vpsel p1, v1, v1  }
.LBB2_19:
0x116: {  	s24 =	simm.s32 $0x0  }
0x117: {  	v1 =	vld [tilespmem:s24+$0x70]  }
0x118: {  	v3 =	vld [tilespmem:s24+$0x0]  }
0x119: {  	v4 =	vld [tilespmem:s24+$0x10]  }
0x11a: {  	v5 =	vld [tilespmem:s24+$0x20]  }
0x11b: {  	v6 =	vld [tilespmem:s24+$0x30]  }
0x11c: {  	v7 =	vld [tilespmem:s24+$0x40];
	v8 =	vmin.f32 v1, v2;
	v1 =	vsub.f32 v1, v2  }
0x11d: {  	v9 =	vld [tilespmem:s24+$0x50];
	v10 =	vmin.f32 v3, v2;
	v3 =	vsub.f32 v3, v2;
	[tilespmem:s24+$0x10070] =	vst v8  }
0x11e: {  	v62 =	vld [tilespmem:s24+$0x60];
	[tilespmem:s24+$0x10000] =	vst v10;
	v8 =	vsub.f32 v4, v2;
	v1 =	vmax.f32 v1, $0.0e+00  }
0x11f: {  	v11 =	vsub.f32 v5, v2;
	v3 =	vmax.f32 v3, $0.0e+00;
	[tilespmem:s24+$0x8070] =	vst v1  }
0x120: {  	[tilespmem:s24+$0x8000] =	vst v3;
	v1 =	vmax.f32 v8, $0.0e+00;
	v3 =	vsub.f32 v6, v2  }
0x121: {  	v8 =	vsub.f32 v7, v2;
	[tilespmem:s24+$0x8010] =	vst v1;
	v1 =	vmax.f32 v11, $0.0e+00  }
0x122: {  	[tilespmem:s24+$0x8020] =	vst v1;
	v1 =	vmax.f32 v3, $0.0e+00;
	v3 =	vsub.f32 v9, v2  }
0x123: {  	v63 =	vsub.f32 v62, v2;
	v8 =	vmax.f32 v8, $0.0e+00;
	[tilespmem:s24+$0x8030] =	vst v1  }
0x124: {  	v1 =	vmin.f32 v4, v2;
	[tilespmem:s24+$0x8040] =	vst v8;
	v8 =	vmax.f32 v3, $0.0e+00  }
0x125: {  	v4 =	vmin.f32 v6, v2;
	v6 =	vmin.f32 v62, v2;
	[tilespmem:s24+$0x8050] =	vst v8;
	v8 =	vmax.f32 v63, $0.0e+00  }
0x126: {  	s25 =	simm.s32 $0x80;
	s26 =	simm.s32 $0x400;
	v3 =	vmin.f32 v5, v2;
	v5 =	vmin.f32 v7, v2;
	v7 =	vmin.f32 v9, v2;
	[tilespmem:s24+$0x8060] =	vst v8  }
.LBB2_20:
0x127: {  	p0 =	sne.s32 s26, $0x1FE00;
	v8 =	vld [tilespmem:s25+$0x70];
	[tilespmem:s24+$0x10010] =	vst v1  }
0x128: {  	v1 =	vld [tilespmem:s25+$0x0];
	[tilespmem:s24+$0x10020] =	vst v3  }
0x129: {  	v3 =	vld [tilespmem:s25+$0x10];
	[tilespmem:s24+$0x10030] =	vst v4  }
0x12a: {  	v4 =	vld [tilespmem:s25+$0x20];
	[tilespmem:s24+$0x10040] =	vst v5  }
0x12b: {  	v5 =	vld [tilespmem:s25+$0x30];
	[tilespmem:s24+$0x10050] =	vst v7  }
0x12c: {  	v7 =	vld [tilespmem:s25+$0x40];
	v9 =	vsub.f32 v8, v2;
	v8 =	vmin.f32 v8, v2;
	[tilespmem:s24+$0x10060] =	vst v6;
	s24 =	smov.u32 s25  }
0x12d: {  	v6 =	vsub.f32 v1, v2;
	v1 =	vmin.f32 v1, v2;
	v10 =	vld [tilespmem:s24+$0x50];
	[tilespmem:s24+$0x10070] =	vst v8  }
0x12e: {  	[tilespmem:s24+$0x10000] =	vst v1;
	v8 =	vsub.f32 v3, v2;
	v1 =	vmin.f32 v3, v2;
	v11 =	vld [tilespmem:s24+$0x60];
	v9 =	vmax.f32 v9, $0.0e+00  }
0x12f: {  	v6 =	vmax.f32 v6, $0.0e+00;
	v12 =	vsub.f32 v4, v2;
	v3 =	vmin.f32 v4, v2;
	[tilespmem:s24+$0x8070] =	vst v9  }
0x130: {  	[tilespmem:s24+$0x8000] =	vst v6;
	v6 =	vmax.f32 v8, $0.0e+00;
	v8 =	vsub.f32 v5, v2;
	v4 =	vmin.f32 v5, v2  }
0x131: {  	[tilespmem:s24+$0x8010] =	vst v6;
	v6 =	vmax.f32 v12, $0.0e+00;
	v9 =	vsub.f32 v7, v2;
	v5 =	vmin.f32 v7, v2  }
.Ltmp13:
0x132: {  	[tilespmem:s24+$0x8020] =	vst v6;
	v6 =	vmax.f32 v8, $0.0e+00;
	v8 =	vsub.f32 v10, v2;
	v7 =	vmin.f32 v10, v2;
	(pc) =	sbr.rel @p0 .LBB2_20-.Ltmp13, $4  }
0x133: {  	[tilespmem:s24+$0x8030] =	vst v6;
	v9 =	vmax.f32 v9, $0.0e+00;
	v10 =	vsub.f32 v11, v2;
	v6 =	vmin.f32 v11, v2  }
0x134: {  	[tilespmem:s24+$0x8040] =	vst v9;
	v8 =	vmax.f32 v8, $0.0e+00  }
0x135: {  	[tilespmem:s24+$0x8050] =	vst v8;
	v8 =	vmax.f32 v10, $0.0e+00  }
0x136: {  	s25 =	sshra.s32 s26, $0x2;
	s26 =	sadd.s32 $0x200, s26;
	[tilespmem:s24+$0x8060] =	vst v8  }
0x137: {  	v8 =	vld [tilespmem:s25+$0x70];
	[tilespmem:s24+$0x10010] =	vst v1  }
0x138: {  	v1 =	vld [tilespmem:s25+$0x0];
	[tilespmem:s24+$0x10020] =	vst v3  }
0x139: {  	v3 =	vld [tilespmem:s25+$0x10];
	[tilespmem:s24+$0x10030] =	vst v4  }
0x13a: {  	v4 =	vld [tilespmem:s25+$0x20];
	[tilespmem:s24+$0x10040] =	vst v5  }
0x13b: {  	v5 =	vld [tilespmem:s25+$0x30];
	[tilespmem:s24+$0x10050] =	vst v7  }
0x13c: {  	v7 =	vld [tilespmem:s25+$0x40];
	[tilespmem:s24+$0x10060] =	vst v6;
	v6 =	vmin.f32 v8, v2;
	v8 =	vsub.f32 v8, v2  }
0x13d: {  	v10 =	vmin.f32 v1, v2;
	[tilespmem:s25+$0x10070] =	vst v6  }
0x13e: {  	v1 =	vsub.f32 v1, v2;
	[tilespmem:s25+$0x10000] =	vst v10;
	v8 =	vmax.f32 v8, $0.0e+00  }
0x13f: {  	v6 =	vsub.f32 v3, v2;
	v3 =	vmin.f32 v3, v2;
	[tilespmem:s25+$0x8070] =	vst v8  }
0x140: {  	v9 =	vld [tilespmem:s25+$0x50];
	v1 =	vmax.f32 v1, $0.0e+00;
	[tilespmem:s25+$0x10010] =	vst v3  }
0x141: {  	v10 =	vld [tilespmem:s25+$0x60];
	v11 =	vsub.f32 v4, v2;
	[tilespmem:s25+$0x8000] =	vst v1;
	v1 =	vmax.f32 v6, $0.0e+00  }
0x142: {  	v6 =	vsub.f32 v5, v2;
	v3 =	vmin.f32 v5, v2;
	[tilespmem:s25+$0x8010] =	vst v1  }
0x143: {  	v1 =	vmax.f32 v11, $0.0e+00;
	[tilespmem:s25+$0x10030] =	vst v3  }
0x144: {  	v8 =	vsub.f32 v7, v2;
	[tilespmem:s25+$0x8020] =	vst v1;
	v1 =	vmax.f32 v6, $0.0e+00  }
0x145: {  	v6 =	vsub.f32 v9, v2;
	v3 =	vmin.f32 v9, v2;
	[tilespmem:s25+$0x8030] =	vst v1  }
0x146: {  	v1 =	vmax.f32 v8, $0.0e+00;
	v8 =	vsub.f32 v10, v2;
	[tilespmem:s25+$0x10050] =	vst v3  }
0x147: {  	[tilespmem:s25+$0x8040] =	vst v1;
	v1 =	vmax.f32 v6, $0.0e+00  }
0x148: {  	[tilespmem:s25+$0x8050] =	vst v1;
	v1 =	vmax.f32 v8, $0.0e+00  }
0x149: {  	[tilespmem:s25+$0x8060] =	vst v1;
	v1 =	vmin.f32 v4, v2  }
0x14a: {  	[tilespmem:s25+$0x10020] =	vst v1;
	v1 =	vmin.f32 v7, v2  }
0x14b: {  	[tilespmem:s25+$0x10040] =	vst v1;
	v1 =	vmin.f32 v10, v2  }
0x14c: {  	[tilespmem:s25+$0x10060] =	vst v1  }
0x14d: {  	[hbm4b:s4+s16] =	stream.strided.scatter [tilespmem:s20], [sflag:$0x1], $0x8000, s17, s16, $0x38;
	[tilespmem:$0x18000] =	vst v63  }
0x14e: {  	_ = 	snop  }
0x14f: {  	[hbm4b:s5+s16] =	stream.strided.scatter [tilespmem:s21], [sflag:$0x2], $0x8000, s17, s16, $0x38;
	[tilespmem:$0x18000] =	vst v63  }
0x150: {  	s0 =	simm.s32 $0x0  }
0x151: {  	[tilespmem:s0], [sflag:$0x3] =	stream.strided.gather [hbm4b:s6+s16], $0x8000, s17, s16, $0x38;
	[tilespmem:$0x18000] =	vst v63  }
0x152: {  	_ =	swait.ge [sflag:s18], $0x8000  }
0x153: {  	[sflag:s18] =	ssyncset.done $0x0  }
0x154: {  	s1 =	simm.s32 $0x0;
	[sflag:s18] =	ssyncadd.s32 $0xFFFF8000  }
0x155: {  	v1 =	vld [tilespmem:s1+$0x70]  }
0x156: {  	v2 =	vld [tilespmem:s1+$0x0]  }
0x157: {  	v4 =	vld [tilespmem:s1+$0x10]  }
0x158: {  	v13 =	vld [tilespmem:s1+$0x20]  }
0x159: {  	v11 =	vld [tilespmem:s1+$0x30]  }
0x15a: {  	v3 =	vimm.f32 $-Inf;
	v6 =	vimm.f32 $-Inf;
	v5 =	vld [tilespmem:s1+$0x40]  }
0x15b: {  	v7 =	vimm.f32 $-Inf;
	v8 =	vld [tilespmem:s1+$0x50];
	v1 =	vmax.f32 v3, v1;
	v9 =	vmax.f32 v3, v2  }
0x15c: {  	s24 =	simm.s32 $0x400;
	s0 =	simm.s32 $0x80;
	v12 =	vld [tilespmem:s1+$0x60];
	v10 =	vmax.f32 v3, v4;
	v4 =	vimm.f32 $-Inf;
	v2 =	vimm.f32 $-Inf  }
.LBB2_22:
0x15d: {  	p0 =	sne.s32 s24, $0x1FE00;
	v14 =	vld [tilespmem:s0+$0x70];
	v3 =	vmax.f32 v3, v13  }
0x15e: {  	v15 =	vld [tilespmem:s0+$0x0];
	v6 =	vmax.f32 v6, v11  }
0x15f: {  	v16 =	vld [tilespmem:s0+$0x10];
	v7 =	vmax.f32 v7, v5  }
.Ltmp14:
0x160: {  	v13 =	vld [tilespmem:s0+$0x20];
	v4 =	vmax.f32 v4, v8;
	(pc) =	sbr.rel @p0 .LBB2_22-.Ltmp14, $4  }
0x161: {  	v11 =	vld [tilespmem:s0+$0x30];
	v2 =	vmax.f32 v2, v12  }
0x162: {  	v5 =	vld [tilespmem:s0+$0x40];
	v1 =	vmax.f32 v1, v14  }
0x163: {  	v9 =	vmax.f32 v9, v15;
	v8 =	vld [tilespmem:s0+$0x50]  }
0x164: {  	v10 =	vmax.f32 v10, v16;
	v12 =	vld [tilespmem:s0+$0x60];
	s0 =	sshra.s32 s24, $0x2;
	s24 =	sadd.s32 $0x200, s24  }
0x165: {  	v14 =	vld [tilespmem:s0+$0x0]  }
0x166: {  	v15 =	vld [tilespmem:s0+$0x10]  }
0x167: {  	v16 =	vld [tilespmem:s0+$0x20]  }
0x168: {  	v17 =	vld [tilespmem:s0+$0x30]  }
0x169: {  	v18 =	vld [tilespmem:s0+$0x40]  }
0x16a: {  	v19 =	vld [tilespmem:s0+$0x50]  }
0x16b: {  	v3 =	vmax.f32 v3, v13;
	v57 =	vld [tilespmem:s0+$0x60];
	v9 =	vmax.f32 v9, v14;
	v10 =	vmax.f32 v10, v15  }
0x16c: {  	v58 =	vld [tilespmem:s0+$0x70];
	v6 =	vmax.f32 v6, v11;
	v3 =	vmax.f32 v3, v16;
	v9 =	vmax.f32 v9, v10  }
0x16d: {  	v5 =	vmax.f32 v7, v5;
	v6 =	vmax.f32 v6, v17;
	v3 =	vmax.f32 v9, v3  }
0x16e: {  	v4 =	vmax.f32 v4, v8;
	v5 =	vmax.f32 v5, v18;
	v3 =	vmax.f32 v3, v6  }
0x16f: {  	v2 =	vmax.f32 v2, v12;
	v4 =	vmax.f32 v4, v19;
	v3 =	vmax.f32 v3, v5  }
0x170: {  	v2 =	vmax.f32 v2, v57;
	v3 =	vmax.f32 v3, v4  }
0x171: {  	v1 =	vmax.f32 v1, v58;
	v2 =	vmax.f32 v3, v2  }
0x172: {  	v1 =	vmax.f32 v2, v1  }
0x173: {  	(xrf0) =	vmax.scan.msk.f32 $0xffff, v1;
	_ =	sdelay $0x5  }
0x174: {  	v1, _, _ =	vpop (xrf0)  }
0x175: {  	(v2sf) =	vpush v1, $0xF;
	_ =	sdelay $0xe  }
0x176: {  	s25 =	spop (v2sf)  }
0x177: {  	_ =	swait.ge [sflag:s22], $0x8000  }
0x178: {  	[sflag:s22] =	ssyncset.done $0x0  }
0x179: {  	s26 =	simm.s32 $0x40;
	[sflag:s22] =	ssyncadd.s32 $0xFFFF8000  }
0x17a: {  	v2 =	vld [tilespmem:s26+$0xFFFFFFC0]  }
0x17b: {  	v3 =	vld [tilespmem:s26+$0xFFFFFFD0]  }
0x17c: {  	v4 =	vld [tilespmem:s26+$0xFFFFFFE0]  }
0x17d: {  	v5 =	vld [tilespmem:s26+$0xFFFFFFF0]  }
0x17e: {  	s0 =	sadd.f32 $-1.000000000e+00, s25;
	v6 =	vld [tilespmem:s26+$0x0]  }
0x17f: {  	v7 =	vld [tilespmem:s26+$0x10]  }
0x180: {  	s1 =	simm.s32 $0xC0;
	v1 =	vmov s0;
	v8 =	vld [tilespmem:s26+$0x20]  }
0x181: {  	v60 =	vld [tilespmem:s1+$0x30];
	vm0 =	vgt.f32 v2, v1;
	vm1 =	vgt.f32 v3, v1  }
0x182: {  	s25 =	simm.s32 $0x140;
	v2 =	vld [tilespmem:s26+$0x30];
	vm0 =	vmor vm0, vm1;
	vm1 =	vgt.f32 v4, v1  }
0x183: {  	v61 =	vld [tilespmem:s25+$0xFFFFFFC0];
	vm0 =	vmor vm0, vm1;
	vm1 =	vgt.f32 v5, v1  }
0x184: {  	v62 =	vld [tilespmem:s25+$0xFFFFFFD0];
	vm0 =	vmor vm0, vm1;
	vm1 =	vgt.f32 v6, v1  }
0x185: {  	v3 =	vld [tilespmem:s1+$0xFFFFFFC0];
	vm0 =	vmor vm0, vm1;
	vm1 =	vgt.f32 v7, v1  }
0x186: {  	v4 =	vld [tilespmem:s1+$0xFFFFFFD0];
	vm0 =	vmor vm0, vm1;
	vm1 =	vgt.f32 v8, v1  }
0x187: {  	v5 =	vld [tilespmem:s1+$0xFFFFFFE0];
	vm0 =	vmor vm0, vm1;
	vm1 =	vgt.f32 v2, v1  }
0x188: {  	v6 =	vld [tilespmem:s1+$0xFFFFFFF0];
	vm0 =	vmor vm0, vm1  }
0x189: {  	v7 =	vld [tilespmem:s1+$0x0];
	v59 =	vsel vm0, $0x3F800000, v0  }
0x18a: {  	v2 =	vld [tilespmem:s1+$0x10];
	(xrf0) =	vmax.scan.msk.f32 $0xffff, v59  }
0x18b: {  	v63 =	vld [tilespmem:s25+$0xFFFFFFE0];
	vm1 =	vgt.f32 v4, v1;
	vm0 =	vgt.f32 v3, v1  }
0x18c: {  	v8 =	vld [tilespmem:s1+$0x20];
	vm0 =	vmor vm0, vm1;
	vm1 =	vgt.f32 v5, v1  }
0x18d: {  	v3 =	vld [tilespmem:s25+$0xFFFFFFF0];
	vm2 =	vgt.f32 v6, v1;
	vm0 =	vmor vm0, vm1  }
0x18e: {  	v4 =	vld [tilespmem:s25+$0x0];
	vm1 =	vgt.f32 v7, v1;
	vm0 =	vmor vm0, vm2  }
0x18f: {  	v5 =	vld [tilespmem:s25+$0x10];
	vm2 =	vgt.f32 v2, v1;
	vm0 =	vmor vm0, vm1  }
0x190: {  	vm3 =	vgt.f32 v61, v1;
	v6 =	vld [tilespmem:s25+$0x20];
	vm1 =	vgt.f32 v62, v1;
	vm0 =	vmor vm0, vm2;
	v2, _, _ =	vpop (xrf0)  }
0x191: {  	s26 =	simm.s32 $0x1C0;
	vm1 =	vmor vm3, vm1;
	vm2 =	vgt.f32 v63, v1;
	(v2sf) =	vpush v2, $0xF;
	v2 =	vld [tilespmem:s25+$0x30]  }
0x192: {  	v7 =	vld [tilespmem:s26+$0xFFFFFFC0];
	vm3 =	vgt.f32 v8, v1;
	vm1 =	vmor vm1, vm2;
	vm2 =	vgt.f32 v3, v1  }
0x193: {  	v3 =	vld [tilespmem:s26+$0xFFFFFFD0];
	vm0 =	vmor vm0, vm3;
	vm1 =	vmor vm1, vm2;
	vm2 =	vgt.f32 v4, v1  }
0x194: {  	vm3 =	vgt.f32 v60, v1;
	v4 =	vld [tilespmem:s26+$0xFFFFFFE0];
	vm1 =	vmor vm1, vm2;
	vm2 =	vgt.f32 v5, v1  }
0x195: {  	vm0 =	vmor vm0, vm3;
	v5 =	vld [tilespmem:s26+$0xFFFFFFF0];
	vm1 =	vmor vm1, vm2;
	vm2 =	vgt.f32 v6, v1  }
0x196: {  	v8 =	vsel vm0, $0x3F800000, v0;
	v6 =	vld [tilespmem:s26+$0x0];
	vm0 =	vmor vm1, vm2;
	vm1 =	vgt.f32 v2, v1  }
0x197: {  	(xrf0) =	vmax.scan.msk.f32 $0xffff, v8;
	v2 =	vld [tilespmem:s26+$0x10];
	vm0 =	vmor vm0, vm1  }
0x198: {  	vm2 =	vgt.f32 v7, v1;
	vm1 =	vgt.f32 v3, v1;
	v3 =	vld [tilespmem:s26+$0x20];
	v7 =	vsel vm0, $0x3F800000, v0  }
0x199: {  	s0 =	simm.s32 $0x240;
	v8 =	vld [tilespmem:s26+$0x30];
	vm0 =	vmor vm2, vm1;
	vm1 =	vgt.f32 v4, v1;
	(xrf0) =	vmax.scan.msk.f32 $0xffff, v7  }
0x19a: {  	v7 =	vld [tilespmem:s0+$0xFFFFFFC0];
	vm0 =	vmor vm0, vm1;
	vm1 =	vgt.f32 v5, v1  }
0x19b: {  	vm0 =	vmor vm0, vm1;
	vm1 =	vgt.f32 v6, v1  }
0x19c: {  	vm0 =	vmor vm0, vm1;
	vm1 =	vgt.f32 v2, v1  }
0x19d: {  	vm0 =	vmor vm0, vm1;
	vm1 =	vgt.f32 v3, v1;
	v3, _, _ =	vpop (xrf0)  }
0x19e: {  	vm0 =	vmor vm0, vm1;
	vm1 =	vgt.f32 v8, v1;
	(v2sf) =	vpush v3, $0xF  }
0x19f: {  	v5 =	vld [tilespmem:s0+$0xFFFFFFD0];
	vm0 =	vmor vm0, vm1;
	vm1 =	vgt.f32 v7, v1;
	v7, _, _ =	vpop (xrf0)  }
0x1a0: {  	v6 =	vld [tilespmem:s0+$0xFFFFFFE0];
	s1 =	spop (v2sf);
	(v2sf) =	vpush v7, $0xF  }
0x1a1: {  	v4 =	vld [tilespmem:s0+$0xFFFFFFF0]  }
0x1a2: {  	v2 =	vld [tilespmem:s0+$0x0]  }
0x1a3: {  	s24 =	simm.s32 $0x0;
	s29 =	simm.s32 $0x1;
	s28 =	simm.s32 $0x2;
	v3 =	vld [tilespmem:s0+$0x10]  }
0x1a4: {  	s31 =	simm.s32 $0x5;
	s30 =	simm.s32 $0x0;
	vm2 =	vgt.f32 v5, v1;
	v5 =	vld [tilespmem:s0+$0x20];
	v8 =	vsel vm0, $0x3F800000, v0;
	p0 =	sgt.f32 s1, $0.0e+00  }
0x1a5: {  	s25 =	simm.s32 $0x3;
	s26 =	simm.s32 $0x4;
	vm0 =	vmor vm1, vm2;
	vm1 =	vgt.f32 v6, v1;
	v6 =	vld [tilespmem:s0+$0x30];
	s0 =	simm.s32 $0x2C0;
	(xrf0) =	vmax.scan.msk.f32 $0xffff, v8  }
.LBB2_24:
0x1a6: {  	[smem:s30] =	sst @p0 s24  }
0x1a7: {  	s1 =	simm.s32 $0x1;
	s24 =	smov.u32 s29;
	s29 =	smov.u32 s28  }
0x1a8: {  	v7 =	vld [tilespmem:s0+$0xFFFFFFC0];
	vm0 =	vmor vm0, vm1;
	vm1 =	vgt.f32 v4, v1;
	s28 =	smov.u32 s25;
	s25 =	smov.u32 s26;
	s1 =	simm.s32 @!p0 $0x0  }
0x1a9: {  	s26 =	smov.u32 s31;
	s31 =	sadd.s32 $0x1, s31;
	vm0 =	vmor vm0, vm1;
	vm1 =	vgt.f32 v2, v1;
	v8 =	vld [tilespmem:s0+$0xFFFFFFD0];
	s30 =	sadd.s32 s1, s30  }
0x1aa: {  	p1 =	seq.s32 s31, $0x100;
	vm0 =	vmor vm0, vm1;
	vm1 =	vgt.f32 v3, v1;
	v9 =	vld [tilespmem:s0+$0xFFFFFFE0]  }
.Ltmp15:
0x1ab: {  	vm0 =	vmor vm0, vm1;
	vm1 =	vgt.f32 v5, v1;
	v4 =	vld [tilespmem:s0+$0xFFFFFFF0];
	(pc) =	sbr.rel @!p1 .LBB2_24-.Ltmp15, $4  }
0x1ac: {  	vm0 =	vmor vm0, vm1;
	vm1 =	vgt.f32 v6, v1;
	v2 =	vld [tilespmem:s0+$0x0]  }
0x1ad: {  	vm2 =	vgt.f32 v7, v1;
	vm0 =	vmor vm0, vm1;
	v3 =	vld [tilespmem:s0+$0x10];
	v6, _, _ =	vpop (xrf0);
	s1 =	spop (v2sf)  }
0x1ae: {  	v7 =	vsel vm0, $0x3F800000, v0;
	vm1 =	vgt.f32 v8, v1;
	v5 =	vld [tilespmem:s0+$0x20];
	(v2sf) =	vpush v6, $0xF;
	p0 =	sgt.f32 s1, $0.0e+00  }
0x1af: {  	vm0 =	vmor vm2, vm1;
	vm1 =	vgt.f32 v9, v1;
	v6 =	vld [tilespmem:s0+$0x30];
	s0 =	sadd.s32 $0x80, s0;
	(xrf0) =	vmax.scan.msk.f32 $0xffff, v7  }
0x1b0: {  	vm0 =	vmor vm0, vm1;
	vm11 =	vgt.f32 v4, v1  }
0x1b1: {  	vm0 =	vmor vm0, vm11;
	vm12 =	vgt.f32 v2, v1  }
0x1b2: {  	vm0 =	vmor vm0, vm12;
	vm13 =	vgt.f32 v3, v1  }
0x1b3: {  	vm0 =	vmor vm0, vm13;
	vm14 =	vgt.f32 v5, v1  }
0x1b4: {  	vm0 =	vmor vm0, vm14;
	vm15 =	vgt.f32 v6, v1  }
0x1b5: {  	vm0 =	vmor vm0, vm15  }
0x1b6: {  	v2 =	vsel vm0, $0x3F800000, v0  }
0x1b7: {  	(xrf0) =	vmax.scan.msk.f32 $0xffff, v2;
	_ =	sdelay $0x4  }
0x1b8: {  	v2, _, _ =	vpop (xrf0)  }
0x1b9: {  	(v2sf) =	vpush v2, $0xF;
	v2, _, _ =	vpop (xrf0)  }
0x1ba: {  	(v2sf) =	vpush v2, $0xF;
	_ =	sdelay $0x8  }
0x1bb: {  	s0 =	spop (v2sf)  }
0x1bc: {  	[smem:s30] =	sst @p0 s24;
	p1 =	sgt.f32 s0, $0.0e+00;
	s0 =	simm.s32 $0x1  }
0x1bd: {  	s24 =	simm.s32 $0x1;
	s0 =	simm.s32 @!p0 $0x0;
	s1 =	spop (v2sf)  }
0x1be: {  	s0 =	sadd.s32 s0, s30;
	s24 =	simm.s32 @!p1 $0x0;
	p0 =	sgt.f32 s1, $0.0e+00  }
0x1bf: {  	[smem:s0] =	sst @p1 s29;
	s0 =	sadd.s32 s24, s0  }
0x1c0: {  	[smem:s0] =	sst @p0 s28;
	s30 =	spop (v2sf)  }
0x1c1: {  	s24 =	simm.s32 $0x1;
	p1 =	sgt.f32 s30, $0.0e+00;
	s31 =	spop (v2sf)  }
0x1c2: {  	s24 =	simm.s32 @!p0 $0x0;
	s28 =	simm.s32 $0x1;
	p0 =	sgt.f32 s31, $0.0e+00  }
0x1c3: {  	s1 =	sadd.s32 s24, s0;
	s0 =	simm.s32 $0x1;
	s28 =	simm.s32 @!p1 $0x0  }
0x1c4: {  	[smem:s1] =	sst @p1 s25;
	s25 =	sadd.s32 s28, s1;
	s0 =	simm.s32 @!p0 $0x0  }
0x1c5: {  	s24 =	sadd.s32 s0, s25  }
0x1c6: {  	[smem:s25] =	sst @p0 s26;
	p0 =	slt.s32 s24, $0x1  }
.Ltmp16:
0x1c7: {  	_ = 	snop;
	(pc) =	sbr.rel @p0 .LBB2_26-.Ltmp16, $1  }
0x1c8: {  	_ =	sdelay $0x3  }
0x1c9: {  	s1 =	sld [smem:$0x0];
	_ =	sdelay $0x2  }
0x1ca: {  	s1 =	sshll.u32 s1, $0x9  }
0x1cb: {  	s1 =	sshra.s32 s1, $0x2  }
0x1cc: {  	v7 =	vld [tilespmem:s1+$0x70]  }
0x1cd: {  	v12 =	vld [tilespmem:s1+$0x60]  }
0x1ce: {  	v2 =	vimm.f32 $0.0e+00;
	v3 =	vld [tilespmem:s1+$0x50]  }
0x1cf: {  	s0 =	sadd.s32 s0, s25;
	v4 =	vimm.f32 $0.0e+00;
	v6 =	vimm.f32 $0.0e+00;
	v5 =	vimm.f32 $0.0e+00;
	v9 =	vld [tilespmem:s1+$0x40]  }
0x1d0: {  	v20 =	vimm.f32 $0.0e+00;
	v15 =	vimm.f32 $0.0e+00;
	v10 =	vimm.f32 $0.0e+00;
	p1 =	sne.s32 s0, $0x1  }
.Ltmp17:
0x1d1: {  	v19 =	vimm.f32 $0.0e+00;
	v11 =	vimm.f32 $0.0e+00;
	v16 =	vimm.f32 $0.0e+00;
	(pc) =	sbr.rel @!p1 .LBB2_29-.Ltmp17, $4  }
0x1d2: {  	v13 =	vimm.f32 $0.0e+00;
	v17 =	vimm.f32 $0.0e+00;
	v8 =	vimm.f32 $0.0e+00;
	v14 =	vld [tilespmem:s1+$0x20]  }
0x1d3: {  	v22 =	vimm.f32 $0.0e+00;
	v18 =	vimm.f32 $0.0e+00;
	v26 =	vld [tilespmem:s1+$0x0];
	vm3 =	vgt.f32 v3, v1  }
0x1d4: {  	v25 =	vld [tilespmem:s1+$0x10];
	vm2 =	vgt.f32 v12, v1;
	vm1 =	vgt.f32 v7, v1;
	vm0 =	vgt.f32 v9, v1  }
0x1d5: {  	s26 =	simm.s32 $0x1;
	s25 =	sadd.s32 $0xFFFFFFFF, s0;
	v21 =	vld [tilespmem:s1+$0x30];
	v24 =	vnsel vm3, $0x0, v3;
	v23 =	vsel vm2, $0x3F800000, v0;
	v3 =	vimm.f32 $0.0e+00  }
.LBB2_28:
0x1d6: {  	s0 =	sld [smem:s26+$0x0];
	p1 =	sne.s32 s25, $0x1;
	s25 =	sadd.s32 $0xFFFFFFFF, s25;
	v2 =	vadd.f32 v24, v2;
	v12 =	vnsel vm2, $0x0, v12;
	v4 =	vadd.f32 v23, v4  }
0x1d7: {  	v23 =	vsel vm3, $0x3F800000, v0;
	v24 =	vnsel vm1, $0x0, v7;
	v7 =	vsel vm1, $0x3F800000, v0  }
0x1d8: {  	v6 =	vadd.f32 v23, v6;
	v5 =	vadd.f32 v12, v5;
	vm1 =	vgt.f32 v26, v1  }
0x1d9: {  	v3 =	vadd.f32 v7, v3;
	s0 =	sshll.u32 s0, $0x9;
	v12 =	vnsel vm1, $0x0, v26;
	vm2 =	vgt.f32 v25, v1  }
0x1da: {  	v23 =	vsel vm0, $0x3F800000, v0;
	s0 =	sshra.s32 s0, $0x2;
	v20 =	vadd.f32 v12, v20;
	v12 =	vnsel vm2, $0x0, v25  }
0x1db: {  	v10 =	vadd.f32 v23, v10;
	v25 =	vsel vm1, $0x3F800000, v0;
	v7 =	vld [tilespmem:s0+$0x70];
	v15 =	vadd.f32 v12, v15  }
0x1dc: {  	vm3 =	vgt.f32 v21, v1;
	v23 =	vnsel vm0, $0x0, v9;
	vm1 =	vgt.f32 v14, v1;
	v12 =	vld [tilespmem:s0+$0x60]  }
0x1dd: {  	v21 =	vnsel vm3, $0x0, v21;
	v28 =	vsel vm2, $0x3F800000, v0;
	v26 =	vsel vm1, $0x3F800000, v0;
	v27 =	vld [tilespmem:s0+$0x50]  }
0x1de: {  	v11 =	vadd.f32 v23, v11;
	v19 =	vadd.f32 v25, v19;
	v25 =	vnsel vm1, $0x0, v14;
	v9 =	vld [tilespmem:s0+$0x40]  }
.Ltmp18:
0x1df: {  	v13 =	vadd.f32 v21, v13;
	v23 =	vsel vm3, $0x3F800000, v0;
	v16 =	vadd.f32 v25, v16;
	v14 =	vld [tilespmem:s0+$0x20];
	(pc) =	sbr.rel @p1 .LBB2_28-.Ltmp18, $4  }
0x1e0: {  	v8 =	vadd.f32 v24, v8;
	v17 =	vadd.f32 v26, v17;
	v21 =	vld [tilespmem:s0+$0x30]  }
0x1e1: {  	v18 =	vadd.f32 v23, v18;
	v22 =	vadd.f32 v28, v22;
	v26 =	vld [tilespmem:s0+$0x0]  }
0x1e2: {  	vm1 =	vgt.f32 v7, v1;
	vm2 =	vgt.f32 v12, v1;
	v25 =	vld [tilespmem:s0+$0x10];
	vm3 =	vgt.f32 v27, v1  }
0x1e3: {  	s26 =	sadd.s32 $0x1, s26;
	v23 =	vsel vm2, $0x3F800000, v0;
	vm0 =	vgt.f32 v9, v1;
	v24 =	vnsel vm3, $0x0, v27  }
.LBB2_29:
0x1e4: {  	_ =	sdelay $0x1  }
0x1e5: {  	vm14 =	vgt.f32 v14, v1;
	vm4 =	vgt.f32 v26, v1  }
0x1e6: {  	v14 =	vnsel vm14, $0x0, v14;
	v55 =	vsel vm14, $0x3F800000, v0;
	v26 =	vnsel vm4, $0x0, v26  }
0x1e7: {  	v27 =	vsel vm4, $0x3F800000, v0;
	vm13 =	vgt.f32 v25, v1;
	v20 =	vadd.f32 v26, v20  }
0x1e8: {  	v25 =	vnsel vm13, $0x0, v25;
	v54 =	vsel vm13, $0x3F800000, v0;
	v19 =	vadd.f32 v27, v19  }
0x1e9: {  	vm15 =	vgt.f32 v21, v1;
	v15 =	vadd.f32 v25, v15;
	v22 =	vadd.f32 v54, v22  }
0x1ea: {  	v14 =	vadd.f32 v14, v16;
	v56 =	vadd.f32 v55, v17;
	v21 =	vnsel vm15, $0x0, v21  }
0x1eb: {  	v57 =	vsel vm15, $0x3F800000, v0;
	v15 =	vadd.f32 v15, v20;
	v19 =	vadd.f32 v22, v19  }
0x1ec: {  	v58 =	vsel vm0, $0x3F800000, v0;
	v13 =	vadd.f32 v21, v13;
	v17 =	vadd.f32 v57, v18  }
0x1ed: {  	v9 =	vnsel vm0, $0x0, v9;
	v14 =	vadd.f32 v14, v15;
	v59 =	vadd.f32 v56, v19  }
0x1ee: {  	v10 =	vadd.f32 v58, v10;
	v9 =	vadd.f32 v9, v11  }
0x1ef: {  	v60 =	vsel vm3, $0x3F800000, v0;
	v13 =	vadd.f32 v13, v14;
	v61 =	vadd.f32 v17, v59  }
0x1f0: {  	v2 =	vadd.f32 v24, v2;
	v6 =	vadd.f32 v60, v6  }
0x1f1: {  	v62 =	vnsel vm2, $0x0, v12;
	v9 =	vadd.f32 v9, v13;
	v10 =	vadd.f32 v10, v61  }
0x1f2: {  	v4 =	vadd.f32 v23, v4;
	v7 =	vnsel vm1, $0x0, v7;
	v5 =	vadd.f32 v62, v5  }
.Ltmp19:
0x1f3: {  	v63 =	vsel vm1, $0x3F800000, v0;
	v2 =	vadd.f32 v2, v9;
	v6 =	vadd.f32 v6, v10;
	(pc) =	sbr.rel .LBB2_30-.Ltmp19, $3  }
0x1f4: {  	v3 =	vadd.f32 v63, v3;
	v7 =	vadd.f32 v7, v8  }
0x1f5: {  	v2 =	vadd.f32 v5, v2;
	v4 =	vadd.f32 v4, v6;
	_ =	sdelay $0x1  }
0x1f6: {  	v2 =	vadd.f32 v7, v2;
	v3 =	vadd.f32 v3, v4  }
.LBB2_26:
0x1f7: {  	v2 =	vimm.f32 $0.0e+00;
	v3 =	vimm.f32 $0.0e+00  }
.LBB2_30:
0x1f8: {  	_ = 	snop  }
0x1f9: {  	(xrf2) =	vadd.scan.msk.f32 $0xffff, v2  }
0x1fa: {  	(xrf2) =	vadd.scan.msk.f32 $0xffff, v3;
	_ =	sdelay $0x8  }
0x1fb: {  	v2, _, _ =	vpop (xrf2)  }
0x1fc: {  	v3, _, _ =	vpop (xrf2)  }
0x1fd: {  	v3 =	vbroadcast v3, $0xF;
	_ =	sdelay $0x1  }
0x1fe: {  	(erf) = vrcp.f32 v3;
	_ =	sdelay $0x5  }
0x1ff: {  	v2 =	vadd.f32 $-1.000000000e+00, v2;
	_ =	sdelay $0x1  }
0x200: {  	v2 =	vbroadcast v2, $0xF  }
0x201: {  	v3 =	vpop (erf)  }
0x202: {  	v2 =	vmul.f32 v3, v2;
	_ =	sdelay $0x1  }
0x203: {  	vm0 =	vlt.f32 v2, v1;
	vm1 =	vgt.f32 v2, v1  }
0x204: {  	vm0 =	vmor vm1, vm0  }
0x205: {  	v1 =	vsel vm0, $0x3F800000, v0  }
0x206: {  	(xrf0) =	vmax.scan.msk.f32 $0xffff, v1;
	_ =	sdelay $0x5  }
0x207: {  	v1, _, _ =	vpop (xrf0)  }
0x208: {  	(v2sf) =	vpush v1, $0xF;
	_ =	sdelay $0xe  }
0x209: {  	s0 =	spop (v2sf)  }
0x20a: {  	p1 =	sgt.f32 s0, $0.0e+00  }
.Ltmp20:
0x20b: {  	_ = 	snop;
	(pc) =	sbr.rel @!p1 .LBB2_39-.Ltmp20, $1  }
0x20c: {  	_ =	sdelay $0x3  }
.Ltmp21:
0x20d: {  	(pc) =	sbr.rel .LBB2_32-.Ltmp21, $2  }
0x20e: {  	_ =	sdelay $0x2  }
0x20f: {  	s25 =	simm.s32 $0x0;
	s26 =	simm.s32 $0x0  }
.LBB2_33:
0x210: {  	v3 =	vimm.f32 $0.0e+00  }
.LBB2_37:
0x211: {  	(xrf2) =	vadd.scan.msk.f32 $0xffff, v1  }
0x212: {  	(xrf2) =	vadd.scan.msk.f32 $0xffff, v3;
	_ =	sdelay $0x8  }
0x213: {  	v1, _, _ =	vpop (xrf2)  }
0x214: {  	v3, _, _ =	vpop (xrf2)  }
0x215: {  	v3 =	vbroadcast v3, $0xF;
	_ =	sdelay $0x1  }
0x216: {  	(erf) = vrcp.f32 v3;
	_ =	sdelay $0x5  }
0x217: {  	v1 =	vadd.f32 $-1.000000000e+00, v1;
	_ =	sdelay $0x1  }
0x218: {  	v1 =	vbroadcast v1, $0xF  }
0x219: {  	v3 =	vpop (erf)  }
0x21a: {  	v1 =	vmul.f32 v3, v1;
	_ =	sdelay $0x1  }
0x21b: {  	vm0 =	vlt.f32 v1, v2;
	vm1 =	vgt.f32 v1, v2  }
0x21c: {  	vm0 =	vmor vm1, vm0  }
0x21d: {  	v2 =	vsel vm0, $0x3F800000, v0  }
0x21e: {  	(xrf0) =	vmax.scan.msk.f32 $0xffff, v2;
	_ =	sdelay $0x5  }
0x21f: {  	v2, _, _ =	vpop (xrf0)  }
0x220: {  	(v2sf) =	vpush v2, $0xF;
	_ =	sdelay $0xe  }
0x221: {  	p1 =	sgt.u32 s26, $0xE;
	s0 =	spop (v2sf)  }
0x222: {  	p2 =	sgt.f32 @!p1 s0, $0.0e+00;
	_ =	sdelay $0x1  }
0x223: {  	p2 =	por p1, !p2  }
.Ltmp22:
0x224: {  	_ = 	snop;
	(pc) =	sbr.rel @p2 .LBB2_38-.Ltmp22, $2  }
0x225: {  	_ =	sdelay $0x2  }
0x226: {  	s26 =	sadd.s32 $0x1, s26;
	v2 =	vmov v1  }
.LBB2_32:
.Ltmp23:
0x227: {  	(pc) =	sbr.rel @p0 .LBB2_33-.Ltmp23, $2  }
0x228: {  	_ =	sdelay $0x2  }
0x229: {  	v1 =	vimm.f32 $0.0e+00  }
0x22a: {  	s0 =	sld [smem:s25+$0x0];
	_ =	sdelay $0x2  }
0x22b: {  	s0 =	sshll.u32 s0, $0x9  }
0x22c: {  	s0 =	sshra.s32 s0, $0x2  }
0x22d: {  	v7 =	vld [tilespmem:s0+$0x70]  }
0x22e: {  	v12 =	vld [tilespmem:s0+$0x60]  }
0x22f: {  	v3 =	vld [tilespmem:s0+$0x50]  }
0x230: {  	v4 =	vimm.f32 $0.0e+00;
	v6 =	vimm.f32 $0.0e+00;
	v5 =	vimm.f32 $0.0e+00;
	v9 =	vld [tilespmem:s0+$0x40]  }
0x231: {  	v20 =	vimm.f32 $0.0e+00;
	v15 =	vimm.f32 $0.0e+00;
	v10 =	vimm.f32 $0.0e+00;
	p1 =	sne.s32 s24, $0x1  }
.Ltmp24:
0x232: {  	v19 =	vimm.f32 $0.0e+00;
	v11 =	vimm.f32 $0.0e+00;
	v16 =	vimm.f32 $0.0e+00;
	(pc) =	sbr.rel @!p1 .LBB2_36-.Ltmp24, $4  }
0x233: {  	v13 =	vimm.f32 $0.0e+00;
	v17 =	vimm.f32 $0.0e+00;
	v8 =	vimm.f32 $0.0e+00;
	v14 =	vld [tilespmem:s0+$0x20]  }
0x234: {  	v22 =	vimm.f32 $0.0e+00;
	v18 =	vimm.f32 $0.0e+00;
	v26 =	vld [tilespmem:s0+$0x0];
	vm3 =	vgt.f32 v3, v2  }
0x235: {  	v25 =	vld [tilespmem:s0+$0x10];
	vm2 =	vgt.f32 v12, v2;
	vm1 =	vgt.f32 v7, v2;
	vm0 =	vgt.f32 v9, v2  }
0x236: {  	s28 =	sadd.s32 $0xFFFFFFFF, s24;
	s29 =	sadd.s32 $0x1, s25;
	v21 =	vld [tilespmem:s0+$0x30];
	v24 =	vnsel vm3, $0x0, v3;
	v23 =	vsel vm2, $0x3F800000, v0;
	v3 =	vimm.f32 $0.0e+00  }
.LBB2_35:
0x237: {  	s0 =	sld [smem:s29+$0x0];
	p1 =	sne.s32 s28, $0x1;
	s28 =	sadd.s32 $0xFFFFFFFF, s28;
	v1 =	vadd.f32 v24, v1;
	v12 =	vnsel vm2, $0x0, v12;
	v4 =	vadd.f32 v23, v4  }
0x238: {  	v23 =	vsel vm3, $0x3F800000, v0;
	v24 =	vnsel vm1, $0x0, v7;
	v7 =	vsel vm1, $0x3F800000, v0  }
0x239: {  	v6 =	vadd.f32 v23, v6;
	v5 =	vadd.f32 v12, v5;
	vm1 =	vgt.f32 v26, v2  }
0x23a: {  	v3 =	vadd.f32 v7, v3;
	s0 =	sshll.u32 s0, $0x9;
	v12 =	vnsel vm1, $0x0, v26;
	vm2 =	vgt.f32 v25, v2  }
0x23b: {  	v23 =	vsel vm0, $0x3F800000, v0;
	s0 =	sshra.s32 s0, $0x2;
	v20 =	vadd.f32 v12, v20;
	v12 =	vnsel vm2, $0x0, v25  }
0x23c: {  	v10 =	vadd.f32 v23, v10;
	v25 =	vsel vm1, $0x3F800000, v0;
	v7 =	vld [tilespmem:s0+$0x70];
	v15 =	vadd.f32 v12, v15  }
0x23d: {  	vm3 =	vgt.f32 v21, v2;
	v23 =	vnsel vm0, $0x0, v9;
	vm1 =	vgt.f32 v14, v2;
	v12 =	vld [tilespmem:s0+$0x60]  }
0x23e: {  	v21 =	vnsel vm3, $0x0, v21;
	v28 =	vsel vm2, $0x3F800000, v0;
	v26 =	vsel vm1, $0x3F800000, v0;
	v27 =	vld [tilespmem:s0+$0x50]  }
0x23f: {  	v11 =	vadd.f32 v23, v11;
	v19 =	vadd.f32 v25, v19;
	v25 =	vnsel vm1, $0x0, v14;
	v9 =	vld [tilespmem:s0+$0x40]  }
.Ltmp25:
0x240: {  	v13 =	vadd.f32 v21, v13;
	v23 =	vsel vm3, $0x3F800000, v0;
	v16 =	vadd.f32 v25, v16;
	v14 =	vld [tilespmem:s0+$0x20];
	(pc) =	sbr.rel @p1 .LBB2_35-.Ltmp25, $4  }
0x241: {  	v8 =	vadd.f32 v24, v8;
	v17 =	vadd.f32 v26, v17;
	v21 =	vld [tilespmem:s0+$0x30]  }
0x242: {  	v18 =	vadd.f32 v23, v18;
	v22 =	vadd.f32 v28, v22;
	v26 =	vld [tilespmem:s0+$0x0]  }
0x243: {  	vm1 =	vgt.f32 v7, v2;
	vm2 =	vgt.f32 v12, v2;
	v25 =	vld [tilespmem:s0+$0x10];
	vm3 =	vgt.f32 v27, v2  }
0x244: {  	s29 =	sadd.s32 $0x1, s29;
	v23 =	vsel vm2, $0x3F800000, v0;
	vm0 =	vgt.f32 v9, v2;
	v24 =	vnsel vm3, $0x0, v27  }
.LBB2_36:
0x245: {  	_ =	sdelay $0x1  }
0x246: {  	vm14 =	vgt.f32 v14, v2  }
0x247: {  	vm4 =	vgt.f32 v26, v2;
	v14 =	vnsel vm14, $0x0, v14;
	vm13 =	vgt.f32 v25, v2  }
0x248: {  	v26 =	vnsel vm4, $0x0, v26;
	v27 =	vsel vm4, $0x3F800000, v0;
	v25 =	vnsel vm13, $0x0, v25  }
0x249: {  	v20 =	vadd.f32 v26, v20;
	v54 =	vsel vm13, $0x3F800000, v0;
	v15 =	vadd.f32 v25, v15  }
0x24a: {  	v55 =	vsel vm14, $0x3F800000, v0;
	v19 =	vadd.f32 v27, v19;
	v22 =	vadd.f32 v54, v22  }
0x24b: {  	v14 =	vadd.f32 v14, v16;
	vm15 =	vgt.f32 v21, v2;
	v15 =	vadd.f32 v15, v20  }
0x24c: {  	v56 =	vadd.f32 v55, v17;
	v21 =	vnsel vm15, $0x0, v21;
	v19 =	vadd.f32 v22, v19  }
0x24d: {  	v57 =	vsel vm15, $0x3F800000, v0;
	v13 =	vadd.f32 v21, v13;
	v14 =	vadd.f32 v14, v15  }
0x24e: {  	v9 =	vnsel vm0, $0x0, v9;
	v17 =	vadd.f32 v57, v18;
	v59 =	vadd.f32 v56, v19  }
0x24f: {  	v58 =	vsel vm0, $0x3F800000, v0;
	v9 =	vadd.f32 v9, v11;
	v13 =	vadd.f32 v13, v14  }
0x250: {  	v10 =	vadd.f32 v58, v10;
	v61 =	vadd.f32 v17, v59  }
0x251: {  	v60 =	vsel vm3, $0x3F800000, v0;
	v1 =	vadd.f32 v24, v1;
	v9 =	vadd.f32 v9, v13  }
0x252: {  	v62 =	vnsel vm2, $0x0, v12;
	v6 =	vadd.f32 v60, v6;
	v10 =	vadd.f32 v10, v61  }
0x253: {  	v5 =	vadd.f32 v62, v5;
	v1 =	vadd.f32 v1, v9  }
.Ltmp26:
0x254: {  	v4 =	vadd.f32 v23, v4;
	v7 =	vnsel vm1, $0x0, v7;
	v6 =	vadd.f32 v6, v10;
	(pc) =	sbr.rel .LBB2_37-.Ltmp26, $4  }
0x255: {  	v63 =	vsel vm1, $0x3F800000, v0;
	v7 =	vadd.f32 v7, v8;
	v1 =	vadd.f32 v5, v1  }
0x256: {  	v3 =	vadd.f32 v63, v3;
	v4 =	vadd.f32 v4, v6  }
0x257: {  	v1 =	vadd.f32 v7, v1  }
0x258: {  	v3 =	vadd.f32 v3, v4  }
.LBB2_38:
0x259: {  	v2 =	vpsel p1, v1, v1  }
.LBB2_39:
0x25a: {  	_ =	swait.ge [sflag:s19], $0x8000  }
0x25b: {  	[sflag:s19] =	ssyncset.done $0x0  }
0x25c: {  	s24 =	simm.s32 $0x0;
	[sflag:s19] =	ssyncadd.s32 $0xFFFF8000  }
0x25d: {  	v1 =	vld [tilespmem:s24+$0x70]  }
0x25e: {  	v3 =	vld [tilespmem:s24+$0x0]  }
0x25f: {  	v4 =	vld [tilespmem:s24+$0x10]  }
0x260: {  	v5 =	vld [tilespmem:s24+$0x20]  }
0x261: {  	v6 =	vld [tilespmem:s24+$0x30]  }
0x262: {  	v7 =	vld [tilespmem:s24+$0x40];
	v8 =	vmin.f32 v1, v2;
	v1 =	vsub.f32 v1, v2  }
0x263: {  	v9 =	vld [tilespmem:s24+$0x50];
	v10 =	vmin.f32 v3, v2;
	v3 =	vsub.f32 v3, v2;
	[tilespmem:s24+$0x10070] =	vst v8  }
0x264: {  	v62 =	vld [tilespmem:s24+$0x60];
	[tilespmem:s24+$0x10000] =	vst v10;
	v8 =	vsub.f32 v4, v2;
	v1 =	vmax.f32 v1, $0.0e+00  }
0x265: {  	v11 =	vsub.f32 v5, v2;
	v3 =	vmax.f32 v3, $0.0e+00;
	[tilespmem:s24+$0x8070] =	vst v1  }
0x266: {  	[tilespmem:s24+$0x8000] =	vst v3;
	v1 =	vmax.f32 v8, $0.0e+00;
	v3 =	vsub.f32 v6, v2  }
0x267: {  	v8 =	vsub.f32 v7, v2;
	[tilespmem:s24+$0x8010] =	vst v1;
	v1 =	vmax.f32 v11, $0.0e+00  }
0x268: {  	[tilespmem:s24+$0x8020] =	vst v1;
	v1 =	vmax.f32 v3, $0.0e+00;
	v3 =	vsub.f32 v9, v2  }
0x269: {  	v63 =	vsub.f32 v62, v2;
	v8 =	vmax.f32 v8, $0.0e+00;
	[tilespmem:s24+$0x8030] =	vst v1  }
0x26a: {  	v1 =	vmin.f32 v4, v2;
	[tilespmem:s24+$0x8040] =	vst v8;
	v8 =	vmax.f32 v3, $0.0e+00  }
0x26b: {  	v4 =	vmin.f32 v6, v2;
	v6 =	vmin.f32 v62, v2;
	[tilespmem:s24+$0x8050] =	vst v8;
	v8 =	vmax.f32 v63, $0.0e+00  }
0x26c: {  	s25 =	simm.s32 $0x80;
	s26 =	simm.s32 $0x400;
	v3 =	vmin.f32 v5, v2;
	v5 =	vmin.f32 v7, v2;
	v7 =	vmin.f32 v9, v2;
	[tilespmem:s24+$0x8060] =	vst v8  }
.LBB2_40:
0x26d: {  	p0 =	sne.s32 s26, $0x1FE00;
	v8 =	vld [tilespmem:s25+$0x70];
	[tilespmem:s24+$0x10010] =	vst v1  }
0x26e: {  	v1 =	vld [tilespmem:s25+$0x0];
	[tilespmem:s24+$0x10020] =	vst v3  }
0x26f: {  	v3 =	vld [tilespmem:s25+$0x10];
	[tilespmem:s24+$0x10030] =	vst v4  }
0x270: {  	v4 =	vld [tilespmem:s25+$0x20];
	[tilespmem:s24+$0x10040] =	vst v5  }
0x271: {  	v5 =	vld [tilespmem:s25+$0x30];
	[tilespmem:s24+$0x10050] =	vst v7  }
0x272: {  	v7 =	vld [tilespmem:s25+$0x40];
	v9 =	vsub.f32 v8, v2;
	v8 =	vmin.f32 v8, v2;
	[tilespmem:s24+$0x10060] =	vst v6;
	s24 =	smov.u32 s25  }
0x273: {  	v6 =	vsub.f32 v1, v2;
	v1 =	vmin.f32 v1, v2;
	v10 =	vld [tilespmem:s24+$0x50];
	[tilespmem:s24+$0x10070] =	vst v8  }
0x274: {  	[tilespmem:s24+$0x10000] =	vst v1;
	v8 =	vsub.f32 v3, v2;
	v1 =	vmin.f32 v3, v2;
	v11 =	vld [tilespmem:s24+$0x60];
	v9 =	vmax.f32 v9, $0.0e+00  }
0x275: {  	v6 =	vmax.f32 v6, $0.0e+00;
	v12 =	vsub.f32 v4, v2;
	v3 =	vmin.f32 v4, v2;
	[tilespmem:s24+$0x8070] =	vst v9  }
0x276: {  	[tilespmem:s24+$0x8000] =	vst v6;
	v6 =	vmax.f32 v8, $0.0e+00;
	v8 =	vsub.f32 v5, v2;
	v4 =	vmin.f32 v5, v2  }
0x277: {  	[tilespmem:s24+$0x8010] =	vst v6;
	v6 =	vmax.f32 v12, $0.0e+00;
	v9 =	vsub.f32 v7, v2;
	v5 =	vmin.f32 v7, v2  }
.Ltmp27:
0x278: {  	[tilespmem:s24+$0x8020] =	vst v6;
	v6 =	vmax.f32 v8, $0.0e+00;
	v8 =	vsub.f32 v10, v2;
	v7 =	vmin.f32 v10, v2;
	(pc) =	sbr.rel @p0 .LBB2_40-.Ltmp27, $4  }
0x279: {  	[tilespmem:s24+$0x8030] =	vst v6;
	v9 =	vmax.f32 v9, $0.0e+00;
	v10 =	vsub.f32 v11, v2;
	v6 =	vmin.f32 v11, v2  }
0x27a: {  	[tilespmem:s24+$0x8040] =	vst v9;
	v8 =	vmax.f32 v8, $0.0e+00  }
0x27b: {  	[tilespmem:s24+$0x8050] =	vst v8;
	v8 =	vmax.f32 v10, $0.0e+00  }
0x27c: {  	s25 =	sshra.s32 s26, $0x2;
	s26 =	sadd.s32 $0x200, s26;
	[tilespmem:s24+$0x8060] =	vst v8  }
0x27d: {  	v8 =	vld [tilespmem:s25+$0x70];
	[tilespmem:s24+$0x10010] =	vst v1  }
0x27e: {  	v1 =	vld [tilespmem:s25+$0x0];
	[tilespmem:s24+$0x10020] =	vst v3  }
0x27f: {  	v3 =	vld [tilespmem:s25+$0x10];
	[tilespmem:s24+$0x10030] =	vst v4  }
0x280: {  	v4 =	vld [tilespmem:s25+$0x20];
	[tilespmem:s24+$0x10040] =	vst v5  }
0x281: {  	v5 =	vld [tilespmem:s25+$0x30];
	[tilespmem:s24+$0x10050] =	vst v7  }
0x282: {  	v7 =	vld [tilespmem:s25+$0x40];
	[tilespmem:s24+$0x10060] =	vst v6;
	v6 =	vmin.f32 v8, v2;
	v8 =	vsub.f32 v8, v2  }
0x283: {  	v10 =	vmin.f32 v1, v2;
	[tilespmem:s25+$0x10070] =	vst v6  }
0x284: {  	v1 =	vsub.f32 v1, v2;
	[tilespmem:s25+$0x10000] =	vst v10;
	v8 =	vmax.f32 v8, $0.0e+00  }
0x285: {  	v6 =	vsub.f32 v3, v2;
	v3 =	vmin.f32 v3, v2;
	[tilespmem:s25+$0x8070] =	vst v8  }
0x286: {  	v9 =	vld [tilespmem:s25+$0x50];
	v1 =	vmax.f32 v1, $0.0e+00;
	[tilespmem:s25+$0x10010] =	vst v3  }
0x287: {  	v10 =	vld [tilespmem:s25+$0x60];
	v11 =	vsub.f32 v4, v2;
	[tilespmem:s25+$0x8000] =	vst v1;
	v1 =	vmax.f32 v6, $0.0e+00  }
0x288: {  	v6 =	vsub.f32 v5, v2;
	v3 =	vmin.f32 v5, v2;
	[tilespmem:s25+$0x8010] =	vst v1  }
0x289: {  	v1 =	vmax.f32 v11, $0.0e+00;
	[tilespmem:s25+$0x10030] =	vst v3  }
0x28a: {  	v8 =	vsub.f32 v7, v2;
	[tilespmem:s25+$0x8020] =	vst v1;
	v1 =	vmax.f32 v6, $0.0e+00  }
0x28b: {  	v6 =	vsub.f32 v9, v2;
	v3 =	vmin.f32 v9, v2;
	[tilespmem:s25+$0x8030] =	vst v1  }
0x28c: {  	v1 =	vmax.f32 v8, $0.0e+00;
	v8 =	vsub.f32 v10, v2;
	[tilespmem:s25+$0x10050] =	vst v3  }
0x28d: {  	[tilespmem:s25+$0x8040] =	vst v1;
	v1 =	vmax.f32 v6, $0.0e+00  }
0x28e: {  	[tilespmem:s25+$0x8050] =	vst v1;
	v1 =	vmax.f32 v8, $0.0e+00  }
0x28f: {  	[tilespmem:s25+$0x8060] =	vst v1;
	v1 =	vmin.f32 v4, v2  }
0x290: {  	[tilespmem:s25+$0x10020] =	vst v1;
	v1 =	vmin.f32 v7, v2  }
0x291: {  	[tilespmem:s25+$0x10040] =	vst v1;
	v1 =	vmin.f32 v10, v2  }
0x292: {  	[tilespmem:s25+$0x10060] =	vst v1  }
0x293: {  	[hbm4b:s7+s16] =	stream.strided.scatter [tilespmem:s20], [sflag:$0x1], $0x8000, s17, s16, $0x38;
	[tilespmem:$0x18000] =	vst v63  }
0x294: {  	_ = 	snop  }
0x295: {  	[hbm4b:s8+s16] =	stream.strided.scatter [tilespmem:s21], [sflag:$0x2], $0x8000, s17, s16, $0x38;
	[tilespmem:$0x18000] =	vst v63  }
0x296: {  	s0 =	simm.s32 $0x0  }
0x297: {  	[tilespmem:s0], [sflag:$0x3] =	stream.strided.gather [hbm4b:s9+s16], $0x8000, s17, s16, $0x38;
	[tilespmem:$0x18000] =	vst v63  }
0x298: {  	_ =	swait.ge [sflag:s18], $0x8000  }
0x299: {  	[sflag:s18] =	ssyncset.done $0x0  }
0x29a: {  	s1 =	simm.s32 $0x0;
	[sflag:s18] =	ssyncadd.s32 $0xFFFF8000  }
0x29b: {  	v1 =	vld [tilespmem:s1+$0x70]  }
0x29c: {  	v2 =	vld [tilespmem:s1+$0x0]  }
0x29d: {  	v4 =	vld [tilespmem:s1+$0x10]  }
0x29e: {  	v13 =	vld [tilespmem:s1+$0x20]  }
0x29f: {  	v11 =	vld [tilespmem:s1+$0x30]  }
0x2a0: {  	v3 =	vimm.f32 $-Inf;
	v6 =	vimm.f32 $-Inf;
	v5 =	vld [tilespmem:s1+$0x40]  }
0x2a1: {  	v7 =	vimm.f32 $-Inf;
	v8 =	vld [tilespmem:s1+$0x50];
	v1 =	vmax.f32 v3, v1;
	v9 =	vmax.f32 v3, v2  }
0x2a2: {  	s24 =	simm.s32 $0x400;
	s0 =	simm.s32 $0x80;
	v12 =	vld [tilespmem:s1+$0x60];
	v10 =	vmax.f32 v3, v4;
	v4 =	vimm.f32 $-Inf;
	v2 =	vimm.f32 $-Inf  }
.LBB2_42:
0x2a3: {  	p0 =	sne.s32 s24, $0x1FE00;
	v14 =	vld [tilespmem:s0+$0x70];
	v3 =	vmax.f32 v3, v13  }
0x2a4: {  	v15 =	vld [tilespmem:s0+$0x0];
	v6 =	vmax.f32 v6, v11  }
0x2a5: {  	v16 =	vld [tilespmem:s0+$0x10];
	v7 =	vmax.f32 v7, v5  }
.Ltmp28:
0x2a6: {  	v13 =	vld [tilespmem:s0+$0x20];
	v4 =	vmax.f32 v4, v8;
	(pc) =	sbr.rel @p0 .LBB2_42-.Ltmp28, $4  }
0x2a7: {  	v11 =	vld [tilespmem:s0+$0x30];
	v2 =	vmax.f32 v2, v12  }
0x2a8: {  	v5 =	vld [tilespmem:s0+$0x40];
	v1 =	vmax.f32 v1, v14  }
0x2a9: {  	v9 =	vmax.f32 v9, v15;
	v8 =	vld [tilespmem:s0+$0x50]  }
0x2aa: {  	v10 =	vmax.f32 v10, v16;
	v12 =	vld [tilespmem:s0+$0x60];
	s0 =	sshra.s32 s24, $0x2;
	s24 =	sadd.s32 $0x200, s24  }
0x2ab: {  	v14 =	vld [tilespmem:s0+$0x0]  }
0x2ac: {  	v15 =	vld [tilespmem:s0+$0x10]  }
0x2ad: {  	v16 =	vld [tilespmem:s0+$0x20]  }
0x2ae: {  	v17 =	vld [tilespmem:s0+$0x30]  }
0x2af: {  	v18 =	vld [tilespmem:s0+$0x40]  }
0x2b0: {  	v19 =	vld [tilespmem:s0+$0x50]  }
0x2b1: {  	v3 =	vmax.f32 v3, v13;
	v57 =	vld [tilespmem:s0+$0x60];
	v9 =	vmax.f32 v9, v14;
	v10 =	vmax.f32 v10, v15  }
0x2b2: {  	v58 =	vld [tilespmem:s0+$0x70];
	v6 =	vmax.f32 v6, v11;
	v3 =	vmax.f32 v3, v16;
	v9 =	vmax.f32 v9, v10  }
0x2b3: {  	v5 =	vmax.f32 v7, v5;
	v6 =	vmax.f32 v6, v17;
	v3 =	vmax.f32 v9, v3  }
0x2b4: {  	v4 =	vmax.f32 v4, v8;
	v5 =	vmax.f32 v5, v18;
	v3 =	vmax.f32 v3, v6  }
0x2b5: {  	v2 =	vmax.f32 v2, v12;
	v4 =	vmax.f32 v4, v19;
	v3 =	vmax.f32 v3, v5  }
0x2b6: {  	v2 =	vmax.f32 v2, v57;
	v3 =	vmax.f32 v3, v4  }
0x2b7: {  	v1 =	vmax.f32 v1, v58;
	v2 =	vmax.f32 v3, v2  }
0x2b8: {  	v1 =	vmax.f32 v2, v1  }
0x2b9: {  	(xrf0) =	vmax.scan.msk.f32 $0xffff, v1;
	_ =	sdelay $0x5  }
0x2ba: {  	v1, _, _ =	vpop (xrf0)  }
0x2bb: {  	(v2sf) =	vpush v1, $0xF;
	_ =	sdelay $0xe  }
0x2bc: {  	s25 =	spop (v2sf)  }
0x2bd: {  	_ =	swait.ge [sflag:s22], $0x8000  }
0x2be: {  	[sflag:s22] =	ssyncset.done $0x0  }
0x2bf: {  	s26 =	simm.s32 $0x40;
	[sflag:s22] =	ssyncadd.s32 $0xFFFF8000  }
0x2c0: {  	v2 =	vld [tilespmem:s26+$0xFFFFFFC0]  }
0x2c1: {  	v3 =	vld [tilespmem:s26+$0xFFFFFFD0]  }
0x2c2: {  	v4 =	vld [tilespmem:s26+$0xFFFFFFE0]  }
0x2c3: {  	v5 =	vld [tilespmem:s26+$0xFFFFFFF0]  }
0x2c4: {  	s0 =	sadd.f32 $-1.000000000e+00, s25;
	v6 =	vld [tilespmem:s26+$0x0]  }
0x2c5: {  	v7 =	vld [tilespmem:s26+$0x10]  }
0x2c6: {  	s1 =	simm.s32 $0xC0;
	v1 =	vmov s0;
	v8 =	vld [tilespmem:s26+$0x20]  }
0x2c7: {  	v60 =	vld [tilespmem:s1+$0x30];
	vm0 =	vgt.f32 v2, v1;
	vm1 =	vgt.f32 v3, v1  }
0x2c8: {  	s25 =	simm.s32 $0x140;
	v2 =	vld [tilespmem:s26+$0x30];
	vm0 =	vmor vm0, vm1;
	vm1 =	vgt.f32 v4, v1  }
0x2c9: {  	v61 =	vld [tilespmem:s25+$0xFFFFFFC0];
	vm0 =	vmor vm0, vm1;
	vm1 =	vgt.f32 v5, v1  }
0x2ca: {  	v62 =	vld [tilespmem:s25+$0xFFFFFFD0];
	vm0 =	vmor vm0, vm1;
	vm1 =	vgt.f32 v6, v1  }
0x2cb: {  	v3 =	vld [tilespmem:s1+$0xFFFFFFC0];
	vm0 =	vmor vm0, vm1;
	vm1 =	vgt.f32 v7, v1  }
0x2cc: {  	v4 =	vld [tilespmem:s1+$0xFFFFFFD0];
	vm0 =	vmor vm0, vm1;
	vm1 =	vgt.f32 v8, v1  }
0x2cd: {  	v5 =	vld [tilespmem:s1+$0xFFFFFFE0];
	vm0 =	vmor vm0, vm1;
	vm1 =	vgt.f32 v2, v1  }
0x2ce: {  	v6 =	vld [tilespmem:s1+$0xFFFFFFF0];
	vm0 =	vmor vm0, vm1  }
0x2cf: {  	v7 =	vld [tilespmem:s1+$0x0];
	v59 =	vsel vm0, $0x3F800000, v0  }
0x2d0: {  	v2 =	vld [tilespmem:s1+$0x10];
	(xrf0) =	vmax.scan.msk.f32 $0xffff, v59  }
0x2d1: {  	v63 =	vld [tilespmem:s25+$0xFFFFFFE0];
	vm1 =	vgt.f32 v4, v1;
	vm0 =	vgt.f32 v3, v1  }
0x2d2: {  	v8 =	vld [tilespmem:s1+$0x20];
	vm0 =	vmor vm0, vm1;
	vm1 =	vgt.f32 v5, v1  }
0x2d3: {  	v3 =	vld [tilespmem:s25+$0xFFFFFFF0];
	vm2 =	vgt.f32 v6, v1;
	vm0 =	vmor vm0, vm1  }
0x2d4: {  	v4 =	vld [tilespmem:s25+$0x0];
	vm1 =	vgt.f32 v7, v1;
	vm0 =	vmor vm0, vm2  }
0x2d5: {  	v5 =	vld [tilespmem:s25+$0x10];
	vm2 =	vgt.f32 v2, v1;
	vm0 =	vmor vm0, vm1  }
0x2d6: {  	vm3 =	vgt.f32 v61, v1;
	v6 =	vld [tilespmem:s25+$0x20];
	vm1 =	vgt.f32 v62, v1;
	vm0 =	vmor vm0, vm2;
	v2, _, _ =	vpop (xrf0)  }
0x2d7: {  	s26 =	simm.s32 $0x1C0;
	vm1 =	vmor vm3, vm1;
	vm2 =	vgt.f32 v63, v1;
	(v2sf) =	vpush v2, $0xF;
	v2 =	vld [tilespmem:s25+$0x30]  }
0x2d8: {  	v7 =	vld [tilespmem:s26+$0xFFFFFFC0];
	vm3 =	vgt.f32 v8, v1;
	vm1 =	vmor vm1, vm2;
	vm2 =	vgt.f32 v3, v1  }
0x2d9: {  	v3 =	vld [tilespmem:s26+$0xFFFFFFD0];
	vm0 =	vmor vm0, vm3;
	vm1 =	vmor vm1, vm2;
	vm2 =	vgt.f32 v4, v1  }
0x2da: {  	vm3 =	vgt.f32 v60, v1;
	v4 =	vld [tilespmem:s26+$0xFFFFFFE0];
	vm1 =	vmor vm1, vm2;
	vm2 =	vgt.f32 v5, v1  }
0x2db: {  	vm0 =	vmor vm0, vm3;
	v5 =	vld [tilespmem:s26+$0xFFFFFFF0];
	vm1 =	vmor vm1, vm2;
	vm2 =	vgt.f32 v6, v1  }
0x2dc: {  	v8 =	vsel vm0, $0x3F800000, v0;
	v6 =	vld [tilespmem:s26+$0x0];
	vm0 =	vmor vm1, vm2;
	vm1 =	vgt.f32 v2, v1  }
0x2dd: {  	(xrf0) =	vmax.scan.msk.f32 $0xffff, v8;
	v2 =	vld [tilespmem:s26+$0x10];
	vm0 =	vmor vm0, vm1  }
0x2de: {  	vm2 =	vgt.f32 v7, v1;
	vm1 =	vgt.f32 v3, v1;
	v3 =	vld [tilespmem:s26+$0x20];
	v7 =	vsel vm0, $0x3F800000, v0  }
0x2df: {  	s0 =	simm.s32 $0x240;
	v8 =	vld [tilespmem:s26+$0x30];
	vm0 =	vmor vm2, vm1;
	vm1 =	vgt.f32 v4, v1;
	(xrf0) =	vmax.scan.msk.f32 $0xffff, v7  }
0x2e0: {  	v7 =	vld [tilespmem:s0+$0xFFFFFFC0];
	vm0 =	vmor vm0, vm1;
	vm1 =	vgt.f32 v5, v1  }
0x2e1: {  	vm0 =	vmor vm0, vm1;
	vm1 =	vgt.f32 v6, v1  }
0x2e2: {  	vm0 =	vmor vm0, vm1;
	vm1 =	vgt.f32 v2, v1  }
0x2e3: {  	vm0 =	vmor vm0, vm1;
	vm1 =	vgt.f32 v3, v1;
	v3, _, _ =	vpop (xrf0)  }
0x2e4: {  	vm0 =	vmor vm0, vm1;
	vm1 =	vgt.f32 v8, v1;
	(v2sf) =	vpush v3, $0xF  }
0x2e5: {  	v5 =	vld [tilespmem:s0+$0xFFFFFFD0];
	vm0 =	vmor vm0, vm1;
	vm1 =	vgt.f32 v7, v1;
	v7, _, _ =	vpop (xrf0)  }
0x2e6: {  	v6 =	vld [tilespmem:s0+$0xFFFFFFE0];
	s1 =	spop (v2sf);
	(v2sf) =	vpush v7, $0xF  }
0x2e7: {  	v4 =	vld [tilespmem:s0+$0xFFFFFFF0]  }
0x2e8: {  	v2 =	vld [tilespmem:s0+$0x0]  }
0x2e9: {  	s24 =	simm.s32 $0x0;
	s29 =	simm.s32 $0x1;
	s28 =	simm.s32 $0x2;
	v3 =	vld [tilespmem:s0+$0x10]  }
0x2ea: {  	s31 =	simm.s32 $0x5;
	s30 =	simm.s32 $0x0;
	vm2 =	vgt.f32 v5, v1;
	v5 =	vld [tilespmem:s0+$0x20];
	v8 =	vsel vm0, $0x3F800000, v0;
	p0 =	sgt.f32 s1, $0.0e+00  }
0x2eb: {  	s25 =	simm.s32 $0x3;
	s26 =	simm.s32 $0x4;
	vm0 =	vmor vm1, vm2;
	vm1 =	vgt.f32 v6, v1;
	v6 =	vld [tilespmem:s0+$0x30];
	s0 =	simm.s32 $0x2C0;
	(xrf0) =	vmax.scan.msk.f32 $0xffff, v8  }
.LBB2_44:
0x2ec: {  	[smem:s30] =	sst @p0 s24  }
0x2ed: {  	s1 =	simm.s32 $0x1;
	s24 =	smov.u32 s29;
	s29 =	smov.u32 s28  }
0x2ee: {  	v7 =	vld [tilespmem:s0+$0xFFFFFFC0];
	vm0 =	vmor vm0, vm1;
	vm1 =	vgt.f32 v4, v1;
	s28 =	smov.u32 s25;
	s25 =	smov.u32 s26;
	s1 =	simm.s32 @!p0 $0x0  }
0x2ef: {  	s26 =	smov.u32 s31;
	s31 =	sadd.s32 $0x1, s31;
	vm0 =	vmor vm0, vm1;
	vm1 =	vgt.f32 v2, v1;
	v8 =	vld [tilespmem:s0+$0xFFFFFFD0];
	s30 =	sadd.s32 s1, s30  }
0x2f0: {  	p1 =	seq.s32 s31, $0x100;
	vm0 =	vmor vm0, vm1;
	vm1 =	vgt.f32 v3, v1;
	v9 =	vld [tilespmem:s0+$0xFFFFFFE0]  }
.Ltmp29:
0x2f1: {  	vm0 =	vmor vm0, vm1;
	vm1 =	vgt.f32 v5, v1;
	v4 =	vld [tilespmem:s0+$0xFFFFFFF0];
	(pc) =	sbr.rel @!p1 .LBB2_44-.Ltmp29, $4  }
0x2f2: {  	vm0 =	vmor vm0, vm1;
	vm1 =	vgt.f32 v6, v1;
	v2 =	vld [tilespmem:s0+$0x0]  }
0x2f3: {  	vm2 =	vgt.f32 v7, v1;
	vm0 =	vmor vm0, vm1;
	v3 =	vld [tilespmem:s0+$0x10];
	v6, _, _ =	vpop (xrf0);
	s1 =	spop (v2sf)  }
0x2f4: {  	v7 =	vsel vm0, $0x3F800000, v0;
	vm1 =	vgt.f32 v8, v1;
	v5 =	vld [tilespmem:s0+$0x20];
	(v2sf) =	vpush v6, $0xF;
	p0 =	sgt.f32 s1, $0.0e+00  }
0x2f5: {  	vm0 =	vmor vm2, vm1;
	vm1 =	vgt.f32 v9, v1;
	v6 =	vld [tilespmem:s0+$0x30];
	s0 =	sadd.s32 $0x80, s0;
	(xrf0) =	vmax.scan.msk.f32 $0xffff, v7  }
0x2f6: {  	vm0 =	vmor vm0, vm1;
	vm11 =	vgt.f32 v4, v1  }
0x2f7: {  	vm0 =	vmor vm0, vm11;
	vm12 =	vgt.f32 v2, v1  }
0x2f8: {  	vm0 =	vmor vm0, vm12;
	vm13 =	vgt.f32 v3, v1  }
0x2f9: {  	vm0 =	vmor vm0, vm13;
	vm14 =	vgt.f32 v5, v1  }
0x2fa: {  	vm0 =	vmor vm0, vm14;
	vm15 =	vgt.f32 v6, v1  }
0x2fb: {  	vm0 =	vmor vm0, vm15  }
0x2fc: {  	v2 =	vsel vm0, $0x3F800000, v0  }
0x2fd: {  	(xrf0) =	vmax.scan.msk.f32 $0xffff, v2;
	_ =	sdelay $0x4  }
0x2fe: {  	v2, _, _ =	vpop (xrf0)  }
0x2ff: {  	(v2sf) =	vpush v2, $0xF;
	v2, _, _ =	vpop (xrf0)  }
0x300: {  	(v2sf) =	vpush v2, $0xF;
	_ =	sdelay $0x8  }
0x301: {  	s0 =	spop (v2sf)  }
0x302: {  	[smem:s30] =	sst @p0 s24;
	p1 =	sgt.f32 s0, $0.0e+00;
	s0 =	simm.s32 $0x1  }
0x303: {  	s24 =	simm.s32 $0x1;
	s0 =	simm.s32 @!p0 $0x0;
	s1 =	spop (v2sf)  }
0x304: {  	s0 =	sadd.s32 s0, s30;
	s24 =	simm.s32 @!p1 $0x0;
	p0 =	sgt.f32 s1, $0.0e+00  }
0x305: {  	[smem:s0] =	sst @p1 s29;
	s0 =	sadd.s32 s24, s0  }
0x306: {  	[smem:s0] =	sst @p0 s28;
	s30 =	spop (v2sf)  }
0x307: {  	s24 =	simm.s32 $0x1;
	p1 =	sgt.f32 s30, $0.0e+00;
	s31 =	spop (v2sf)  }
0x308: {  	s24 =	simm.s32 @!p0 $0x0;
	s28 =	simm.s32 $0x1;
	p0 =	sgt.f32 s31, $0.0e+00  }
0x309: {  	s1 =	sadd.s32 s24, s0;
	s0 =	simm.s32 $0x1;
	s28 =	simm.s32 @!p1 $0x0  }
0x30a: {  	[smem:s1] =	sst @p1 s25;
	s25 =	sadd.s32 s28, s1;
	s0 =	simm.s32 @!p0 $0x0  }
0x30b: {  	s24 =	sadd.s32 s0, s25  }
0x30c: {  	[smem:s25] =	sst @p0 s26;
	p0 =	slt.s32 s24, $0x1  }
.Ltmp30:
0x30d: {  	_ = 	snop;
	(pc) =	sbr.rel @p0 .LBB2_46-.Ltmp30, $1  }
0x30e: {  	_ =	sdelay $0x3  }
0x30f: {  	s1 =	sld [smem:$0x0];
	_ =	sdelay $0x2  }
0x310: {  	s1 =	sshll.u32 s1, $0x9  }
0x311: {  	s1 =	sshra.s32 s1, $0x2  }
0x312: {  	v7 =	vld [tilespmem:s1+$0x70]  }
0x313: {  	v12 =	vld [tilespmem:s1+$0x60]  }
0x314: {  	v2 =	vimm.f32 $0.0e+00;
	v3 =	vld [tilespmem:s1+$0x50]  }
0x315: {  	s0 =	sadd.s32 s0, s25;
	v4 =	vimm.f32 $0.0e+00;
	v6 =	vimm.f32 $0.0e+00;
	v5 =	vimm.f32 $0.0e+00;
	v9 =	vld [tilespmem:s1+$0x40]  }
0x316: {  	v20 =	vimm.f32 $0.0e+00;
	v15 =	vimm.f32 $0.0e+00;
	v10 =	vimm.f32 $0.0e+00;
	p1 =	sne.s32 s0, $0x1  }
.Ltmp31:
0x317: {  	v19 =	vimm.f32 $0.0e+00;
	v11 =	vimm.f32 $0.0e+00;
	v16 =	vimm.f32 $0.0e+00;
	(pc) =	sbr.rel @!p1 .LBB2_49-.Ltmp31, $4  }
0x318: {  	v13 =	vimm.f32 $0.0e+00;
	v17 =	vimm.f32 $0.0e+00;
	v8 =	vimm.f32 $0.0e+00;
	v14 =	vld [tilespmem:s1+$0x20]  }
0x319: {  	v22 =	vimm.f32 $0.0e+00;
	v18 =	vimm.f32 $0.0e+00;
	v26 =	vld [tilespmem:s1+$0x0];
	vm3 =	vgt.f32 v3, v1  }
0x31a: {  	v25 =	vld [tilespmem:s1+$0x10];
	vm2 =	vgt.f32 v12, v1;
	vm1 =	vgt.f32 v7, v1;
	vm0 =	vgt.f32 v9, v1  }
0x31b: {  	s26 =	simm.s32 $0x1;
	s25 =	sadd.s32 $0xFFFFFFFF, s0;
	v21 =	vld [tilespmem:s1+$0x30];
	v24 =	vnsel vm3, $0x0, v3;
	v23 =	vsel vm2, $0x3F800000, v0;
	v3 =	vimm.f32 $0.0e+00  }
.LBB2_48:
0x31c: {  	s0 =	sld [smem:s26+$0x0];
	p1 =	sne.s32 s25, $0x1;
	s25 =	sadd.s32 $0xFFFFFFFF, s25;
	v2 =	vadd.f32 v24, v2;
	v12 =	vnsel vm2, $0x0, v12;
	v4 =	vadd.f32 v23, v4  }
0x31d: {  	v23 =	vsel vm3, $0x3F800000, v0;
	v24 =	vnsel vm1, $0x0, v7;
	v7 =	vsel vm1, $0x3F800000, v0  }
0x31e: {  	v6 =	vadd.f32 v23, v6;
	v5 =	vadd.f32 v12, v5;
	vm1 =	vgt.f32 v26, v1  }
0x31f: {  	v3 =	vadd.f32 v7, v3;
	s0 =	sshll.u32 s0, $0x9;
	v12 =	vnsel vm1, $0x0, v26;
	vm2 =	vgt.f32 v25, v1  }
0x320: {  	v23 =	vsel vm0, $0x3F800000, v0;
	s0 =	sshra.s32 s0, $0x2;
	v20 =	vadd.f32 v12, v20;
	v12 =	vnsel vm2, $0x0, v25  }
0x321: {  	v10 =	vadd.f32 v23, v10;
	v25 =	vsel vm1, $0x3F800000, v0;
	v7 =	vld [tilespmem:s0+$0x70];
	v15 =	vadd.f32 v12, v15  }
0x322: {  	vm3 =	vgt.f32 v21, v1;
	v23 =	vnsel vm0, $0x0, v9;
	vm1 =	vgt.f32 v14, v1;
	v12 =	vld [tilespmem:s0+$0x60]  }
0x323: {  	v21 =	vnsel vm3, $0x0, v21;
	v28 =	vsel vm2, $0x3F800000, v0;
	v26 =	vsel vm1, $0x3F800000, v0;
	v27 =	vld [tilespmem:s0+$0x50]  }
0x324: {  	v11 =	vadd.f32 v23, v11;
	v19 =	vadd.f32 v25, v19;
	v25 =	vnsel vm1, $0x0, v14;
	v9 =	vld [tilespmem:s0+$0x40]  }
.Ltmp32:
0x325: {  	v13 =	vadd.f32 v21, v13;
	v23 =	vsel vm3, $0x3F800000, v0;
	v16 =	vadd.f32 v25, v16;
	v14 =	vld [tilespmem:s0+$0x20];
	(pc) =	sbr.rel @p1 .LBB2_48-.Ltmp32, $4  }
0x326: {  	v8 =	vadd.f32 v24, v8;
	v17 =	vadd.f32 v26, v17;
	v21 =	vld [tilespmem:s0+$0x30]  }
0x327: {  	v18 =	vadd.f32 v23, v18;
	v22 =	vadd.f32 v28, v22;
	v26 =	vld [tilespmem:s0+$0x0]  }
0x328: {  	vm1 =	vgt.f32 v7, v1;
	vm2 =	vgt.f32 v12, v1;
	v25 =	vld [tilespmem:s0+$0x10];
	vm3 =	vgt.f32 v27, v1  }
0x329: {  	s26 =	sadd.s32 $0x1, s26;
	v23 =	vsel vm2, $0x3F800000, v0;
	vm0 =	vgt.f32 v9, v1;
	v24 =	vnsel vm3, $0x0, v27  }
.LBB2_49:
0x32a: {  	_ =	sdelay $0x1  }
0x32b: {  	vm14 =	vgt.f32 v14, v1;
	vm4 =	vgt.f32 v26, v1  }
0x32c: {  	v14 =	vnsel vm14, $0x0, v14;
	v55 =	vsel vm14, $0x3F800000, v0;
	v26 =	vnsel vm4, $0x0, v26  }
0x32d: {  	v27 =	vsel vm4, $0x3F800000, v0;
	vm13 =	vgt.f32 v25, v1;
	v20 =	vadd.f32 v26, v20  }
0x32e: {  	v25 =	vnsel vm13, $0x0, v25;
	v54 =	vsel vm13, $0x3F800000, v0;
	v19 =	vadd.f32 v27, v19  }
0x32f: {  	vm15 =	vgt.f32 v21, v1;
	v15 =	vadd.f32 v25, v15;
	v22 =	vadd.f32 v54, v22  }
0x330: {  	v14 =	vadd.f32 v14, v16;
	v56 =	vadd.f32 v55, v17;
	v21 =	vnsel vm15, $0x0, v21  }
0x331: {  	v57 =	vsel vm15, $0x3F800000, v0;
	v15 =	vadd.f32 v15, v20;
	v19 =	vadd.f32 v22, v19  }
0x332: {  	v58 =	vsel vm0, $0x3F800000, v0;
	v13 =	vadd.f32 v21, v13;
	v17 =	vadd.f32 v57, v18  }
0x333: {  	v9 =	vnsel vm0, $0x0, v9;
	v14 =	vadd.f32 v14, v15;
	v59 =	vadd.f32 v56, v19  }
0x334: {  	v10 =	vadd.f32 v58, v10;
	v9 =	vadd.f32 v9, v11  }
0x335: {  	v60 =	vsel vm3, $0x3F800000, v0;
	v13 =	vadd.f32 v13, v14;
	v61 =	vadd.f32 v17, v59  }
0x336: {  	v2 =	vadd.f32 v24, v2;
	v6 =	vadd.f32 v60, v6  }
0x337: {  	v62 =	vnsel vm2, $0x0, v12;
	v9 =	vadd.f32 v9, v13;
	v10 =	vadd.f32 v10, v61  }
0x338: {  	v4 =	vadd.f32 v23, v4;
	v7 =	vnsel vm1, $0x0, v7;
	v5 =	vadd.f32 v62, v5  }
.Ltmp33:
0x339: {  	v63 =	vsel vm1, $0x3F800000, v0;
	v2 =	vadd.f32 v2, v9;
	v6 =	vadd.f32 v6, v10;
	(pc) =	sbr.rel .LBB2_50-.Ltmp33, $3  }
0x33a: {  	v3 =	vadd.f32 v63, v3;
	v7 =	vadd.f32 v7, v8  }
0x33b: {  	v2 =	vadd.f32 v5, v2;
	v4 =	vadd.f32 v4, v6;
	_ =	sdelay $0x1  }
0x33c: {  	v2 =	vadd.f32 v7, v2;
	v3 =	vadd.f32 v3, v4  }
.LBB2_46:
0x33d: {  	v2 =	vimm.f32 $0.0e+00;
	v3 =	vimm.f32 $0.0e+00  }
.LBB2_50:
0x33e: {  	_ = 	snop  }
0x33f: {  	(xrf2) =	vadd.scan.msk.f32 $0xffff, v2  }
0x340: {  	(xrf2) =	vadd.scan.msk.f32 $0xffff, v3;
	_ =	sdelay $0x8  }
0x341: {  	v2, _, _ =	vpop (xrf2)  }
0x342: {  	v3, _, _ =	vpop (xrf2)  }
0x343: {  	v3 =	vbroadcast v3, $0xF;
	_ =	sdelay $0x1  }
0x344: {  	(erf) = vrcp.f32 v3;
	_ =	sdelay $0x5  }
0x345: {  	v2 =	vadd.f32 $-1.000000000e+00, v2;
	_ =	sdelay $0x1  }
0x346: {  	v2 =	vbroadcast v2, $0xF  }
0x347: {  	v3 =	vpop (erf)  }
0x348: {  	v2 =	vmul.f32 v3, v2;
	_ =	sdelay $0x1  }
0x349: {  	vm0 =	vlt.f32 v2, v1;
	vm1 =	vgt.f32 v2, v1  }
0x34a: {  	vm0 =	vmor vm1, vm0  }
0x34b: {  	v1 =	vsel vm0, $0x3F800000, v0  }
0x34c: {  	(xrf0) =	vmax.scan.msk.f32 $0xffff, v1;
	_ =	sdelay $0x5  }
0x34d: {  	v1, _, _ =	vpop (xrf0)  }
0x34e: {  	(v2sf) =	vpush v1, $0xF;
	_ =	sdelay $0xe  }
0x34f: {  	s0 =	spop (v2sf)  }
0x350: {  	p1 =	sgt.f32 s0, $0.0e+00  }
.Ltmp34:
0x351: {  	_ = 	snop;
	(pc) =	sbr.rel @!p1 .LBB2_59-.Ltmp34, $1  }
0x352: {  	_ =	sdelay $0x3  }
.Ltmp35:
0x353: {  	(pc) =	sbr.rel .LBB2_52-.Ltmp35, $2  }
0x354: {  	_ =	sdelay $0x2  }
0x355: {  	s25 =	simm.s32 $0x0;
	s26 =	simm.s32 $0x0  }
.LBB2_53:
0x356: {  	v3 =	vimm.f32 $0.0e+00  }
.LBB2_57:
0x357: {  	(xrf2) =	vadd.scan.msk.f32 $0xffff, v1  }
0x358: {  	(xrf2) =	vadd.scan.msk.f32 $0xffff, v3;
	_ =	sdelay $0x8  }
0x359: {  	v1, _, _ =	vpop (xrf2)  }
0x35a: {  	v3, _, _ =	vpop (xrf2)  }
0x35b: {  	v3 =	vbroadcast v3, $0xF;
	_ =	sdelay $0x1  }
0x35c: {  	(erf) = vrcp.f32 v3;
	_ =	sdelay $0x5  }
0x35d: {  	v1 =	vadd.f32 $-1.000000000e+00, v1;
	_ =	sdelay $0x1  }
0x35e: {  	v1 =	vbroadcast v1, $0xF  }
0x35f: {  	v3 =	vpop (erf)  }
0x360: {  	v1 =	vmul.f32 v3, v1;
	_ =	sdelay $0x1  }
0x361: {  	vm0 =	vlt.f32 v1, v2;
	vm1 =	vgt.f32 v1, v2  }
0x362: {  	vm0 =	vmor vm1, vm0  }
0x363: {  	v2 =	vsel vm0, $0x3F800000, v0  }
0x364: {  	(xrf0) =	vmax.scan.msk.f32 $0xffff, v2;
	_ =	sdelay $0x5  }
0x365: {  	v2, _, _ =	vpop (xrf0)  }
0x366: {  	(v2sf) =	vpush v2, $0xF;
	_ =	sdelay $0xe  }
0x367: {  	p1 =	sgt.u32 s26, $0xE;
	s0 =	spop (v2sf)  }
0x368: {  	p2 =	sgt.f32 @!p1 s0, $0.0e+00;
	_ =	sdelay $0x1  }
0x369: {  	p2 =	por p1, !p2  }
.Ltmp36:
0x36a: {  	_ = 	snop;
	(pc) =	sbr.rel @p2 .LBB2_58-.Ltmp36, $2  }
0x36b: {  	_ =	sdelay $0x2  }
0x36c: {  	s26 =	sadd.s32 $0x1, s26;
	v2 =	vmov v1  }
.LBB2_52:
.Ltmp37:
0x36d: {  	(pc) =	sbr.rel @p0 .LBB2_53-.Ltmp37, $2  }
0x36e: {  	_ =	sdelay $0x2  }
0x36f: {  	v1 =	vimm.f32 $0.0e+00  }
0x370: {  	s0 =	sld [smem:s25+$0x0];
	_ =	sdelay $0x2  }
0x371: {  	s0 =	sshll.u32 s0, $0x9  }
0x372: {  	s0 =	sshra.s32 s0, $0x2  }
0x373: {  	v7 =	vld [tilespmem:s0+$0x70]  }
0x374: {  	v12 =	vld [tilespmem:s0+$0x60]  }
0x375: {  	v3 =	vld [tilespmem:s0+$0x50]  }
0x376: {  	v4 =	vimm.f32 $0.0e+00;
	v6 =	vimm.f32 $0.0e+00;
	v5 =	vimm.f32 $0.0e+00;
	v9 =	vld [tilespmem:s0+$0x40]  }
0x377: {  	v20 =	vimm.f32 $0.0e+00;
	v15 =	vimm.f32 $0.0e+00;
	v10 =	vimm.f32 $0.0e+00;
	p1 =	sne.s32 s24, $0x1  }
.Ltmp38:
0x378: {  	v19 =	vimm.f32 $0.0e+00;
	v11 =	vimm.f32 $0.0e+00;
	v16 =	vimm.f32 $0.0e+00;
	(pc) =	sbr.rel @!p1 .LBB2_56-.Ltmp38, $4  }
0x379: {  	v13 =	vimm.f32 $0.0e+00;
	v17 =	vimm.f32 $0.0e+00;
	v8 =	vimm.f32 $0.0e+00;
	v14 =	vld [tilespmem:s0+$0x20]  }
0x37a: {  	v22 =	vimm.f32 $0.0e+00;
	v18 =	vimm.f32 $0.0e+00;
	v26 =	vld [tilespmem:s0+$0x0];
	vm3 =	vgt.f32 v3, v2  }
0x37b: {  	v25 =	vld [tilespmem:s0+$0x10];
	vm2 =	vgt.f32 v12, v2;
	vm1 =	vgt.f32 v7, v2;
	vm0 =	vgt.f32 v9, v2  }
0x37c: {  	s28 =	sadd.s32 $0xFFFFFFFF, s24;
	s29 =	sadd.s32 $0x1, s25;
	v21 =	vld [tilespmem:s0+$0x30];
	v24 =	vnsel vm3, $0x0, v3;
	v23 =	vsel vm2, $0x3F800000, v0;
	v3 =	vimm.f32 $0.0e+00  }
.LBB2_55:
0x37d: {  	s0 =	sld [smem:s29+$0x0];
	p1 =	sne.s32 s28, $0x1;
	s28 =	sadd.s32 $0xFFFFFFFF, s28;
	v1 =	vadd.f32 v24, v1;
	v12 =	vnsel vm2, $0x0, v12;
	v4 =	vadd.f32 v23, v4  }
0x37e: {  	v23 =	vsel vm3, $0x3F800000, v0;
	v24 =	vnsel vm1, $0x0, v7;
	v7 =	vsel vm1, $0x3F800000, v0  }
0x37f: {  	v6 =	vadd.f32 v23, v6;
	v5 =	vadd.f32 v12, v5;
	vm1 =	vgt.f32 v26, v2  }
0x380: {  	v3 =	vadd.f32 v7, v3;
	s0 =	sshll.u32 s0, $0x9;
	v12 =	vnsel vm1, $0x0, v26;
	vm2 =	vgt.f32 v25, v2  }
0x381: {  	v23 =	vsel vm0, $0x3F800000, v0;
	s0 =	sshra.s32 s0, $0x2;
	v20 =	vadd.f32 v12, v20;
	v12 =	vnsel vm2, $0x0, v25  }
0x382: {  	v10 =	vadd.f32 v23, v10;
	v25 =	vsel vm1, $0x3F800000, v0;
	v7 =	vld [tilespmem:s0+$0x70];
	v15 =	vadd.f32 v12, v15  }
0x383: {  	vm3 =	vgt.f32 v21, v2;
	v23 =	vnsel vm0, $0x0, v9;
	vm1 =	vgt.f32 v14, v2;
	v12 =	vld [tilespmem:s0+$0x60]  }
0x384: {  	v21 =	vnsel vm3, $0x0, v21;
	v28 =	vsel vm2, $0x3F800000, v0;
	v26 =	vsel vm1, $0x3F800000, v0;
	v27 =	vld [tilespmem:s0+$0x50]  }
0x385: {  	v11 =	vadd.f32 v23, v11;
	v19 =	vadd.f32 v25, v19;
	v25 =	vnsel vm1, $0x0, v14;
	v9 =	vld [tilespmem:s0+$0x40]  }
.Ltmp39:
0x386: {  	v13 =	vadd.f32 v21, v13;
	v23 =	vsel vm3, $0x3F800000, v0;
	v16 =	vadd.f32 v25, v16;
	v14 =	vld [tilespmem:s0+$0x20];
	(pc) =	sbr.rel @p1 .LBB2_55-.Ltmp39, $4  }
0x387: {  	v8 =	vadd.f32 v24, v8;
	v17 =	vadd.f32 v26, v17;
	v21 =	vld [tilespmem:s0+$0x30]  }
0x388: {  	v18 =	vadd.f32 v23, v18;
	v22 =	vadd.f32 v28, v22;
	v26 =	vld [tilespmem:s0+$0x0]  }
0x389: {  	vm1 =	vgt.f32 v7, v2;
	vm2 =	vgt.f32 v12, v2;
	v25 =	vld [tilespmem:s0+$0x10];
	vm3 =	vgt.f32 v27, v2  }
0x38a: {  	s29 =	sadd.s32 $0x1, s29;
	v23 =	vsel vm2, $0x3F800000, v0;
	vm0 =	vgt.f32 v9, v2;
	v24 =	vnsel vm3, $0x0, v27  }
.LBB2_56:
0x38b: {  	_ =	sdelay $0x1  }
0x38c: {  	vm14 =	vgt.f32 v14, v2  }
0x38d: {  	vm4 =	vgt.f32 v26, v2;
	v14 =	vnsel vm14, $0x0, v14;
	vm13 =	vgt.f32 v25, v2  }
0x38e: {  	v26 =	vnsel vm4, $0x0, v26;
	v27 =	vsel vm4, $0x3F800000, v0;
	v25 =	vnsel vm13, $0x0, v25  }
0x38f: {  	v20 =	vadd.f32 v26, v20;
	v54 =	vsel vm13, $0x3F800000, v0;
	v15 =	vadd.f32 v25, v15  }
0x390: {  	v55 =	vsel vm14, $0x3F800000, v0;
	v19 =	vadd.f32 v27, v19;
	v22 =	vadd.f32 v54, v22  }
0x391: {  	v14 =	vadd.f32 v14, v16;
	vm15 =	vgt.f32 v21, v2;
	v15 =	vadd.f32 v15, v20  }
0x392: {  	v56 =	vadd.f32 v55, v17;
	v21 =	vnsel vm15, $0x0, v21;
	v19 =	vadd.f32 v22, v19  }
0x393: {  	v57 =	vsel vm15, $0x3F800000, v0;
	v13 =	vadd.f32 v21, v13;
	v14 =	vadd.f32 v14, v15  }
0x394: {  	v9 =	vnsel vm0, $0x0, v9;
	v17 =	vadd.f32 v57, v18;
	v59 =	vadd.f32 v56, v19  }
0x395: {  	v58 =	vsel vm0, $0x3F800000, v0;
	v9 =	vadd.f32 v9, v11;
	v13 =	vadd.f32 v13, v14  }
0x396: {  	v10 =	vadd.f32 v58, v10;
	v61 =	vadd.f32 v17, v59  }
0x397: {  	v60 =	vsel vm3, $0x3F800000, v0;
	v1 =	vadd.f32 v24, v1;
	v9 =	vadd.f32 v9, v13  }
0x398: {  	v62 =	vnsel vm2, $0x0, v12;
	v6 =	vadd.f32 v60, v6;
	v10 =	vadd.f32 v10, v61  }
0x399: {  	v5 =	vadd.f32 v62, v5;
	v1 =	vadd.f32 v1, v9  }
.Ltmp40:
0x39a: {  	v4 =	vadd.f32 v23, v4;
	v7 =	vnsel vm1, $0x0, v7;
	v6 =	vadd.f32 v6, v10;
	(pc) =	sbr.rel .LBB2_57-.Ltmp40, $4  }
0x39b: {  	v63 =	vsel vm1, $0x3F800000, v0;
	v7 =	vadd.f32 v7, v8;
	v1 =	vadd.f32 v5, v1  }
0x39c: {  	v3 =	vadd.f32 v63, v3;
	v4 =	vadd.f32 v4, v6  }
0x39d: {  	v1 =	vadd.f32 v7, v1  }
0x39e: {  	v3 =	vadd.f32 v3, v4  }
.LBB2_58:
0x39f: {  	v2 =	vpsel p1, v1, v1  }
.LBB2_59:
0x3a0: {  	_ =	swait.ge [sflag:s19], $0x8000  }
0x3a1: {  	[sflag:s19] =	ssyncset.done $0x0  }
0x3a2: {  	s24 =	simm.s32 $0x0;
	[sflag:s19] =	ssyncadd.s32 $0xFFFF8000  }
0x3a3: {  	v1 =	vld [tilespmem:s24+$0x70]  }
0x3a4: {  	v3 =	vld [tilespmem:s24+$0x0]  }
0x3a5: {  	v4 =	vld [tilespmem:s24+$0x10]  }
0x3a6: {  	v5 =	vld [tilespmem:s24+$0x20]  }
0x3a7: {  	v6 =	vld [tilespmem:s24+$0x30]  }
0x3a8: {  	v7 =	vld [tilespmem:s24+$0x40];
	v8 =	vmin.f32 v1, v2;
	v1 =	vsub.f32 v1, v2  }
0x3a9: {  	v9 =	vld [tilespmem:s24+$0x50];
	v10 =	vmin.f32 v3, v2;
	v3 =	vsub.f32 v3, v2;
	[tilespmem:s24+$0x10070] =	vst v8  }
0x3aa: {  	v62 =	vld [tilespmem:s24+$0x60];
	[tilespmem:s24+$0x10000] =	vst v10;
	v8 =	vsub.f32 v4, v2;
	v1 =	vmax.f32 v1, $0.0e+00  }
0x3ab: {  	v11 =	vsub.f32 v5, v2;
	v3 =	vmax.f32 v3, $0.0e+00;
	[tilespmem:s24+$0x8070] =	vst v1  }
0x3ac: {  	[tilespmem:s24+$0x8000] =	vst v3;
	v1 =	vmax.f32 v8, $0.0e+00;
	v3 =	vsub.f32 v6, v2  }
0x3ad: {  	v8 =	vsub.f32 v7, v2;
	[tilespmem:s24+$0x8010] =	vst v1;
	v1 =	vmax.f32 v11, $0.0e+00  }
0x3ae: {  	[tilespmem:s24+$0x8020] =	vst v1;
	v1 =	vmax.f32 v3, $0.0e+00;
	v3 =	vsub.f32 v9, v2  }
0x3af: {  	v63 =	vsub.f32 v62, v2;
	v8 =	vmax.f32 v8, $0.0e+00;
	[tilespmem:s24+$0x8030] =	vst v1  }
0x3b0: {  	v1 =	vmin.f32 v4, v2;
	[tilespmem:s24+$0x8040] =	vst v8;
	v8 =	vmax.f32 v3, $0.0e+00  }
0x3b1: {  	v4 =	vmin.f32 v6, v2;
	v6 =	vmin.f32 v62, v2;
	[tilespmem:s24+$0x8050] =	vst v8;
	v8 =	vmax.f32 v63, $0.0e+00  }
0x3b2: {  	s25 =	simm.s32 $0x80;
	s26 =	simm.s32 $0x400;
	v3 =	vmin.f32 v5, v2;
	v5 =	vmin.f32 v7, v2;
	v7 =	vmin.f32 v9, v2;
	[tilespmem:s24+$0x8060] =	vst v8  }
.LBB2_60:
0x3b3: {  	p0 =	sne.s32 s26, $0x1FE00;
	v8 =	vld [tilespmem:s25+$0x70];
	[tilespmem:s24+$0x10010] =	vst v1  }
0x3b4: {  	v1 =	vld [tilespmem:s25+$0x0];
	[tilespmem:s24+$0x10020] =	vst v3  }
0x3b5: {  	v3 =	vld [tilespmem:s25+$0x10];
	[tilespmem:s24+$0x10030] =	vst v4  }
0x3b6: {  	v4 =	vld [tilespmem:s25+$0x20];
	[tilespmem:s24+$0x10040] =	vst v5  }
0x3b7: {  	v5 =	vld [tilespmem:s25+$0x30];
	[tilespmem:s24+$0x10050] =	vst v7  }
0x3b8: {  	v7 =	vld [tilespmem:s25+$0x40];
	v9 =	vsub.f32 v8, v2;
	v8 =	vmin.f32 v8, v2;
	[tilespmem:s24+$0x10060] =	vst v6;
	s24 =	smov.u32 s25  }
0x3b9: {  	v6 =	vsub.f32 v1, v2;
	v1 =	vmin.f32 v1, v2;
	v10 =	vld [tilespmem:s24+$0x50];
	[tilespmem:s24+$0x10070] =	vst v8  }
0x3ba: {  	[tilespmem:s24+$0x10000] =	vst v1;
	v8 =	vsub.f32 v3, v2;
	v1 =	vmin.f32 v3, v2;
	v11 =	vld [tilespmem:s24+$0x60];
	v9 =	vmax.f32 v9, $0.0e+00  }
0x3bb: {  	v6 =	vmax.f32 v6, $0.0e+00;
	v12 =	vsub.f32 v4, v2;
	v3 =	vmin.f32 v4, v2;
	[tilespmem:s24+$0x8070] =	vst v9  }
0x3bc: {  	[tilespmem:s24+$0x8000] =	vst v6;
	v6 =	vmax.f32 v8, $0.0e+00;
	v8 =	vsub.f32 v5, v2;
	v4 =	vmin.f32 v5, v2  }
0x3bd: {  	[tilespmem:s24+$0x8010] =	vst v6;
	v6 =	vmax.f32 v12, $0.0e+00;
	v9 =	vsub.f32 v7, v2;
	v5 =	vmin.f32 v7, v2  }
.Ltmp41:
0x3be: {  	[tilespmem:s24+$0x8020] =	vst v6;
	v6 =	vmax.f32 v8, $0.0e+00;
	v8 =	vsub.f32 v10, v2;
	v7 =	vmin.f32 v10, v2;
	(pc) =	sbr.rel @p0 .LBB2_60-.Ltmp41, $4  }
0x3bf: {  	[tilespmem:s24+$0x8030] =	vst v6;
	v9 =	vmax.f32 v9, $0.0e+00;
	v10 =	vsub.f32 v11, v2;
	v6 =	vmin.f32 v11, v2  }
0x3c0: {  	[tilespmem:s24+$0x8040] =	vst v9;
	v8 =	vmax.f32 v8, $0.0e+00  }
0x3c1: {  	[tilespmem:s24+$0x8050] =	vst v8;
	v8 =	vmax.f32 v10, $0.0e+00  }
0x3c2: {  	s25 =	sshra.s32 s26, $0x2;
	s26 =	sadd.s32 $0x200, s26;
	[tilespmem:s24+$0x8060] =	vst v8  }
0x3c3: {  	v8 =	vld [tilespmem:s25+$0x70];
	[tilespmem:s24+$0x10010] =	vst v1  }
0x3c4: {  	v1 =	vld [tilespmem:s25+$0x0];
	[tilespmem:s24+$0x10020] =	vst v3  }
0x3c5: {  	v3 =	vld [tilespmem:s25+$0x10];
	[tilespmem:s24+$0x10030] =	vst v4  }
0x3c6: {  	v4 =	vld [tilespmem:s25+$0x20];
	[tilespmem:s24+$0x10040] =	vst v5  }
0x3c7: {  	v5 =	vld [tilespmem:s25+$0x30];
	[tilespmem:s24+$0x10050] =	vst v7  }
0x3c8: {  	v7 =	vld [tilespmem:s25+$0x40];
	[tilespmem:s24+$0x10060] =	vst v6;
	v6 =	vmin.f32 v8, v2;
	v8 =	vsub.f32 v8, v2  }
0x3c9: {  	v10 =	vmin.f32 v1, v2;
	[tilespmem:s25+$0x10070] =	vst v6  }
0x3ca: {  	v1 =	vsub.f32 v1, v2;
	[tilespmem:s25+$0x10000] =	vst v10;
	v8 =	vmax.f32 v8, $0.0e+00  }
0x3cb: {  	v6 =	vsub.f32 v3, v2;
	v3 =	vmin.f32 v3, v2;
	[tilespmem:s25+$0x8070] =	vst v8  }
0x3cc: {  	v9 =	vld [tilespmem:s25+$0x50];
	v1 =	vmax.f32 v1, $0.0e+00;
	[tilespmem:s25+$0x10010] =	vst v3  }
0x3cd: {  	v10 =	vld [tilespmem:s25+$0x60];
	v11 =	vsub.f32 v4, v2;
	[tilespmem:s25+$0x8000] =	vst v1;
	v1 =	vmax.f32 v6, $0.0e+00  }
0x3ce: {  	v6 =	vsub.f32 v5, v2;
	v3 =	vmin.f32 v5, v2;
	[tilespmem:s25+$0x8010] =	vst v1  }
0x3cf: {  	v1 =	vmax.f32 v11, $0.0e+00;
	[tilespmem:s25+$0x10030] =	vst v3  }
0x3d0: {  	v8 =	vsub.f32 v7, v2;
	[tilespmem:s25+$0x8020] =	vst v1;
	v1 =	vmax.f32 v6, $0.0e+00  }
0x3d1: {  	v6 =	vsub.f32 v9, v2;
	v3 =	vmin.f32 v9, v2;
	[tilespmem:s25+$0x8030] =	vst v1  }
0x3d2: {  	v1 =	vmax.f32 v8, $0.0e+00;
	v8 =	vsub.f32 v10, v2;
	[tilespmem:s25+$0x10050] =	vst v3  }
0x3d3: {  	[tilespmem:s25+$0x8040] =	vst v1;
	v1 =	vmax.f32 v6, $0.0e+00  }
0x3d4: {  	[tilespmem:s25+$0x8050] =	vst v1;
	v1 =	vmax.f32 v8, $0.0e+00  }
0x3d5: {  	[tilespmem:s25+$0x8060] =	vst v1;
	v1 =	vmin.f32 v4, v2  }
0x3d6: {  	[tilespmem:s25+$0x10020] =	vst v1;
	v1 =	vmin.f32 v7, v2  }
0x3d7: {  	[tilespmem:s25+$0x10040] =	vst v1;
	v1 =	vmin.f32 v10, v2  }
0x3d8: {  	[tilespmem:s25+$0x10060] =	vst v1  }
0x3d9: {  	[hbm4b:s10+s16] =	stream.strided.scatter [tilespmem:s20], [sflag:$0x1], $0x8000, s17, s16, $0x38;
	[tilespmem:$0x18000] =	vst v63  }
0x3da: {  	_ = 	snop  }
0x3db: {  	[hbm4b:s11+s16] =	stream.strided.scatter [tilespmem:s21], [sflag:$0x2], $0x8000, s17, s16, $0x38;
	[tilespmem:$0x18000] =	vst v63  }
0x3dc: {  	s0 =	simm.s32 $0x0  }
0x3dd: {  	[tilespmem:s0], [sflag:$0x3] =	stream.strided.gather [hbm4b:s12+s16], $0x8000, s17, s16, $0x38;
	[tilespmem:$0x18000] =	vst v63  }
0x3de: {  	_ =	swait.ge [sflag:s18], $0x8000  }
0x3df: {  	[sflag:s18] =	ssyncset.done $0x0  }
0x3e0: {  	s1 =	simm.s32 $0x0;
	[sflag:s18] =	ssyncadd.s32 $0xFFFF8000  }
0x3e1: {  	v1 =	vld [tilespmem:s1+$0x70]  }
0x3e2: {  	v2 =	vld [tilespmem:s1+$0x0]  }
0x3e3: {  	v4 =	vld [tilespmem:s1+$0x10]  }
0x3e4: {  	v13 =	vld [tilespmem:s1+$0x20]  }
0x3e5: {  	v11 =	vld [tilespmem:s1+$0x30]  }
0x3e6: {  	v3 =	vimm.f32 $-Inf;
	v6 =	vimm.f32 $-Inf;
	v5 =	vld [tilespmem:s1+$0x40]  }
0x3e7: {  	v7 =	vimm.f32 $-Inf;
	v8 =	vld [tilespmem:s1+$0x50];
	v1 =	vmax.f32 v3, v1;
	v9 =	vmax.f32 v3, v2  }
0x3e8: {  	s24 =	simm.s32 $0x400;
	s0 =	simm.s32 $0x80;
	v12 =	vld [tilespmem:s1+$0x60];
	v10 =	vmax.f32 v3, v4;
	v4 =	vimm.f32 $-Inf;
	v2 =	vimm.f32 $-Inf  }
.LBB2_62:
0x3e9: {  	p0 =	sne.s32 s24, $0x1FE00;
	v14 =	vld [tilespmem:s0+$0x70];
	v3 =	vmax.f32 v3, v13  }
0x3ea: {  	v15 =	vld [tilespmem:s0+$0x0];
	v6 =	vmax.f32 v6, v11  }
0x3eb: {  	v16 =	vld [tilespmem:s0+$0x10];
	v7 =	vmax.f32 v7, v5  }
.Ltmp42:
0x3ec: {  	v13 =	vld [tilespmem:s0+$0x20];
	v4 =	vmax.f32 v4, v8;
	(pc) =	sbr.rel @p0 .LBB2_62-.Ltmp42, $4  }
0x3ed: {  	v11 =	vld [tilespmem:s0+$0x30];
	v2 =	vmax.f32 v2, v12  }
0x3ee: {  	v5 =	vld [tilespmem:s0+$0x40];
	v1 =	vmax.f32 v1, v14  }
0x3ef: {  	v9 =	vmax.f32 v9, v15;
	v8 =	vld [tilespmem:s0+$0x50]  }
0x3f0: {  	v10 =	vmax.f32 v10, v16;
	v12 =	vld [tilespmem:s0+$0x60];
	s0 =	sshra.s32 s24, $0x2;
	s24 =	sadd.s32 $0x200, s24  }
0x3f1: {  	v14 =	vld [tilespmem:s0+$0x0]  }
0x3f2: {  	v15 =	vld [tilespmem:s0+$0x10]  }
0x3f3: {  	v16 =	vld [tilespmem:s0+$0x20]  }
0x3f4: {  	v17 =	vld [tilespmem:s0+$0x30]  }
0x3f5: {  	v18 =	vld [tilespmem:s0+$0x40]  }
0x3f6: {  	v19 =	vld [tilespmem:s0+$0x50]  }
0x3f7: {  	v3 =	vmax.f32 v3, v13;
	v57 =	vld [tilespmem:s0+$0x60];
	v9 =	vmax.f32 v9, v14;
	v10 =	vmax.f32 v10, v15  }
0x3f8: {  	v58 =	vld [tilespmem:s0+$0x70];
	v6 =	vmax.f32 v6, v11;
	v3 =	vmax.f32 v3, v16;
	v9 =	vmax.f32 v9, v10  }
0x3f9: {  	v5 =	vmax.f32 v7, v5;
	v6 =	vmax.f32 v6, v17;
	v3 =	vmax.f32 v9, v3  }
0x3fa: {  	v4 =	vmax.f32 v4, v8;
	v5 =	vmax.f32 v5, v18;
	v3 =	vmax.f32 v3, v6  }
0x3fb: {  	v2 =	vmax.f32 v2, v12;
	v4 =	vmax.f32 v4, v19;
	v3 =	vmax.f32 v3, v5  }
0x3fc: {  	v2 =	vmax.f32 v2, v57;
	v3 =	vmax.f32 v3, v4  }
0x3fd: {  	v1 =	vmax.f32 v1, v58;
	v2 =	vmax.f32 v3, v2  }
0x3fe: {  	v1 =	vmax.f32 v2, v1  }
0x3ff: {  	(xrf0) =	vmax.scan.msk.f32 $0xffff, v1;
	_ =	sdelay $0x5  }
0x400: {  	v1, _, _ =	vpop (xrf0)  }
0x401: {  	(v2sf) =	vpush v1, $0xF;
	_ =	sdelay $0xe  }
0x402: {  	s25 =	spop (v2sf)  }
0x403: {  	_ =	swait.ge [sflag:s22], $0x8000  }
0x404: {  	[sflag:s22] =	ssyncset.done $0x0  }
0x405: {  	s26 =	simm.s32 $0x40;
	[sflag:s22] =	ssyncadd.s32 $0xFFFF8000  }
0x406: {  	v2 =	vld [tilespmem:s26+$0xFFFFFFC0]  }
0x407: {  	v3 =	vld [tilespmem:s26+$0xFFFFFFD0]  }
0x408: {  	v4 =	vld [tilespmem:s26+$0xFFFFFFE0]  }
0x409: {  	v5 =	vld [tilespmem:s26+$0xFFFFFFF0]  }
0x40a: {  	s0 =	sadd.f32 $-1.000000000e+00, s25;
	v6 =	vld [tilespmem:s26+$0x0]  }
0x40b: {  	v7 =	vld [tilespmem:s26+$0x10]  }
0x40c: {  	s1 =	simm.s32 $0xC0;
	v1 =	vmov s0;
	v8 =	vld [tilespmem:s26+$0x20]  }
0x40d: {  	v60 =	vld [tilespmem:s1+$0x30];
	vm0 =	vgt.f32 v2, v1;
	vm1 =	vgt.f32 v3, v1  }
0x40e: {  	s25 =	simm.s32 $0x140;
	v2 =	vld [tilespmem:s26+$0x30];
	vm0 =	vmor vm0, vm1;
	vm1 =	vgt.f32 v4, v1  }
0x40f: {  	v61 =	vld [tilespmem:s25+$0xFFFFFFC0];
	vm0 =	vmor vm0, vm1;
	vm1 =	vgt.f32 v5, v1  }
0x410: {  	v62 =	vld [tilespmem:s25+$0xFFFFFFD0];
	vm0 =	vmor vm0, vm1;
	vm1 =	vgt.f32 v6, v1  }
0x411: {  	v3 =	vld [tilespmem:s1+$0xFFFFFFC0];
	vm0 =	vmor vm0, vm1;
	vm1 =	vgt.f32 v7, v1  }
0x412: {  	v4 =	vld [tilespmem:s1+$0xFFFFFFD0];
	vm0 =	vmor vm0, vm1;
	vm1 =	vgt.f32 v8, v1  }
0x413: {  	v5 =	vld [tilespmem:s1+$0xFFFFFFE0];
	vm0 =	vmor vm0, vm1;
	vm1 =	vgt.f32 v2, v1  }
0x414: {  	v6 =	vld [tilespmem:s1+$0xFFFFFFF0];
	vm0 =	vmor vm0, vm1  }
0x415: {  	v7 =	vld [tilespmem:s1+$0x0];
	v59 =	vsel vm0, $0x3F800000, v0  }
0x416: {  	v2 =	vld [tilespmem:s1+$0x10];
	(xrf0) =	vmax.scan.msk.f32 $0xffff, v59  }
0x417: {  	v63 =	vld [tilespmem:s25+$0xFFFFFFE0];
	vm1 =	vgt.f32 v4, v1;
	vm0 =	vgt.f32 v3, v1  }
0x418: {  	v8 =	vld [tilespmem:s1+$0x20];
	vm0 =	vmor vm0, vm1;
	vm1 =	vgt.f32 v5, v1  }
0x419: {  	v3 =	vld [tilespmem:s25+$0xFFFFFFF0];
	vm2 =	vgt.f32 v6, v1;
	vm0 =	vmor vm0, vm1  }
0x41a: {  	v4 =	vld [tilespmem:s25+$0x0];
	vm1 =	vgt.f32 v7, v1;
	vm0 =	vmor vm0, vm2  }
0x41b: {  	v5 =	vld [tilespmem:s25+$0x10];
	vm2 =	vgt.f32 v2, v1;
	vm0 =	vmor vm0, vm1  }
0x41c: {  	vm3 =	vgt.f32 v61, v1;
	v6 =	vld [tilespmem:s25+$0x20];
	vm1 =	vgt.f32 v62, v1;
	vm0 =	vmor vm0, vm2;
	v2, _, _ =	vpop (xrf0)  }
0x41d: {  	s26 =	simm.s32 $0x1C0;
	vm1 =	vmor vm3, vm1;
	vm2 =	vgt.f32 v63, v1;
	(v2sf) =	vpush v2, $0xF;
	v2 =	vld [tilespmem:s25+$0x30]  }
0x41e: {  	v7 =	vld [tilespmem:s26+$0xFFFFFFC0];
	vm3 =	vgt.f32 v8, v1;
	vm1 =	vmor vm1, vm2;
	vm2 =	vgt.f32 v3, v1  }
0x41f: {  	v3 =	vld [tilespmem:s26+$0xFFFFFFD0];
	vm0 =	vmor vm0, vm3;
	vm1 =	vmor vm1, vm2;
	vm2 =	vgt.f32 v4, v1  }
0x420: {  	vm3 =	vgt.f32 v60, v1;
	v4 =	vld [tilespmem:s26+$0xFFFFFFE0];
	vm1 =	vmor vm1, vm2;
	vm2 =	vgt.f32 v5, v1  }
0x421: {  	vm0 =	vmor vm0, vm3;
	v5 =	vld [tilespmem:s26+$0xFFFFFFF0];
	vm1 =	vmor vm1, vm2;
	vm2 =	vgt.f32 v6, v1  }
0x422: {  	v8 =	vsel vm0, $0x3F800000, v0;
	v6 =	vld [tilespmem:s26+$0x0];
	vm0 =	vmor vm1, vm2;
	vm1 =	vgt.f32 v2, v1  }
0x423: {  	(xrf0) =	vmax.scan.msk.f32 $0xffff, v8;
	v2 =	vld [tilespmem:s26+$0x10];
	vm0 =	vmor vm0, vm1  }
0x424: {  	vm2 =	vgt.f32 v7, v1;
	vm1 =	vgt.f32 v3, v1;
	v3 =	vld [tilespmem:s26+$0x20];
	v7 =	vsel vm0, $0x3F800000, v0  }
0x425: {  	s0 =	simm.s32 $0x240;
	v8 =	vld [tilespmem:s26+$0x30];
	vm0 =	vmor vm2, vm1;
	vm1 =	vgt.f32 v4, v1;
	(xrf0) =	vmax.scan.msk.f32 $0xffff, v7  }
0x426: {  	v7 =	vld [tilespmem:s0+$0xFFFFFFC0];
	vm0 =	vmor vm0, vm1;
	vm1 =	vgt.f32 v5, v1  }
0x427: {  	vm0 =	vmor vm0, vm1;
	vm1 =	vgt.f32 v6, v1  }
0x428: {  	vm0 =	vmor vm0, vm1;
	vm1 =	vgt.f32 v2, v1  }
0x429: {  	vm0 =	vmor vm0, vm1;
	vm1 =	vgt.f32 v3, v1;
	v3, _, _ =	vpop (xrf0)  }
0x42a: {  	vm0 =	vmor vm0, vm1;
	vm1 =	vgt.f32 v8, v1;
	(v2sf) =	vpush v3, $0xF  }
0x42b: {  	v5 =	vld [tilespmem:s0+$0xFFFFFFD0];
	vm0 =	vmor vm0, vm1;
	vm1 =	vgt.f32 v7, v1;
	v7, _, _ =	vpop (xrf0)  }
0x42c: {  	v6 =	vld [tilespmem:s0+$0xFFFFFFE0];
	s1 =	spop (v2sf);
	(v2sf) =	vpush v7, $0xF  }
0x42d: {  	v4 =	vld [tilespmem:s0+$0xFFFFFFF0]  }
0x42e: {  	v2 =	vld [tilespmem:s0+$0x0]  }
0x42f: {  	s24 =	simm.s32 $0x0;
	s29 =	simm.s32 $0x1;
	s28 =	simm.s32 $0x2;
	v3 =	vld [tilespmem:s0+$0x10]  }
0x430: {  	s31 =	simm.s32 $0x5;
	s30 =	simm.s32 $0x0;
	vm2 =	vgt.f32 v5, v1;
	v5 =	vld [tilespmem:s0+$0x20];
	v8 =	vsel vm0, $0x3F800000, v0;
	p0 =	sgt.f32 s1, $0.0e+00  }
0x431: {  	s25 =	simm.s32 $0x3;
	s26 =	simm.s32 $0x4;
	vm0 =	vmor vm1, vm2;
	vm1 =	vgt.f32 v6, v1;
	v6 =	vld [tilespmem:s0+$0x30];
	s0 =	simm.s32 $0x2C0;
	(xrf0) =	vmax.scan.msk.f32 $0xffff, v8  }
.LBB2_64:
0x432: {  	[smem:s30] =	sst @p0 s24  }
0x433: {  	s1 =	simm.s32 $0x1;
	s24 =	smov.u32 s29;
	s29 =	smov.u32 s28  }
0x434: {  	v7 =	vld [tilespmem:s0+$0xFFFFFFC0];
	vm0 =	vmor vm0, vm1;
	vm1 =	vgt.f32 v4, v1;
	s28 =	smov.u32 s25;
	s25 =	smov.u32 s26;
	s1 =	simm.s32 @!p0 $0x0  }
0x435: {  	s26 =	smov.u32 s31;
	s31 =	sadd.s32 $0x1, s31;
	vm0 =	vmor vm0, vm1;
	vm1 =	vgt.f32 v2, v1;
	v8 =	vld [tilespmem:s0+$0xFFFFFFD0];
	s30 =	sadd.s32 s1, s30  }
0x436: {  	p1 =	seq.s32 s31, $0x100;
	vm0 =	vmor vm0, vm1;
	vm1 =	vgt.f32 v3, v1;
	v9 =	vld [tilespmem:s0+$0xFFFFFFE0]  }
.Ltmp43:
0x437: {  	vm0 =	vmor vm0, vm1;
	vm1 =	vgt.f32 v5, v1;
	v4 =	vld [tilespmem:s0+$0xFFFFFFF0];
	(pc) =	sbr.rel @!p1 .LBB2_64-.Ltmp43, $4  }
0x438: {  	vm0 =	vmor vm0, vm1;
	vm1 =	vgt.f32 v6, v1;
	v2 =	vld [tilespmem:s0+$0x0]  }
0x439: {  	vm2 =	vgt.f32 v7, v1;
	vm0 =	vmor vm0, vm1;
	v3 =	vld [tilespmem:s0+$0x10];
	v6, _, _ =	vpop (xrf0);
	s1 =	spop (v2sf)  }
0x43a: {  	v7 =	vsel vm0, $0x3F800000, v0;
	vm1 =	vgt.f32 v8, v1;
	v5 =	vld [tilespmem:s0+$0x20];
	(v2sf) =	vpush v6, $0xF;
	p0 =	sgt.f32 s1, $0.0e+00  }
0x43b: {  	vm0 =	vmor vm2, vm1;
	vm1 =	vgt.f32 v9, v1;
	v6 =	vld [tilespmem:s0+$0x30];
	s0 =	sadd.s32 $0x80, s0;
	(xrf0) =	vmax.scan.msk.f32 $0xffff, v7  }
0x43c: {  	vm0 =	vmor vm0, vm1;
	vm11 =	vgt.f32 v4, v1  }
0x43d: {  	vm0 =	vmor vm0, vm11;
	vm12 =	vgt.f32 v2, v1  }
0x43e: {  	vm0 =	vmor vm0, vm12;
	vm13 =	vgt.f32 v3, v1  }
0x43f: {  	vm0 =	vmor vm0, vm13;
	vm14 =	vgt.f32 v5, v1  }
0x440: {  	vm0 =	vmor vm0, vm14;
	vm15 =	vgt.f32 v6, v1  }
0x441: {  	vm0 =	vmor vm0, vm15  }
0x442: {  	v2 =	vsel vm0, $0x3F800000, v0  }
0x443: {  	(xrf0) =	vmax.scan.msk.f32 $0xffff, v2;
	_ =	sdelay $0x4  }
0x444: {  	v2, _, _ =	vpop (xrf0)  }
0x445: {  	(v2sf) =	vpush v2, $0xF;
	v2, _, _ =	vpop (xrf0)  }
0x446: {  	(v2sf) =	vpush v2, $0xF;
	_ =	sdelay $0x8  }
0x447: {  	s0 =	spop (v2sf)  }
0x448: {  	[smem:s30] =	sst @p0 s24;
	p1 =	sgt.f32 s0, $0.0e+00;
	s0 =	simm.s32 $0x1  }
0x449: {  	s24 =	simm.s32 $0x1;
	s0 =	simm.s32 @!p0 $0x0;
	s1 =	spop (v2sf)  }
0x44a: {  	s0 =	sadd.s32 s0, s30;
	s24 =	simm.s32 @!p1 $0x0;
	p0 =	sgt.f32 s1, $0.0e+00  }
0x44b: {  	[smem:s0] =	sst @p1 s29;
	s0 =	sadd.s32 s24, s0  }
0x44c: {  	[smem:s0] =	sst @p0 s28;
	s30 =	spop (v2sf)  }
0x44d: {  	s24 =	simm.s32 $0x1;
	p1 =	sgt.f32 s30, $0.0e+00;
	s31 =	spop (v2sf)  }
0x44e: {  	s24 =	simm.s32 @!p0 $0x0;
	s28 =	simm.s32 $0x1;
	p0 =	sgt.f32 s31, $0.0e+00  }
0x44f: {  	s1 =	sadd.s32 s24, s0;
	s0 =	simm.s32 $0x1;
	s28 =	simm.s32 @!p1 $0x0  }
0x450: {  	[smem:s1] =	sst @p1 s25;
	s25 =	sadd.s32 s28, s1;
	s0 =	simm.s32 @!p0 $0x0  }
0x451: {  	s24 =	sadd.s32 s0, s25  }
0x452: {  	[smem:s25] =	sst @p0 s26;
	p0 =	slt.s32 s24, $0x1  }
.Ltmp44:
0x453: {  	_ = 	snop;
	(pc) =	sbr.rel @p0 .LBB2_66-.Ltmp44, $1  }
0x454: {  	_ =	sdelay $0x3  }
0x455: {  	s1 =	sld [smem:$0x0];
	_ =	sdelay $0x2  }
0x456: {  	s1 =	sshll.u32 s1, $0x9  }
0x457: {  	s1 =	sshra.s32 s1, $0x2  }
0x458: {  	v7 =	vld [tilespmem:s1+$0x70]  }
0x459: {  	v12 =	vld [tilespmem:s1+$0x60]  }
0x45a: {  	v2 =	vimm.f32 $0.0e+00;
	v3 =	vld [tilespmem:s1+$0x50]  }
0x45b: {  	s0 =	sadd.s32 s0, s25;
	v4 =	vimm.f32 $0.0e+00;
	v6 =	vimm.f32 $0.0e+00;
	v5 =	vimm.f32 $0.0e+00;
	v9 =	vld [tilespmem:s1+$0x40]  }
0x45c: {  	v20 =	vimm.f32 $0.0e+00;
	v15 =	vimm.f32 $0.0e+00;
	v10 =	vimm.f32 $0.0e+00;
	p1 =	sne.s32 s0, $0x1  }
.Ltmp45:
0x45d: {  	v19 =	vimm.f32 $0.0e+00;
	v11 =	vimm.f32 $0.0e+00;
	v16 =	vimm.f32 $0.0e+00;
	(pc) =	sbr.rel @!p1 .LBB2_69-.Ltmp45, $4  }
0x45e: {  	v13 =	vimm.f32 $0.0e+00;
	v17 =	vimm.f32 $0.0e+00;
	v8 =	vimm.f32 $0.0e+00;
	v14 =	vld [tilespmem:s1+$0x20]  }
0x45f: {  	v22 =	vimm.f32 $0.0e+00;
	v18 =	vimm.f32 $0.0e+00;
	v26 =	vld [tilespmem:s1+$0x0];
	vm3 =	vgt.f32 v3, v1  }
0x460: {  	v25 =	vld [tilespmem:s1+$0x10];
	vm2 =	vgt.f32 v12, v1;
	vm1 =	vgt.f32 v7, v1;
	vm0 =	vgt.f32 v9, v1  }
0x461: {  	s26 =	simm.s32 $0x1;
	s25 =	sadd.s32 $0xFFFFFFFF, s0;
	v21 =	vld [tilespmem:s1+$0x30];
	v24 =	vnsel vm3, $0x0, v3;
	v23 =	vsel vm2, $0x3F800000, v0;
	v3 =	vimm.f32 $0.0e+00  }
.LBB2_68:
0x462: {  	s0 =	sld [smem:s26+$0x0];
	p1 =	sne.s32 s25, $0x1;
	s25 =	sadd.s32 $0xFFFFFFFF, s25;
	v2 =	vadd.f32 v24, v2;
	v12 =	vnsel vm2, $0x0, v12;
	v4 =	vadd.f32 v23, v4  }
0x463: {  	v23 =	vsel vm3, $0x3F800000, v0;
	v24 =	vnsel vm1, $0x0, v7;
	v7 =	vsel vm1, $0x3F800000, v0  }
0x464: {  	v6 =	vadd.f32 v23, v6;
	v5 =	vadd.f32 v12, v5;
	vm1 =	vgt.f32 v26, v1  }
0x465: {  	v3 =	vadd.f32 v7, v3;
	s0 =	sshll.u32 s0, $0x9;
	v12 =	vnsel vm1, $0x0, v26;
	vm2 =	vgt.f32 v25, v1  }
0x466: {  	v23 =	vsel vm0, $0x3F800000, v0;
	s0 =	sshra.s32 s0, $0x2;
	v20 =	vadd.f32 v12, v20;
	v12 =	vnsel vm2, $0x0, v25  }
0x467: {  	v10 =	vadd.f32 v23, v10;
	v25 =	vsel vm1, $0x3F800000, v0;
	v7 =	vld [tilespmem:s0+$0x70];
	v15 =	vadd.f32 v12, v15  }
0x468: {  	vm3 =	vgt.f32 v21, v1;
	v23 =	vnsel vm0, $0x0, v9;
	vm1 =	vgt.f32 v14, v1;
	v12 =	vld [tilespmem:s0+$0x60]  }
0x469: {  	v21 =	vnsel vm3, $0x0, v21;
	v28 =	vsel vm2, $0x3F800000, v0;
	v26 =	vsel vm1, $0x3F800000, v0;
	v27 =	vld [tilespmem:s0+$0x50]  }
0x46a: {  	v11 =	vadd.f32 v23, v11;
	v19 =	vadd.f32 v25, v19;
	v25 =	vnsel vm1, $0x0, v14;
	v9 =	vld [tilespmem:s0+$0x40]  }
.Ltmp46:
0x46b: {  	v13 =	vadd.f32 v21, v13;
	v23 =	vsel vm3, $0x3F800000, v0;
	v16 =	vadd.f32 v25, v16;
	v14 =	vld [tilespmem:s0+$0x20];
	(pc) =	sbr.rel @p1 .LBB2_68-.Ltmp46, $4  }
0x46c: {  	v8 =	vadd.f32 v24, v8;
	v17 =	vadd.f32 v26, v17;
	v21 =	vld [tilespmem:s0+$0x30]  }
0x46d: {  	v18 =	vadd.f32 v23, v18;
	v22 =	vadd.f32 v28, v22;
	v26 =	vld [tilespmem:s0+$0x0]  }
0x46e: {  	vm1 =	vgt.f32 v7, v1;
	vm2 =	vgt.f32 v12, v1;
	v25 =	vld [tilespmem:s0+$0x10];
	vm3 =	vgt.f32 v27, v1  }
0x46f: {  	s26 =	sadd.s32 $0x1, s26;
	v23 =	vsel vm2, $0x3F800000, v0;
	vm0 =	vgt.f32 v9, v1;
	v24 =	vnsel vm3, $0x0, v27  }
.LBB2_69:
0x470: {  	_ =	sdelay $0x1  }
0x471: {  	vm14 =	vgt.f32 v14, v1;
	vm4 =	vgt.f32 v26, v1  }
0x472: {  	v14 =	vnsel vm14, $0x0, v14;
	v55 =	vsel vm14, $0x3F800000, v0;
	v26 =	vnsel vm4, $0x0, v26  }
0x473: {  	v27 =	vsel vm4, $0x3F800000, v0;
	vm13 =	vgt.f32 v25, v1;
	v20 =	vadd.f32 v26, v20  }
0x474: {  	v25 =	vnsel vm13, $0x0, v25;
	v54 =	vsel vm13, $0x3F800000, v0;
	v19 =	vadd.f32 v27, v19  }
0x475: {  	vm15 =	vgt.f32 v21, v1;
	v15 =	vadd.f32 v25, v15;
	v22 =	vadd.f32 v54, v22  }
0x476: {  	v14 =	vadd.f32 v14, v16;
	v56 =	vadd.f32 v55, v17;
	v21 =	vnsel vm15, $0x0, v21  }
0x477: {  	v57 =	vsel vm15, $0x3F800000, v0;
	v15 =	vadd.f32 v15, v20;
	v19 =	vadd.f32 v22, v19  }
0x478: {  	v58 =	vsel vm0, $0x3F800000, v0;
	v13 =	vadd.f32 v21, v13;
	v17 =	vadd.f32 v57, v18  }
0x479: {  	v9 =	vnsel vm0, $0x0, v9;
	v14 =	vadd.f32 v14, v15;
	v59 =	vadd.f32 v56, v19  }
0x47a: {  	v10 =	vadd.f32 v58, v10;
	v9 =	vadd.f32 v9, v11  }
0x47b: {  	v60 =	vsel vm3, $0x3F800000, v0;
	v13 =	vadd.f32 v13, v14;
	v61 =	vadd.f32 v17, v59  }
0x47c: {  	v2 =	vadd.f32 v24, v2;
	v6 =	vadd.f32 v60, v6  }
0x47d: {  	v62 =	vnsel vm2, $0x0, v12;
	v9 =	vadd.f32 v9, v13;
	v10 =	vadd.f32 v10, v61  }
0x47e: {  	v4 =	vadd.f32 v23, v4;
	v7 =	vnsel vm1, $0x0, v7;
	v5 =	vadd.f32 v62, v5  }
.Ltmp47:
0x47f: {  	v63 =	vsel vm1, $0x3F800000, v0;
	v2 =	vadd.f32 v2, v9;
	v6 =	vadd.f32 v6, v10;
	(pc) =	sbr.rel .LBB2_70-.Ltmp47, $3  }
0x480: {  	v3 =	vadd.f32 v63, v3;
	v7 =	vadd.f32 v7, v8  }
0x481: {  	v2 =	vadd.f32 v5, v2;
	v4 =	vadd.f32 v4, v6;
	_ =	sdelay $0x1  }
0x482: {  	v2 =	vadd.f32 v7, v2;
	v3 =	vadd.f32 v3, v4  }
.LBB2_66:
0x483: {  	v2 =	vimm.f32 $0.0e+00;
	v3 =	vimm.f32 $0.0e+00  }
.LBB2_70:
0x484: {  	_ = 	snop  }
0x485: {  	(xrf2) =	vadd.scan.msk.f32 $0xffff, v2  }
0x486: {  	(xrf2) =	vadd.scan.msk.f32 $0xffff, v3;
	_ =	sdelay $0x8  }
0x487: {  	v2, _, _ =	vpop (xrf2)  }
0x488: {  	v3, _, _ =	vpop (xrf2)  }
0x489: {  	v3 =	vbroadcast v3, $0xF;
	_ =	sdelay $0x1  }
0x48a: {  	(erf) = vrcp.f32 v3;
	_ =	sdelay $0x5  }
0x48b: {  	v2 =	vadd.f32 $-1.000000000e+00, v2;
	_ =	sdelay $0x1  }
0x48c: {  	v2 =	vbroadcast v2, $0xF  }
0x48d: {  	v3 =	vpop (erf)  }
0x48e: {  	v2 =	vmul.f32 v3, v2;
	_ =	sdelay $0x1  }
0x48f: {  	vm0 =	vlt.f32 v2, v1;
	vm1 =	vgt.f32 v2, v1  }
0x490: {  	vm0 =	vmor vm1, vm0  }
0x491: {  	v1 =	vsel vm0, $0x3F800000, v0  }
0x492: {  	(xrf0) =	vmax.scan.msk.f32 $0xffff, v1;
	_ =	sdelay $0x5  }
0x493: {  	v1, _, _ =	vpop (xrf0)  }
0x494: {  	(v2sf) =	vpush v1, $0xF;
	_ =	sdelay $0xe  }
0x495: {  	s0 =	spop (v2sf)  }
0x496: {  	p1 =	sgt.f32 s0, $0.0e+00  }
.Ltmp48:
0x497: {  	_ = 	snop;
	(pc) =	sbr.rel @!p1 .LBB2_79-.Ltmp48, $1  }
0x498: {  	_ =	sdelay $0x3  }
.Ltmp49:
0x499: {  	(pc) =	sbr.rel .LBB2_72-.Ltmp49, $2  }
0x49a: {  	_ =	sdelay $0x2  }
0x49b: {  	s25 =	simm.s32 $0x0;
	s26 =	simm.s32 $0x0  }
.LBB2_73:
0x49c: {  	v3 =	vimm.f32 $0.0e+00  }
.LBB2_77:
0x49d: {  	(xrf2) =	vadd.scan.msk.f32 $0xffff, v1  }
0x49e: {  	(xrf2) =	vadd.scan.msk.f32 $0xffff, v3;
	_ =	sdelay $0x8  }
0x49f: {  	v1, _, _ =	vpop (xrf2)  }
0x4a0: {  	v3, _, _ =	vpop (xrf2)  }
0x4a1: {  	v3 =	vbroadcast v3, $0xF;
	_ =	sdelay $0x1  }
0x4a2: {  	(erf) = vrcp.f32 v3;
	_ =	sdelay $0x5  }
0x4a3: {  	v1 =	vadd.f32 $-1.000000000e+00, v1;
	_ =	sdelay $0x1  }
0x4a4: {  	v1 =	vbroadcast v1, $0xF  }
0x4a5: {  	v3 =	vpop (erf)  }
0x4a6: {  	v1 =	vmul.f32 v3, v1;
	_ =	sdelay $0x1  }
0x4a7: {  	vm0 =	vlt.f32 v1, v2;
	vm1 =	vgt.f32 v1, v2  }
0x4a8: {  	vm0 =	vmor vm1, vm0  }
0x4a9: {  	v2 =	vsel vm0, $0x3F800000, v0  }
0x4aa: {  	(xrf0) =	vmax.scan.msk.f32 $0xffff, v2;
	_ =	sdelay $0x5  }
0x4ab: {  	v2, _, _ =	vpop (xrf0)  }
0x4ac: {  	(v2sf) =	vpush v2, $0xF;
	_ =	sdelay $0xe  }
0x4ad: {  	p1 =	sgt.u32 s26, $0xE;
	s0 =	spop (v2sf)  }
0x4ae: {  	p2 =	sgt.f32 @!p1 s0, $0.0e+00;
	_ =	sdelay $0x1  }
0x4af: {  	p2 =	por p1, !p2  }
.Ltmp50:
0x4b0: {  	_ = 	snop;
	(pc) =	sbr.rel @p2 .LBB2_78-.Ltmp50, $2  }
0x4b1: {  	_ =	sdelay $0x2  }
0x4b2: {  	s26 =	sadd.s32 $0x1, s26;
	v2 =	vmov v1  }
.LBB2_72:
.Ltmp51:
0x4b3: {  	(pc) =	sbr.rel @p0 .LBB2_73-.Ltmp51, $2  }
0x4b4: {  	_ =	sdelay $0x2  }
0x4b5: {  	v1 =	vimm.f32 $0.0e+00  }
0x4b6: {  	s0 =	sld [smem:s25+$0x0];
	_ =	sdelay $0x2  }
0x4b7: {  	s0 =	sshll.u32 s0, $0x9  }
0x4b8: {  	s0 =	sshra.s32 s0, $0x2  }
0x4b9: {  	v7 =	vld [tilespmem:s0+$0x70]  }
0x4ba: {  	v12 =	vld [tilespmem:s0+$0x60]  }
0x4bb: {  	v3 =	vld [tilespmem:s0+$0x50]  }
0x4bc: {  	v4 =	vimm.f32 $0.0e+00;
	v6 =	vimm.f32 $0.0e+00;
	v5 =	vimm.f32 $0.0e+00;
	v9 =	vld [tilespmem:s0+$0x40]  }
0x4bd: {  	v20 =	vimm.f32 $0.0e+00;
	v15 =	vimm.f32 $0.0e+00;
	v10 =	vimm.f32 $0.0e+00;
	p1 =	sne.s32 s24, $0x1  }
.Ltmp52:
0x4be: {  	v19 =	vimm.f32 $0.0e+00;
	v11 =	vimm.f32 $0.0e+00;
	v16 =	vimm.f32 $0.0e+00;
	(pc) =	sbr.rel @!p1 .LBB2_76-.Ltmp52, $4  }
0x4bf: {  	v13 =	vimm.f32 $0.0e+00;
	v17 =	vimm.f32 $0.0e+00;
	v8 =	vimm.f32 $0.0e+00;
	v14 =	vld [tilespmem:s0+$0x20]  }
0x4c0: {  	v22 =	vimm.f32 $0.0e+00;
	v18 =	vimm.f32 $0.0e+00;
	v26 =	vld [tilespmem:s0+$0x0];
	vm3 =	vgt.f32 v3, v2  }
0x4c1: {  	v25 =	vld [tilespmem:s0+$0x10];
	vm2 =	vgt.f32 v12, v2;
	vm1 =	vgt.f32 v7, v2;
	vm0 =	vgt.f32 v9, v2  }
0x4c2: {  	s28 =	sadd.s32 $0xFFFFFFFF, s24;
	s29 =	sadd.s32 $0x1, s25;
	v21 =	vld [tilespmem:s0+$0x30];
	v24 =	vnsel vm3, $0x0, v3;
	v23 =	vsel vm2, $0x3F800000, v0;
	v3 =	vimm.f32 $0.0e+00  }
.LBB2_75:
0x4c3: {  	s0 =	sld [smem:s29+$0x0];
	p1 =	sne.s32 s28, $0x1;
	s28 =	sadd.s32 $0xFFFFFFFF, s28;
	v1 =	vadd.f32 v24, v1;
	v12 =	vnsel vm2, $0x0, v12;
	v4 =	vadd.f32 v23, v4  }
0x4c4: {  	v23 =	vsel vm3, $0x3F800000, v0;
	v24 =	vnsel vm1, $0x0, v7;
	v7 =	vsel vm1, $0x3F800000, v0  }
0x4c5: {  	v6 =	vadd.f32 v23, v6;
	v5 =	vadd.f32 v12, v5;
	vm1 =	vgt.f32 v26, v2  }
0x4c6: {  	v3 =	vadd.f32 v7, v3;
	s0 =	sshll.u32 s0, $0x9;
	v12 =	vnsel vm1, $0x0, v26;
	vm2 =	vgt.f32 v25, v2  }
0x4c7: {  	v23 =	vsel vm0, $0x3F800000, v0;
	s0 =	sshra.s32 s0, $0x2;
	v20 =	vadd.f32 v12, v20;
	v12 =	vnsel vm2, $0x0, v25  }
0x4c8: {  	v10 =	vadd.f32 v23, v10;
	v25 =	vsel vm1, $0x3F800000, v0;
	v7 =	vld [tilespmem:s0+$0x70];
	v15 =	vadd.f32 v12, v15  }
0x4c9: {  	vm3 =	vgt.f32 v21, v2;
	v23 =	vnsel vm0, $0x0, v9;
	vm1 =	vgt.f32 v14, v2;
	v12 =	vld [tilespmem:s0+$0x60]  }
0x4ca: {  	v21 =	vnsel vm3, $0x0, v21;
	v28 =	vsel vm2, $0x3F800000, v0;
	v26 =	vsel vm1, $0x3F800000, v0;
	v27 =	vld [tilespmem:s0+$0x50]  }
0x4cb: {  	v11 =	vadd.f32 v23, v11;
	v19 =	vadd.f32 v25, v19;
	v25 =	vnsel vm1, $0x0, v14;
	v9 =	vld [tilespmem:s0+$0x40]  }
.Ltmp53:
0x4cc: {  	v13 =	vadd.f32 v21, v13;
	v23 =	vsel vm3, $0x3F800000, v0;
	v16 =	vadd.f32 v25, v16;
	v14 =	vld [tilespmem:s0+$0x20];
	(pc) =	sbr.rel @p1 .LBB2_75-.Ltmp53, $4  }
0x4cd: {  	v8 =	vadd.f32 v24, v8;
	v17 =	vadd.f32 v26, v17;
	v21 =	vld [tilespmem:s0+$0x30]  }
0x4ce: {  	v18 =	vadd.f32 v23, v18;
	v22 =	vadd.f32 v28, v22;
	v26 =	vld [tilespmem:s0+$0x0]  }
0x4cf: {  	vm1 =	vgt.f32 v7, v2;
	vm2 =	vgt.f32 v12, v2;
	v25 =	vld [tilespmem:s0+$0x10];
	vm3 =	vgt.f32 v27, v2  }
0x4d0: {  	s29 =	sadd.s32 $0x1, s29;
	v23 =	vsel vm2, $0x3F800000, v0;
	vm0 =	vgt.f32 v9, v2;
	v24 =	vnsel vm3, $0x0, v27  }
.LBB2_76:
0x4d1: {  	_ =	sdelay $0x1  }
0x4d2: {  	vm14 =	vgt.f32 v14, v2  }
0x4d3: {  	vm4 =	vgt.f32 v26, v2;
	v14 =	vnsel vm14, $0x0, v14;
	vm13 =	vgt.f32 v25, v2  }
0x4d4: {  	v26 =	vnsel vm4, $0x0, v26;
	v27 =	vsel vm4, $0x3F800000, v0;
	v25 =	vnsel vm13, $0x0, v25  }
0x4d5: {  	v20 =	vadd.f32 v26, v20;
	v54 =	vsel vm13, $0x3F800000, v0;
	v15 =	vadd.f32 v25, v15  }
0x4d6: {  	v55 =	vsel vm14, $0x3F800000, v0;
	v19 =	vadd.f32 v27, v19;
	v22 =	vadd.f32 v54, v22  }
0x4d7: {  	v14 =	vadd.f32 v14, v16;
	vm15 =	vgt.f32 v21, v2;
	v15 =	vadd.f32 v15, v20  }
0x4d8: {  	v56 =	vadd.f32 v55, v17;
	v21 =	vnsel vm15, $0x0, v21;
	v19 =	vadd.f32 v22, v19  }
0x4d9: {  	v57 =	vsel vm15, $0x3F800000, v0;
	v13 =	vadd.f32 v21, v13;
	v14 =	vadd.f32 v14, v15  }
0x4da: {  	v9 =	vnsel vm0, $0x0, v9;
	v17 =	vadd.f32 v57, v18;
	v59 =	vadd.f32 v56, v19  }
0x4db: {  	v58 =	vsel vm0, $0x3F800000, v0;
	v9 =	vadd.f32 v9, v11;
	v13 =	vadd.f32 v13, v14  }
0x4dc: {  	v10 =	vadd.f32 v58, v10;
	v61 =	vadd.f32 v17, v59  }
0x4dd: {  	v60 =	vsel vm3, $0x3F800000, v0;
	v1 =	vadd.f32 v24, v1;
	v9 =	vadd.f32 v9, v13  }
0x4de: {  	v62 =	vnsel vm2, $0x0, v12;
	v6 =	vadd.f32 v60, v6;
	v10 =	vadd.f32 v10, v61  }
0x4df: {  	v5 =	vadd.f32 v62, v5;
	v1 =	vadd.f32 v1, v9  }
.Ltmp54:
0x4e0: {  	v4 =	vadd.f32 v23, v4;
	v7 =	vnsel vm1, $0x0, v7;
	v6 =	vadd.f32 v6, v10;
	(pc) =	sbr.rel .LBB2_77-.Ltmp54, $4  }
0x4e1: {  	v63 =	vsel vm1, $0x3F800000, v0;
	v7 =	vadd.f32 v7, v8;
	v1 =	vadd.f32 v5, v1  }
0x4e2: {  	v3 =	vadd.f32 v63, v3;
	v4 =	vadd.f32 v4, v6  }
0x4e3: {  	v1 =	vadd.f32 v7, v1  }
0x4e4: {  	v3 =	vadd.f32 v3, v4  }
.LBB2_78:
0x4e5: {  	v2 =	vpsel p1, v1, v1  }
.LBB2_79:
0x4e6: {  	_ =	swait.ge [sflag:s19], $0x8000  }
0x4e7: {  	[sflag:s19] =	ssyncset.done $0x0  }
0x4e8: {  	s24 =	simm.s32 $0x0;
	[sflag:s19] =	ssyncadd.s32 $0xFFFF8000  }
0x4e9: {  	v1 =	vld [tilespmem:s24+$0x70]  }
0x4ea: {  	v3 =	vld [tilespmem:s24+$0x0]  }
0x4eb: {  	v4 =	vld [tilespmem:s24+$0x10]  }
0x4ec: {  	v5 =	vld [tilespmem:s24+$0x20]  }
0x4ed: {  	v6 =	vld [tilespmem:s24+$0x30]  }
0x4ee: {  	v7 =	vld [tilespmem:s24+$0x40];
	v8 =	vmin.f32 v1, v2;
	v1 =	vsub.f32 v1, v2  }
0x4ef: {  	v9 =	vld [tilespmem:s24+$0x50];
	v10 =	vmin.f32 v3, v2;
	v3 =	vsub.f32 v3, v2;
	[tilespmem:s24+$0x10070] =	vst v8  }
0x4f0: {  	v62 =	vld [tilespmem:s24+$0x60];
	[tilespmem:s24+$0x10000] =	vst v10;
	v8 =	vsub.f32 v4, v2;
	v1 =	vmax.f32 v1, $0.0e+00  }
0x4f1: {  	v11 =	vsub.f32 v5, v2;
	v3 =	vmax.f32 v3, $0.0e+00;
	[tilespmem:s24+$0x8070] =	vst v1  }
0x4f2: {  	[tilespmem:s24+$0x8000] =	vst v3;
	v1 =	vmax.f32 v8, $0.0e+00;
	v3 =	vsub.f32 v6, v2  }
0x4f3: {  	v8 =	vsub.f32 v7, v2;
	[tilespmem:s24+$0x8010] =	vst v1;
	v1 =	vmax.f32 v11, $0.0e+00  }
0x4f4: {  	[tilespmem:s24+$0x8020] =	vst v1;
	v1 =	vmax.f32 v3, $0.0e+00;
	v3 =	vsub.f32 v9, v2  }
0x4f5: {  	v63 =	vsub.f32 v62, v2;
	v8 =	vmax.f32 v8, $0.0e+00;
	[tilespmem:s24+$0x8030] =	vst v1  }
0x4f6: {  	v1 =	vmin.f32 v4, v2;
	[tilespmem:s24+$0x8040] =	vst v8;
	v8 =	vmax.f32 v3, $0.0e+00  }
0x4f7: {  	v4 =	vmin.f32 v6, v2;
	v6 =	vmin.f32 v62, v2;
	[tilespmem:s24+$0x8050] =	vst v8;
	v8 =	vmax.f32 v63, $0.0e+00  }
0x4f8: {  	s25 =	simm.s32 $0x80;
	s26 =	simm.s32 $0x400;
	v3 =	vmin.f32 v5, v2;
	v5 =	vmin.f32 v7, v2;
	v7 =	vmin.f32 v9, v2;
	[tilespmem:s24+$0x8060] =	vst v8  }
.LBB2_80:
0x4f9: {  	p0 =	sne.s32 s26, $0x1FE00;
	v8 =	vld [tilespmem:s25+$0x70];
	[tilespmem:s24+$0x10010] =	vst v1  }
0x4fa: {  	v1 =	vld [tilespmem:s25+$0x0];
	[tilespmem:s24+$0x10020] =	vst v3  }
0x4fb: {  	v3 =	vld [tilespmem:s25+$0x10];
	[tilespmem:s24+$0x10030] =	vst v4  }
0x4fc: {  	v4 =	vld [tilespmem:s25+$0x20];
	[tilespmem:s24+$0x10040] =	vst v5  }
0x4fd: {  	v5 =	vld [tilespmem:s25+$0x30];
	[tilespmem:s24+$0x10050] =	vst v7  }
0x4fe: {  	v7 =	vld [tilespmem:s25+$0x40];
	v9 =	vsub.f32 v8, v2;
	v8 =	vmin.f32 v8, v2;
	[tilespmem:s24+$0x10060] =	vst v6;
	s24 =	smov.u32 s25  }
0x4ff: {  	v6 =	vsub.f32 v1, v2;
	v1 =	vmin.f32 v1, v2;
	v10 =	vld [tilespmem:s24+$0x50];
	[tilespmem:s24+$0x10070] =	vst v8  }
0x500: {  	[tilespmem:s24+$0x10000] =	vst v1;
	v8 =	vsub.f32 v3, v2;
	v1 =	vmin.f32 v3, v2;
	v11 =	vld [tilespmem:s24+$0x60];
	v9 =	vmax.f32 v9, $0.0e+00  }
0x501: {  	v6 =	vmax.f32 v6, $0.0e+00;
	v12 =	vsub.f32 v4, v2;
	v3 =	vmin.f32 v4, v2;
	[tilespmem:s24+$0x8070] =	vst v9  }
0x502: {  	[tilespmem:s24+$0x8000] =	vst v6;
	v6 =	vmax.f32 v8, $0.0e+00;
	v8 =	vsub.f32 v5, v2;
	v4 =	vmin.f32 v5, v2  }
0x503: {  	[tilespmem:s24+$0x8010] =	vst v6;
	v6 =	vmax.f32 v12, $0.0e+00;
	v9 =	vsub.f32 v7, v2;
	v5 =	vmin.f32 v7, v2  }
.Ltmp55:
0x504: {  	[tilespmem:s24+$0x8020] =	vst v6;
	v6 =	vmax.f32 v8, $0.0e+00;
	v8 =	vsub.f32 v10, v2;
	v7 =	vmin.f32 v10, v2;
	(pc) =	sbr.rel @p0 .LBB2_80-.Ltmp55, $4  }
0x505: {  	[tilespmem:s24+$0x8030] =	vst v6;
	v9 =	vmax.f32 v9, $0.0e+00;
	v10 =	vsub.f32 v11, v2;
	v6 =	vmin.f32 v11, v2  }
0x506: {  	[tilespmem:s24+$0x8040] =	vst v9;
	v8 =	vmax.f32 v8, $0.0e+00  }
0x507: {  	[tilespmem:s24+$0x8050] =	vst v8;
	v8 =	vmax.f32 v10, $0.0e+00  }
0x508: {  	s25 =	sshra.s32 s26, $0x2;
	s26 =	sadd.s32 $0x200, s26;
	[tilespmem:s24+$0x8060] =	vst v8  }
0x509: {  	v8 =	vld [tilespmem:s25+$0x70];
	[tilespmem:s24+$0x10010] =	vst v1  }
0x50a: {  	v1 =	vld [tilespmem:s25+$0x0];
	[tilespmem:s24+$0x10020] =	vst v3  }
0x50b: {  	v3 =	vld [tilespmem:s25+$0x10];
	[tilespmem:s24+$0x10030] =	vst v4  }
0x50c: {  	v4 =	vld [tilespmem:s25+$0x20];
	[tilespmem:s24+$0x10040] =	vst v5  }
0x50d: {  	v5 =	vld [tilespmem:s25+$0x30];
	[tilespmem:s24+$0x10050] =	vst v7  }
0x50e: {  	v7 =	vld [tilespmem:s25+$0x40];
	[tilespmem:s24+$0x10060] =	vst v6;
	v57 =	vmin.f32 v8, v2;
	v8 =	vsub.f32 v8, v2  }
0x50f: {  	v10 =	vmin.f32 v1, v2;
	[tilespmem:s25+$0x10070] =	vst v57  }
0x510: {  	v1 =	vsub.f32 v1, v2;
	[tilespmem:s25+$0x10000] =	vst v10;
	v8 =	vmax.f32 v8, $0.0e+00  }
0x511: {  	v58 =	vsub.f32 v3, v2;
	v3 =	vmin.f32 v3, v2;
	[tilespmem:s25+$0x8070] =	vst v8  }
0x512: {  	v9 =	vld [tilespmem:s25+$0x50];
	v1 =	vmax.f32 v1, $0.0e+00;
	[tilespmem:s25+$0x10010] =	vst v3  }
0x513: {  	v59 =	vld [tilespmem:s25+$0x60];
	v11 =	vsub.f32 v4, v2;
	[tilespmem:s25+$0x8000] =	vst v1;
	v1 =	vmax.f32 v58, $0.0e+00  }
0x514: {  	v60 =	vsub.f32 v5, v2;
	v3 =	vmin.f32 v5, v2;
	[tilespmem:s25+$0x8010] =	vst v1  }
0x515: {  	v1 =	vmax.f32 v11, $0.0e+00;
	[tilespmem:s25+$0x10030] =	vst v3  }
0x516: {  	v61 =	vsub.f32 v7, v2;
	[tilespmem:s25+$0x8020] =	vst v1;
	v1 =	vmax.f32 v60, $0.0e+00  }
0x517: {  	v62 =	vsub.f32 v9, v2;
	v3 =	vmin.f32 v9, v2;
	[tilespmem:s25+$0x8030] =	vst v1  }
0x518: {  	v63 =	vsub.f32 v59, v2;
	v1 =	vmax.f32 v61, $0.0e+00;
	[tilespmem:s25+$0x10050] =	vst v3  }
0x519: {  	[tilespmem:s25+$0x8040] =	vst v1;
	v1 =	vmax.f32 v62, $0.0e+00  }
0x51a: {  	[tilespmem:s25+$0x8050] =	vst v1;
	v1 =	vmax.f32 v63, $0.0e+00  }
0x51b: {  	[tilespmem:s25+$0x8060] =	vst v1;
	v1 =	vmin.f32 v4, v2  }
0x51c: {  	[tilespmem:s25+$0x10020] =	vst v1;
	v1 =	vmin.f32 v7, v2  }
0x51d: {  	[tilespmem:s25+$0x10040] =	vst v1;
	v1 =	vmin.f32 v59, v2  }
0x51e: {  	[tilespmem:s25+$0x10060] =	vst v1  }
0x51f: {  	[hbm4b:s13+s16] =	stream.strided.scatter [tilespmem:s20], [sflag:$0x1], $0x8000, s17, s16, $0x38;
	[tilespmem:$0x18000] =	vst v63  }
0x520: {  	s23 =	sadd.s32 $0x1, s23  }
0x521: {  	[hbm4b:s14+s16] =	stream.strided.scatter [tilespmem:s21], [sflag:$0x2], $0x8000, s17, s16, $0x38;
	[tilespmem:$0x18000] =	vst v63  }
0x522: {  	p0 =	sne.s32 s23, s15;
	_ =	swait.ge [sflag:s19], $0x8000  }
.Ltmp56:
0x523: {  	[sflag:s19] =	ssyncset.done $0x0;
	(pc) =	sbr.rel @p0 .LBB2_1-.Ltmp56, $4  }
0x524: {  	[sflag:s19] =	ssyncadd.s32 $0xFFFF8000  }
0x525: {  	_ =	swait.ge [sflag:s22], $0x8000  }
0x526: {  	[sflag:s22] =	ssyncset.done $0x0  }
0x527: {  	[sflag:s22] =	ssyncadd.s32 $0xFFFF8000  }
0x528: {  	_ =	sfence.sel $0x180000  }
0x529: {  	[bflag:$0x0] =	sbarrier.arrive $0xFFFF  }
0x52a: {  	_ =	strace $0x90000047  }
0x52b: {  	s0 =	stileid.u32;
	[bflag:$0x2] =	sbarrier.arrive $0xFFFF  }
0x52c: {  	p0 =	sne.s32 s0, $0x0;
	s0 =	rddreg [dreg:$0x3]  }
0x52d: {  	s0 =	sadd.s32 @!p0 $0x100000, s0  }
0x52e: {  	[sflag:s0] =	ssyncadd.tile.s32 @!p0 $0x1;
	_ =	shalt  }
.Lfunc_end2:
_tile_overlayer_lowered:
.L_overlay_start_2:
0x52f: {  	(tag) =	ssettag $0x2  }
0x530: {  	s0 =	rddreg [dreg:$0x0];
	s2 =	stileid.u32  }
0x531: {  	s1 =	rddreg [dreg:$0x1];
	p0 =	sne.s32 s2, $0x0  }
0x532: {  	s3 =	rddreg [dreg:$0x2];
	[bflag:$0x3] =	sbarrier.arrive $0xFFFF;
	s2 =	simm.s32 @!p0 $0x1C03  }
0x533: {  	[timem:s3], [sflag:s2] =	dma.local @!p0 [hbm:s0], s1  }
0x534: {  	s0 =	simm.s32 @!p0 $0x3  }
0x535: {  	_ =	swait.ge @!p0 [sflag:s0], s1  }
0x536: {  	s1 =	ssub.s32 @!p0 $0x0, s1;
	[sflag:s0] =	ssyncset.done @!p0 $0x0  }
0x537: {  	[sflag:s0] =	ssyncadd.s32 @!p0 s1  }
0x538: {  	[bflag:$0x3] =	sbarrier.arrive $0xFFFF  }
0x539: {  	_ =	shalt  }

</sc_bundles>
